<compile_context>
chip_gen: v7x
topology: tpu7x:2x2x1
jax: 0.10.2.dev20260603
libtpu: 0.0.44.dev20260713+nightly
codegen_flags: <defaults>
</compile_context>

<pallas_src>
import functools

import jax
import jax.numpy as jnp
from jax import lax
from jax.experimental import pallas as pl
from jax.experimental.pallas import tpu as pltpu
from jax.experimental.pallas import tpu_sc as plsc

_M = 0.2
_S = 30.0
_LOG2E = 1.4426950408889634
_K1 = _S * _LOG2E

_W = 512
_G = 7


def _sc_gather_targets(inputs, targets):
    b, c = inputs.shape
    info = plsc.get_sparse_core_info()
    nw = info.num_cores * info.num_subcores
    bpw = b // nw
    mesh = plsc.VectorSubcoreMesh(core_axis_name="c", subcore_axis_name="s")

    @functools.partial(
        pl.kernel,
        mesh=mesh,
        out_type=jax.ShapeDtypeStruct((b,), jnp.float32),
        scratch_types=[
            pltpu.VMEM((bpw,), jnp.int32),
            pltpu.VMEM((bpw, 8, 128), jnp.float32),
            pltpu.VMEM((bpw,), jnp.float32),
            pltpu.SemaphoreType.DMA,
        ],
    )
    def gather(in_hbm, tgt_hbm, out_hbm, idx_v, tiles_v, xts_v, sem):
        wid = lax.axis_index("s") * info.num_cores + lax.axis_index("c")
        base = pl.multiple_of(wid * bpw, bpw)
        pltpu.sync_copy(tgt_hbm.at[pl.ds(base, bpw)], idx_v)
        lanes = lax.iota(jnp.int32, 16)
        ts, handles = [], []
        for chunk in range(bpw // 16):
            tv = idx_v[pl.ds(chunk * 16, 16)]
            for l in range(16):
                k = chunk * 16 + l
                t = tv[l]
                ts.append(t)
                cb = pl.multiple_of(jnp.bitwise_and(t, jnp.int32(-128)), 128)
                rb = (k // 8) * 8
                handles.append(
                    pltpu.async_copy(
                        in_hbm.at[pl.ds(base + rb, 8), pl.ds(cb, 128)],
                        tiles_v.at[k], sem))
        for h in handles:
            h.wait()
        for chunk in range(bpw // 16):
            xt_acc = jnp.zeros((16,), jnp.float32)
            for l in range(16):
                k = chunk * 16 + l
                lane = jnp.bitwise_and(ts[k], 127)
                sel = jnp.zeros((16,), jnp.float32)
                for l8 in range(8):
                    v = tiles_v[k, k % 8, pl.ds(l8 * 16, 16)]
                    sel = jnp.where(l8 * 16 + lanes == lane, v, sel)
                idxv = jnp.full((16,), jnp.bitwise_and(lane, 15), jnp.int32)
                v16 = lax.gather(
                    sel, idxv[:, None],
                    lax.GatherDimensionNumbers(
                        offset_dims=(), collapsed_slice_dims=(0,),
                        start_index_map=(0,)),
                    slice_sizes=(1,),
                    mode=lax.GatherScatterMode.PROMISE_IN_BOUNDS)
                xt_acc = jnp.where(lanes == l, v16, xt_acc)
            xts_v[pl.ds(chunk * 16, 16)] = xt_acc
        pltpu.sync_copy(xts_v, out_hbm.at[pl.ds(base, bpw)])

    return gather(inputs, targets)


def _tc_body(ng, c, *refs):
    x_refs = refs[:_G]
    xt_ref, o_ref, acc = refs[_G:]
    nc = ng * _G
    j = pl.program_id(0)

    @pl.when(j == 0)
    def _():
        acc[...] = jnp.zeros_like(acc)

    @pl.when(j < ng - 1)
    def _():
        s = jnp.zeros_like(acc)
        for g in range(_G):
            e = jnp.exp2(x_refs[g][...] * _K1)
            s += jnp.sum(e, axis=1, keepdims=True)
        acc[...] += s

    @pl.when(j == ng - 1)
    def _():
        s = acc[...]
        for g in range(_G - 1):
            e = jnp.exp2(x_refs[g][...] * _K1)
            s += jnp.sum(e, axis=1, keepdims=True)
        cols = (nc - 1) * _W + jax.lax.broadcasted_iota(jnp.int32, (1, _W), 1)
        e = jnp.exp2(x_refs[_G - 1][...] * _K1)
        e = jnp.where(cols < c, e, 0.0)
        s += jnp.sum(e, axis=1, keepdims=True)
        xt = xt_ref[...]
        e_old = jnp.exp2(xt * _K1)
        e_new = jnp.exp2((xt - _M) * _K1)
        s_mod = s - e_old + e_new
        loss = jnp.log(s_mod) - _S * (xt - _M)
        o_ref[...] = jnp.mean(loss, keepdims=True)


def kernel(inputs, targets):
    b, c = inputs.shape
    nc = pl.cdiv(c, _W)
    ng = nc // _G
    xt = _sc_gather_targets(inputs, targets).reshape(b, 1)
    in_specs = [
        pl.BlockSpec((b, _W), functools.partial(
            lambda g, j: (0, g * ng + j), g))
        for g in range(_G)
    ]
    in_specs.append(pl.BlockSpec((b, 1), lambda j: (0, 0)))
    out = pl.pallas_call(
        functools.partial(_tc_body, ng, c),
        grid=(ng,),
        in_specs=in_specs,
        out_specs=pl.BlockSpec((1, 1), lambda j: (0, 0)),
        out_shape=jax.ShapeDtypeStruct((1, 1), jnp.float32),
        scratch_shapes=[pltpu.VMEM((b, 1), jnp.float32)],
    )(*([inputs] * _G), xt)
    return out[0, 0]

# --- scband reference (transcript-rebuilt; emitter-appended) ---
"""Pipeline reference for scband-margin-softmax-loss-70523363000930 (READ-ONLY COPY).

The authoritative reference and input builder live on the scoring server;
editing this copy changes nothing except your own understanding.
"""

import jax, jax.numpy as jnp
import numpy as np

B = 1024
C = 100000
M = 0.2
S = 30.0
T = 1.0

def setup_inputs(seed: int = 0) -> dict:
    key = jax.random.key(seed)
    k1, k2 = jax.random.split(key)
    # cosine similarities in [-1, 1]
    inputs = jax.random.uniform(k1, (B, C), dtype=jnp.float32) * 2.0 - 1.0
    targets = jax.random.randint(k2, (B,), 0, C, dtype=jnp.int32)
    return {"inputs": inputs, "targets": targets}

def reference(inputs, targets):
    b = inputs.shape[0]
    rows = jnp.arange(b)
    # gather target-class cosine: cosine_theta.gather(1, targets.unsqueeze(1))
    cosine_theta_target = jnp.take_along_axis(inputs, targets[:, None], axis=1)
    # AM margin penalty
    penalty_cosine_theta = cosine_theta_target - M
    # lambda_factor = 0 => penalty unchanged:
    # 1/(1+0)*penalty + 0/(1+0)*cosine_theta_target
    penalty_cosine_theta = 1.0 / (1.0 + 0.0) * penalty_cosine_theta + 0.0 / (1.0 + 0.0) * cosine_theta_target
    # scatter penalty back into the target column, scale by s
    outputs = S * inputs.at[rows, targets].set(penalty_cosine_theta[:, 0])
    logits = outputs / T
    # cross entropy with mean reduction
    lse = jax.nn.logsumexp(logits, axis=1)
    tgt_logit = logits[rows, targets]
    return jnp.mean(lse - tgt_logit)

if __name__ == "__main__":
    import jax
    _d = setup_inputs()
    print(jax.jit(kernel)(*tuple(_d.values())))

</pallas_src>

<mosaic_0001>
#map = affine_map<(d0, d1) -> (0, 0)>
#map1 = affine_map<(d0, d1) -> (0)>
module attributes {stable_mosaic.version = 14 : i64} {
  func.func @gather(%arg0: i32, %arg1: i32, %arg2: memref<1024x100000xf32, #tpu.memory_space<hbm>>, %arg3: memref<1024xi32, #tpu.memory_space<hbm>>, %arg4: memref<1024xf32, #tpu.memory_space<hbm>>, %arg5: memref<32xi32, #tpu.memory_space<vmem>>, %arg6: memref<32x8x128xf32, #tpu.memory_space<vmem>>, %arg7: memref<32xf32, #tpu.memory_space<vmem>>, %arg8: memref<!tpu.dma_semaphore, #tpu.memory_space<semaphore_mem>>) attributes {dimension_semantics = [#tpu.dimension_semantics<core_parallel>, #tpu.dimension_semantics<subcore_parallel>], iteration_bounds = array<i64: 2, 16>, scalar_prefetch = 0 : i64, scratch_operands = 4 : i64, tpu.core_type = #tpu.core_type<sc_vector_subcore>, window_params = [{transform_indices = #map}, {transform_indices = #map1}, {transform_indices = #map1}]} {
    %mul3A = arith.constant 2 : i32
    %mul3A_0 = arith.muli %arg1, %mul3A : i32
    %add3A = arith.addi %mul3A_0, %arg0 : i32
    %mul3A_1 = arith.constant 32 : i32
    %mul3A_2 = arith.muli %add3A, %mul3A_1 : i32
    %multiple_of3A = tpu.assume_multiple %mul3A_2, 32 : i32
    "tpu.region"() ({
      %run_scoped3A = tpu.sem_alloc : memref<!tpu.dma_semaphore, #tpu.memory_space<semaphore_mem>>
      %dma_start3A_4714 = tpu.memref_slice %arg3[%multiple_of3A] : memref<1024xi32, #tpu.memory_space<hbm>> -> memref<32xi32, #tpu.memory_space<hbm>>
      %dma_start3A_4715 = tpu.memref_slice %arg3[%multiple_of3A] : memref<1024xi32, #tpu.memory_space<hbm>> -> memref<32xi32, #tpu.memory_space<hbm>>
      tpu.enqueue_dma source(%dma_start3A_4715 : memref<32xi32, #tpu.memory_space<hbm>>) target(%arg5 : memref<32xi32, #tpu.memory_space<vmem>>) target_semaphore(%run_scoped3A : memref<!tpu.dma_semaphore, #tpu.memory_space<semaphore_mem>>)
      %dma_wait3A_4716 = tpu.memref_slice %arg3[%multiple_of3A] : memref<1024xi32, #tpu.memory_space<hbm>> -> memref<32xi32, #tpu.memory_space<hbm>>
      %dma_wait3A_4717 = tpu.memref_slice %arg3[%multiple_of3A] : memref<1024xi32, #tpu.memory_space<hbm>> -> memref<32xi32, #tpu.memory_space<hbm>>
      tpu.wait_dma2 semaphore(%run_scoped3A : memref<!tpu.dma_semaphore, #tpu.memory_space<semaphore_mem>>) src(%dma_wait3A_4717 : memref<32xi32, #tpu.memory_space<hbm>>) dst(%arg5 : memref<32xi32, #tpu.memory_space<vmem>>)
      tpu.yield
    }) : () -> ()
    %iota3A = tpu.iota {dimensions = array<i32: 0>} : vector<16xi32>
    %get3A = arith.constant 0 : index
    %get3A_3 = tpu.vector_load %arg5[%get3A] {strides = array<i32>} : memref<32xi32, #tpu.memory_space<vmem>>, vector<16xi32>,
    %get3A_4 = vector.shape_cast %get3A_3 : vector<16xi32> to vector<16xi32>
    %slice3A = vector.extract_strided_slice %get3A_4 {offsets = [0], sizes = [1], strides = [1]} : vector<16xi32> to vector<1xi32>
    %squeeze3A = vector.extract %slice3A[0] : i32 from vector<1xi32>
    %and3A = arith.constant -128 : i32
    %and3A_5 = arith.andi %squeeze3A, %and3A : i32
    %multiple_of3A_6 = tpu.assume_multiple %and3A_5, 128 : i32
    %add3A_7 = arith.constant 0 : i32
    %add3A_8 = arith.addi %multiple_of3A, %add3A_7 : i32
    %dma_start3A = arith.constant 0 : i32
    %dma_start3A_9 = arith.constant 0 : i32
    %dma_start3A_10 = arith.constant 0 : i32
    %dma_start3A_11 = tpu.memref_slice %arg6[%dma_start3A, %dma_start3A_9, %dma_start3A_10] : memref<32x8x128xf32, #tpu.memory_space<vmem>> -> memref<1x8x128xf32, #tpu.memory_space<vmem>>
    %dma_start3A_12 = tpu.memref_squeeze %dma_start3A_11 : memref<1x8x128xf32, #tpu.memory_space<vmem>> -> memref<8x128xf32, #tpu.memory_space<vmem>>
    %dma_start3A_13 = tpu.memref_slice %arg2[%add3A_8, %multiple_of3A_6] : memref<1024x100000xf32, #tpu.memory_space<hbm>> -> memref<8x128xf32, #tpu.memory_space<hbm>>
    %dma_start3A_14 = arith.constant 0 : i32
    %dma_start3A_15 = arith.constant 0 : i32
    %dma_start3A_16 = tpu.memref_slice %arg6[%dma_start3A, %dma_start3A_14, %dma_start3A_15] : memref<32x8x128xf32, #tpu.memory_space<vmem>> -> memref<1x8x128xf32, #tpu.memory_space<vmem>>
    %dma_start3A_17 = tpu.memref_squeeze %dma_start3A_16 : memref<1x8x128xf32, #tpu.memory_space<vmem>> -> memref<8x128xf32, #tpu.memory_space<vmem>>
    %dma_start3A_18 = tpu.memref_slice %arg2[%add3A_8, %multiple_of3A_6] : memref<1024x100000xf32, #tpu.memory_space<hbm>> -> memref<8x128xf32, #tpu.memory_space<hbm>>
    tpu.enqueue_dma source(%dma_start3A_18 : memref<8x128xf32, #tpu.memory_space<hbm>>) target(%dma_start3A_17 : memref<8x128xf32, #tpu.memory_space<vmem>>) target_semaphore(%arg8 : memref<!tpu.dma_semaphore, #tpu.memory_space<semaphore_mem>>)
    %slice3A_19 = vector.extract_strided_slice %get3A_4 {offsets = [1], sizes = [1], strides = [1]} : vector<16xi32> to vector<1xi32>
    %squeeze3A_20 = vector.extract %slice3A_19[0] : i32 from vector<1xi32>
    %and3A_21 = arith.constant -128 : i32
    %and3A_22 = arith.andi %squeeze3A_20, %and3A_21 : i32
    %multiple_of3A_23 = tpu.assume_multiple %and3A_22, 128 : i32
    %add3A_24 = arith.constant 0 : i32
    %add3A_25 = arith.addi %multiple_of3A, %add3A_24 : i32
    %dma_start3A_26 = arith.constant 1 : i32
    %dma_start3A_27 = arith.constant 0 : i32
    %dma_start3A_28 = arith.constant 0 : i32
    %dma_start3A_29 = tpu.memref_slice %arg6[%dma_start3A_26, %dma_start3A_27, %dma_start3A_28] : memref<32x8x128xf32, #tpu.memory_space<vmem>> -> memref<1x8x128xf32, #tpu.memory_space<vmem>>
    %dma_start3A_30 = tpu.memref_squeeze %dma_start3A_29 : memref<1x8x128xf32, #tpu.memory_space<vmem>> -> memref<8x128xf32, #tpu.memory_space<vmem>>
    %dma_start3A_31 = tpu.memref_slice %arg2[%add3A_25, %multiple_of3A_23] : memref<1024x100000xf32, #tpu.memory_space<hbm>> -> memref<8x128xf32, #tpu.memory_space<hbm>>
    %dma_start3A_32 = arith.constant 0 : i32
    %dma_start3A_33 = arith.constant 0 : i32
    %dma_start3A_34 = tpu.memref_slice %arg6[%dma_start3A_26, %dma_start3A_32, %dma_start3A_33] : memref<32x8x128xf32, #tpu.memory_space<vmem>> -> memref<1x8x128xf32, #tpu.memory_space<vmem>>
    %dma_start3A_35 = tpu.memref_squeeze %dma_start3A_34 : memref<1x8x128xf32, #tpu.memory_space<vmem>> -> memref<8x128xf32, #tpu.memory_space<vmem>>
    %dma_start3A_36 = tpu.memref_slice %arg2[%add3A_25, %multiple_of3A_23] : memref<1024x100000xf32, #tpu.memory_space<hbm>> -> memref<8x128xf32, #tpu.memory_space<hbm>>
    tpu.enqueue_dma source(%dma_start3A_36 : memref<8x128xf32, #tpu.memory_space<hbm>>) target(%dma_start3A_35 : memref<8x128xf32, #tpu.memory_space<vmem>>) target_semaphore(%arg8 : memref<!tpu.dma_semaphore, #tpu.memory_space<semaphore_mem>>)
    %slice3A_37 = vector.extract_strided_slice %get3A_4 {offsets = [2], sizes = [1], strides = [1]} : vector<16xi32> to vector<1xi32>
    %squeeze3A_38 = vector.extract %slice3A_37[0] : i32 from vector<1xi32>
    %and3A_39 = arith.constant -128 : i32
    %and3A_40 = arith.andi %squeeze3A_38, %and3A_39 : i32
    %multiple_of3A_41 = tpu.assume_multiple %and3A_40, 128 : i32
    %add3A_42 = arith.constant 0 : i32
    %add3A_43 = arith.addi %multiple_of3A, %add3A_42 : i32
    %dma_start3A_44 = arith.constant 2 : i32
    %dma_start3A_45 = arith.constant 0 : i32
    %dma_start3A_46 = arith.constant 0 : i32
    %dma_start3A_47 = tpu.memref_slice %arg6[%dma_start3A_44, %dma_start3A_45, %dma_start3A_46] : memref<32x8x128xf32, #tpu.memory_space<vmem>> -> memref<1x8x128xf32, #tpu.memory_space<vmem>>
    %dma_start3A_48 = tpu.memref_squeeze %dma_start3A_47 : memref<1x8x128xf32, #tpu.memory_space<vmem>> -> memref<8x128xf32, #tpu.memory_space<vmem>>
    %dma_start3A_49 = tpu.memref_slice %arg2[%add3A_43, %multiple_of3A_41] : memref<1024x100000xf32, #tpu.memory_space<hbm>> -> memref<8x128xf32, #tpu.memory_space<hbm>>
    %dma_start3A_50 = arith.constant 0 : i32
    %dma_start3A_51 = arith.constant 0 : i32
    %dma_start3A_52 = tpu.memref_slice %arg6[%dma_start3A_44, %dma_start3A_50, %dma_start3A_51] : memref<32x8x128xf32, #tpu.memory_space<vmem>> -> memref<1x8x128xf32, #tpu.memory_space<vmem>>
    %dma_start3A_53 = tpu.memref_squeeze %dma_start3A_52 : memref<1x8x128xf32, #tpu.memory_space<vmem>> -> memref<8x128xf32, #tpu.memory_space<vmem>>
    %dma_start3A_54 = tpu.memref_slice %arg2[%add3A_43, %multiple_of3A_41] : memref<1024x100000xf32, #tpu.memory_space<hbm>> -> memref<8x128xf32, #tpu.memory_space<hbm>>
    tpu.enqueue_dma source(%dma_start3A_54 : memref<8x128xf32, #tpu.memory_space<hbm>>) target(%dma_start3A_53 : memref<8x128xf32, #tpu.memory_space<vmem>>) target_semaphore(%arg8 : memref<!tpu.dma_semaphore, #tpu.memory_space<semaphore_mem>>)
    %slice3A_55 = vector.extract_strided_slice %get3A_4 {offsets = [3], sizes = [1], strides = [1]} : vector<16xi32> to vector<1xi32>
    %squeeze3A_56 = vector.extract %slice3A_55[0] : i32 from vector<1xi32>
    %and3A_57 = arith.constant -128 : i32
    %and3A_58 = arith.andi %squeeze3A_56, %and3A_57 : i32
    %multiple_of3A_59 = tpu.assume_multiple %and3A_58, 128 : i32
    %add3A_60 = arith.constant 0 : i32
    %add3A_61 = arith.addi %multiple_of3A, %add3A_60 : i32
    %dma_start3A_62 = arith.constant 3 : i32
    %dma_start3A_63 = arith.constant 0 : i32
    %dma_start3A_64 = arith.constant 0 : i32
    %dma_start3A_65 = tpu.memref_slice %arg6[%dma_start3A_62, %dma_start3A_63, %dma_start3A_64] : memref<32x8x128xf32, #tpu.memory_space<vmem>> -> memref<1x8x128xf32, #tpu.memory_space<vmem>>
    %dma_start3A_66 = tpu.memref_squeeze %dma_start3A_65 : memref<1x8x128xf32, #tpu.memory_space<vmem>> -> memref<8x128xf32, #tpu.memory_space<vmem>>
    %dma_start3A_67 = tpu.memref_slice %arg2[%add3A_61, %multiple_of3A_59] : memref<1024x100000xf32, #tpu.memory_space<hbm>> -> memref<8x128xf32, #tpu.memory_space<hbm>>
    %dma_start3A_68 = arith.constant 0 : i32
    %dma_start3A_69 = arith.constant 0 : i32
    %dma_start3A_70 = tpu.memref_slice %arg6[%dma_start3A_62, %dma_start3A_68, %dma_start3A_69] : memref<32x8x128xf32, #tpu.memory_space<vmem>> -> memref<1x8x128xf32, #tpu.memory_space<vmem>>
    %dma_start3A_71 = tpu.memref_squeeze %dma_start3A_70 : memref<1x8x128xf32, #tpu.memory_space<vmem>> -> memref<8x128xf32, #tpu.memory_space<vmem>>
    %dma_start3A_72 = tpu.memref_slice %arg2[%add3A_61, %multiple_of3A_59] : memref<1024x100000xf32, #tpu.memory_space<hbm>> -> memref<8x128xf32, #tpu.memory_space<hbm>>
    tpu.enqueue_dma source(%dma_start3A_72 : memref<8x128xf32, #tpu.memory_space<hbm>>) target(%dma_start3A_71 : memref<8x128xf32, #tpu.memory_space<vmem>>) target_semaphore(%arg8 : memref<!tpu.dma_semaphore, #tpu.memory_space<semaphore_mem>>)
    %slice3A_73 = vector.extract_strided_slice %get3A_4 {offsets = [4], sizes = [1], strides = [1]} : vector<16xi32> to vector<1xi32>
    %squeeze3A_74 = vector.extract %slice3A_73[0] : i32 from vector<1xi32>
    %and3A_75 = arith.constant -128 : i32
    %and3A_76 = arith.andi %squeeze3A_74, %and3A_75 : i32
    %multiple_of3A_77 = tpu.assume_multiple %and3A_76, 128 : i32
    %add3A_78 = arith.constant 0 : i32
    %add3A_79 = arith.addi %multiple_of3A, %add3A_78 : i32
    %dma_start3A_80 = arith.constant 4 : i32
    %dma_start3A_81 = arith.constant 0 : i32
    %dma_start3A_82 = arith.constant 0 : i32
    %dma_start3A_83 = tpu.memref_slice %arg6[%dma_start3A_80, %dma_start3A_81, %dma_start3A_82] : memref<32x8x128xf32, #tpu.memory_space<vmem>> -> memref<1x8x128xf32, #tpu.memory_space<vmem>>
    %dma_start3A_84 = tpu.memref_squeeze %dma_start3A_83 : memref<1x8x128xf32, #tpu.memory_space<vmem>> -> memref<8x128xf32, #tpu.memory_space<vmem>>
    %dma_start3A_85 = tpu.memref_slice %arg2[%add3A_79, %multiple_of3A_77] : memref<1024x100000xf32, #tpu.memory_space<hbm>> -> memref<8x128xf32, #tpu.memory_space<hbm>>
    %dma_start3A_86 = arith.constant 0 : i32
    %dma_start3A_87 = arith.constant 0 : i32
    %dma_start3A_88 = tpu.memref_slice %arg6[%dma_start3A_80, %dma_start3A_86, %dma_start3A_87] : memref<32x8x128xf32, #tpu.memory_space<vmem>> -> memref<1x8x128xf32, #tpu.memory_space<vmem>>
    %dma_start3A_89 = tpu.memref_squeeze %dma_start3A_88 : memref<1x8x128xf32, #tpu.memory_space<vmem>> -> memref<8x128xf32, #tpu.memory_space<vmem>>
    %dma_start3A_90 = tpu.memref_slice %arg2[%add3A_79, %multiple_of3A_77] : memref<1024x100000xf32, #tpu.memory_space<hbm>> -> memref<8x128xf32, #tpu.memory_space<hbm>>
    tpu.enqueue_dma source(%dma_start3A_90 : memref<8x128xf32, #tpu.memory_space<hbm>>) target(%dma_start3A_89 : memref<8x128xf32, #tpu.memory_space<vmem>>) target_semaphore(%arg8 : memref<!tpu.dma_semaphore, #tpu.memory_space<semaphore_mem>>)
    %slice3A_91 = vector.extract_strided_slice %get3A_4 {offsets = [5], sizes = [1], strides = [1]} : vector<16xi32> to vector<1xi32>
    %squeeze3A_92 = vector.extract %slice3A_91[0] : i32 from vector<1xi32>
    %and3A_93 = arith.constant -128 : i32
    %and3A_94 = arith.andi %squeeze3A_92, %and3A_93 : i32
    %multiple_of3A_95 = tpu.assume_multiple %and3A_94, 128 : i32
    %add3A_96 = arith.constant 0 : i32
    %add3A_97 = arith.addi %multiple_of3A, %add3A_96 : i32
    %dma_start3A_98 = arith.constant 5 : i32
    %dma_start3A_99 = arith.constant 0 : i32
    %dma_start3A_100 = arith.constant 0 : i32
    %dma_start3A_101 = tpu.memref_slice %arg6[%dma_start3A_98, %dma_start3A_99, %dma_start3A_100] : memref<32x8x128xf32, #tpu.memory_space<vmem>> -> memref<1x8x128xf32, #tpu.memory_space<vmem>>
    %dma_start3A_102 = tpu.memref_squeeze %dma_start3A_101 : memref<1x8x128xf32, #tpu.memory_space<vmem>> -> memref<8x128xf32, #tpu.memory_space<vmem>>
    %dma_start3A_103 = tpu.memref_slice %arg2[%add3A_97, %multiple_of3A_95] : memref<1024x100000xf32, #tpu.memory_space<hbm>> -> memref<8x128xf32, #tpu.memory_space<hbm>>
    %dma_start3A_104 = arith.constant 0 : i32
    %dma_start3A_105 = arith.constant 0 : i32
    %dma_start3A_106 = tpu.memref_slice %arg6[%dma_start3A_98, %dma_start3A_104, %dma_start3A_105] : memref<32x8x128xf32, #tpu.memory_space<vmem>> -> memref<1x8x128xf32, #tpu.memory_space<vmem>>
    %dma_start3A_107 = tpu.memref_squeeze %dma_start3A_106 : memref<1x8x128xf32, #tpu.memory_space<vmem>> -> memref<8x128xf32, #tpu.memory_space<vmem>>
    %dma_start3A_108 = tpu.memref_slice %arg2[%add3A_97, %multiple_of3A_95] : memref<1024x100000xf32, #tpu.memory_space<hbm>> -> memref<8x128xf32, #tpu.memory_space<hbm>>
    tpu.enqueue_dma source(%dma_start3A_108 : memref<8x128xf32, #tpu.memory_space<hbm>>) target(%dma_start3A_107 : memref<8x128xf32, #tpu.memory_space<vmem>>) target_semaphore(%arg8 : memref<!tpu.dma_semaphore, #tpu.memory_space<semaphore_mem>>)
    %slice3A_109 = vector.extract_strided_slice %get3A_4 {offsets = [6], sizes = [1], strides = [1]} : vector<16xi32> to vector<1xi32>
    %squeeze3A_110 = vector.extract %slice3A_109[0] : i32 from vector<1xi32>
    %and3A_111 = arith.constant -128 : i32
    %and3A_112 = arith.andi %squeeze3A_110, %and3A_111 : i32
    %multiple_of3A_113 = tpu.assume_multiple %and3A_112, 128 : i32
    %add3A_114 = arith.constant 0 : i32
    %add3A_115 = arith.addi %multiple_of3A, %add3A_114 : i32
    %dma_start3A_116 = arith.constant 6 : i32
    %dma_start3A_117 = arith.constant 0 : i32
    %dma_start3A_118 = arith.constant 0 : i32
    %dma_start3A_119 = tpu.memref_slice %arg6[%dma_start3A_116, %dma_start3A_117, %dma_start3A_118] : memref<32x8x128xf32, #tpu.memory_space<vmem>> -> memref<1x8x128xf32, #tpu.memory_space<vmem>>
    %dma_start3A_120 = tpu.memref_squeeze %dma_start3A_119 : memref<1x8x128xf32, #tpu.memory_space<vmem>> -> memref<8x128xf32, #tpu.memory_space<vmem>>
    %dma_start3A_121 = tpu.memref_slice %arg2[%add3A_115, %multiple_of3A_113] : memref<1024x100000xf32, #tpu.memory_space<hbm>> -> memref<8x128xf32, #tpu.memory_space<hbm>>
    %dma_start3A_122 = arith.constant 0 : i32
    %dma_start3A_123 = arith.constant 0 : i32
    %dma_start3A_124 = tpu.memref_slice %arg6[%dma_start3A_116, %dma_start3A_122, %dma_start3A_123] : memref<32x8x128xf32, #tpu.memory_space<vmem>> -> memref<1x8x128xf32, #tpu.memory_space<vmem>>
    %dma_start3A_125 = tpu.memref_squeeze %dma_start3A_124 : memref<1x8x128xf32, #tpu.memory_space<vmem>> -> memref<8x128xf32, #tpu.memory_space<vmem>>
    %dma_start3A_126 = tpu.memref_slice %arg2[%add3A_115, %multiple_of3A_113] : memref<1024x100000xf32, #tpu.memory_space<hbm>> -> memref<8x128xf32, #tpu.memory_space<hbm>>
    tpu.enqueue_dma source(%dma_start3A_126 : memref<8x128xf32, #tpu.memory_space<hbm>>) target(%dma_start3A_125 : memref<8x128xf32, #tpu.memory_space<vmem>>) target_semaphore(%arg8 : memref<!tpu.dma_semaphore, #tpu.memory_space<semaphore_mem>>)
    %slice3A_127 = vector.extract_strided_slice %get3A_4 {offsets = [7], sizes = [1], strides = [1]} : vector<16xi32> to vector<1xi32>
    %squeeze3A_128 = vector.extract %slice3A_127[0] : i32 from vector<1xi32>
    %and3A_129 = arith.constant -128 : i32
    %and3A_130 = arith.andi %squeeze3A_128, %and3A_129 : i32
    %multiple_of3A_131 = tpu.assume_multiple %and3A_130, 128 : i32
    %add3A_132 = arith.constant 0 : i32
    %add3A_133 = arith.addi %multiple_of3A, %add3A_132 : i32
    %dma_start3A_134 = arith.constant 7 : i32
    %dma_start3A_135 = arith.constant 0 : i32
    %dma_start3A_136 = arith.constant 0 : i32
    %dma_start3A_137 = tpu.memref_slice %arg6[%dma_start3A_134, %dma_start3A_135, %dma_start3A_136] : memref<32x8x128xf32, #tpu.memory_space<vmem>> -> memref<1x8x128xf32, #tpu.memory_space<vmem>>
    %dma_start3A_138 = tpu.memref_squeeze %dma_start3A_137 : memref<1x8x128xf32, #tpu.memory_space<vmem>> -> memref<8x128xf32, #tpu.memory_space<vmem>>
    %dma_start3A_139 = tpu.memref_slice %arg2[%add3A_133, %multiple_of3A_131] : memref<1024x100000xf32, #tpu.memory_space<hbm>> -> memref<8x128xf32, #tpu.memory_space<hbm>>
    %dma_start3A_140 = arith.constant 0 : i32
    %dma_start3A_141 = arith.constant 0 : i32
    %dma_start3A_142 = tpu.memref_slice %arg6[%dma_start3A_134, %dma_start3A_140, %dma_start3A_141] : memref<32x8x128xf32, #tpu.memory_space<vmem>> -> memref<1x8x128xf32, #tpu.memory_space<vmem>>
    %dma_start3A_143 = tpu.memref_squeeze %dma_start3A_142 : memref<1x8x128xf32, #tpu.memory_space<vmem>> -> memref<8x128xf32, #tpu.memory_space<vmem>>
    %dma_start3A_144 = tpu.memref_slice %arg2[%add3A_133, %multiple_of3A_131] : memref<1024x100000xf32, #tpu.memory_space<hbm>> -> memref<8x128xf32, #tpu.memory_space<hbm>>
    tpu.enqueue_dma source(%dma_start3A_144 : memref<8x128xf32, #tpu.memory_space<hbm>>) target(%dma_start3A_143 : memref<8x128xf32, #tpu.memory_space<vmem>>) target_semaphore(%arg8 : memref<!tpu.dma_semaphore, #tpu.memory_space<semaphore_mem>>)
    %slice3A_145 = vector.extract_strided_slice %get3A_4 {offsets = [8], sizes = [1], strides = [1]} : vector<16xi32> to vector<1xi32>
    %squeeze3A_146 = vector.extract %slice3A_145[0] : i32 from vector<1xi32>
    %and3A_147 = arith.constant -128 : i32
    %and3A_148 = arith.andi %squeeze3A_146, %and3A_147 : i32
    %multiple_of3A_149 = tpu.assume_multiple %and3A_148, 128 : i32
    %add3A_150 = arith.constant 8 : i32
    %add3A_151 = arith.addi %multiple_of3A, %add3A_150 : i32
    %dma_start3A_152 = arith.constant 8 : i32
    %dma_start3A_153 = arith.constant 0 : i32
    %dma_start3A_154 = arith.constant 0 : i32
    %dma_start3A_155 = tpu.memref_slice %arg6[%dma_start3A_152, %dma_start3A_153, %dma_start3A_154] : memref<32x8x128xf32, #tpu.memory_space<vmem>> -> memref<1x8x128xf32, #tpu.memory_space<vmem>>
    %dma_start3A_156 = tpu.memref_squeeze %dma_start3A_155 : memref<1x8x128xf32, #tpu.memory_space<vmem>> -> memref<8x128xf32, #tpu.memory_space<vmem>>
    %dma_start3A_157 = tpu.memref_slice %arg2[%add3A_151, %multiple_of3A_149] : memref<1024x100000xf32, #tpu.memory_space<hbm>> -> memref<8x128xf32, #tpu.memory_space<hbm>>
    %dma_start3A_158 = arith.constant 0 : i32
    %dma_start3A_159 = arith.constant 0 : i32
    %dma_start3A_160 = tpu.memref_slice %arg6[%dma_start3A_152, %dma_start3A_158, %dma_start3A_159] : memref<32x8x128xf32, #tpu.memory_space<vmem>> -> memref<1x8x128xf32, #tpu.memory_space<vmem>>
    %dma_start3A_161 = tpu.memref_squeeze %dma_start3A_160 : memref<1x8x128xf32, #tpu.memory_space<vmem>> -> memref<8x128xf32, #tpu.memory_space<vmem>>
    %dma_start3A_162 = tpu.memref_slice %arg2[%add3A_151, %multiple_of3A_149] : memref<1024x100000xf32, #tpu.memory_space<hbm>> -> memref<8x128xf32, #tpu.memory_space<hbm>>
    tpu.enqueue_dma source(%dma_start3A_162 : memref<8x128xf32, #tpu.memory_space<hbm>>) target(%dma_start3A_161 : memref<8x128xf32, #tpu.memory_space<vmem>>) target_semaphore(%arg8 : memref<!tpu.dma_semaphore, #tpu.memory_space<semaphore_mem>>)
    %slice3A_163 = vector.extract_strided_slice %get3A_4 {offsets = [9], sizes = [1], strides = [1]} : vector<16xi32> to vector<1xi32>
    %squeeze3A_164 = vector.extract %slice3A_163[0] : i32 from vector<1xi32>
    %and3A_165 = arith.constant -128 : i32
    %and3A_166 = arith.andi %squeeze3A_164, %and3A_165 : i32
    %multiple_of3A_167 = tpu.assume_multiple %and3A_166, 128 : i32
    %add3A_168 = arith.constant 8 : i32
    %add3A_169 = arith.addi %multiple_of3A, %add3A_168 : i32
    %dma_start3A_170 = arith.constant 9 : i32
    %dma_start3A_171 = arith.constant 0 : i32
    %dma_start3A_172 = arith.constant 0 : i32
    %dma_start3A_173 = tpu.memref_slice %arg6[%dma_start3A_170, %dma_start3A_171, %dma_start3A_172] : memref<32x8x128xf32, #tpu.memory_space<vmem>> -> memref<1x8x128xf32, #tpu.memory_space<vmem>>
    %dma_start3A_174 = tpu.memref_squeeze %dma_start3A_173 : memref<1x8x128xf32, #tpu.memory_space<vmem>> -> memref<8x128xf32, #tpu.memory_space<vmem>>
    %dma_start3A_175 = tpu.memref_slice %arg2[%add3A_169, %multiple_of3A_167] : memref<1024x100000xf32, #tpu.memory_space<hbm>> -> memref<8x128xf32, #tpu.memory_space<hbm>>
    %dma_start3A_176 = arith.constant 0 : i32
    %dma_start3A_177 = arith.constant 0 : i32
    %dma_start3A_178 = tpu.memref_slice %arg6[%dma_start3A_170, %dma_start3A_176, %dma_start3A_177] : memref<32x8x128xf32, #tpu.memory_space<vmem>> -> memref<1x8x128xf32, #tpu.memory_space<vmem>>
    %dma_start3A_179 = tpu.memref_squeeze %dma_start3A_178 : memref<1x8x128xf32, #tpu.memory_space<vmem>> -> memref<8x128xf32, #tpu.memory_space<vmem>>
    %dma_start3A_180 = tpu.memref_slice %arg2[%add3A_169, %multiple_of3A_167] : memref<1024x100000xf32, #tpu.memory_space<hbm>> -> memref<8x128xf32, #tpu.memory_space<hbm>>
    tpu.enqueue_dma source(%dma_start3A_180 : memref<8x128xf32, #tpu.memory_space<hbm>>) target(%dma_start3A_179 : memref<8x128xf32, #tpu.memory_space<vmem>>) target_semaphore(%arg8 : memref<!tpu.dma_semaphore, #tpu.memory_space<semaphore_mem>>)
    %slice3A_181 = vector.extract_strided_slice %get3A_4 {offsets = [10], sizes = [1], strides = [1]} : vector<16xi32> to vector<1xi32>
    %squeeze3A_182 = vector.extract %slice3A_181[0] : i32 from vector<1xi32>
    %and3A_183 = arith.constant -128 : i32
    %and3A_184 = arith.andi %squeeze3A_182, %and3A_183 : i32
    %multiple_of3A_185 = tpu.assume_multiple %and3A_184, 128 : i32
    %add3A_186 = arith.constant 8 : i32
    %add3A_187 = arith.addi %multiple_of3A, %add3A_186 : i32
    %dma_start3A_188 = arith.constant 10 : i32
    %dma_start3A_189 = arith.constant 0 : i32
    %dma_start3A_190 = arith.constant 0 : i32
    %dma_start3A_191 = tpu.memref_slice %arg6[%dma_start3A_188, %dma_start3A_189, %dma_start3A_190] : memref<32x8x128xf32, #tpu.memory_space<vmem>> -> memref<1x8x128xf32, #tpu.memory_space<vmem>>
    %dma_start3A_192 = tpu.memref_squeeze %dma_start3A_191 : memref<1x8x128xf32, #tpu.memory_space<vmem>> -> memref<8x128xf32, #tpu.memory_space<vmem>>
    %dma_start3A_193 = tpu.memref_slice %arg2[%add3A_187, %multiple_of3A_185] : memref<1024x100000xf32, #tpu.memory_space<hbm>> -> memref<8x128xf32, #tpu.memory_space<hbm>>
    %dma_start3A_194 = arith.constant 0 : i32
    %dma_start3A_195 = arith.constant 0 : i32
    %dma_start3A_196 = tpu.memref_slice %arg6[%dma_start3A_188, %dma_start3A_194, %dma_start3A_195] : memref<32x8x128xf32, #tpu.memory_space<vmem>> -> memref<1x8x128xf32, #tpu.memory_space<vmem>>
    %dma_start3A_197 = tpu.memref_squeeze %dma_start3A_196 : memref<1x8x128xf32, #tpu.memory_space<vmem>> -> memref<8x128xf32, #tpu.memory_space<vmem>>
    %dma_start3A_198 = tpu.memref_slice %arg2[%add3A_187, %multiple_of3A_185] : memref<1024x100000xf32, #tpu.memory_space<hbm>> -> memref<8x128xf32, #tpu.memory_space<hbm>>
    tpu.enqueue_dma source(%dma_start3A_198 : memref<8x128xf32, #tpu.memory_space<hbm>>) target(%dma_start3A_197 : memref<8x128xf32, #tpu.memory_space<vmem>>) target_semaphore(%arg8 : memref<!tpu.dma_semaphore, #tpu.memory_space<semaphore_mem>>)
    %slice3A_199 = vector.extract_strided_slice %get3A_4 {offsets = [11], sizes = [1], strides = [1]} : vector<16xi32> to vector<1xi32>
    %squeeze3A_200 = vector.extract %slice3A_199[0] : i32 from vector<1xi32>
    %and3A_201 = arith.constant -128 : i32
    %and3A_202 = arith.andi %squeeze3A_200, %and3A_201 : i32
    %multiple_of3A_203 = tpu.assume_multiple %and3A_202, 128 : i32
    %add3A_204 = arith.constant 8 : i32
    %add3A_205 = arith.addi %multiple_of3A, %add3A_204 : i32
    %dma_start3A_206 = arith.constant 11 : i32
    %dma_start3A_207 = arith.constant 0 : i32
    %dma_start3A_208 = arith.constant 0 : i32
    %dma_start3A_209 = tpu.memref_slice %arg6[%dma_start3A_206, %dma_start3A_207, %dma_start3A_208] : memref<32x8x128xf32, #tpu.memory_space<vmem>> -> memref<1x8x128xf32, #tpu.memory_space<vmem>>
    %dma_start3A_210 = tpu.memref_squeeze %dma_start3A_209 : memref<1x8x128xf32, #tpu.memory_space<vmem>> -> memref<8x128xf32, #tpu.memory_space<vmem>>
    %dma_start3A_211 = tpu.memref_slice %arg2[%add3A_205, %multiple_of3A_203] : memref<1024x100000xf32, #tpu.memory_space<hbm>> -> memref<8x128xf32, #tpu.memory_space<hbm>>
    %dma_start3A_212 = arith.constant 0 : i32
    %dma_start3A_213 = arith.constant 0 : i32
    %dma_start3A_214 = tpu.memref_slice %arg6[%dma_start3A_206, %dma_start3A_212, %dma_start3A_213] : memref<32x8x128xf32, #tpu.memory_space<vmem>> -> memref<1x8x128xf32, #tpu.memory_space<vmem>>
    %dma_start3A_215 = tpu.memref_squeeze %dma_start3A_214 : memref<1x8x128xf32, #tpu.memory_space<vmem>> -> memref<8x128xf32, #tpu.memory_space<vmem>>
    %dma_start3A_216 = tpu.memref_slice %arg2[%add3A_205, %multiple_of3A_203] : memref<1024x100000xf32, #tpu.memory_space<hbm>> -> memref<8x128xf32, #tpu.memory_space<hbm>>
    tpu.enqueue_dma source(%dma_start3A_216 : memref<8x128xf32, #tpu.memory_space<hbm>>) target(%dma_start3A_215 : memref<8x128xf32, #tpu.memory_space<vmem>>) target_semaphore(%arg8 : memref<!tpu.dma_semaphore, #tpu.memory_space<semaphore_mem>>)
    %slice3A_217 = vector.extract_strided_slice %get3A_4 {offsets = [12], sizes = [1], strides = [1]} : vector<16xi32> to vector<1xi32>
    %squeeze3A_218 = vector.extract %slice3A_217[0] : i32 from vector<1xi32>
    %and3A_219 = arith.constant -128 : i32
    %and3A_220 = arith.andi %squeeze3A_218, %and3A_219 : i32
    %multiple_of3A_221 = tpu.assume_multiple %and3A_220, 128 : i32
    %add3A_222 = arith.constant 8 : i32
    %add3A_223 = arith.addi %multiple_of3A, %add3A_222 : i32
    %dma_start3A_224 = arith.constant 12 : i32
    %dma_start3A_225 = arith.constant 0 : i32
    %dma_start3A_226 = arith.constant 0 : i32
    %dma_start3A_227 = tpu.memref_slice %arg6[%dma_start3A_224, %dma_start3A_225, %dma_start3A_226] : memref<32x8x128xf32, #tpu.memory_space<vmem>> -> memref<1x8x128xf32, #tpu.memory_space<vmem>>
    %dma_start3A_228 = tpu.memref_squeeze %dma_start3A_227 : memref<1x8x128xf32, #tpu.memory_space<vmem>> -> memref<8x128xf32, #tpu.memory_space<vmem>>
    %dma_start3A_229 = tpu.memref_slice %arg2[%add3A_223, %multiple_of3A_221] : memref<1024x100000xf32, #tpu.memory_space<hbm>> -> memref<8x128xf32, #tpu.memory_space<hbm>>
    %dma_start3A_230 = arith.constant 0 : i32
    %dma_start3A_231 = arith.constant 0 : i32
    %dma_start3A_232 = tpu.memref_slice %arg6[%dma_start3A_224, %dma_start3A_230, %dma_start3A_231] : memref<32x8x128xf32, #tpu.memory_space<vmem>> -> memref<1x8x128xf32, #tpu.memory_space<vmem>>
    %dma_start3A_233 = tpu.memref_squeeze %dma_start3A_232 : memref<1x8x128xf32, #tpu.memory_space<vmem>> -> memref<8x128xf32, #tpu.memory_space<vmem>>
    %dma_start3A_234 = tpu.memref_slice %arg2[%add3A_223, %multiple_of3A_221] : memref<1024x100000xf32, #tpu.memory_space<hbm>> -> memref<8x128xf32, #tpu.memory_space<hbm>>
    tpu.enqueue_dma source(%dma_start3A_234 : memref<8x128xf32, #tpu.memory_space<hbm>>) target(%dma_start3A_233 : memref<8x128xf32, #tpu.memory_space<vmem>>) target_semaphore(%arg8 : memref<!tpu.dma_semaphore, #tpu.memory_space<semaphore_mem>>)
    %slice3A_235 = vector.extract_strided_slice %get3A_4 {offsets = [13], sizes = [1], strides = [1]} : vector<16xi32> to vector<1xi32>
    %squeeze3A_236 = vector.extract %slice3A_235[0] : i32 from vector<1xi32>
    %and3A_237 = arith.constant -128 : i32
    %and3A_238 = arith.andi %squeeze3A_236, %and3A_237 : i32
    %multiple_of3A_239 = tpu.assume_multiple %and3A_238, 128 : i32
    %add3A_240 = arith.constant 8 : i32
    %add3A_241 = arith.addi %multiple_of3A, %add3A_240 : i32
    %dma_start3A_242 = arith.constant 13 : i32
    %dma_start3A_243 = arith.constant 0 : i32
    %dma_start3A_244 = arith.constant 0 : i32
    %dma_start3A_245 = tpu.memref_slice %arg6[%dma_start3A_242, %dma_start3A_243, %dma_start3A_244] : memref<32x8x128xf32, #tpu.memory_space<vmem>> -> memref<1x8x128xf32, #tpu.memory_space<vmem>>
    %dma_start3A_246 = tpu.memref_squeeze %dma_start3A_245 : memref<1x8x128xf32, #tpu.memory_space<vmem>> -> memref<8x128xf32, #tpu.memory_space<vmem>>
    %dma_start3A_247 = tpu.memref_slice %arg2[%add3A_241, %multiple_of3A_239] : memref<1024x100000xf32, #tpu.memory_space<hbm>> -> memref<8x128xf32, #tpu.memory_space<hbm>>
    %dma_start3A_248 = arith.constant 0 : i32
    %dma_start3A_249 = arith.constant 0 : i32
    %dma_start3A_250 = tpu.memref_slice %arg6[%dma_start3A_242, %dma_start3A_248, %dma_start3A_249] : memref<32x8x128xf32, #tpu.memory_space<vmem>> -> memref<1x8x128xf32, #tpu.memory_space<vmem>>
    %dma_start3A_251 = tpu.memref_squeeze %dma_start3A_250 : memref<1x8x128xf32, #tpu.memory_space<vmem>> -> memref<8x128xf32, #tpu.memory_space<vmem>>
    %dma_start3A_252 = tpu.memref_slice %arg2[%add3A_241, %multiple_of3A_239] : memref<1024x100000xf32, #tpu.memory_space<hbm>> -> memref<8x128xf32, #tpu.memory_space<hbm>>
    tpu.enqueue_dma source(%dma_start3A_252 : memref<8x128xf32, #tpu.memory_space<hbm>>) target(%dma_start3A_251 : memref<8x128xf32, #tpu.memory_space<vmem>>) target_semaphore(%arg8 : memref<!tpu.dma_semaphore, #tpu.memory_space<semaphore_mem>>)
    %slice3A_253 = vector.extract_strided_slice %get3A_4 {offsets = [14], sizes = [1], strides = [1]} : vector<16xi32> to vector<1xi32>
    %squeeze3A_254 = vector.extract %slice3A_253[0] : i32 from vector<1xi32>
    %and3A_255 = arith.constant -128 : i32
    %and3A_256 = arith.andi %squeeze3A_254, %and3A_255 : i32
    %multiple_of3A_257 = tpu.assume_multiple %and3A_256, 128 : i32
    %add3A_258 = arith.constant 8 : i32
    %add3A_259 = arith.addi %multiple_of3A, %add3A_258 : i32
    %dma_start3A_260 = arith.constant 14 : i32
    %dma_start3A_261 = arith.constant 0 : i32
    %dma_start3A_262 = arith.constant 0 : i32
    %dma_start3A_263 = tpu.memref_slice %arg6[%dma_start3A_260, %dma_start3A_261, %dma_start3A_262] : memref<32x8x128xf32, #tpu.memory_space<vmem>> -> memref<1x8x128xf32, #tpu.memory_space<vmem>>
    %dma_start3A_264 = tpu.memref_squeeze %dma_start3A_263 : memref<1x8x128xf32, #tpu.memory_space<vmem>> -> memref<8x128xf32, #tpu.memory_space<vmem>>
    %dma_start3A_265 = tpu.memref_slice %arg2[%add3A_259, %multiple_of3A_257] : memref<1024x100000xf32, #tpu.memory_space<hbm>> -> memref<8x128xf32, #tpu.memory_space<hbm>>
    %dma_start3A_266 = arith.constant 0 : i32
    %dma_start3A_267 = arith.constant 0 : i32
    %dma_start3A_268 = tpu.memref_slice %arg6[%dma_start3A_260, %dma_start3A_266, %dma_start3A_267] : memref<32x8x128xf32, #tpu.memory_space<vmem>> -> memref<1x8x128xf32, #tpu.memory_space<vmem>>
    %dma_start3A_269 = tpu.memref_squeeze %dma_start3A_268 : memref<1x8x128xf32, #tpu.memory_space<vmem>> -> memref<8x128xf32, #tpu.memory_space<vmem>>
    %dma_start3A_270 = tpu.memref_slice %arg2[%add3A_259, %multiple_of3A_257] : memref<1024x100000xf32, #tpu.memory_space<hbm>> -> memref<8x128xf32, #tpu.memory_space<hbm>>
    tpu.enqueue_dma source(%dma_start3A_270 : memref<8x128xf32, #tpu.memory_space<hbm>>) target(%dma_start3A_269 : memref<8x128xf32, #tpu.memory_space<vmem>>) target_semaphore(%arg8 : memref<!tpu.dma_semaphore, #tpu.memory_space<semaphore_mem>>)
    %slice3A_271 = vector.extract_strided_slice %get3A_4 {offsets = [15], sizes = [1], strides = [1]} : vector<16xi32> to vector<1xi32>
    %squeeze3A_272 = vector.extract %slice3A_271[0] : i32 from vector<1xi32>
    %and3A_273 = arith.constant -128 : i32
    %and3A_274 = arith.andi %squeeze3A_272, %and3A_273 : i32
    %multiple_of3A_275 = tpu.assume_multiple %and3A_274, 128 : i32
    %add3A_276 = arith.constant 8 : i32
    %add3A_277 = arith.addi %multiple_of3A, %add3A_276 : i32
    %dma_start3A_278 = arith.constant 15 : i32
    %dma_start3A_279 = arith.constant 0 : i32
    %dma_start3A_280 = arith.constant 0 : i32
    %dma_start3A_281 = tpu.memref_slice %arg6[%dma_start3A_278, %dma_start3A_279, %dma_start3A_280] : memref<32x8x128xf32, #tpu.memory_space<vmem>> -> memref<1x8x128xf32, #tpu.memory_space<vmem>>
    %dma_start3A_282 = tpu.memref_squeeze %dma_start3A_281 : memref<1x8x128xf32, #tpu.memory_space<vmem>> -> memref<8x128xf32, #tpu.memory_space<vmem>>
    %dma_start3A_283 = tpu.memref_slice %arg2[%add3A_277, %multiple_of3A_275] : memref<1024x100000xf32, #tpu.memory_space<hbm>> -> memref<8x128xf32, #tpu.memory_space<hbm>>
    %dma_start3A_284 = arith.constant 0 : i32
    %dma_start3A_285 = arith.constant 0 : i32
    %dma_start3A_286 = tpu.memref_slice %arg6[%dma_start3A_278, %dma_start3A_284, %dma_start3A_285] : memref<32x8x128xf32, #tpu.memory_space<vmem>> -> memref<1x8x128xf32, #tpu.memory_space<vmem>>
    %dma_start3A_287 = tpu.memref_squeeze %dma_start3A_286 : memref<1x8x128xf32, #tpu.memory_space<vmem>> -> memref<8x128xf32, #tpu.memory_space<vmem>>
    %dma_start3A_288 = tpu.memref_slice %arg2[%add3A_277, %multiple_of3A_275] : memref<1024x100000xf32, #tpu.memory_space<hbm>> -> memref<8x128xf32, #tpu.memory_space<hbm>>
    tpu.enqueue_dma source(%dma_start3A_288 : memref<8x128xf32, #tpu.memory_space<hbm>>) target(%dma_start3A_287 : memref<8x128xf32, #tpu.memory_space<vmem>>) target_semaphore(%arg8 : memref<!tpu.dma_semaphore, #tpu.memory_space<semaphore_mem>>)
    %get3A_289 = arith.constant 16 : index
    %get3A_290 = tpu.vector_load %arg5[%get3A_289] {strides = array<i32>} : memref<32xi32, #tpu.memory_space<vmem>>, vector<16xi32>,
    %get3A_291 = vector.shape_cast %get3A_290 : vector<16xi32> to vector<16xi32>
    %slice3A_292 = vector.extract_strided_slice %get3A_291 {offsets = [0], sizes = [1], strides = [1]} : vector<16xi32> to vector<1xi32>
    %squeeze3A_293 = vector.extract %slice3A_292[0] : i32 from vector<1xi32>
    %and3A_294 = arith.constant -128 : i32
    %and3A_295 = arith.andi %squeeze3A_293, %and3A_294 : i32
    %multiple_of3A_296 = tpu.assume_multiple %and3A_295, 128 : i32
    %add3A_297 = arith.constant 16 : i32
    %add3A_298 = arith.addi %multiple_of3A, %add3A_297 : i32
    %dma_start3A_299 = arith.constant 16 : i32
    %dma_start3A_300 = arith.constant 0 : i32
    %dma_start3A_301 = arith.constant 0 : i32
    %dma_start3A_302 = tpu.memref_slice %arg6[%dma_start3A_299, %dma_start3A_300, %dma_start3A_301] : memref<32x8x128xf32, #tpu.memory_space<vmem>> -> memref<1x8x128xf32, #tpu.memory_space<vmem>>
    %dma_start3A_303 = tpu.memref_squeeze %dma_start3A_302 : memref<1x8x128xf32, #tpu.memory_space<vmem>> -> memref<8x128xf32, #tpu.memory_space<vmem>>
    %dma_start3A_304 = tpu.memref_slice %arg2[%add3A_298, %multiple_of3A_296] : memref<1024x100000xf32, #tpu.memory_space<hbm>> -> memref<8x128xf32, #tpu.memory_space<hbm>>
    %dma_start3A_305 = arith.constant 0 : i32
    %dma_start3A_306 = arith.constant 0 : i32
    %dma_start3A_307 = tpu.memref_slice %arg6[%dma_start3A_299, %dma_start3A_305, %dma_start3A_306] : memref<32x8x128xf32, #tpu.memory_space<vmem>> -> memref<1x8x128xf32, #tpu.memory_space<vmem>>
    %dma_start3A_308 = tpu.memref_squeeze %dma_start3A_307 : memref<1x8x128xf32, #tpu.memory_space<vmem>> -> memref<8x128xf32, #tpu.memory_space<vmem>>
    %dma_start3A_309 = tpu.memref_slice %arg2[%add3A_298, %multiple_of3A_296] : memref<1024x100000xf32, #tpu.memory_space<hbm>> -> memref<8x128xf32, #tpu.memory_space<hbm>>
    tpu.enqueue_dma source(%dma_start3A_309 : memref<8x128xf32, #tpu.memory_space<hbm>>) target(%dma_start3A_308 : memref<8x128xf32, #tpu.memory_space<vmem>>) target_semaphore(%arg8 : memref<!tpu.dma_semaphore, #tpu.memory_space<semaphore_mem>>)
    %slice3A_310 = vector.extract_strided_slice %get3A_291 {offsets = [1], sizes = [1], strides = [1]} : vector<16xi32> to vector<1xi32>
    %squeeze3A_311 = vector.extract %slice3A_310[0] : i32 from vector<1xi32>
    %and3A_312 = arith.constant -128 : i32
    %and3A_313 = arith.andi %squeeze3A_311, %and3A_312 : i32
    %multiple_of3A_314 = tpu.assume_multiple %and3A_313, 128 : i32
    %add3A_315 = arith.constant 16 : i32
    %add3A_316 = arith.addi %multiple_of3A, %add3A_315 : i32
    %dma_start3A_317 = arith.constant 17 : i32
    %dma_start3A_318 = arith.constant 0 : i32
    %dma_start3A_319 = arith.constant 0 : i32
    %dma_start3A_320 = tpu.memref_slice %arg6[%dma_start3A_317, %dma_start3A_318, %dma_start3A_319] : memref<32x8x128xf32, #tpu.memory_space<vmem>> -> memref<1x8x128xf32, #tpu.memory_space<vmem>>
    %dma_start3A_321 = tpu.memref_squeeze %dma_start3A_320 : memref<1x8x128xf32, #tpu.memory_space<vmem>> -> memref<8x128xf32, #tpu.memory_space<vmem>>
    %dma_start3A_322 = tpu.memref_slice %arg2[%add3A_316, %multiple_of3A_314] : memref<1024x100000xf32, #tpu.memory_space<hbm>> -> memref<8x128xf32, #tpu.memory_space<hbm>>
    %dma_start3A_323 = arith.constant 0 : i32
    %dma_start3A_324 = arith.constant 0 : i32
    %dma_start3A_325 = tpu.memref_slice %arg6[%dma_start3A_317, %dma_start3A_323, %dma_start3A_324] : memref<32x8x128xf32, #tpu.memory_space<vmem>> -> memref<1x8x128xf32, #tpu.memory_space<vmem>>
    %dma_start3A_326 = tpu.memref_squeeze %dma_start3A_325 : memref<1x8x128xf32, #tpu.memory_space<vmem>> -> memref<8x128xf32, #tpu.memory_space<vmem>>
    %dma_start3A_327 = tpu.memref_slice %arg2[%add3A_316, %multiple_of3A_314] : memref<1024x100000xf32, #tpu.memory_space<hbm>> -> memref<8x128xf32, #tpu.memory_space<hbm>>
    tpu.enqueue_dma source(%dma_start3A_327 : memref<8x128xf32, #tpu.memory_space<hbm>>) target(%dma_start3A_326 : memref<8x128xf32, #tpu.memory_space<vmem>>) target_semaphore(%arg8 : memref<!tpu.dma_semaphore, #tpu.memory_space<semaphore_mem>>)
    %slice3A_328 = vector.extract_strided_slice %get3A_291 {offsets = [2], sizes = [1], strides = [1]} : vector<16xi32> to vector<1xi32>
    %squeeze3A_329 = vector.extract %slice3A_328[0] : i32 from vector<1xi32>
    %and3A_330 = arith.constant -128 : i32
    %and3A_331 = arith.andi %squeeze3A_329, %and3A_330 : i32
    %multiple_of3A_332 = tpu.assume_multiple %and3A_331, 128 : i32
    %add3A_333 = arith.constant 16 : i32
    %add3A_334 = arith.addi %multiple_of3A, %add3A_333 : i32
    %dma_start3A_335 = arith.constant 18 : i32
    %dma_start3A_336 = arith.constant 0 : i32
    %dma_start3A_337 = arith.constant 0 : i32
    %dma_start3A_338 = tpu.memref_slice %arg6[%dma_start3A_335, %dma_start3A_336, %dma_start3A_337] : memref<32x8x128xf32, #tpu.memory_space<vmem>> -> memref<1x8x128xf32, #tpu.memory_space<vmem>>
    %dma_start3A_339 = tpu.memref_squeeze %dma_start3A_338 : memref<1x8x128xf32, #tpu.memory_space<vmem>> -> memref<8x128xf32, #tpu.memory_space<vmem>>
    %dma_start3A_340 = tpu.memref_slice %arg2[%add3A_334, %multiple_of3A_332] : memref<1024x100000xf32, #tpu.memory_space<hbm>> -> memref<8x128xf32, #tpu.memory_space<hbm>>
    %dma_start3A_341 = arith.constant 0 : i32
    %dma_start3A_342 = arith.constant 0 : i32
    %dma_start3A_343 = tpu.memref_slice %arg6[%dma_start3A_335, %dma_start3A_341, %dma_start3A_342] : memref<32x8x128xf32, #tpu.memory_space<vmem>> -> memref<1x8x128xf32, #tpu.memory_space<vmem>>
    %dma_start3A_344 = tpu.memref_squeeze %dma_start3A_343 : memref<1x8x128xf32, #tpu.memory_space<vmem>> -> memref<8x128xf32, #tpu.memory_space<vmem>>
    %dma_start3A_345 = tpu.memref_slice %arg2[%add3A_334, %multiple_of3A_332] : memref<1024x100000xf32, #tpu.memory_space<hbm>> -> memref<8x128xf32, #tpu.memory_space<hbm>>
    tpu.enqueue_dma source(%dma_start3A_345 : memref<8x128xf32, #tpu.memory_space<hbm>>) target(%dma_start3A_344 : memref<8x128xf32, #tpu.memory_space<vmem>>) target_semaphore(%arg8 : memref<!tpu.dma_semaphore, #tpu.memory_space<semaphore_mem>>)
    %slice3A_346 = vector.extract_strided_slice %get3A_291 {offsets = [3], sizes = [1], strides = [1]} : vector<16xi32> to vector<1xi32>
    %squeeze3A_347 = vector.extract %slice3A_346[0] : i32 from vector<1xi32>
    %and3A_348 = arith.constant -128 : i32
    %and3A_349 = arith.andi %squeeze3A_347, %and3A_348 : i32
    %multiple_of3A_350 = tpu.assume_multiple %and3A_349, 128 : i32
    %add3A_351 = arith.constant 16 : i32
    %add3A_352 = arith.addi %multiple_of3A, %add3A_351 : i32
    %dma_start3A_353 = arith.constant 19 : i32
    %dma_start3A_354 = arith.constant 0 : i32
    %dma_start3A_355 = arith.constant 0 : i32
    %dma_start3A_356 = tpu.memref_slice %arg6[%dma_start3A_353, %dma_start3A_354, %dma_start3A_355] : memref<32x8x128xf32, #tpu.memory_space<vmem>> -> memref<1x8x128xf32, #tpu.memory_space<vmem>>
    %dma_start3A_357 = tpu.memref_squeeze %dma_start3A_356 : memref<1x8x128xf32, #tpu.memory_space<vmem>> -> memref<8x128xf32, #tpu.memory_space<vmem>>
    %dma_start3A_358 = tpu.memref_slice %arg2[%add3A_352, %multiple_of3A_350] : memref<1024x100000xf32, #tpu.memory_space<hbm>> -> memref<8x128xf32, #tpu.memory_space<hbm>>
    %dma_start3A_359 = arith.constant 0 : i32
    %dma_start3A_360 = arith.constant 0 : i32
    %dma_start3A_361 = tpu.memref_slice %arg6[%dma_start3A_353, %dma_start3A_359, %dma_start3A_360] : memref<32x8x128xf32, #tpu.memory_space<vmem>> -> memref<1x8x128xf32, #tpu.memory_space<vmem>>
    %dma_start3A_362 = tpu.memref_squeeze %dma_start3A_361 : memref<1x8x128xf32, #tpu.memory_space<vmem>> -> memref<8x128xf32, #tpu.memory_space<vmem>>
    %dma_start3A_363 = tpu.memref_slice %arg2[%add3A_352, %multiple_of3A_350] : memref<1024x100000xf32, #tpu.memory_space<hbm>> -> memref<8x128xf32, #tpu.memory_space<hbm>>
    tpu.enqueue_dma source(%dma_start3A_363 : memref<8x128xf32, #tpu.memory_space<hbm>>) target(%dma_start3A_362 : memref<8x128xf32, #tpu.memory_space<vmem>>) target_semaphore(%arg8 : memref<!tpu.dma_semaphore, #tpu.memory_space<semaphore_mem>>)
    %slice3A_364 = vector.extract_strided_slice %get3A_291 {offsets = [4], sizes = [1], strides = [1]} : vector<16xi32> to vector<1xi32>
    %squeeze3A_365 = vector.extract %slice3A_364[0] : i32 from vector<1xi32>
    %and3A_366 = arith.constant -128 : i32
    %and3A_367 = arith.andi %squeeze3A_365, %and3A_366 : i32
    %multiple_of3A_368 = tpu.assume_multiple %and3A_367, 128 : i32
    %add3A_369 = arith.constant 16 : i32
    %add3A_370 = arith.addi %multiple_of3A, %add3A_369 : i32
    %dma_start3A_371 = arith.constant 20 : i32
    %dma_start3A_372 = arith.constant 0 : i32
    %dma_start3A_373 = arith.constant 0 : i32
    %dma_start3A_374 = tpu.memref_slice %arg6[%dma_start3A_371, %dma_start3A_372, %dma_start3A_373] : memref<32x8x128xf32, #tpu.memory_space<vmem>> -> memref<1x8x128xf32, #tpu.memory_space<vmem>>
    %dma_start3A_375 = tpu.memref_squeeze %dma_start3A_374 : memref<1x8x128xf32, #tpu.memory_space<vmem>> -> memref<8x128xf32, #tpu.memory_space<vmem>>
    %dma_start3A_376 = tpu.memref_slice %arg2[%add3A_370, %multiple_of3A_368] : memref<1024x100000xf32, #tpu.memory_space<hbm>> -> memref<8x128xf32, #tpu.memory_space<hbm>>
    %dma_start3A_377 = arith.constant 0 : i32
    %dma_start3A_378 = arith.constant 0 : i32
    %dma_start3A_379 = tpu.memref_slice %arg6[%dma_start3A_371, %dma_start3A_377, %dma_start3A_378] : memref<32x8x128xf32, #tpu.memory_space<vmem>> -> memref<1x8x128xf32, #tpu.memory_space<vmem>>
    %dma_start3A_380 = tpu.memref_squeeze %dma_start3A_379 : memref<1x8x128xf32, #tpu.memory_space<vmem>> -> memref<8x128xf32, #tpu.memory_space<vmem>>
    %dma_start3A_381 = tpu.memref_slice %arg2[%add3A_370, %multiple_of3A_368] : memref<1024x100000xf32, #tpu.memory_space<hbm>> -> memref<8x128xf32, #tpu.memory_space<hbm>>
    tpu.enqueue_dma source(%dma_start3A_381 : memref<8x128xf32, #tpu.memory_space<hbm>>) target(%dma_start3A_380 : memref<8x128xf32, #tpu.memory_space<vmem>>) target_semaphore(%arg8 : memref<!tpu.dma_semaphore, #tpu.memory_space<semaphore_mem>>)
    %slice3A_382 = vector.extract_strided_slice %get3A_291 {offsets = [5], sizes = [1], strides = [1]} : vector<16xi32> to vector<1xi32>
    %squeeze3A_383 = vector.extract %slice3A_382[0] : i32 from vector<1xi32>
    %and3A_384 = arith.constant -128 : i32
    %and3A_385 = arith.andi %squeeze3A_383, %and3A_384 : i32
    %multiple_of3A_386 = tpu.assume_multiple %and3A_385, 128 : i32
    %add3A_387 = arith.constant 16 : i32
    %add3A_388 = arith.addi %multiple_of3A, %add3A_387 : i32
    %dma_start3A_389 = arith.constant 21 : i32
    %dma_start3A_390 = arith.constant 0 : i32
    %dma_start3A_391 = arith.constant 0 : i32
    %dma_start3A_392 = tpu.memref_slice %arg6[%dma_start3A_389, %dma_start3A_390, %dma_start3A_391] : memref<32x8x128xf32, #tpu.memory_space<vmem>> -> memref<1x8x128xf32, #tpu.memory_space<vmem>>
    %dma_start3A_393 = tpu.memref_squeeze %dma_start3A_392 : memref<1x8x128xf32, #tpu.memory_space<vmem>> -> memref<8x128xf32, #tpu.memory_space<vmem>>
    %dma_start3A_394 = tpu.memref_slice %arg2[%add3A_388, %multiple_of3A_386] : memref<1024x100000xf32, #tpu.memory_space<hbm>> -> memref<8x128xf32, #tpu.memory_space<hbm>>
    %dma_start3A_395 = arith.constant 0 : i32
    %dma_start3A_396 = arith.constant 0 : i32
    %dma_start3A_397 = tpu.memref_slice %arg6[%dma_start3A_389, %dma_start3A_395, %dma_start3A_396] : memref<32x8x128xf32, #tpu.memory_space<vmem>> -> memref<1x8x128xf32, #tpu.memory_space<vmem>>
    %dma_start3A_398 = tpu.memref_squeeze %dma_start3A_397 : memref<1x8x128xf32, #tpu.memory_space<vmem>> -> memref<8x128xf32, #tpu.memory_space<vmem>>
    %dma_start3A_399 = tpu.memref_slice %arg2[%add3A_388, %multiple_of3A_386] : memref<1024x100000xf32, #tpu.memory_space<hbm>> -> memref<8x128xf32, #tpu.memory_space<hbm>>
    tpu.enqueue_dma source(%dma_start3A_399 : memref<8x128xf32, #tpu.memory_space<hbm>>) target(%dma_start3A_398 : memref<8x128xf32, #tpu.memory_space<vmem>>) target_semaphore(%arg8 : memref<!tpu.dma_semaphore, #tpu.memory_space<semaphore_mem>>)
    %slice3A_400 = vector.extract_strided_slice %get3A_291 {offsets = [6], sizes = [1], strides = [1]} : vector<16xi32> to vector<1xi32>
    %squeeze3A_401 = vector.extract %slice3A_400[0] : i32 from vector<1xi32>
    %and3A_402 = arith.constant -128 : i32
    %and3A_403 = arith.andi %squeeze3A_401, %and3A_402 : i32
    %multiple_of3A_404 = tpu.assume_multiple %and3A_403, 128 : i32
    %add3A_405 = arith.constant 16 : i32
    %add3A_406 = arith.addi %multiple_of3A, %add3A_405 : i32
    %dma_start3A_407 = arith.constant 22 : i32
    %dma_start3A_408 = arith.constant 0 : i32
    %dma_start3A_409 = arith.constant 0 : i32
    %dma_start3A_410 = tpu.memref_slice %arg6[%dma_start3A_407, %dma_start3A_408, %dma_start3A_409] : memref<32x8x128xf32, #tpu.memory_space<vmem>> -> memref<1x8x128xf32, #tpu.memory_space<vmem>>
    %dma_start3A_411 = tpu.memref_squeeze %dma_start3A_410 : memref<1x8x128xf32, #tpu.memory_space<vmem>> -> memref<8x128xf32, #tpu.memory_space<vmem>>
    %dma_start3A_412 = tpu.memref_slice %arg2[%add3A_406, %multiple_of3A_404] : memref<1024x100000xf32, #tpu.memory_space<hbm>> -> memref<8x128xf32, #tpu.memory_space<hbm>>
    %dma_start3A_413 = arith.constant 0 : i32
    %dma_start3A_414 = arith.constant 0 : i32
    %dma_start3A_415 = tpu.memref_slice %arg6[%dma_start3A_407, %dma_start3A_413, %dma_start3A_414] : memref<32x8x128xf32, #tpu.memory_space<vmem>> -> memref<1x8x128xf32, #tpu.memory_space<vmem>>
    %dma_start3A_416 = tpu.memref_squeeze %dma_start3A_415 : memref<1x8x128xf32, #tpu.memory_space<vmem>> -> memref<8x128xf32, #tpu.memory_space<vmem>>
    %dma_start3A_417 = tpu.memref_slice %arg2[%add3A_406, %multiple_of3A_404] : memref<1024x100000xf32, #tpu.memory_space<hbm>> -> memref<8x128xf32, #tpu.memory_space<hbm>>
    tpu.enqueue_dma source(%dma_start3A_417 : memref<8x128xf32, #tpu.memory_space<hbm>>) target(%dma_start3A_416 : memref<8x128xf32, #tpu.memory_space<vmem>>) target_semaphore(%arg8 : memref<!tpu.dma_semaphore, #tpu.memory_space<semaphore_mem>>)
    %slice3A_418 = vector.extract_strided_slice %get3A_291 {offsets = [7], sizes = [1], strides = [1]} : vector<16xi32> to vector<1xi32>
    %squeeze3A_419 = vector.extract %slice3A_418[0] : i32 from vector<1xi32>
    %and3A_420 = arith.constant -128 : i32
    %and3A_421 = arith.andi %squeeze3A_419, %and3A_420 : i32
    %multiple_of3A_422 = tpu.assume_multiple %and3A_421, 128 : i32
    %add3A_423 = arith.constant 16 : i32
    %add3A_424 = arith.addi %multiple_of3A, %add3A_423 : i32
    %dma_start3A_425 = arith.constant 23 : i32
    %dma_start3A_426 = arith.constant 0 : i32
    %dma_start3A_427 = arith.constant 0 : i32
    %dma_start3A_428 = tpu.memref_slice %arg6[%dma_start3A_425, %dma_start3A_426, %dma_start3A_427] : memref<32x8x128xf32, #tpu.memory_space<vmem>> -> memref<1x8x128xf32, #tpu.memory_space<vmem>>
    %dma_start3A_429 = tpu.memref_squeeze %dma_start3A_428 : memref<1x8x128xf32, #tpu.memory_space<vmem>> -> memref<8x128xf32, #tpu.memory_space<vmem>>
    %dma_start3A_430 = tpu.memref_slice %arg2[%add3A_424, %multiple_of3A_422] : memref<1024x100000xf32, #tpu.memory_space<hbm>> -> memref<8x128xf32, #tpu.memory_space<hbm>>
    %dma_start3A_431 = arith.constant 0 : i32
    %dma_start3A_432 = arith.constant 0 : i32
    %dma_start3A_433 = tpu.memref_slice %arg6[%dma_start3A_425, %dma_start3A_431, %dma_start3A_432] : memref<32x8x128xf32, #tpu.memory_space<vmem>> -> memref<1x8x128xf32, #tpu.memory_space<vmem>>
    %dma_start3A_434 = tpu.memref_squeeze %dma_start3A_433 : memref<1x8x128xf32, #tpu.memory_space<vmem>> -> memref<8x128xf32, #tpu.memory_space<vmem>>
    %dma_start3A_435 = tpu.memref_slice %arg2[%add3A_424, %multiple_of3A_422] : memref<1024x100000xf32, #tpu.memory_space<hbm>> -> memref<8x128xf32, #tpu.memory_space<hbm>>
    tpu.enqueue_dma source(%dma_start3A_435 : memref<8x128xf32, #tpu.memory_space<hbm>>) target(%dma_start3A_434 : memref<8x128xf32, #tpu.memory_space<vmem>>) target_semaphore(%arg8 : memref<!tpu.dma_semaphore, #tpu.memory_space<semaphore_mem>>)
    %slice3A_436 = vector.extract_strided_slice %get3A_291 {offsets = [8], sizes = [1], strides = [1]} : vector<16xi32> to vector<1xi32>
    %squeeze3A_437 = vector.extract %slice3A_436[0] : i32 from vector<1xi32>
    %and3A_438 = arith.constant -128 : i32
    %and3A_439 = arith.andi %squeeze3A_437, %and3A_438 : i32
    %multiple_of3A_440 = tpu.assume_multiple %and3A_439, 128 : i32
    %add3A_441 = arith.constant 24 : i32
    %add3A_442 = arith.addi %multiple_of3A, %add3A_441 : i32
    %dma_start3A_443 = arith.constant 24 : i32
    %dma_start3A_444 = arith.constant 0 : i32
    %dma_start3A_445 = arith.constant 0 : i32
    %dma_start3A_446 = tpu.memref_slice %arg6[%dma_start3A_443, %dma_start3A_444, %dma_start3A_445] : memref<32x8x128xf32, #tpu.memory_space<vmem>> -> memref<1x8x128xf32, #tpu.memory_space<vmem>>
    %dma_start3A_447 = tpu.memref_squeeze %dma_start3A_446 : memref<1x8x128xf32, #tpu.memory_space<vmem>> -> memref<8x128xf32, #tpu.memory_space<vmem>>
    %dma_start3A_448 = tpu.memref_slice %arg2[%add3A_442, %multiple_of3A_440] : memref<1024x100000xf32, #tpu.memory_space<hbm>> -> memref<8x128xf32, #tpu.memory_space<hbm>>
    %dma_start3A_449 = arith.constant 0 : i32
    %dma_start3A_450 = arith.constant 0 : i32
    %dma_start3A_451 = tpu.memref_slice %arg6[%dma_start3A_443, %dma_start3A_449, %dma_start3A_450] : memref<32x8x128xf32, #tpu.memory_space<vmem>> -> memref<1x8x128xf32, #tpu.memory_space<vmem>>
    %dma_start3A_452 = tpu.memref_squeeze %dma_start3A_451 : memref<1x8x128xf32, #tpu.memory_space<vmem>> -> memref<8x128xf32, #tpu.memory_space<vmem>>
    %dma_start3A_453 = tpu.memref_slice %arg2[%add3A_442, %multiple_of3A_440] : memref<1024x100000xf32, #tpu.memory_space<hbm>> -> memref<8x128xf32, #tpu.memory_space<hbm>>
    tpu.enqueue_dma source(%dma_start3A_453 : memref<8x128xf32, #tpu.memory_space<hbm>>) target(%dma_start3A_452 : memref<8x128xf32, #tpu.memory_space<vmem>>) target_semaphore(%arg8 : memref<!tpu.dma_semaphore, #tpu.memory_space<semaphore_mem>>)
    %slice3A_454 = vector.extract_strided_slice %get3A_291 {offsets = [9], sizes = [1], strides = [1]} : vector<16xi32> to vector<1xi32>
    %squeeze3A_455 = vector.extract %slice3A_454[0] : i32 from vector<1xi32>
    %and3A_456 = arith.constant -128 : i32
    %and3A_457 = arith.andi %squeeze3A_455, %and3A_456 : i32
    %multiple_of3A_458 = tpu.assume_multiple %and3A_457, 128 : i32
    %add3A_459 = arith.constant 24 : i32
    %add3A_460 = arith.addi %multiple_of3A, %add3A_459 : i32
    %dma_start3A_461 = arith.constant 25 : i32
    %dma_start3A_462 = arith.constant 0 : i32
    %dma_start3A_463 = arith.constant 0 : i32
    %dma_start3A_464 = tpu.memref_slice %arg6[%dma_start3A_461, %dma_start3A_462, %dma_start3A_463] : memref<32x8x128xf32, #tpu.memory_space<vmem>> -> memref<1x8x128xf32, #tpu.memory_space<vmem>>
    %dma_start3A_465 = tpu.memref_squeeze %dma_start3A_464 : memref<1x8x128xf32, #tpu.memory_space<vmem>> -> memref<8x128xf32, #tpu.memory_space<vmem>>
    %dma_start3A_466 = tpu.memref_slice %arg2[%add3A_460, %multiple_of3A_458] : memref<1024x100000xf32, #tpu.memory_space<hbm>> -> memref<8x128xf32, #tpu.memory_space<hbm>>
    %dma_start3A_467 = arith.constant 0 : i32
    %dma_start3A_468 = arith.constant 0 : i32
    %dma_start3A_469 = tpu.memref_slice %arg6[%dma_start3A_461, %dma_start3A_467, %dma_start3A_468] : memref<32x8x128xf32, #tpu.memory_space<vmem>> -> memref<1x8x128xf32, #tpu.memory_space<vmem>>
    %dma_start3A_470 = tpu.memref_squeeze %dma_start3A_469 : memref<1x8x128xf32, #tpu.memory_space<vmem>> -> memref<8x128xf32, #tpu.memory_space<vmem>>
    %dma_start3A_471 = tpu.memref_slice %arg2[%add3A_460, %multiple_of3A_458] : memref<1024x100000xf32, #tpu.memory_space<hbm>> -> memref<8x128xf32, #tpu.memory_space<hbm>>
    tpu.enqueue_dma source(%dma_start3A_471 : memref<8x128xf32, #tpu.memory_space<hbm>>) target(%dma_start3A_470 : memref<8x128xf32, #tpu.memory_space<vmem>>) target_semaphore(%arg8 : memref<!tpu.dma_semaphore, #tpu.memory_space<semaphore_mem>>)
    %slice3A_472 = vector.extract_strided_slice %get3A_291 {offsets = [10], sizes = [1], strides = [1]} : vector<16xi32> to vector<1xi32>
    %squeeze3A_473 = vector.extract %slice3A_472[0] : i32 from vector<1xi32>
    %and3A_474 = arith.constant -128 : i32
    %and3A_475 = arith.andi %squeeze3A_473, %and3A_474 : i32
    %multiple_of3A_476 = tpu.assume_multiple %and3A_475, 128 : i32
    %add3A_477 = arith.constant 24 : i32
    %add3A_478 = arith.addi %multiple_of3A, %add3A_477 : i32
    %dma_start3A_479 = arith.constant 26 : i32
    %dma_start3A_480 = arith.constant 0 : i32
    %dma_start3A_481 = arith.constant 0 : i32
    %dma_start3A_482 = tpu.memref_slice %arg6[%dma_start3A_479, %dma_start3A_480, %dma_start3A_481] : memref<32x8x128xf32, #tpu.memory_space<vmem>> -> memref<1x8x128xf32, #tpu.memory_space<vmem>>
    %dma_start3A_483 = tpu.memref_squeeze %dma_start3A_482 : memref<1x8x128xf32, #tpu.memory_space<vmem>> -> memref<8x128xf32, #tpu.memory_space<vmem>>
    %dma_start3A_484 = tpu.memref_slice %arg2[%add3A_478, %multiple_of3A_476] : memref<1024x100000xf32, #tpu.memory_space<hbm>> -> memref<8x128xf32, #tpu.memory_space<hbm>>
    %dma_start3A_485 = arith.constant 0 : i32
    %dma_start3A_486 = arith.constant 0 : i32
    %dma_start3A_487 = tpu.memref_slice %arg6[%dma_start3A_479, %dma_start3A_485, %dma_start3A_486] : memref<32x8x128xf32, #tpu.memory_space<vmem>> -> memref<1x8x128xf32, #tpu.memory_space<vmem>>
    %dma_start3A_488 = tpu.memref_squeeze %dma_start3A_487 : memref<1x8x128xf32, #tpu.memory_space<vmem>> -> memref<8x128xf32, #tpu.memory_space<vmem>>
    %dma_start3A_489 = tpu.memref_slice %arg2[%add3A_478, %multiple_of3A_476] : memref<1024x100000xf32, #tpu.memory_space<hbm>> -> memref<8x128xf32, #tpu.memory_space<hbm>>
    tpu.enqueue_dma source(%dma_start3A_489 : memref<8x128xf32, #tpu.memory_space<hbm>>) target(%dma_start3A_488 : memref<8x128xf32, #tpu.memory_space<vmem>>) target_semaphore(%arg8 : memref<!tpu.dma_semaphore, #tpu.memory_space<semaphore_mem>>)
    %slice3A_490 = vector.extract_strided_slice %get3A_291 {offsets = [11], sizes = [1], strides = [1]} : vector<16xi32> to vector<1xi32>
    %squeeze3A_491 = vector.extract %slice3A_490[0] : i32 from vector<1xi32>
    %and3A_492 = arith.constant -128 : i32
    %and3A_493 = arith.andi %squeeze3A_491, %and3A_492 : i32
    %multiple_of3A_494 = tpu.assume_multiple %and3A_493, 128 : i32
    %add3A_495 = arith.constant 24 : i32
    %add3A_496 = arith.addi %multiple_of3A, %add3A_495 : i32
    %dma_start3A_497 = arith.constant 27 : i32
    %dma_start3A_498 = arith.constant 0 : i32
    %dma_start3A_499 = arith.constant 0 : i32
    %dma_start3A_500 = tpu.memref_slice %arg6[%dma_start3A_497, %dma_start3A_498, %dma_start3A_499] : memref<32x8x128xf32, #tpu.memory_space<vmem>> -> memref<1x8x128xf32, #tpu.memory_space<vmem>>
    %dma_start3A_501 = tpu.memref_squeeze %dma_start3A_500 : memref<1x8x128xf32, #tpu.memory_space<vmem>> -> memref<8x128xf32, #tpu.memory_space<vmem>>
    %dma_start3A_502 = tpu.memref_slice %arg2[%add3A_496, %multiple_of3A_494] : memref<1024x100000xf32, #tpu.memory_space<hbm>> -> memref<8x128xf32, #tpu.memory_space<hbm>>
    %dma_start3A_503 = arith.constant 0 : i32
    %dma_start3A_504 = arith.constant 0 : i32
    %dma_start3A_505 = tpu.memref_slice %arg6[%dma_start3A_497, %dma_start3A_503, %dma_start3A_504] : memref<32x8x128xf32, #tpu.memory_space<vmem>> -> memref<1x8x128xf32, #tpu.memory_space<vmem>>
    %dma_start3A_506 = tpu.memref_squeeze %dma_start3A_505 : memref<1x8x128xf32, #tpu.memory_space<vmem>> -> memref<8x128xf32, #tpu.memory_space<vmem>>
    %dma_start3A_507 = tpu.memref_slice %arg2[%add3A_496, %multiple_of3A_494] : memref<1024x100000xf32, #tpu.memory_space<hbm>> -> memref<8x128xf32, #tpu.memory_space<hbm>>
    tpu.enqueue_dma source(%dma_start3A_507 : memref<8x128xf32, #tpu.memory_space<hbm>>) target(%dma_start3A_506 : memref<8x128xf32, #tpu.memory_space<vmem>>) target_semaphore(%arg8 : memref<!tpu.dma_semaphore, #tpu.memory_space<semaphore_mem>>)
    %slice3A_508 = vector.extract_strided_slice %get3A_291 {offsets = [12], sizes = [1], strides = [1]} : vector<16xi32> to vector<1xi32>
    %squeeze3A_509 = vector.extract %slice3A_508[0] : i32 from vector<1xi32>
    %and3A_510 = arith.constant -128 : i32
    %and3A_511 = arith.andi %squeeze3A_509, %and3A_510 : i32
    %multiple_of3A_512 = tpu.assume_multiple %and3A_511, 128 : i32
    %add3A_513 = arith.constant 24 : i32
    %add3A_514 = arith.addi %multiple_of3A, %add3A_513 : i32
    %dma_start3A_515 = arith.constant 28 : i32
    %dma_start3A_516 = arith.constant 0 : i32
    %dma_start3A_517 = arith.constant 0 : i32
    %dma_start3A_518 = tpu.memref_slice %arg6[%dma_start3A_515, %dma_start3A_516, %dma_start3A_517] : memref<32x8x128xf32, #tpu.memory_space<vmem>> -> memref<1x8x128xf32, #tpu.memory_space<vmem>>
    %dma_start3A_519 = tpu.memref_squeeze %dma_start3A_518 : memref<1x8x128xf32, #tpu.memory_space<vmem>> -> memref<8x128xf32, #tpu.memory_space<vmem>>
    %dma_start3A_520 = tpu.memref_slice %arg2[%add3A_514, %multiple_of3A_512] : memref<1024x100000xf32, #tpu.memory_space<hbm>> -> memref<8x128xf32, #tpu.memory_space<hbm>>
    %dma_start3A_521 = arith.constant 0 : i32
    %dma_start3A_522 = arith.constant 0 : i32
    %dma_start3A_523 = tpu.memref_slice %arg6[%dma_start3A_515, %dma_start3A_521, %dma_start3A_522] : memref<32x8x128xf32, #tpu.memory_space<vmem>> -> memref<1x8x128xf32, #tpu.memory_space<vmem>>
    %dma_start3A_524 = tpu.memref_squeeze %dma_start3A_523 : memref<1x8x128xf32, #tpu.memory_space<vmem>> -> memref<8x128xf32, #tpu.memory_space<vmem>>
    %dma_start3A_525 = tpu.memref_slice %arg2[%add3A_514, %multiple_of3A_512] : memref<1024x100000xf32, #tpu.memory_space<hbm>> -> memref<8x128xf32, #tpu.memory_space<hbm>>
    tpu.enqueue_dma source(%dma_start3A_525 : memref<8x128xf32, #tpu.memory_space<hbm>>) target(%dma_start3A_524 : memref<8x128xf32, #tpu.memory_space<vmem>>) target_semaphore(%arg8 : memref<!tpu.dma_semaphore, #tpu.memory_space<semaphore_mem>>)
    %slice3A_526 = vector.extract_strided_slice %get3A_291 {offsets = [13], sizes = [1], strides = [1]} : vector<16xi32> to vector<1xi32>
    %squeeze3A_527 = vector.extract %slice3A_526[0] : i32 from vector<1xi32>
    %and3A_528 = arith.constant -128 : i32
    %and3A_529 = arith.andi %squeeze3A_527, %and3A_528 : i32
    %multiple_of3A_530 = tpu.assume_multiple %and3A_529, 128 : i32
    %add3A_531 = arith.constant 24 : i32
    %add3A_532 = arith.addi %multiple_of3A, %add3A_531 : i32
    %dma_start3A_533 = arith.constant 29 : i32
    %dma_start3A_534 = arith.constant 0 : i32
    %dma_start3A_535 = arith.constant 0 : i32
    %dma_start3A_536 = tpu.memref_slice %arg6[%dma_start3A_533, %dma_start3A_534, %dma_start3A_535] : memref<32x8x128xf32, #tpu.memory_space<vmem>> -> memref<1x8x128xf32, #tpu.memory_space<vmem>>
    %dma_start3A_537 = tpu.memref_squeeze %dma_start3A_536 : memref<1x8x128xf32, #tpu.memory_space<vmem>> -> memref<8x128xf32, #tpu.memory_space<vmem>>
    %dma_start3A_538 = tpu.memref_slice %arg2[%add3A_532, %multiple_of3A_530] : memref<1024x100000xf32, #tpu.memory_space<hbm>> -> memref<8x128xf32, #tpu.memory_space<hbm>>
    %dma_start3A_539 = arith.constant 0 : i32
    %dma_start3A_540 = arith.constant 0 : i32
    %dma_start3A_541 = tpu.memref_slice %arg6[%dma_start3A_533, %dma_start3A_539, %dma_start3A_540] : memref<32x8x128xf32, #tpu.memory_space<vmem>> -> memref<1x8x128xf32, #tpu.memory_space<vmem>>
    %dma_start3A_542 = tpu.memref_squeeze %dma_start3A_541 : memref<1x8x128xf32, #tpu.memory_space<vmem>> -> memref<8x128xf32, #tpu.memory_space<vmem>>
    %dma_start3A_543 = tpu.memref_slice %arg2[%add3A_532, %multiple_of3A_530] : memref<1024x100000xf32, #tpu.memory_space<hbm>> -> memref<8x128xf32, #tpu.memory_space<hbm>>
    tpu.enqueue_dma source(%dma_start3A_543 : memref<8x128xf32, #tpu.memory_space<hbm>>) target(%dma_start3A_542 : memref<8x128xf32, #tpu.memory_space<vmem>>) target_semaphore(%arg8 : memref<!tpu.dma_semaphore, #tpu.memory_space<semaphore_mem>>)
    %slice3A_544 = vector.extract_strided_slice %get3A_291 {offsets = [14], sizes = [1], strides = [1]} : vector<16xi32> to vector<1xi32>
    %squeeze3A_545 = vector.extract %slice3A_544[0] : i32 from vector<1xi32>
    %and3A_546 = arith.constant -128 : i32
    %and3A_547 = arith.andi %squeeze3A_545, %and3A_546 : i32
    %multiple_of3A_548 = tpu.assume_multiple %and3A_547, 128 : i32
    %add3A_549 = arith.constant 24 : i32
    %add3A_550 = arith.addi %multiple_of3A, %add3A_549 : i32
    %dma_start3A_551 = arith.constant 30 : i32
    %dma_start3A_552 = arith.constant 0 : i32
    %dma_start3A_553 = arith.constant 0 : i32
    %dma_start3A_554 = tpu.memref_slice %arg6[%dma_start3A_551, %dma_start3A_552, %dma_start3A_553] : memref<32x8x128xf32, #tpu.memory_space<vmem>> -> memref<1x8x128xf32, #tpu.memory_space<vmem>>
    %dma_start3A_555 = tpu.memref_squeeze %dma_start3A_554 : memref<1x8x128xf32, #tpu.memory_space<vmem>> -> memref<8x128xf32, #tpu.memory_space<vmem>>
    %dma_start3A_556 = tpu.memref_slice %arg2[%add3A_550, %multiple_of3A_548] : memref<1024x100000xf32, #tpu.memory_space<hbm>> -> memref<8x128xf32, #tpu.memory_space<hbm>>
    %dma_start3A_557 = arith.constant 0 : i32
    %dma_start3A_558 = arith.constant 0 : i32
    %dma_start3A_559 = tpu.memref_slice %arg6[%dma_start3A_551, %dma_start3A_557, %dma_start3A_558] : memref<32x8x128xf32, #tpu.memory_space<vmem>> -> memref<1x8x128xf32, #tpu.memory_space<vmem>>
    %dma_start3A_560 = tpu.memref_squeeze %dma_start3A_559 : memref<1x8x128xf32, #tpu.memory_space<vmem>> -> memref<8x128xf32, #tpu.memory_space<vmem>>
    %dma_start3A_561 = tpu.memref_slice %arg2[%add3A_550, %multiple_of3A_548] : memref<1024x100000xf32, #tpu.memory_space<hbm>> -> memref<8x128xf32, #tpu.memory_space<hbm>>
    tpu.enqueue_dma source(%dma_start3A_561 : memref<8x128xf32, #tpu.memory_space<hbm>>) target(%dma_start3A_560 : memref<8x128xf32, #tpu.memory_space<vmem>>) target_semaphore(%arg8 : memref<!tpu.dma_semaphore, #tpu.memory_space<semaphore_mem>>)
    %slice3A_562 = vector.extract_strided_slice %get3A_291 {offsets = [15], sizes = [1], strides = [1]} : vector<16xi32> to vector<1xi32>
    %squeeze3A_563 = vector.extract %slice3A_562[0] : i32 from vector<1xi32>
    %and3A_564 = arith.constant -128 : i32
    %and3A_565 = arith.andi %squeeze3A_563, %and3A_564 : i32
    %multiple_of3A_566 = tpu.assume_multiple %and3A_565, 128 : i32
    %add3A_567 = arith.constant 24 : i32
    %add3A_568 = arith.addi %multiple_of3A, %add3A_567 : i32
    %dma_start3A_569 = arith.constant 31 : i32
    %dma_start3A_570 = arith.constant 0 : i32
    %dma_start3A_571 = arith.constant 0 : i32
    %dma_start3A_572 = tpu.memref_slice %arg6[%dma_start3A_569, %dma_start3A_570, %dma_start3A_571] : memref<32x8x128xf32, #tpu.memory_space<vmem>> -> memref<1x8x128xf32, #tpu.memory_space<vmem>>
    %dma_start3A_573 = tpu.memref_squeeze %dma_start3A_572 : memref<1x8x128xf32, #tpu.memory_space<vmem>> -> memref<8x128xf32, #tpu.memory_space<vmem>>
    %dma_start3A_574 = tpu.memref_slice %arg2[%add3A_568, %multiple_of3A_566] : memref<1024x100000xf32, #tpu.memory_space<hbm>> -> memref<8x128xf32, #tpu.memory_space<hbm>>
    %dma_start3A_575 = arith.constant 0 : i32
    %dma_start3A_576 = arith.constant 0 : i32
    %dma_start3A_577 = tpu.memref_slice %arg6[%dma_start3A_569, %dma_start3A_575, %dma_start3A_576] : memref<32x8x128xf32, #tpu.memory_space<vmem>> -> memref<1x8x128xf32, #tpu.memory_space<vmem>>
    %dma_start3A_578 = tpu.memref_squeeze %dma_start3A_577 : memref<1x8x128xf32, #tpu.memory_space<vmem>> -> memref<8x128xf32, #tpu.memory_space<vmem>>
    %dma_start3A_579 = tpu.memref_slice %arg2[%add3A_568, %multiple_of3A_566] : memref<1024x100000xf32, #tpu.memory_space<hbm>> -> memref<8x128xf32, #tpu.memory_space<hbm>>
    tpu.enqueue_dma source(%dma_start3A_579 : memref<8x128xf32, #tpu.memory_space<hbm>>) target(%dma_start3A_578 : memref<8x128xf32, #tpu.memory_space<vmem>>) target_semaphore(%arg8 : memref<!tpu.dma_semaphore, #tpu.memory_space<semaphore_mem>>)
    %dma_wait3A = arith.constant 0 : i32
    %dma_wait3A_580 = arith.constant 0 : i32
    %dma_wait3A_581 = arith.constant 0 : i32
    %dma_wait3A_582 = tpu.memref_slice %arg6[%dma_wait3A, %dma_wait3A_580, %dma_wait3A_581] : memref<32x8x128xf32, #tpu.memory_space<vmem>> -> memref<1x8x128xf32, #tpu.memory_space<vmem>>
    %dma_wait3A_583 = tpu.memref_squeeze %dma_wait3A_582 : memref<1x8x128xf32, #tpu.memory_space<vmem>> -> memref<8x128xf32, #tpu.memory_space<vmem>>
    %dma_wait3A_584 = tpu.memref_slice %arg2[%add3A_8, %multiple_of3A_6] : memref<1024x100000xf32, #tpu.memory_space<hbm>> -> memref<8x128xf32, #tpu.memory_space<hbm>>
    %dma_wait3A_585 = arith.constant 0 : i32
    %dma_wait3A_586 = arith.constant 0 : i32
    %dma_wait3A_587 = tpu.memref_slice %arg6[%dma_wait3A, %dma_wait3A_585, %dma_wait3A_586] : memref<32x8x128xf32, #tpu.memory_space<vmem>> -> memref<1x8x128xf32, #tpu.memory_space<vmem>>
    %dma_wait3A_588 = tpu.memref_squeeze %dma_wait3A_587 : memref<1x8x128xf32, #tpu.memory_space<vmem>> -> memref<8x128xf32, #tpu.memory_space<vmem>>
    %dma_wait3A_589 = tpu.memref_slice %arg2[%add3A_8, %multiple_of3A_6] : memref<1024x100000xf32, #tpu.memory_space<hbm>> -> memref<8x128xf32, #tpu.memory_space<hbm>>
    tpu.wait_dma2 semaphore(%arg8 : memref<!tpu.dma_semaphore, #tpu.memory_space<semaphore_mem>>) src(%dma_wait3A_589 : memref<8x128xf32, #tpu.memory_space<hbm>>) dst(%dma_wait3A_588 : memref<8x128xf32, #tpu.memory_space<vmem>>)
    %dma_wait3A_590 = arith.constant 1 : i32
    %dma_wait3A_591 = arith.constant 0 : i32
    %dma_wait3A_592 = arith.constant 0 : i32
    %dma_wait3A_593 = tpu.memref_slice %arg6[%dma_wait3A_590, %dma_wait3A_591, %dma_wait3A_592] : memref<32x8x128xf32, #tpu.memory_space<vmem>> -> memref<1x8x128xf32, #tpu.memory_space<vmem>>
    %dma_wait3A_594 = tpu.memref_squeeze %dma_wait3A_593 : memref<1x8x128xf32, #tpu.memory_space<vmem>> -> memref<8x128xf32, #tpu.memory_space<vmem>>
    %dma_wait3A_595 = tpu.memref_slice %arg2[%add3A_25, %multiple_of3A_23] : memref<1024x100000xf32, #tpu.memory_space<hbm>> -> memref<8x128xf32, #tpu.memory_space<hbm>>
    %dma_wait3A_596 = arith.constant 0 : i32
    %dma_wait3A_597 = arith.constant 0 : i32
    %dma_wait3A_598 = tpu.memref_slice %arg6[%dma_wait3A_590, %dma_wait3A_596, %dma_wait3A_597] : memref<32x8x128xf32, #tpu.memory_space<vmem>> -> memref<1x8x128xf32, #tpu.memory_space<vmem>>
    %dma_wait3A_599 = tpu.memref_squeeze %dma_wait3A_598 : memref<1x8x128xf32, #tpu.memory_space<vmem>> -> memref<8x128xf32, #tpu.memory_space<vmem>>
    %dma_wait3A_600 = tpu.memref_slice %arg2[%add3A_25, %multiple_of3A_23] : memref<1024x100000xf32, #tpu.memory_space<hbm>> -> memref<8x128xf32, #tpu.memory_space<hbm>>
    tpu.wait_dma2 semaphore(%arg8 : memref<!tpu.dma_semaphore, #tpu.memory_space<semaphore_mem>>) src(%dma_wait3A_600 : memref<8x128xf32, #tpu.memory_space<hbm>>) dst(%dma_wait3A_599 : memref<8x128xf32, #tpu.memory_space<vmem>>)
    %dma_wait3A_601 = arith.constant 2 : i32
    %dma_wait3A_602 = arith.constant 0 : i32
    %dma_wait3A_603 = arith.constant 0 : i32
    %dma_wait3A_604 = tpu.memref_slice %arg6[%dma_wait3A_601, %dma_wait3A_602, %dma_wait3A_603] : memref<32x8x128xf32, #tpu.memory_space<vmem>> -> memref<1x8x128xf32, #tpu.memory_space<vmem>>
    %dma_wait3A_605 = tpu.memref_squeeze %dma_wait3A_604 : memref<1x8x128xf32, #tpu.memory_space<vmem>> -> memref<8x128xf32, #tpu.memory_space<vmem>>
    %dma_wait3A_606 = tpu.memref_slice %arg2[%add3A_43, %multiple_of3A_41] : memref<1024x100000xf32, #tpu.memory_space<hbm>> -> memref<8x128xf32, #tpu.memory_space<hbm>>
    %dma_wait3A_607 = arith.constant 0 : i32
    %dma_wait3A_608 = arith.constant 0 : i32
    %dma_wait3A_609 = tpu.memref_slice %arg6[%dma_wait3A_601, %dma_wait3A_607, %dma_wait3A_608] : memref<32x8x128xf32, #tpu.memory_space<vmem>> -> memref<1x8x128xf32, #tpu.memory_space<vmem>>
    %dma_wait3A_610 = tpu.memref_squeeze %dma_wait3A_609 : memref<1x8x128xf32, #tpu.memory_space<vmem>> -> memref<8x128xf32, #tpu.memory_space<vmem>>
    %dma_wait3A_611 = tpu.memref_slice %arg2[%add3A_43, %multiple_of3A_41] : memref<1024x100000xf32, #tpu.memory_space<hbm>> -> memref<8x128xf32, #tpu.memory_space<hbm>>
    tpu.wait_dma2 semaphore(%arg8 : memref<!tpu.dma_semaphore, #tpu.memory_space<semaphore_mem>>) src(%dma_wait3A_611 : memref<8x128xf32, #tpu.memory_space<hbm>>) dst(%dma_wait3A_610 : memref<8x128xf32, #tpu.memory_space<vmem>>)
    %dma_wait3A_612 = arith.constant 3 : i32
    %dma_wait3A_613 = arith.constant 0 : i32
    %dma_wait3A_614 = arith.constant 0 : i32
    %dma_wait3A_615 = tpu.memref_slice %arg6[%dma_wait3A_612, %dma_wait3A_613, %dma_wait3A_614] : memref<32x8x128xf32, #tpu.memory_space<vmem>> -> memref<1x8x128xf32, #tpu.memory_space<vmem>>
    %dma_wait3A_616 = tpu.memref_squeeze %dma_wait3A_615 : memref<1x8x128xf32, #tpu.memory_space<vmem>> -> memref<8x128xf32, #tpu.memory_space<vmem>>
    %dma_wait3A_617 = tpu.memref_slice %arg2[%add3A_61, %multiple_of3A_59] : memref<1024x100000xf32, #tpu.memory_space<hbm>> -> memref<8x128xf32, #tpu.memory_space<hbm>>
    %dma_wait3A_618 = arith.constant 0 : i32
    %dma_wait3A_619 = arith.constant 0 : i32
    %dma_wait3A_620 = tpu.memref_slice %arg6[%dma_wait3A_612, %dma_wait3A_618, %dma_wait3A_619] : memref<32x8x128xf32, #tpu.memory_space<vmem>> -> memref<1x8x128xf32, #tpu.memory_space<vmem>>
    %dma_wait3A_621 = tpu.memref_squeeze %dma_wait3A_620 : memref<1x8x128xf32, #tpu.memory_space<vmem>> -> memref<8x128xf32, #tpu.memory_space<vmem>>
    %dma_wait3A_622 = tpu.memref_slice %arg2[%add3A_61, %multiple_of3A_59] : memref<1024x100000xf32, #tpu.memory_space<hbm>> -> memref<8x128xf32, #tpu.memory_space<hbm>>
    tpu.wait_dma2 semaphore(%arg8 : memref<!tpu.dma_semaphore, #tpu.memory_space<semaphore_mem>>) src(%dma_wait3A_622 : memref<8x128xf32, #tpu.memory_space<hbm>>) dst(%dma_wait3A_621 : memref<8x128xf32, #tpu.memory_space<vmem>>)
    %dma_wait3A_623 = arith.constant 4 : i32
    %dma_wait3A_624 = arith.constant 0 : i32
    %dma_wait3A_625 = arith.constant 0 : i32
    %dma_wait3A_626 = tpu.memref_slice %arg6[%dma_wait3A_623, %dma_wait3A_624, %dma_wait3A_625] : memref<32x8x128xf32, #tpu.memory_space<vmem>> -> memref<1x8x128xf32, #tpu.memory_space<vmem>>
    %dma_wait3A_627 = tpu.memref_squeeze %dma_wait3A_626 : memref<1x8x128xf32, #tpu.memory_space<vmem>> -> memref<8x128xf32, #tpu.memory_space<vmem>>
    %dma_wait3A_628 = tpu.memref_slice %arg2[%add3A_79, %multiple_of3A_77] : memref<1024x100000xf32, #tpu.memory_space<hbm>> -> memref<8x128xf32, #tpu.memory_space<hbm>>
    %dma_wait3A_629 = arith.constant 0 : i32
    %dma_wait3A_630 = arith.constant 0 : i32
    %dma_wait3A_631 = tpu.memref_slice %arg6[%dma_wait3A_623, %dma_wait3A_629, %dma_wait3A_630] : memref<32x8x128xf32, #tpu.memory_space<vmem>> -> memref<1x8x128xf32, #tpu.memory_space<vmem>>
    %dma_wait3A_632 = tpu.memref_squeeze %dma_wait3A_631 : memref<1x8x128xf32, #tpu.memory_space<vmem>> -> memref<8x128xf32, #tpu.memory_space<vmem>>
    %dma_wait3A_633 = tpu.memref_slice %arg2[%add3A_79, %multiple_of3A_77] : memref<1024x100000xf32, #tpu.memory_space<hbm>> -> memref<8x128xf32, #tpu.memory_space<hbm>>
    tpu.wait_dma2 semaphore(%arg8 : memref<!tpu.dma_semaphore, #tpu.memory_space<semaphore_mem>>) src(%dma_wait3A_633 : memref<8x128xf32, #tpu.memory_space<hbm>>) dst(%dma_wait3A_632 : memref<8x128xf32, #tpu.memory_space<vmem>>)
    %dma_wait3A_634 = arith.constant 5 : i32
    %dma_wait3A_635 = arith.constant 0 : i32
    %dma_wait3A_636 = arith.constant 0 : i32
    %dma_wait3A_637 = tpu.memref_slice %arg6[%dma_wait3A_634, %dma_wait3A_635, %dma_wait3A_636] : memref<32x8x128xf32, #tpu.memory_space<vmem>> -> memref<1x8x128xf32, #tpu.memory_space<vmem>>
    %dma_wait3A_638 = tpu.memref_squeeze %dma_wait3A_637 : memref<1x8x128xf32, #tpu.memory_space<vmem>> -> memref<8x128xf32, #tpu.memory_space<vmem>>
    %dma_wait3A_639 = tpu.memref_slice %arg2[%add3A_97, %multiple_of3A_95] : memref<1024x100000xf32, #tpu.memory_space<hbm>> -> memref<8x128xf32, #tpu.memory_space<hbm>>
    %dma_wait3A_640 = arith.constant 0 : i32
    %dma_wait3A_641 = arith.constant 0 : i32
    %dma_wait3A_642 = tpu.memref_slice %arg6[%dma_wait3A_634, %dma_wait3A_640, %dma_wait3A_641] : memref<32x8x128xf32, #tpu.memory_space<vmem>> -> memref<1x8x128xf32, #tpu.memory_space<vmem>>
    %dma_wait3A_643 = tpu.memref_squeeze %dma_wait3A_642 : memref<1x8x128xf32, #tpu.memory_space<vmem>> -> memref<8x128xf32, #tpu.memory_space<vmem>>
    %dma_wait3A_644 = tpu.memref_slice %arg2[%add3A_97, %multiple_of3A_95] : memref<1024x100000xf32, #tpu.memory_space<hbm>> -> memref<8x128xf32, #tpu.memory_space<hbm>>
    tpu.wait_dma2 semaphore(%arg8 : memref<!tpu.dma_semaphore, #tpu.memory_space<semaphore_mem>>) src(%dma_wait3A_644 : memref<8x128xf32, #tpu.memory_space<hbm>>) dst(%dma_wait3A_643 : memref<8x128xf32, #tpu.memory_space<vmem>>)
    %dma_wait3A_645 = arith.constant 6 : i32
    %dma_wait3A_646 = arith.constant 0 : i32
    %dma_wait3A_647 = arith.constant 0 : i32
    %dma_wait3A_648 = tpu.memref_slice %arg6[%dma_wait3A_645, %dma_wait3A_646, %dma_wait3A_647] : memref<32x8x128xf32, #tpu.memory_space<vmem>> -> memref<1x8x128xf32, #tpu.memory_space<vmem>>
    %dma_wait3A_649 = tpu.memref_squeeze %dma_wait3A_648 : memref<1x8x128xf32, #tpu.memory_space<vmem>> -> memref<8x128xf32, #tpu.memory_space<vmem>>
    %dma_wait3A_650 = tpu.memref_slice %arg2[%add3A_115, %multiple_of3A_113] : memref<1024x100000xf32, #tpu.memory_space<hbm>> -> memref<8x128xf32, #tpu.memory_space<hbm>>
    %dma_wait3A_651 = arith.constant 0 : i32
    %dma_wait3A_652 = arith.constant 0 : i32
    %dma_wait3A_653 = tpu.memref_slice %arg6[%dma_wait3A_645, %dma_wait3A_651, %dma_wait3A_652] : memref<32x8x128xf32, #tpu.memory_space<vmem>> -> memref<1x8x128xf32, #tpu.memory_space<vmem>>
    %dma_wait3A_654 = tpu.memref_squeeze %dma_wait3A_653 : memref<1x8x128xf32, #tpu.memory_space<vmem>> -> memref<8x128xf32, #tpu.memory_space<vmem>>
    %dma_wait3A_655 = tpu.memref_slice %arg2[%add3A_115, %multiple_of3A_113] : memref<1024x100000xf32, #tpu.memory_space<hbm>> -> memref<8x128xf32, #tpu.memory_space<hbm>>
    tpu.wait_dma2 semaphore(%arg8 : memref<!tpu.dma_semaphore, #tpu.memory_space<semaphore_mem>>) src(%dma_wait3A_655 : memref<8x128xf32, #tpu.memory_space<hbm>>) dst(%dma_wait3A_654 : memref<8x128xf32, #tpu.memory_space<vmem>>)
    %dma_wait3A_656 = arith.constant 7 : i32
    %dma_wait3A_657 = arith.constant 0 : i32
    %dma_wait3A_658 = arith.constant 0 : i32
    %dma_wait3A_659 = tpu.memref_slice %arg6[%dma_wait3A_656, %dma_wait3A_657, %dma_wait3A_658] : memref<32x8x128xf32, #tpu.memory_space<vmem>> -> memref<1x8x128xf32, #tpu.memory_space<vmem>>
    %dma_wait3A_660 = tpu.memref_squeeze %dma_wait3A_659 : memref<1x8x128xf32, #tpu.memory_space<vmem>> -> memref<8x128xf32, #tpu.memory_space<vmem>>
    %dma_wait3A_661 = tpu.memref_slice %arg2[%add3A_133, %multiple_of3A_131] : memref<1024x100000xf32, #tpu.memory_space<hbm>> -> memref<8x128xf32, #tpu.memory_space<hbm>>
    %dma_wait3A_662 = arith.constant 0 : i32
    %dma_wait3A_663 = arith.constant 0 : i32
    %dma_wait3A_664 = tpu.memref_slice %arg6[%dma_wait3A_656, %dma_wait3A_662, %dma_wait3A_663] : memref<32x8x128xf32, #tpu.memory_space<vmem>> -> memref<1x8x128xf32, #tpu.memory_space<vmem>>
    %dma_wait3A_665 = tpu.memref_squeeze %dma_wait3A_664 : memref<1x8x128xf32, #tpu.memory_space<vmem>> -> memref<8x128xf32, #tpu.memory_space<vmem>>
    %dma_wait3A_666 = tpu.memref_slice %arg2[%add3A_133, %multiple_of3A_131] : memref<1024x100000xf32, #tpu.memory_space<hbm>> -> memref<8x128xf32, #tpu.memory_space<hbm>>
    tpu.wait_dma2 semaphore(%arg8 : memref<!tpu.dma_semaphore, #tpu.memory_space<semaphore_mem>>) src(%dma_wait3A_666 : memref<8x128xf32, #tpu.memory_space<hbm>>) dst(%dma_wait3A_665 : memref<8x128xf32, #tpu.memory_space<vmem>>)
    %dma_wait3A_667 = arith.constant 8 : i32
    %dma_wait3A_668 = arith.constant 0 : i32
    %dma_wait3A_669 = arith.constant 0 : i32
    %dma_wait3A_670 = tpu.memref_slice %arg6[%dma_wait3A_667, %dma_wait3A_668, %dma_wait3A_669] : memref<32x8x128xf32, #tpu.memory_space<vmem>> -> memref<1x8x128xf32, #tpu.memory_space<vmem>>
    %dma_wait3A_671 = tpu.memref_squeeze %dma_wait3A_670 : memref<1x8x128xf32, #tpu.memory_space<vmem>> -> memref<8x128xf32, #tpu.memory_space<vmem>>
    %dma_wait3A_672 = tpu.memref_slice %arg2[%add3A_151, %multiple_of3A_149] : memref<1024x100000xf32, #tpu.memory_space<hbm>> -> memref<8x128xf32, #tpu.memory_space<hbm>>
    %dma_wait3A_673 = arith.constant 0 : i32
    %dma_wait3A_674 = arith.constant 0 : i32
    %dma_wait3A_675 = tpu.memref_slice %arg6[%dma_wait3A_667, %dma_wait3A_673, %dma_wait3A_674] : memref<32x8x128xf32, #tpu.memory_space<vmem>> -> memref<1x8x128xf32, #tpu.memory_space<vmem>>
    %dma_wait3A_676 = tpu.memref_squeeze %dma_wait3A_675 : memref<1x8x128xf32, #tpu.memory_space<vmem>> -> memref<8x128xf32, #tpu.memory_space<vmem>>
    %dma_wait3A_677 = tpu.memref_slice %arg2[%add3A_151, %multiple_of3A_149] : memref<1024x100000xf32, #tpu.memory_space<hbm>> -> memref<8x128xf32, #tpu.memory_space<hbm>>
    tpu.wait_dma2 semaphore(%arg8 : memref<!tpu.dma_semaphore, #tpu.memory_space<semaphore_mem>>) src(%dma_wait3A_677 : memref<8x128xf32, #tpu.memory_space<hbm>>) dst(%dma_wait3A_676 : memref<8x128xf32, #tpu.memory_space<vmem>>)
    %dma_wait3A_678 = arith.constant 9 : i32
    %dma_wait3A_679 = arith.constant 0 : i32
    %dma_wait3A_680 = arith.constant 0 : i32
    %dma_wait3A_681 = tpu.memref_slice %arg6[%dma_wait3A_678, %dma_wait3A_679, %dma_wait3A_680] : memref<32x8x128xf32, #tpu.memory_space<vmem>> -> memref<1x8x128xf32, #tpu.memory_space<vmem>>
    %dma_wait3A_682 = tpu.memref_squeeze %dma_wait3A_681 : memref<1x8x128xf32, #tpu.memory_space<vmem>> -> memref<8x128xf32, #tpu.memory_space<vmem>>
    %dma_wait3A_683 = tpu.memref_slice %arg2[%add3A_169, %multiple_of3A_167] : memref<1024x100000xf32, #tpu.memory_space<hbm>> -> memref<8x128xf32, #tpu.memory_space<hbm>>
    %dma_wait3A_684 = arith.constant 0 : i32
    %dma_wait3A_685 = arith.constant 0 : i32
    %dma_wait3A_686 = tpu.memref_slice %arg6[%dma_wait3A_678, %dma_wait3A_684, %dma_wait3A_685] : memref<32x8x128xf32, #tpu.memory_space<vmem>> -> memref<1x8x128xf32, #tpu.memory_space<vmem>>
    %dma_wait3A_687 = tpu.memref_squeeze %dma_wait3A_686 : memref<1x8x128xf32, #tpu.memory_space<vmem>> -> memref<8x128xf32, #tpu.memory_space<vmem>>
    %dma_wait3A_688 = tpu.memref_slice %arg2[%add3A_169, %multiple_of3A_167] : memref<1024x100000xf32, #tpu.memory_space<hbm>> -> memref<8x128xf32, #tpu.memory_space<hbm>>
    tpu.wait_dma2 semaphore(%arg8 : memref<!tpu.dma_semaphore, #tpu.memory_space<semaphore_mem>>) src(%dma_wait3A_688 : memref<8x128xf32, #tpu.memory_space<hbm>>) dst(%dma_wait3A_687 : memref<8x128xf32, #tpu.memory_space<vmem>>)
    %dma_wait3A_689 = arith.constant 10 : i32
    %dma_wait3A_690 = arith.constant 0 : i32
    %dma_wait3A_691 = arith.constant 0 : i32
    %dma_wait3A_692 = tpu.memref_slice %arg6[%dma_wait3A_689, %dma_wait3A_690, %dma_wait3A_691] : memref<32x8x128xf32, #tpu.memory_space<vmem>> -> memref<1x8x128xf32, #tpu.memory_space<vmem>>
    %dma_wait3A_693 = tpu.memref_squeeze %dma_wait3A_692 : memref<1x8x128xf32, #tpu.memory_space<vmem>> -> memref<8x128xf32, #tpu.memory_space<vmem>>
    %dma_wait3A_694 = tpu.memref_slice %arg2[%add3A_187, %multiple_of3A_185] : memref<1024x100000xf32, #tpu.memory_space<hbm>> -> memref<8x128xf32, #tpu.memory_space<hbm>>
    %dma_wait3A_695 = arith.constant 0 : i32
    %dma_wait3A_696 = arith.constant 0 : i32
    %dma_wait3A_697 = tpu.memref_slice %arg6[%dma_wait3A_689, %dma_wait3A_695, %dma_wait3A_696] : memref<32x8x128xf32, #tpu.memory_space<vmem>> -> memref<1x8x128xf32, #tpu.memory_space<vmem>>
    %dma_wait3A_698 = tpu.memref_squeeze %dma_wait3A_697 : memref<1x8x128xf32, #tpu.memory_space<vmem>> -> memref<8x128xf32, #tpu.memory_space<vmem>>
    %dma_wait3A_699 = tpu.memref_slice %arg2[%add3A_187, %multiple_of3A_185] : memref<1024x100000xf32, #tpu.memory_space<hbm>> -> memref<8x128xf32, #tpu.memory_space<hbm>>
    tpu.wait_dma2 semaphore(%arg8 : memref<!tpu.dma_semaphore, #tpu.memory_space<semaphore_mem>>) src(%dma_wait3A_699 : memref<8x128xf32, #tpu.memory_space<hbm>>) dst(%dma_wait3A_698 : memref<8x128xf32, #tpu.memory_space<vmem>>)
    %dma_wait3A_700 = arith.constant 11 : i32
    %dma_wait3A_701 = arith.constant 0 : i32
    %dma_wait3A_702 = arith.constant 0 : i32
    %dma_wait3A_703 = tpu.memref_slice %arg6[%dma_wait3A_700, %dma_wait3A_701, %dma_wait3A_702] : memref<32x8x128xf32, #tpu.memory_space<vmem>> -> memref<1x8x128xf32, #tpu.memory_space<vmem>>
    %dma_wait3A_704 = tpu.memref_squeeze %dma_wait3A_703 : memref<1x8x128xf32, #tpu.memory_space<vmem>> -> memref<8x128xf32, #tpu.memory_space<vmem>>
    %dma_wait3A_705 = tpu.memref_slice %arg2[%add3A_205, %multiple_of3A_203] : memref<1024x100000xf32, #tpu.memory_space<hbm>> -> memref<8x128xf32, #tpu.memory_space<hbm>>
    %dma_wait3A_706 = arith.constant 0 : i32
    %dma_wait3A_707 = arith.constant 0 : i32
    %dma_wait3A_708 = tpu.memref_slice %arg6[%dma_wait3A_700, %dma_wait3A_706, %dma_wait3A_707] : memref<32x8x128xf32, #tpu.memory_space<vmem>> -> memref<1x8x128xf32, #tpu.memory_space<vmem>>
    %dma_wait3A_709 = tpu.memref_squeeze %dma_wait3A_708 : memref<1x8x128xf32, #tpu.memory_space<vmem>> -> memref<8x128xf32, #tpu.memory_space<vmem>>
    %dma_wait3A_710 = tpu.memref_slice %arg2[%add3A_205, %multiple_of3A_203] : memref<1024x100000xf32, #tpu.memory_space<hbm>> -> memref<8x128xf32, #tpu.memory_space<hbm>>
    tpu.wait_dma2 semaphore(%arg8 : memref<!tpu.dma_semaphore, #tpu.memory_space<semaphore_mem>>) src(%dma_wait3A_710 : memref<8x128xf32, #tpu.memory_space<hbm>>) dst(%dma_wait3A_709 : memref<8x128xf32, #tpu.memory_space<vmem>>)
    %dma_wait3A_711 = arith.constant 12 : i32
    %dma_wait3A_712 = arith.constant 0 : i32
    %dma_wait3A_713 = arith.constant 0 : i32
    %dma_wait3A_714 = tpu.memref_slice %arg6[%dma_wait3A_711, %dma_wait3A_712, %dma_wait3A_713] : memref<32x8x128xf32, #tpu.memory_space<vmem>> -> memref<1x8x128xf32, #tpu.memory_space<vmem>>
    %dma_wait3A_715 = tpu.memref_squeeze %dma_wait3A_714 : memref<1x8x128xf32, #tpu.memory_space<vmem>> -> memref<8x128xf32, #tpu.memory_space<vmem>>
    %dma_wait3A_716 = tpu.memref_slice %arg2[%add3A_223, %multiple_of3A_221] : memref<1024x100000xf32, #tpu.memory_space<hbm>> -> memref<8x128xf32, #tpu.memory_space<hbm>>
    %dma_wait3A_717 = arith.constant 0 : i32
    %dma_wait3A_718 = arith.constant 0 : i32
    %dma_wait3A_719 = tpu.memref_slice %arg6[%dma_wait3A_711, %dma_wait3A_717, %dma_wait3A_718] : memref<32x8x128xf32, #tpu.memory_space<vmem>> -> memref<1x8x128xf32, #tpu.memory_space<vmem>>
    %dma_wait3A_720 = tpu.memref_squeeze %dma_wait3A_719 : memref<1x8x128xf32, #tpu.memory_space<vmem>> -> memref<8x128xf32, #tpu.memory_space<vmem>>
    %dma_wait3A_721 = tpu.memref_slice %arg2[%add3A_223, %multiple_of3A_221] : memref<1024x100000xf32, #tpu.memory_space<hbm>> -> memref<8x128xf32, #tpu.memory_space<hbm>>
    tpu.wait_dma2 semaphore(%arg8 : memref<!tpu.dma_semaphore, #tpu.memory_space<semaphore_mem>>) src(%dma_wait3A_721 : memref<8x128xf32, #tpu.memory_space<hbm>>) dst(%dma_wait3A_720 : memref<8x128xf32, #tpu.memory_space<vmem>>)
    %dma_wait3A_722 = arith.constant 13 : i32
    %dma_wait3A_723 = arith.constant 0 : i32
    %dma_wait3A_724 = arith.constant 0 : i32
    %dma_wait3A_725 = tpu.memref_slice %arg6[%dma_wait3A_722, %dma_wait3A_723, %dma_wait3A_724] : memref<32x8x128xf32, #tpu.memory_space<vmem>> -> memref<1x8x128xf32, #tpu.memory_space<vmem>>
    %dma_wait3A_726 = tpu.memref_squeeze %dma_wait3A_725 : memref<1x8x128xf32, #tpu.memory_space<vmem>> -> memref<8x128xf32, #tpu.memory_space<vmem>>
    %dma_wait3A_727 = tpu.memref_slice %arg2[%add3A_241, %multiple_of3A_239] : memref<1024x100000xf32, #tpu.memory_space<hbm>> -> memref<8x128xf32, #tpu.memory_space<hbm>>
    %dma_wait3A_728 = arith.constant 0 : i32
    %dma_wait3A_729 = arith.constant 0 : i32
    %dma_wait3A_730 = tpu.memref_slice %arg6[%dma_wait3A_722, %dma_wait3A_728, %dma_wait3A_729] : memref<32x8x128xf32, #tpu.memory_space<vmem>> -> memref<1x8x128xf32, #tpu.memory_space<vmem>>
    %dma_wait3A_731 = tpu.memref_squeeze %dma_wait3A_730 : memref<1x8x128xf32, #tpu.memory_space<vmem>> -> memref<8x128xf32, #tpu.memory_space<vmem>>
    %dma_wait3A_732 = tpu.memref_slice %arg2[%add3A_241, %multiple_of3A_239] : memref<1024x100000xf32, #tpu.memory_space<hbm>> -> memref<8x128xf32, #tpu.memory_space<hbm>>
    tpu.wait_dma2 semaphore(%arg8 : memref<!tpu.dma_semaphore, #tpu.memory_space<semaphore_mem>>) src(%dma_wait3A_732 : memref<8x128xf32, #tpu.memory_space<hbm>>) dst(%dma_wait3A_731 : memref<8x128xf32, #tpu.memory_space<vmem>>)
    %dma_wait3A_733 = arith.constant 14 : i32
    %dma_wait3A_734 = arith.constant 0 : i32
    %dma_wait3A_735 = arith.constant 0 : i32
    %dma_wait3A_736 = tpu.memref_slice %arg6[%dma_wait3A_733, %dma_wait3A_734, %dma_wait3A_735] : memref<32x8x128xf32, #tpu.memory_space<vmem>> -> memref<1x8x128xf32, #tpu.memory_space<vmem>>
    %dma_wait3A_737 = tpu.memref_squeeze %dma_wait3A_736 : memref<1x8x128xf32, #tpu.memory_space<vmem>> -> memref<8x128xf32, #tpu.memory_space<vmem>>
    %dma_wait3A_738 = tpu.memref_slice %arg2[%add3A_259, %multiple_of3A_257] : memref<1024x100000xf32, #tpu.memory_space<hbm>> -> memref<8x128xf32, #tpu.memory_space<hbm>>
    %dma_wait3A_739 = arith.constant 0 : i32
    %dma_wait3A_740 = arith.constant 0 : i32
    %dma_wait3A_741 = tpu.memref_slice %arg6[%dma_wait3A_733, %dma_wait3A_739, %dma_wait3A_740] : memref<32x8x128xf32, #tpu.memory_space<vmem>> -> memref<1x8x128xf32, #tpu.memory_space<vmem>>
    %dma_wait3A_742 = tpu.memref_squeeze %dma_wait3A_741 : memref<1x8x128xf32, #tpu.memory_space<vmem>> -> memref<8x128xf32, #tpu.memory_space<vmem>>
    %dma_wait3A_743 = tpu.memref_slice %arg2[%add3A_259, %multiple_of3A_257] : memref<1024x100000xf32, #tpu.memory_space<hbm>> -> memref<8x128xf32, #tpu.memory_space<hbm>>
    tpu.wait_dma2 semaphore(%arg8 : memref<!tpu.dma_semaphore, #tpu.memory_space<semaphore_mem>>) src(%dma_wait3A_743 : memref<8x128xf32, #tpu.memory_space<hbm>>) dst(%dma_wait3A_742 : memref<8x128xf32, #tpu.memory_space<vmem>>)
    %dma_wait3A_744 = arith.constant 15 : i32
    %dma_wait3A_745 = arith.constant 0 : i32
    %dma_wait3A_746 = arith.constant 0 : i32
    %dma_wait3A_747 = tpu.memref_slice %arg6[%dma_wait3A_744, %dma_wait3A_745, %dma_wait3A_746] : memref<32x8x128xf32, #tpu.memory_space<vmem>> -> memref<1x8x128xf32, #tpu.memory_space<vmem>>
    %dma_wait3A_748 = tpu.memref_squeeze %dma_wait3A_747 : memref<1x8x128xf32, #tpu.memory_space<vmem>> -> memref<8x128xf32, #tpu.memory_space<vmem>>
    %dma_wait3A_749 = tpu.memref_slice %arg2[%add3A_277, %multiple_of3A_275] : memref<1024x100000xf32, #tpu.memory_space<hbm>> -> memref<8x128xf32, #tpu.memory_space<hbm>>
    %dma_wait3A_750 = arith.constant 0 : i32
    %dma_wait3A_751 = arith.constant 0 : i32
    %dma_wait3A_752 = tpu.memref_slice %arg6[%dma_wait3A_744, %dma_wait3A_750, %dma_wait3A_751] : memref<32x8x128xf32, #tpu.memory_space<vmem>> -> memref<1x8x128xf32, #tpu.memory_space<vmem>>
    %dma_wait3A_753 = tpu.memref_squeeze %dma_wait3A_752 : memref<1x8x128xf32, #tpu.memory_space<vmem>> -> memref<8x128xf32, #tpu.memory_space<vmem>>
    %dma_wait3A_754 = tpu.memref_slice %arg2[%add3A_277, %multiple_of3A_275] : memref<1024x100000xf32, #tpu.memory_space<hbm>> -> memref<8x128xf32, #tpu.memory_space<hbm>>
    tpu.wait_dma2 semaphore(%arg8 : memref<!tpu.dma_semaphore, #tpu.memory_space<semaphore_mem>>) src(%dma_wait3A_754 : memref<8x128xf32, #tpu.memory_space<hbm>>) dst(%dma_wait3A_753 : memref<8x128xf32, #tpu.memory_space<vmem>>)
    %dma_wait3A_755 = arith.constant 16 : i32
    %dma_wait3A_756 = arith.constant 0 : i32
    %dma_wait3A_757 = arith.constant 0 : i32
    %dma_wait3A_758 = tpu.memref_slice %arg6[%dma_wait3A_755, %dma_wait3A_756, %dma_wait3A_757] : memref<32x8x128xf32, #tpu.memory_space<vmem>> -> memref<1x8x128xf32, #tpu.memory_space<vmem>>
    %dma_wait3A_759 = tpu.memref_squeeze %dma_wait3A_758 : memref<1x8x128xf32, #tpu.memory_space<vmem>> -> memref<8x128xf32, #tpu.memory_space<vmem>>
    %dma_wait3A_760 = tpu.memref_slice %arg2[%add3A_298, %multiple_of3A_296] : memref<1024x100000xf32, #tpu.memory_space<hbm>> -> memref<8x128xf32, #tpu.memory_space<hbm>>
    %dma_wait3A_761 = arith.constant 0 : i32
    %dma_wait3A_762 = arith.constant 0 : i32
    %dma_wait3A_763 = tpu.memref_slice %arg6[%dma_wait3A_755, %dma_wait3A_761, %dma_wait3A_762] : memref<32x8x128xf32, #tpu.memory_space<vmem>> -> memref<1x8x128xf32, #tpu.memory_space<vmem>>
    %dma_wait3A_764 = tpu.memref_squeeze %dma_wait3A_763 : memref<1x8x128xf32, #tpu.memory_space<vmem>> -> memref<8x128xf32, #tpu.memory_space<vmem>>
    %dma_wait3A_765 = tpu.memref_slice %arg2[%add3A_298, %multiple_of3A_296] : memref<1024x100000xf32, #tpu.memory_space<hbm>> -> memref<8x128xf32, #tpu.memory_space<hbm>>
    tpu.wait_dma2 semaphore(%arg8 : memref<!tpu.dma_semaphore, #tpu.memory_space<semaphore_mem>>) src(%dma_wait3A_765 : memref<8x128xf32, #tpu.memory_space<hbm>>) dst(%dma_wait3A_764 : memref<8x128xf32, #tpu.memory_space<vmem>>)
    %dma_wait3A_766 = arith.constant 17 : i32
    %dma_wait3A_767 = arith.constant 0 : i32
    %dma_wait3A_768 = arith.constant 0 : i32
    %dma_wait3A_769 = tpu.memref_slice %arg6[%dma_wait3A_766, %dma_wait3A_767, %dma_wait3A_768] : memref<32x8x128xf32, #tpu.memory_space<vmem>> -> memref<1x8x128xf32, #tpu.memory_space<vmem>>
    %dma_wait3A_770 = tpu.memref_squeeze %dma_wait3A_769 : memref<1x8x128xf32, #tpu.memory_space<vmem>> -> memref<8x128xf32, #tpu.memory_space<vmem>>
    %dma_wait3A_771 = tpu.memref_slice %arg2[%add3A_316, %multiple_of3A_314] : memref<1024x100000xf32, #tpu.memory_space<hbm>> -> memref<8x128xf32, #tpu.memory_space<hbm>>
    %dma_wait3A_772 = arith.constant 0 : i32
    %dma_wait3A_773 = arith.constant 0 : i32
    %dma_wait3A_774 = tpu.memref_slice %arg6[%dma_wait3A_766, %dma_wait3A_772, %dma_wait3A_773] : memref<32x8x128xf32, #tpu.memory_space<vmem>> -> memref<1x8x128xf32, #tpu.memory_space<vmem>>
    %dma_wait3A_775 = tpu.memref_squeeze %dma_wait3A_774 : memref<1x8x128xf32, #tpu.memory_space<vmem>> -> memref<8x128xf32, #tpu.memory_space<vmem>>
    %dma_wait3A_776 = tpu.memref_slice %arg2[%add3A_316, %multiple_of3A_314] : memref<1024x100000xf32, #tpu.memory_space<hbm>> -> memref<8x128xf32, #tpu.memory_space<hbm>>
    tpu.wait_dma2 semaphore(%arg8 : memref<!tpu.dma_semaphore, #tpu.memory_space<semaphore_mem>>) src(%dma_wait3A_776 : memref<8x128xf32, #tpu.memory_space<hbm>>) dst(%dma_wait3A_775 : memref<8x128xf32, #tpu.memory_space<vmem>>)
    %dma_wait3A_777 = arith.constant 18 : i32
    %dma_wait3A_778 = arith.constant 0 : i32
    %dma_wait3A_779 = arith.constant 0 : i32
    %dma_wait3A_780 = tpu.memref_slice %arg6[%dma_wait3A_777, %dma_wait3A_778, %dma_wait3A_779] : memref<32x8x128xf32, #tpu.memory_space<vmem>> -> memref<1x8x128xf32, #tpu.memory_space<vmem>>
    %dma_wait3A_781 = tpu.memref_squeeze %dma_wait3A_780 : memref<1x8x128xf32, #tpu.memory_space<vmem>> -> memref<8x128xf32, #tpu.memory_space<vmem>>
    %dma_wait3A_782 = tpu.memref_slice %arg2[%add3A_334, %multiple_of3A_332] : memref<1024x100000xf32, #tpu.memory_space<hbm>> -> memref<8x128xf32, #tpu.memory_space<hbm>>
    %dma_wait3A_783 = arith.constant 0 : i32
    %dma_wait3A_784 = arith.constant 0 : i32
    %dma_wait3A_785 = tpu.memref_slice %arg6[%dma_wait3A_777, %dma_wait3A_783, %dma_wait3A_784] : memref<32x8x128xf32, #tpu.memory_space<vmem>> -> memref<1x8x128xf32, #tpu.memory_space<vmem>>
    %dma_wait3A_786 = tpu.memref_squeeze %dma_wait3A_785 : memref<1x8x128xf32, #tpu.memory_space<vmem>> -> memref<8x128xf32, #tpu.memory_space<vmem>>
    %dma_wait3A_787 = tpu.memref_slice %arg2[%add3A_334, %multiple_of3A_332] : memref<1024x100000xf32, #tpu.memory_space<hbm>> -> memref<8x128xf32, #tpu.memory_space<hbm>>
    tpu.wait_dma2 semaphore(%arg8 : memref<!tpu.dma_semaphore, #tpu.memory_space<semaphore_mem>>) src(%dma_wait3A_787 : memref<8x128xf32, #tpu.memory_space<hbm>>) dst(%dma_wait3A_786 : memref<8x128xf32, #tpu.memory_space<vmem>>)
    %dma_wait3A_788 = arith.constant 19 : i32
    %dma_wait3A_789 = arith.constant 0 : i32
    %dma_wait3A_790 = arith.constant 0 : i32
    %dma_wait3A_791 = tpu.memref_slice %arg6[%dma_wait3A_788, %dma_wait3A_789, %dma_wait3A_790] : memref<32x8x128xf32, #tpu.memory_space<vmem>> -> memref<1x8x128xf32, #tpu.memory_space<vmem>>
    %dma_wait3A_792 = tpu.memref_squeeze %dma_wait3A_791 : memref<1x8x128xf32, #tpu.memory_space<vmem>> -> memref<8x128xf32, #tpu.memory_space<vmem>>
    %dma_wait3A_793 = tpu.memref_slice %arg2[%add3A_352, %multiple_of3A_350] : memref<1024x100000xf32, #tpu.memory_space<hbm>> -> memref<8x128xf32, #tpu.memory_space<hbm>>
    %dma_wait3A_794 = arith.constant 0 : i32
    %dma_wait3A_795 = arith.constant 0 : i32
    %dma_wait3A_796 = tpu.memref_slice %arg6[%dma_wait3A_788, %dma_wait3A_794, %dma_wait3A_795] : memref<32x8x128xf32, #tpu.memory_space<vmem>> -> memref<1x8x128xf32, #tpu.memory_space<vmem>>
    %dma_wait3A_797 = tpu.memref_squeeze %dma_wait3A_796 : memref<1x8x128xf32, #tpu.memory_space<vmem>> -> memref<8x128xf32, #tpu.memory_space<vmem>>
    %dma_wait3A_798 = tpu.memref_slice %arg2[%add3A_352, %multiple_of3A_350] : memref<1024x100000xf32, #tpu.memory_space<hbm>> -> memref<8x128xf32, #tpu.memory_space<hbm>>
    tpu.wait_dma2 semaphore(%arg8 : memref<!tpu.dma_semaphore, #tpu.memory_space<semaphore_mem>>) src(%dma_wait3A_798 : memref<8x128xf32, #tpu.memory_space<hbm>>) dst(%dma_wait3A_797 : memref<8x128xf32, #tpu.memory_space<vmem>>)
    %dma_wait3A_799 = arith.constant 20 : i32
    %dma_wait3A_800 = arith.constant 0 : i32
    %dma_wait3A_801 = arith.constant 0 : i32
    %dma_wait3A_802 = tpu.memref_slice %arg6[%dma_wait3A_799, %dma_wait3A_800, %dma_wait3A_801] : memref<32x8x128xf32, #tpu.memory_space<vmem>> -> memref<1x8x128xf32, #tpu.memory_space<vmem>>
    %dma_wait3A_803 = tpu.memref_squeeze %dma_wait3A_802 : memref<1x8x128xf32, #tpu.memory_space<vmem>> -> memref<8x128xf32, #tpu.memory_space<vmem>>
    %dma_wait3A_804 = tpu.memref_slice %arg2[%add3A_370, %multiple_of3A_368] : memref<1024x100000xf32, #tpu.memory_space<hbm>> -> memref<8x128xf32, #tpu.memory_space<hbm>>
    %dma_wait3A_805 = arith.constant 0 : i32
    %dma_wait3A_806 = arith.constant 0 : i32
    %dma_wait3A_807 = tpu.memref_slice %arg6[%dma_wait3A_799, %dma_wait3A_805, %dma_wait3A_806] : memref<32x8x128xf32, #tpu.memory_space<vmem>> -> memref<1x8x128xf32, #tpu.memory_space<vmem>>
    %dma_wait3A_808 = tpu.memref_squeeze %dma_wait3A_807 : memref<1x8x128xf32, #tpu.memory_space<vmem>> -> memref<8x128xf32, #tpu.memory_space<vmem>>
    %dma_wait3A_809 = tpu.memref_slice %arg2[%add3A_370, %multiple_of3A_368] : memref<1024x100000xf32, #tpu.memory_space<hbm>> -> memref<8x128xf32, #tpu.memory_space<hbm>>
    tpu.wait_dma2 semaphore(%arg8 : memref<!tpu.dma_semaphore, #tpu.memory_space<semaphore_mem>>) src(%dma_wait3A_809 : memref<8x128xf32, #tpu.memory_space<hbm>>) dst(%dma_wait3A_808 : memref<8x128xf32, #tpu.memory_space<vmem>>)
    %dma_wait3A_810 = arith.constant 21 : i32
    %dma_wait3A_811 = arith.constant 0 : i32
    %dma_wait3A_812 = arith.constant 0 : i32
    %dma_wait3A_813 = tpu.memref_slice %arg6[%dma_wait3A_810, %dma_wait3A_811, %dma_wait3A_812] : memref<32x8x128xf32, #tpu.memory_space<vmem>> -> memref<1x8x128xf32, #tpu.memory_space<vmem>>
    %dma_wait3A_814 = tpu.memref_squeeze %dma_wait3A_813 : memref<1x8x128xf32, #tpu.memory_space<vmem>> -> memref<8x128xf32, #tpu.memory_space<vmem>>
    %dma_wait3A_815 = tpu.memref_slice %arg2[%add3A_388, %multiple_of3A_386] : memref<1024x100000xf32, #tpu.memory_space<hbm>> -> memref<8x128xf32, #tpu.memory_space<hbm>>
    %dma_wait3A_816 = arith.constant 0 : i32
    %dma_wait3A_817 = arith.constant 0 : i32
    %dma_wait3A_818 = tpu.memref_slice %arg6[%dma_wait3A_810, %dma_wait3A_816, %dma_wait3A_817] : memref<32x8x128xf32, #tpu.memory_space<vmem>> -> memref<1x8x128xf32, #tpu.memory_space<vmem>>
    %dma_wait3A_819 = tpu.memref_squeeze %dma_wait3A_818 : memref<1x8x128xf32, #tpu.memory_space<vmem>> -> memref<8x128xf32, #tpu.memory_space<vmem>>
    %dma_wait3A_820 = tpu.memref_slice %arg2[%add3A_388, %multiple_of3A_386] : memref<1024x100000xf32, #tpu.memory_space<hbm>> -> memref<8x128xf32, #tpu.memory_space<hbm>>
    tpu.wait_dma2 semaphore(%arg8 : memref<!tpu.dma_semaphore, #tpu.memory_space<semaphore_mem>>) src(%dma_wait3A_820 : memref<8x128xf32, #tpu.memory_space<hbm>>) dst(%dma_wait3A_819 : memref<8x128xf32, #tpu.memory_space<vmem>>)
    %dma_wait3A_821 = arith.constant 22 : i32
    %dma_wait3A_822 = arith.constant 0 : i32
    %dma_wait3A_823 = arith.constant 0 : i32
    %dma_wait3A_824 = tpu.memref_slice %arg6[%dma_wait3A_821, %dma_wait3A_822, %dma_wait3A_823] : memref<32x8x128xf32, #tpu.memory_space<vmem>> -> memref<1x8x128xf32, #tpu.memory_space<vmem>>
    %dma_wait3A_825 = tpu.memref_squeeze %dma_wait3A_824 : memref<1x8x128xf32, #tpu.memory_space<vmem>> -> memref<8x128xf32, #tpu.memory_space<vmem>>
    %dma_wait3A_826 = tpu.memref_slice %arg2[%add3A_406, %multiple_of3A_404] : memref<1024x100000xf32, #tpu.memory_space<hbm>> -> memref<8x128xf32, #tpu.memory_space<hbm>>
    %dma_wait3A_827 = arith.constant 0 : i32
    %dma_wait3A_828 = arith.constant 0 : i32
    %dma_wait3A_829 = tpu.memref_slice %arg6[%dma_wait3A_821, %dma_wait3A_827, %dma_wait3A_828] : memref<32x8x128xf32, #tpu.memory_space<vmem>> -> memref<1x8x128xf32, #tpu.memory_space<vmem>>
    %dma_wait3A_830 = tpu.memref_squeeze %dma_wait3A_829 : memref<1x8x128xf32, #tpu.memory_space<vmem>> -> memref<8x128xf32, #tpu.memory_space<vmem>>
    %dma_wait3A_831 = tpu.memref_slice %arg2[%add3A_406, %multiple_of3A_404] : memref<1024x100000xf32, #tpu.memory_space<hbm>> -> memref<8x128xf32, #tpu.memory_space<hbm>>
    tpu.wait_dma2 semaphore(%arg8 : memref<!tpu.dma_semaphore, #tpu.memory_space<semaphore_mem>>) src(%dma_wait3A_831 : memref<8x128xf32, #tpu.memory_space<hbm>>) dst(%dma_wait3A_830 : memref<8x128xf32, #tpu.memory_space<vmem>>)
    %dma_wait3A_832 = arith.constant 23 : i32
    %dma_wait3A_833 = arith.constant 0 : i32
    %dma_wait3A_834 = arith.constant 0 : i32
    %dma_wait3A_835 = tpu.memref_slice %arg6[%dma_wait3A_832, %dma_wait3A_833, %dma_wait3A_834] : memref<32x8x128xf32, #tpu.memory_space<vmem>> -> memref<1x8x128xf32, #tpu.memory_space<vmem>>
    %dma_wait3A_836 = tpu.memref_squeeze %dma_wait3A_835 : memref<1x8x128xf32, #tpu.memory_space<vmem>> -> memref<8x128xf32, #tpu.memory_space<vmem>>
    %dma_wait3A_837 = tpu.memref_slice %arg2[%add3A_424, %multiple_of3A_422] : memref<1024x100000xf32, #tpu.memory_space<hbm>> -> memref<8x128xf32, #tpu.memory_space<hbm>>
    %dma_wait3A_838 = arith.constant 0 : i32
    %dma_wait3A_839 = arith.constant 0 : i32
    %dma_wait3A_840 = tpu.memref_slice %arg6[%dma_wait3A_832, %dma_wait3A_838, %dma_wait3A_839] : memref<32x8x128xf32, #tpu.memory_space<vmem>> -> memref<1x8x128xf32, #tpu.memory_space<vmem>>
    %dma_wait3A_841 = tpu.memref_squeeze %dma_wait3A_840 : memref<1x8x128xf32, #tpu.memory_space<vmem>> -> memref<8x128xf32, #tpu.memory_space<vmem>>
    %dma_wait3A_842 = tpu.memref_slice %arg2[%add3A_424, %multiple_of3A_422] : memref<1024x100000xf32, #tpu.memory_space<hbm>> -> memref<8x128xf32, #tpu.memory_space<hbm>>
    tpu.wait_dma2 semaphore(%arg8 : memref<!tpu.dma_semaphore, #tpu.memory_space<semaphore_mem>>) src(%dma_wait3A_842 : memref<8x128xf32, #tpu.memory_space<hbm>>) dst(%dma_wait3A_841 : memref<8x128xf32, #tpu.memory_space<vmem>>)
    %dma_wait3A_843 = arith.constant 24 : i32
    %dma_wait3A_844 = arith.constant 0 : i32
    %dma_wait3A_845 = arith.constant 0 : i32
    %dma_wait3A_846 = tpu.memref_slice %arg6[%dma_wait3A_843, %dma_wait3A_844, %dma_wait3A_845] : memref<32x8x128xf32, #tpu.memory_space<vmem>> -> memref<1x8x128xf32, #tpu.memory_space<vmem>>
    %dma_wait3A_847 = tpu.memref_squeeze %dma_wait3A_846 : memref<1x8x128xf32, #tpu.memory_space<vmem>> -> memref<8x128xf32, #tpu.memory_space<vmem>>
    %dma_wait3A_848 = tpu.memref_slice %arg2[%add3A_442, %multiple_of3A_440] : memref<1024x100000xf32, #tpu.memory_space<hbm>> -> memref<8x128xf32, #tpu.memory_space<hbm>>
    %dma_wait3A_849 = arith.constant 0 : i32
    %dma_wait3A_850 = arith.constant 0 : i32
    %dma_wait3A_851 = tpu.memref_slice %arg6[%dma_wait3A_843, %dma_wait3A_849, %dma_wait3A_850] : memref<32x8x128xf32, #tpu.memory_space<vmem>> -> memref<1x8x128xf32, #tpu.memory_space<vmem>>
    %dma_wait3A_852 = tpu.memref_squeeze %dma_wait3A_851 : memref<1x8x128xf32, #tpu.memory_space<vmem>> -> memref<8x128xf32, #tpu.memory_space<vmem>>
    %dma_wait3A_853 = tpu.memref_slice %arg2[%add3A_442, %multiple_of3A_440] : memref<1024x100000xf32, #tpu.memory_space<hbm>> -> memref<8x128xf32, #tpu.memory_space<hbm>>
    tpu.wait_dma2 semaphore(%arg8 : memref<!tpu.dma_semaphore, #tpu.memory_space<semaphore_mem>>) src(%dma_wait3A_853 : memref<8x128xf32, #tpu.memory_space<hbm>>) dst(%dma_wait3A_852 : memref<8x128xf32, #tpu.memory_space<vmem>>)
    %dma_wait3A_854 = arith.constant 25 : i32
    %dma_wait3A_855 = arith.constant 0 : i32
    %dma_wait3A_856 = arith.constant 0 : i32
    %dma_wait3A_857 = tpu.memref_slice %arg6[%dma_wait3A_854, %dma_wait3A_855, %dma_wait3A_856] : memref<32x8x128xf32, #tpu.memory_space<vmem>> -> memref<1x8x128xf32, #tpu.memory_space<vmem>>
    %dma_wait3A_858 = tpu.memref_squeeze %dma_wait3A_857 : memref<1x8x128xf32, #tpu.memory_space<vmem>> -> memref<8x128xf32, #tpu.memory_space<vmem>>
    %dma_wait3A_859 = tpu.memref_slice %arg2[%add3A_460, %multiple_of3A_458] : memref<1024x100000xf32, #tpu.memory_space<hbm>> -> memref<8x128xf32, #tpu.memory_space<hbm>>
    %dma_wait3A_860 = arith.constant 0 : i32
    %dma_wait3A_861 = arith.constant 0 : i32
    %dma_wait3A_862 = tpu.memref_slice %arg6[%dma_wait3A_854, %dma_wait3A_860, %dma_wait3A_861] : memref<32x8x128xf32, #tpu.memory_space<vmem>> -> memref<1x8x128xf32, #tpu.memory_space<vmem>>
    %dma_wait3A_863 = tpu.memref_squeeze %dma_wait3A_862 : memref<1x8x128xf32, #tpu.memory_space<vmem>> -> memref<8x128xf32, #tpu.memory_space<vmem>>
    %dma_wait3A_864 = tpu.memref_slice %arg2[%add3A_460, %multiple_of3A_458] : memref<1024x100000xf32, #tpu.memory_space<hbm>> -> memref<8x128xf32, #tpu.memory_space<hbm>>
    tpu.wait_dma2 semaphore(%arg8 : memref<!tpu.dma_semaphore, #tpu.memory_space<semaphore_mem>>) src(%dma_wait3A_864 : memref<8x128xf32, #tpu.memory_space<hbm>>) dst(%dma_wait3A_863 : memref<8x128xf32, #tpu.memory_space<vmem>>)
    %dma_wait3A_865 = arith.constant 26 : i32
    %dma_wait3A_866 = arith.constant 0 : i32
    %dma_wait3A_867 = arith.constant 0 : i32
    %dma_wait3A_868 = tpu.memref_slice %arg6[%dma_wait3A_865, %dma_wait3A_866, %dma_wait3A_867] : memref<32x8x128xf32, #tpu.memory_space<vmem>> -> memref<1x8x128xf32, #tpu.memory_space<vmem>>
    %dma_wait3A_869 = tpu.memref_squeeze %dma_wait3A_868 : memref<1x8x128xf32, #tpu.memory_space<vmem>> -> memref<8x128xf32, #tpu.memory_space<vmem>>
    %dma_wait3A_870 = tpu.memref_slice %arg2[%add3A_478, %multiple_of3A_476] : memref<1024x100000xf32, #tpu.memory_space<hbm>> -> memref<8x128xf32, #tpu.memory_space<hbm>>
    %dma_wait3A_871 = arith.constant 0 : i32
    %dma_wait3A_872 = arith.constant 0 : i32
    %dma_wait3A_873 = tpu.memref_slice %arg6[%dma_wait3A_865, %dma_wait3A_871, %dma_wait3A_872] : memref<32x8x128xf32, #tpu.memory_space<vmem>> -> memref<1x8x128xf32, #tpu.memory_space<vmem>>
    %dma_wait3A_874 = tpu.memref_squeeze %dma_wait3A_873 : memref<1x8x128xf32, #tpu.memory_space<vmem>> -> memref<8x128xf32, #tpu.memory_space<vmem>>
    %dma_wait3A_875 = tpu.memref_slice %arg2[%add3A_478, %multiple_of3A_476] : memref<1024x100000xf32, #tpu.memory_space<hbm>> -> memref<8x128xf32, #tpu.memory_space<hbm>>
    tpu.wait_dma2 semaphore(%arg8 : memref<!tpu.dma_semaphore, #tpu.memory_space<semaphore_mem>>) src(%dma_wait3A_875 : memref<8x128xf32, #tpu.memory_space<hbm>>) dst(%dma_wait3A_874 : memref<8x128xf32, #tpu.memory_space<vmem>>)
    %dma_wait3A_876 = arith.constant 27 : i32
    %dma_wait3A_877 = arith.constant 0 : i32
    %dma_wait3A_878 = arith.constant 0 : i32
    %dma_wait3A_879 = tpu.memref_slice %arg6[%dma_wait3A_876, %dma_wait3A_877, %dma_wait3A_878] : memref<32x8x128xf32, #tpu.memory_space<vmem>> -> memref<1x8x128xf32, #tpu.memory_space<vmem>>
    %dma_wait3A_880 = tpu.memref_squeeze %dma_wait3A_879 : memref<1x8x128xf32, #tpu.memory_space<vmem>> -> memref<8x128xf32, #tpu.memory_space<vmem>>
    %dma_wait3A_881 = tpu.memref_slice %arg2[%add3A_496, %multiple_of3A_494] : memref<1024x100000xf32, #tpu.memory_space<hbm>> -> memref<8x128xf32, #tpu.memory_space<hbm>>
    %dma_wait3A_882 = arith.constant 0 : i32
    %dma_wait3A_883 = arith.constant 0 : i32
    %dma_wait3A_884 = tpu.memref_slice %arg6[%dma_wait3A_876, %dma_wait3A_882, %dma_wait3A_883] : memref<32x8x128xf32, #tpu.memory_space<vmem>> -> memref<1x8x128xf32, #tpu.memory_space<vmem>>
    %dma_wait3A_885 = tpu.memref_squeeze %dma_wait3A_884 : memref<1x8x128xf32, #tpu.memory_space<vmem>> -> memref<8x128xf32, #tpu.memory_space<vmem>>
    %dma_wait3A_886 = tpu.memref_slice %arg2[%add3A_496, %multiple_of3A_494] : memref<1024x100000xf32, #tpu.memory_space<hbm>> -> memref<8x128xf32, #tpu.memory_space<hbm>>
    tpu.wait_dma2 semaphore(%arg8 : memref<!tpu.dma_semaphore, #tpu.memory_space<semaphore_mem>>) src(%dma_wait3A_886 : memref<8x128xf32, #tpu.memory_space<hbm>>) dst(%dma_wait3A_885 : memref<8x128xf32, #tpu.memory_space<vmem>>)
    %dma_wait3A_887 = arith.constant 28 : i32
    %dma_wait3A_888 = arith.constant 0 : i32
    %dma_wait3A_889 = arith.constant 0 : i32
    %dma_wait3A_890 = tpu.memref_slice %arg6[%dma_wait3A_887, %dma_wait3A_888, %dma_wait3A_889] : memref<32x8x128xf32, #tpu.memory_space<vmem>> -> memref<1x8x128xf32, #tpu.memory_space<vmem>>
    %dma_wait3A_891 = tpu.memref_squeeze %dma_wait3A_890 : memref<1x8x128xf32, #tpu.memory_space<vmem>> -> memref<8x128xf32, #tpu.memory_space<vmem>>
    %dma_wait3A_892 = tpu.memref_slice %arg2[%add3A_514, %multiple_of3A_512] : memref<1024x100000xf32, #tpu.memory_space<hbm>> -> memref<8x128xf32, #tpu.memory_space<hbm>>
    %dma_wait3A_893 = arith.constant 0 : i32
    %dma_wait3A_894 = arith.constant 0 : i32
    %dma_wait3A_895 = tpu.memref_slice %arg6[%dma_wait3A_887, %dma_wait3A_893, %dma_wait3A_894] : memref<32x8x128xf32, #tpu.memory_space<vmem>> -> memref<1x8x128xf32, #tpu.memory_space<vmem>>
    %dma_wait3A_896 = tpu.memref_squeeze %dma_wait3A_895 : memref<1x8x128xf32, #tpu.memory_space<vmem>> -> memref<8x128xf32, #tpu.memory_space<vmem>>
    %dma_wait3A_897 = tpu.memref_slice %arg2[%add3A_514, %multiple_of3A_512] : memref<1024x100000xf32, #tpu.memory_space<hbm>> -> memref<8x128xf32, #tpu.memory_space<hbm>>
    tpu.wait_dma2 semaphore(%arg8 : memref<!tpu.dma_semaphore, #tpu.memory_space<semaphore_mem>>) src(%dma_wait3A_897 : memref<8x128xf32, #tpu.memory_space<hbm>>) dst(%dma_wait3A_896 : memref<8x128xf32, #tpu.memory_space<vmem>>)
    %dma_wait3A_898 = arith.constant 29 : i32
    %dma_wait3A_899 = arith.constant 0 : i32
    %dma_wait3A_900 = arith.constant 0 : i32
    %dma_wait3A_901 = tpu.memref_slice %arg6[%dma_wait3A_898, %dma_wait3A_899, %dma_wait3A_900] : memref<32x8x128xf32, #tpu.memory_space<vmem>> -> memref<1x8x128xf32, #tpu.memory_space<vmem>>
    %dma_wait3A_902 = tpu.memref_squeeze %dma_wait3A_901 : memref<1x8x128xf32, #tpu.memory_space<vmem>> -> memref<8x128xf32, #tpu.memory_space<vmem>>
    %dma_wait3A_903 = tpu.memref_slice %arg2[%add3A_532, %multiple_of3A_530] : memref<1024x100000xf32, #tpu.memory_space<hbm>> -> memref<8x128xf32, #tpu.memory_space<hbm>>
    %dma_wait3A_904 = arith.constant 0 : i32
    %dma_wait3A_905 = arith.constant 0 : i32
    %dma_wait3A_906 = tpu.memref_slice %arg6[%dma_wait3A_898, %dma_wait3A_904, %dma_wait3A_905] : memref<32x8x128xf32, #tpu.memory_space<vmem>> -> memref<1x8x128xf32, #tpu.memory_space<vmem>>
    %dma_wait3A_907 = tpu.memref_squeeze %dma_wait3A_906 : memref<1x8x128xf32, #tpu.memory_space<vmem>> -> memref<8x128xf32, #tpu.memory_space<vmem>>
    %dma_wait3A_908 = tpu.memref_slice %arg2[%add3A_532, %multiple_of3A_530] : memref<1024x100000xf32, #tpu.memory_space<hbm>> -> memref<8x128xf32, #tpu.memory_space<hbm>>
    tpu.wait_dma2 semaphore(%arg8 : memref<!tpu.dma_semaphore, #tpu.memory_space<semaphore_mem>>) src(%dma_wait3A_908 : memref<8x128xf32, #tpu.memory_space<hbm>>) dst(%dma_wait3A_907 : memref<8x128xf32, #tpu.memory_space<vmem>>)
    %dma_wait3A_909 = arith.constant 30 : i32
    %dma_wait3A_910 = arith.constant 0 : i32
    %dma_wait3A_911 = arith.constant 0 : i32
    %dma_wait3A_912 = tpu.memref_slice %arg6[%dma_wait3A_909, %dma_wait3A_910, %dma_wait3A_911] : memref<32x8x128xf32, #tpu.memory_space<vmem>> -> memref<1x8x128xf32, #tpu.memory_space<vmem>>
    %dma_wait3A_913 = tpu.memref_squeeze %dma_wait3A_912 : memref<1x8x128xf32, #tpu.memory_space<vmem>> -> memref<8x128xf32, #tpu.memory_space<vmem>>
    %dma_wait3A_914 = tpu.memref_slice %arg2[%add3A_550, %multiple_of3A_548] : memref<1024x100000xf32, #tpu.memory_space<hbm>> -> memref<8x128xf32, #tpu.memory_space<hbm>>
    %dma_wait3A_915 = arith.constant 0 : i32
    %dma_wait3A_916 = arith.constant 0 : i32
    %dma_wait3A_917 = tpu.memref_slice %arg6[%dma_wait3A_909, %dma_wait3A_915, %dma_wait3A_916] : memref<32x8x128xf32, #tpu.memory_space<vmem>> -> memref<1x8x128xf32, #tpu.memory_space<vmem>>
    %dma_wait3A_918 = tpu.memref_squeeze %dma_wait3A_917 : memref<1x8x128xf32, #tpu.memory_space<vmem>> -> memref<8x128xf32, #tpu.memory_space<vmem>>
    %dma_wait3A_919 = tpu.memref_slice %arg2[%add3A_550, %multiple_of3A_548] : memref<1024x100000xf32, #tpu.memory_space<hbm>> -> memref<8x128xf32, #tpu.memory_space<hbm>>
    tpu.wait_dma2 semaphore(%arg8 : memref<!tpu.dma_semaphore, #tpu.memory_space<semaphore_mem>>) src(%dma_wait3A_919 : memref<8x128xf32, #tpu.memory_space<hbm>>) dst(%dma_wait3A_918 : memref<8x128xf32, #tpu.memory_space<vmem>>)
    %dma_wait3A_920 = arith.constant 31 : i32
    %dma_wait3A_921 = arith.constant 0 : i32
    %dma_wait3A_922 = arith.constant 0 : i32
    %dma_wait3A_923 = tpu.memref_slice %arg6[%dma_wait3A_920, %dma_wait3A_921, %dma_wait3A_922] : memref<32x8x128xf32, #tpu.memory_space<vmem>> -> memref<1x8x128xf32, #tpu.memory_space<vmem>>
    %dma_wait3A_924 = tpu.memref_squeeze %dma_wait3A_923 : memref<1x8x128xf32, #tpu.memory_space<vmem>> -> memref<8x128xf32, #tpu.memory_space<vmem>>
    %dma_wait3A_925 = tpu.memref_slice %arg2[%add3A_568, %multiple_of3A_566] : memref<1024x100000xf32, #tpu.memory_space<hbm>> -> memref<8x128xf32, #tpu.memory_space<hbm>>
    %dma_wait3A_926 = arith.constant 0 : i32
    %dma_wait3A_927 = arith.constant 0 : i32
    %dma_wait3A_928 = tpu.memref_slice %arg6[%dma_wait3A_920, %dma_wait3A_926, %dma_wait3A_927] : memref<32x8x128xf32, #tpu.memory_space<vmem>> -> memref<1x8x128xf32, #tpu.memory_space<vmem>>
    %dma_wait3A_929 = tpu.memref_squeeze %dma_wait3A_928 : memref<1x8x128xf32, #tpu.memory_space<vmem>> -> memref<8x128xf32, #tpu.memory_space<vmem>>
    %dma_wait3A_930 = tpu.memref_slice %arg2[%add3A_568, %multiple_of3A_566] : memref<1024x100000xf32, #tpu.memory_space<hbm>> -> memref<8x128xf32, #tpu.memory_space<hbm>>
    tpu.wait_dma2 semaphore(%arg8 : memref<!tpu.dma_semaphore, #tpu.memory_space<semaphore_mem>>) src(%dma_wait3A_930 : memref<8x128xf32, #tpu.memory_space<hbm>>) dst(%dma_wait3A_929 : memref<8x128xf32, #tpu.memory_space<vmem>>)
    %broadcast_in_dim3A = arith.constant 0.000000e+00 : f32
    %broadcast_in_dim3A_931 = vector.broadcast %broadcast_in_dim3A : f32 to vector<16xf32>
    %and3A_932 = arith.constant 127 : i32
    %and3A_933 = arith.andi %squeeze3A, %and3A_932 : i32
    %broadcast_in_dim3A_934 = arith.constant 0.000000e+00 : f32
    %broadcast_in_dim3A_935 = vector.broadcast %broadcast_in_dim3A_934 : f32 to vector<16xf32>
    %get3A_936 = arith.constant 0 : i32
    %get3A_937 = arith.constant 0 : i32
    %get3A_938 = arith.index_cast %get3A_936 : i32 to index
    %get3A_939 = arith.index_cast %get3A_937 : i32 to index
    %get3A_940 = arith.constant 0 : index
    %get3A_941 = tpu.vector_load %arg6[%get3A_938, %get3A_939, %get3A_940] {strides = array<i32>} : memref<32x8x128xf32, #tpu.memory_space<vmem>>, vector<1x1x16xf32>,
    %get3A_942 = vector.shape_cast %get3A_941 : vector<1x1x16xf32> to vector<16xf32>
    %add3A_943 = arith.constant 0 : i32
    %add3A_944 = vector.broadcast %add3A_943 : i32 to vector<16xi32>
    %add3A_945 = arith.addi %add3A_944, %iota3A : vector<16xi32>
    %eq3A = vector.broadcast %and3A_933 : i32 to vector<16xi32>
    %eq3A_946 = arith.cmpi eq, %add3A_945, %eq3A : vector<16xi32>
    %select_n3A = arith.select %eq3A_946, %get3A_942, %broadcast_in_dim3A_935 : vector<16xi1>, vector<16xf32>
    %get3A_947 = arith.constant 0 : i32
    %get3A_948 = arith.constant 0 : i32
    %get3A_949 = arith.index_cast %get3A_947 : i32 to index
    %get3A_950 = arith.index_cast %get3A_948 : i32 to index
    %get3A_951 = arith.constant 16 : index
    %get3A_952 = tpu.vector_load %arg6[%get3A_949, %get3A_950, %get3A_951] {strides = array<i32>} : memref<32x8x128xf32, #tpu.memory_space<vmem>>, vector<1x1x16xf32>,
    %get3A_953 = vector.shape_cast %get3A_952 : vector<1x1x16xf32> to vector<16xf32>
    %add3A_954 = arith.constant 16 : i32
    %add3A_955 = vector.broadcast %add3A_954 : i32 to vector<16xi32>
    %add3A_956 = arith.addi %add3A_955, %iota3A : vector<16xi32>
    %eq3A_957 = vector.broadcast %and3A_933 : i32 to vector<16xi32>
    %eq3A_958 = arith.cmpi eq, %add3A_956, %eq3A_957 : vector<16xi32>
    %select_n3A_959 = arith.select %eq3A_958, %get3A_953, %select_n3A : vector<16xi1>, vector<16xf32>
    %get3A_960 = arith.constant 0 : i32
    %get3A_961 = arith.constant 0 : i32
    %get3A_962 = arith.index_cast %get3A_960 : i32 to index
    %get3A_963 = arith.index_cast %get3A_961 : i32 to index
    %get3A_964 = arith.constant 32 : index
    %get3A_965 = tpu.vector_load %arg6[%get3A_962, %get3A_963, %get3A_964] {strides = array<i32>} : memref<32x8x128xf32, #tpu.memory_space<vmem>>, vector<1x1x16xf32>,
    %get3A_966 = vector.shape_cast %get3A_965 : vector<1x1x16xf32> to vector<16xf32>
    %add3A_967 = arith.constant 32 : i32
    %add3A_968 = vector.broadcast %add3A_967 : i32 to vector<16xi32>
    %add3A_969 = arith.addi %add3A_968, %iota3A : vector<16xi32>
    %eq3A_970 = vector.broadcast %and3A_933 : i32 to vector<16xi32>
    %eq3A_971 = arith.cmpi eq, %add3A_969, %eq3A_970 : vector<16xi32>
    %select_n3A_972 = arith.select %eq3A_971, %get3A_966, %select_n3A_959 : vector<16xi1>, vector<16xf32>
    %get3A_973 = arith.constant 0 : i32
    %get3A_974 = arith.constant 0 : i32
    %get3A_975 = arith.index_cast %get3A_973 : i32 to index
    %get3A_976 = arith.index_cast %get3A_974 : i32 to index
    %get3A_977 = arith.constant 48 : index
    %get3A_978 = tpu.vector_load %arg6[%get3A_975, %get3A_976, %get3A_977] {strides = array<i32>} : memref<32x8x128xf32, #tpu.memory_space<vmem>>, vector<1x1x16xf32>,
    %get3A_979 = vector.shape_cast %get3A_978 : vector<1x1x16xf32> to vector<16xf32>
    %add3A_980 = arith.constant 48 : i32
    %add3A_981 = vector.broadcast %add3A_980 : i32 to vector<16xi32>
    %add3A_982 = arith.addi %add3A_981, %iota3A : vector<16xi32>
    %eq3A_983 = vector.broadcast %and3A_933 : i32 to vector<16xi32>
    %eq3A_984 = arith.cmpi eq, %add3A_982, %eq3A_983 : vector<16xi32>
    %select_n3A_985 = arith.select %eq3A_984, %get3A_979, %select_n3A_972 : vector<16xi1>, vector<16xf32>
    %get3A_986 = arith.constant 0 : i32
    %get3A_987 = arith.constant 0 : i32
    %get3A_988 = arith.index_cast %get3A_986 : i32 to index
    %get3A_989 = arith.index_cast %get3A_987 : i32 to index
    %get3A_990 = arith.constant 64 : index
    %get3A_991 = tpu.vector_load %arg6[%get3A_988, %get3A_989, %get3A_990] {strides = array<i32>} : memref<32x8x128xf32, #tpu.memory_space<vmem>>, vector<1x1x16xf32>,
    %get3A_992 = vector.shape_cast %get3A_991 : vector<1x1x16xf32> to vector<16xf32>
    %add3A_993 = arith.constant 64 : i32
    %add3A_994 = vector.broadcast %add3A_993 : i32 to vector<16xi32>
    %add3A_995 = arith.addi %add3A_994, %iota3A : vector<16xi32>
    %eq3A_996 = vector.broadcast %and3A_933 : i32 to vector<16xi32>
    %eq3A_997 = arith.cmpi eq, %add3A_995, %eq3A_996 : vector<16xi32>
    %select_n3A_998 = arith.select %eq3A_997, %get3A_992, %select_n3A_985 : vector<16xi1>, vector<16xf32>
    %get3A_999 = arith.constant 0 : i32
    %get3A_1000 = arith.constant 0 : i32
    %get3A_1001 = arith.index_cast %get3A_999 : i32 to index
    %get3A_1002 = arith.index_cast %get3A_1000 : i32 to index
    %get3A_1003 = arith.constant 80 : index
    %get3A_1004 = tpu.vector_load %arg6[%get3A_1001, %get3A_1002, %get3A_1003] {strides = array<i32>} : memref<32x8x128xf32, #tpu.memory_space<vmem>>, vector<1x1x16xf32>,
    %get3A_1005 = vector.shape_cast %get3A_1004 : vector<1x1x16xf32> to vector<16xf32>
    %add3A_1006 = arith.constant 80 : i32
    %add3A_1007 = vector.broadcast %add3A_1006 : i32 to vector<16xi32>
    %add3A_1008 = arith.addi %add3A_1007, %iota3A : vector<16xi32>
    %eq3A_1009 = vector.broadcast %and3A_933 : i32 to vector<16xi32>
    %eq3A_1010 = arith.cmpi eq, %add3A_1008, %eq3A_1009 : vector<16xi32>
    %select_n3A_1011 = arith.select %eq3A_1010, %get3A_1005, %select_n3A_998 : vector<16xi1>, vector<16xf32>
    %get3A_1012 = arith.constant 0 : i32
    %get3A_1013 = arith.constant 0 : i32
    %get3A_1014 = arith.index_cast %get3A_1012 : i32 to index
    %get3A_1015 = arith.index_cast %get3A_1013 : i32 to index
    %get3A_1016 = arith.constant 96 : index
    %get3A_1017 = tpu.vector_load %arg6[%get3A_1014, %get3A_1015, %get3A_1016] {strides = array<i32>} : memref<32x8x128xf32, #tpu.memory_space<vmem>>, vector<1x1x16xf32>,
    %get3A_1018 = vector.shape_cast %get3A_1017 : vector<1x1x16xf32> to vector<16xf32>
    %add3A_1019 = arith.constant 96 : i32
    %add3A_1020 = vector.broadcast %add3A_1019 : i32 to vector<16xi32>
    %add3A_1021 = arith.addi %add3A_1020, %iota3A : vector<16xi32>
    %eq3A_1022 = vector.broadcast %and3A_933 : i32 to vector<16xi32>
    %eq3A_1023 = arith.cmpi eq, %add3A_1021, %eq3A_1022 : vector<16xi32>
    %select_n3A_1024 = arith.select %eq3A_1023, %get3A_1018, %select_n3A_1011 : vector<16xi1>, vector<16xf32>
    %get3A_1025 = arith.constant 0 : i32
    %get3A_1026 = arith.constant 0 : i32
    %get3A_1027 = arith.index_cast %get3A_1025 : i32 to index
    %get3A_1028 = arith.index_cast %get3A_1026 : i32 to index
    %get3A_1029 = arith.constant 112 : index
    %get3A_1030 = tpu.vector_load %arg6[%get3A_1027, %get3A_1028, %get3A_1029] {strides = array<i32>} : memref<32x8x128xf32, #tpu.memory_space<vmem>>, vector<1x1x16xf32>,
    %get3A_1031 = vector.shape_cast %get3A_1030 : vector<1x1x16xf32> to vector<16xf32>
    %add3A_1032 = arith.constant 112 : i32
    %add3A_1033 = vector.broadcast %add3A_1032 : i32 to vector<16xi32>
    %add3A_1034 = arith.addi %add3A_1033, %iota3A : vector<16xi32>
    %eq3A_1035 = vector.broadcast %and3A_933 : i32 to vector<16xi32>
    %eq3A_1036 = arith.cmpi eq, %add3A_1034, %eq3A_1035 : vector<16xi32>
    %select_n3A_1037 = arith.select %eq3A_1036, %get3A_1031, %select_n3A_1024 : vector<16xi1>, vector<16xf32>
    %and3A_1038 = arith.constant 15 : i32
    %and3A_1039 = arith.andi %and3A_933, %and3A_1038 : i32
    %broadcast_in_dim3A_1040 = vector.broadcast %and3A_1039 : i32 to vector<16xi32>
    %broadcast_in_dim3A_1041 = vector.shape_cast %broadcast_in_dim3A_1040 : vector<16xi32> to vector<16x1xi32>
    %gather3A = vector.shape_cast %broadcast_in_dim3A_1041 : vector<16x1xi32> to vector<16xi32>
    %gather3A_1042 = tpu.dynamic_gather %select_n3A_1037[%gather3A] in [0] : vector<16xf32>, vector<16xi32> -> vector<16xf32>
    %eq3A_1043 = arith.constant 0 : i32
    %eq3A_1044 = vector.broadcast %eq3A_1043 : i32 to vector<16xi32>
    %eq3A_1045 = arith.cmpi eq, %iota3A, %eq3A_1044 : vector<16xi32>
    %select_n3A_1046 = arith.select %eq3A_1045, %gather3A_1042, %broadcast_in_dim3A_931 : vector<16xi1>, vector<16xf32>
    %and3A_1047 = arith.constant 127 : i32
    %and3A_1048 = arith.andi %squeeze3A_20, %and3A_1047 : i32
    %broadcast_in_dim3A_1049 = arith.constant 0.000000e+00 : f32
    %broadcast_in_dim3A_1050 = vector.broadcast %broadcast_in_dim3A_1049 : f32 to vector<16xf32>
    %get3A_1051 = arith.constant 1 : i32
    %get3A_1052 = arith.constant 1 : i32
    %get3A_1053 = arith.index_cast %get3A_1051 : i32 to index
    %get3A_1054 = arith.index_cast %get3A_1052 : i32 to index
    %get3A_1055 = arith.constant 0 : index
    %get3A_1056 = tpu.vector_load %arg6[%get3A_1053, %get3A_1054, %get3A_1055] {strides = array<i32>} : memref<32x8x128xf32, #tpu.memory_space<vmem>>, vector<1x1x16xf32>,
    %get3A_1057 = vector.shape_cast %get3A_1056 : vector<1x1x16xf32> to vector<16xf32>
    %add3A_1058 = arith.constant 0 : i32
    %add3A_1059 = vector.broadcast %add3A_1058 : i32 to vector<16xi32>
    %add3A_1060 = arith.addi %add3A_1059, %iota3A : vector<16xi32>
    %eq3A_1061 = vector.broadcast %and3A_1048 : i32 to vector<16xi32>
    %eq3A_1062 = arith.cmpi eq, %add3A_1060, %eq3A_1061 : vector<16xi32>
    %select_n3A_1063 = arith.select %eq3A_1062, %get3A_1057, %broadcast_in_dim3A_1050 : vector<16xi1>, vector<16xf32>
    %get3A_1064 = arith.constant 1 : i32
    %get3A_1065 = arith.constant 1 : i32
    %get3A_1066 = arith.index_cast %get3A_1064 : i32 to index
    %get3A_1067 = arith.index_cast %get3A_1065 : i32 to index
    %get3A_1068 = arith.constant 16 : index
    %get3A_1069 = tpu.vector_load %arg6[%get3A_1066, %get3A_1067, %get3A_1068] {strides = array<i32>} : memref<32x8x128xf32, #tpu.memory_space<vmem>>, vector<1x1x16xf32>,
    %get3A_1070 = vector.shape_cast %get3A_1069 : vector<1x1x16xf32> to vector<16xf32>
    %add3A_1071 = arith.constant 16 : i32
    %add3A_1072 = vector.broadcast %add3A_1071 : i32 to vector<16xi32>
    %add3A_1073 = arith.addi %add3A_1072, %iota3A : vector<16xi32>
    %eq3A_1074 = vector.broadcast %and3A_1048 : i32 to vector<16xi32>
    %eq3A_1075 = arith.cmpi eq, %add3A_1073, %eq3A_1074 : vector<16xi32>
    %select_n3A_1076 = arith.select %eq3A_1075, %get3A_1070, %select_n3A_1063 : vector<16xi1>, vector<16xf32>
    %get3A_1077 = arith.constant 1 : i32
    %get3A_1078 = arith.constant 1 : i32
    %get3A_1079 = arith.index_cast %get3A_1077 : i32 to index
    %get3A_1080 = arith.index_cast %get3A_1078 : i32 to index
    %get3A_1081 = arith.constant 32 : index
    %get3A_1082 = tpu.vector_load %arg6[%get3A_1079, %get3A_1080, %get3A_1081] {strides = array<i32>} : memref<32x8x128xf32, #tpu.memory_space<vmem>>, vector<1x1x16xf32>,
    %get3A_1083 = vector.shape_cast %get3A_1082 : vector<1x1x16xf32> to vector<16xf32>
    %add3A_1084 = arith.constant 32 : i32
    %add3A_1085 = vector.broadcast %add3A_1084 : i32 to vector<16xi32>
    %add3A_1086 = arith.addi %add3A_1085, %iota3A : vector<16xi32>
    %eq3A_1087 = vector.broadcast %and3A_1048 : i32 to vector<16xi32>
    %eq3A_1088 = arith.cmpi eq, %add3A_1086, %eq3A_1087 : vector<16xi32>
    %select_n3A_1089 = arith.select %eq3A_1088, %get3A_1083, %select_n3A_1076 : vector<16xi1>, vector<16xf32>
    %get3A_1090 = arith.constant 1 : i32
    %get3A_1091 = arith.constant 1 : i32
    %get3A_1092 = arith.index_cast %get3A_1090 : i32 to index
    %get3A_1093 = arith.index_cast %get3A_1091 : i32 to index
    %get3A_1094 = arith.constant 48 : index
    %get3A_1095 = tpu.vector_load %arg6[%get3A_1092, %get3A_1093, %get3A_1094] {strides = array<i32>} : memref<32x8x128xf32, #tpu.memory_space<vmem>>, vector<1x1x16xf32>,
    %get3A_1096 = vector.shape_cast %get3A_1095 : vector<1x1x16xf32> to vector<16xf32>
    %add3A_1097 = arith.constant 48 : i32
    %add3A_1098 = vector.broadcast %add3A_1097 : i32 to vector<16xi32>
    %add3A_1099 = arith.addi %add3A_1098, %iota3A : vector<16xi32>
    %eq3A_1100 = vector.broadcast %and3A_1048 : i32 to vector<16xi32>
    %eq3A_1101 = arith.cmpi eq, %add3A_1099, %eq3A_1100 : vector<16xi32>
    %select_n3A_1102 = arith.select %eq3A_1101, %get3A_1096, %select_n3A_1089 : vector<16xi1>, vector<16xf32>
    %get3A_1103 = arith.constant 1 : i32
    %get3A_1104 = arith.constant 1 : i32
    %get3A_1105 = arith.index_cast %get3A_1103 : i32 to index
    %get3A_1106 = arith.index_cast %get3A_1104 : i32 to index
    %get3A_1107 = arith.constant 64 : index
    %get3A_1108 = tpu.vector_load %arg6[%get3A_1105, %get3A_1106, %get3A_1107] {strides = array<i32>} : memref<32x8x128xf32, #tpu.memory_space<vmem>>, vector<1x1x16xf32>,
    %get3A_1109 = vector.shape_cast %get3A_1108 : vector<1x1x16xf32> to vector<16xf32>
    %add3A_1110 = arith.constant 64 : i32
    %add3A_1111 = vector.broadcast %add3A_1110 : i32 to vector<16xi32>
    %add3A_1112 = arith.addi %add3A_1111, %iota3A : vector<16xi32>
    %eq3A_1113 = vector.broadcast %and3A_1048 : i32 to vector<16xi32>
    %eq3A_1114 = arith.cmpi eq, %add3A_1112, %eq3A_1113 : vector<16xi32>
    %select_n3A_1115 = arith.select %eq3A_1114, %get3A_1109, %select_n3A_1102 : vector<16xi1>, vector<16xf32>
    %get3A_1116 = arith.constant 1 : i32
    %get3A_1117 = arith.constant 1 : i32
    %get3A_1118 = arith.index_cast %get3A_1116 : i32 to index
    %get3A_1119 = arith.index_cast %get3A_1117 : i32 to index
    %get3A_1120 = arith.constant 80 : index
    %get3A_1121 = tpu.vector_load %arg6[%get3A_1118, %get3A_1119, %get3A_1120] {strides = array<i32>} : memref<32x8x128xf32, #tpu.memory_space<vmem>>, vector<1x1x16xf32>,
    %get3A_1122 = vector.shape_cast %get3A_1121 : vector<1x1x16xf32> to vector<16xf32>
    %add3A_1123 = arith.constant 80 : i32
    %add3A_1124 = vector.broadcast %add3A_1123 : i32 to vector<16xi32>
    %add3A_1125 = arith.addi %add3A_1124, %iota3A : vector<16xi32>
    %eq3A_1126 = vector.broadcast %and3A_1048 : i32 to vector<16xi32>
    %eq3A_1127 = arith.cmpi eq, %add3A_1125, %eq3A_1126 : vector<16xi32>
    %select_n3A_1128 = arith.select %eq3A_1127, %get3A_1122, %select_n3A_1115 : vector<16xi1>, vector<16xf32>
    %get3A_1129 = arith.constant 1 : i32
    %get3A_1130 = arith.constant 1 : i32
    %get3A_1131 = arith.index_cast %get3A_1129 : i32 to index
    %get3A_1132 = arith.index_cast %get3A_1130 : i32 to index
    %get3A_1133 = arith.constant 96 : index
    %get3A_1134 = tpu.vector_load %arg6[%get3A_1131, %get3A_1132, %get3A_1133] {strides = array<i32>} : memref<32x8x128xf32, #tpu.memory_space<vmem>>, vector<1x1x16xf32>,
    %get3A_1135 = vector.shape_cast %get3A_1134 : vector<1x1x16xf32> to vector<16xf32>
    %add3A_1136 = arith.constant 96 : i32
    %add3A_1137 = vector.broadcast %add3A_1136 : i32 to vector<16xi32>
    %add3A_1138 = arith.addi %add3A_1137, %iota3A : vector<16xi32>
    %eq3A_1139 = vector.broadcast %and3A_1048 : i32 to vector<16xi32>
    %eq3A_1140 = arith.cmpi eq, %add3A_1138, %eq3A_1139 : vector<16xi32>
    %select_n3A_1141 = arith.select %eq3A_1140, %get3A_1135, %select_n3A_1128 : vector<16xi1>, vector<16xf32>
    %get3A_1142 = arith.constant 1 : i32
    %get3A_1143 = arith.constant 1 : i32
    %get3A_1144 = arith.index_cast %get3A_1142 : i32 to index
    %get3A_1145 = arith.index_cast %get3A_1143 : i32 to index
    %get3A_1146 = arith.constant 112 : index
    %get3A_1147 = tpu.vector_load %arg6[%get3A_1144, %get3A_1145, %get3A_1146] {strides = array<i32>} : memref<32x8x128xf32, #tpu.memory_space<vmem>>, vector<1x1x16xf32>,
    %get3A_1148 = vector.shape_cast %get3A_1147 : vector<1x1x16xf32> to vector<16xf32>
    %add3A_1149 = arith.constant 112 : i32
    %add3A_1150 = vector.broadcast %add3A_1149 : i32 to vector<16xi32>
    %add3A_1151 = arith.addi %add3A_1150, %iota3A : vector<16xi32>
    %eq3A_1152 = vector.broadcast %and3A_1048 : i32 to vector<16xi32>
    %eq3A_1153 = arith.cmpi eq, %add3A_1151, %eq3A_1152 : vector<16xi32>
    %select_n3A_1154 = arith.select %eq3A_1153, %get3A_1148, %select_n3A_1141 : vector<16xi1>, vector<16xf32>
    %and3A_1155 = arith.constant 15 : i32
    %and3A_1156 = arith.andi %and3A_1048, %and3A_1155 : i32
    %broadcast_in_dim3A_1157 = vector.broadcast %and3A_1156 : i32 to vector<16xi32>
    %broadcast_in_dim3A_1158 = vector.shape_cast %broadcast_in_dim3A_1157 : vector<16xi32> to vector<16x1xi32>
    %gather3A_1159 = vector.shape_cast %broadcast_in_dim3A_1158 : vector<16x1xi32> to vector<16xi32>
    %gather3A_1160 = tpu.dynamic_gather %select_n3A_1154[%gather3A_1159] in [0] : vector<16xf32>, vector<16xi32> -> vector<16xf32>
    %eq3A_1161 = arith.constant 1 : i32
    %eq3A_1162 = vector.broadcast %eq3A_1161 : i32 to vector<16xi32>
    %eq3A_1163 = arith.cmpi eq, %iota3A, %eq3A_1162 : vector<16xi32>
    %select_n3A_1164 = arith.select %eq3A_1163, %gather3A_1160, %select_n3A_1046 : vector<16xi1>, vector<16xf32>
    %and3A_1165 = arith.constant 127 : i32
    %and3A_1166 = arith.andi %squeeze3A_38, %and3A_1165 : i32
    %broadcast_in_dim3A_1167 = arith.constant 0.000000e+00 : f32
    %broadcast_in_dim3A_1168 = vector.broadcast %broadcast_in_dim3A_1167 : f32 to vector<16xf32>
    %get3A_1169 = arith.constant 2 : i32
    %get3A_1170 = arith.constant 2 : i32
    %get3A_1171 = arith.index_cast %get3A_1169 : i32 to index
    %get3A_1172 = arith.index_cast %get3A_1170 : i32 to index
    %get3A_1173 = arith.constant 0 : index
    %get3A_1174 = tpu.vector_load %arg6[%get3A_1171, %get3A_1172, %get3A_1173] {strides = array<i32>} : memref<32x8x128xf32, #tpu.memory_space<vmem>>, vector<1x1x16xf32>,
    %get3A_1175 = vector.shape_cast %get3A_1174 : vector<1x1x16xf32> to vector<16xf32>
    %add3A_1176 = arith.constant 0 : i32
    %add3A_1177 = vector.broadcast %add3A_1176 : i32 to vector<16xi32>
    %add3A_1178 = arith.addi %add3A_1177, %iota3A : vector<16xi32>
    %eq3A_1179 = vector.broadcast %and3A_1166 : i32 to vector<16xi32>
    %eq3A_1180 = arith.cmpi eq, %add3A_1178, %eq3A_1179 : vector<16xi32>
    %select_n3A_1181 = arith.select %eq3A_1180, %get3A_1175, %broadcast_in_dim3A_1168 : vector<16xi1>, vector<16xf32>
    %get3A_1182 = arith.constant 2 : i32
    %get3A_1183 = arith.constant 2 : i32
    %get3A_1184 = arith.index_cast %get3A_1182 : i32 to index
    %get3A_1185 = arith.index_cast %get3A_1183 : i32 to index
    %get3A_1186 = arith.constant 16 : index
    %get3A_1187 = tpu.vector_load %arg6[%get3A_1184, %get3A_1185, %get3A_1186] {strides = array<i32>} : memref<32x8x128xf32, #tpu.memory_space<vmem>>, vector<1x1x16xf32>,
    %get3A_1188 = vector.shape_cast %get3A_1187 : vector<1x1x16xf32> to vector<16xf32>
    %add3A_1189 = arith.constant 16 : i32
    %add3A_1190 = vector.broadcast %add3A_1189 : i32 to vector<16xi32>
    %add3A_1191 = arith.addi %add3A_1190, %iota3A : vector<16xi32>
    %eq3A_1192 = vector.broadcast %and3A_1166 : i32 to vector<16xi32>
    %eq3A_1193 = arith.cmpi eq, %add3A_1191, %eq3A_1192 : vector<16xi32>
    %select_n3A_1194 = arith.select %eq3A_1193, %get3A_1188, %select_n3A_1181 : vector<16xi1>, vector<16xf32>
    %get3A_1195 = arith.constant 2 : i32
    %get3A_1196 = arith.constant 2 : i32
    %get3A_1197 = arith.index_cast %get3A_1195 : i32 to index
    %get3A_1198 = arith.index_cast %get3A_1196 : i32 to index
    %get3A_1199 = arith.constant 32 : index
    %get3A_1200 = tpu.vector_load %arg6[%get3A_1197, %get3A_1198, %get3A_1199] {strides = array<i32>} : memref<32x8x128xf32, #tpu.memory_space<vmem>>, vector<1x1x16xf32>,
    %get3A_1201 = vector.shape_cast %get3A_1200 : vector<1x1x16xf32> to vector<16xf32>
    %add3A_1202 = arith.constant 32 : i32
    %add3A_1203 = vector.broadcast %add3A_1202 : i32 to vector<16xi32>
    %add3A_1204 = arith.addi %add3A_1203, %iota3A : vector<16xi32>
    %eq3A_1205 = vector.broadcast %and3A_1166 : i32 to vector<16xi32>
    %eq3A_1206 = arith.cmpi eq, %add3A_1204, %eq3A_1205 : vector<16xi32>
    %select_n3A_1207 = arith.select %eq3A_1206, %get3A_1201, %select_n3A_1194 : vector<16xi1>, vector<16xf32>
    %get3A_1208 = arith.constant 2 : i32
    %get3A_1209 = arith.constant 2 : i32
    %get3A_1210 = arith.index_cast %get3A_1208 : i32 to index
    %get3A_1211 = arith.index_cast %get3A_1209 : i32 to index
    %get3A_1212 = arith.constant 48 : index
    %get3A_1213 = tpu.vector_load %arg6[%get3A_1210, %get3A_1211, %get3A_1212] {strides = array<i32>} : memref<32x8x128xf32, #tpu.memory_space<vmem>>, vector<1x1x16xf32>,
    %get3A_1214 = vector.shape_cast %get3A_1213 : vector<1x1x16xf32> to vector<16xf32>
    %add3A_1215 = arith.constant 48 : i32
    %add3A_1216 = vector.broadcast %add3A_1215 : i32 to vector<16xi32>
    %add3A_1217 = arith.addi %add3A_1216, %iota3A : vector<16xi32>
    %eq3A_1218 = vector.broadcast %and3A_1166 : i32 to vector<16xi32>
    %eq3A_1219 = arith.cmpi eq, %add3A_1217, %eq3A_1218 : vector<16xi32>
    %select_n3A_1220 = arith.select %eq3A_1219, %get3A_1214, %select_n3A_1207 : vector<16xi1>, vector<16xf32>
    %get3A_1221 = arith.constant 2 : i32
    %get3A_1222 = arith.constant 2 : i32
    %get3A_1223 = arith.index_cast %get3A_1221 : i32 to index
    %get3A_1224 = arith.index_cast %get3A_1222 : i32 to index
    %get3A_1225 = arith.constant 64 : index
    %get3A_1226 = tpu.vector_load %arg6[%get3A_1223, %get3A_1224, %get3A_1225] {strides = array<i32>} : memref<32x8x128xf32, #tpu.memory_space<vmem>>, vector<1x1x16xf32>,
    %get3A_1227 = vector.shape_cast %get3A_1226 : vector<1x1x16xf32> to vector<16xf32>
    %add3A_1228 = arith.constant 64 : i32
    %add3A_1229 = vector.broadcast %add3A_1228 : i32 to vector<16xi32>
    %add3A_1230 = arith.addi %add3A_1229, %iota3A : vector<16xi32>
    %eq3A_1231 = vector.broadcast %and3A_1166 : i32 to vector<16xi32>
    %eq3A_1232 = arith.cmpi eq, %add3A_1230, %eq3A_1231 : vector<16xi32>
    %select_n3A_1233 = arith.select %eq3A_1232, %get3A_1227, %select_n3A_1220 : vector<16xi1>, vector<16xf32>
    %get3A_1234 = arith.constant 2 : i32
    %get3A_1235 = arith.constant 2 : i32
    %get3A_1236 = arith.index_cast %get3A_1234 : i32 to index
    %get3A_1237 = arith.index_cast %get3A_1235 : i32 to index
    %get3A_1238 = arith.constant 80 : index
    %get3A_1239 = tpu.vector_load %arg6[%get3A_1236, %get3A_1237, %get3A_1238] {strides = array<i32>} : memref<32x8x128xf32, #tpu.memory_space<vmem>>, vector<1x1x16xf32>,
    %get3A_1240 = vector.shape_cast %get3A_1239 : vector<1x1x16xf32> to vector<16xf32>
    %add3A_1241 = arith.constant 80 : i32
    %add3A_1242 = vector.broadcast %add3A_1241 : i32 to vector<16xi32>
    %add3A_1243 = arith.addi %add3A_1242, %iota3A : vector<16xi32>
    %eq3A_1244 = vector.broadcast %and3A_1166 : i32 to vector<16xi32>
    %eq3A_1245 = arith.cmpi eq, %add3A_1243, %eq3A_1244 : vector<16xi32>
    %select_n3A_1246 = arith.select %eq3A_1245, %get3A_1240, %select_n3A_1233 : vector<16xi1>, vector<16xf32>
    %get3A_1247 = arith.constant 2 : i32
    %get3A_1248 = arith.constant 2 : i32
    %get3A_1249 = arith.index_cast %get3A_1247 : i32 to index
    %get3A_1250 = arith.index_cast %get3A_1248 : i32 to index
    %get3A_1251 = arith.constant 96 : index
    %get3A_1252 = tpu.vector_load %arg6[%get3A_1249, %get3A_1250, %get3A_1251] {strides = array<i32>} : memref<32x8x128xf32, #tpu.memory_space<vmem>>, vector<1x1x16xf32>,
    %get3A_1253 = vector.shape_cast %get3A_1252 : vector<1x1x16xf32> to vector<16xf32>
    %add3A_1254 = arith.constant 96 : i32
    %add3A_1255 = vector.broadcast %add3A_1254 : i32 to vector<16xi32>
    %add3A_1256 = arith.addi %add3A_1255, %iota3A : vector<16xi32>
    %eq3A_1257 = vector.broadcast %and3A_1166 : i32 to vector<16xi32>
    %eq3A_1258 = arith.cmpi eq, %add3A_1256, %eq3A_1257 : vector<16xi32>
    %select_n3A_1259 = arith.select %eq3A_1258, %get3A_1253, %select_n3A_1246 : vector<16xi1>, vector<16xf32>
    %get3A_1260 = arith.constant 2 : i32
    %get3A_1261 = arith.constant 2 : i32
    %get3A_1262 = arith.index_cast %get3A_1260 : i32 to index
    %get3A_1263 = arith.index_cast %get3A_1261 : i32 to index
    %get3A_1264 = arith.constant 112 : index
    %get3A_1265 = tpu.vector_load %arg6[%get3A_1262, %get3A_1263, %get3A_1264] {strides = array<i32>} : memref<32x8x128xf32, #tpu.memory_space<vmem>>, vector<1x1x16xf32>,
    %get3A_1266 = vector.shape_cast %get3A_1265 : vector<1x1x16xf32> to vector<16xf32>
    %add3A_1267 = arith.constant 112 : i32
    %add3A_1268 = vector.broadcast %add3A_1267 : i32 to vector<16xi32>
    %add3A_1269 = arith.addi %add3A_1268, %iota3A : vector<16xi32>
    %eq3A_1270 = vector.broadcast %and3A_1166 : i32 to vector<16xi32>
    %eq3A_1271 = arith.cmpi eq, %add3A_1269, %eq3A_1270 : vector<16xi32>
    %select_n3A_1272 = arith.select %eq3A_1271, %get3A_1266, %select_n3A_1259 : vector<16xi1>, vector<16xf32>
    %and3A_1273 = arith.constant 15 : i32
    %and3A_1274 = arith.andi %and3A_1166, %and3A_1273 : i32
    %broadcast_in_dim3A_1275 = vector.broadcast %and3A_1274 : i32 to vector<16xi32>
    %broadcast_in_dim3A_1276 = vector.shape_cast %broadcast_in_dim3A_1275 : vector<16xi32> to vector<16x1xi32>
    %gather3A_1277 = vector.shape_cast %broadcast_in_dim3A_1276 : vector<16x1xi32> to vector<16xi32>
    %gather3A_1278 = tpu.dynamic_gather %select_n3A_1272[%gather3A_1277] in [0] : vector<16xf32>, vector<16xi32> -> vector<16xf32>
    %eq3A_1279 = arith.constant 2 : i32
    %eq3A_1280 = vector.broadcast %eq3A_1279 : i32 to vector<16xi32>
    %eq3A_1281 = arith.cmpi eq, %iota3A, %eq3A_1280 : vector<16xi32>
    %select_n3A_1282 = arith.select %eq3A_1281, %gather3A_1278, %select_n3A_1164 : vector<16xi1>, vector<16xf32>
    %and3A_1283 = arith.constant 127 : i32
    %and3A_1284 = arith.andi %squeeze3A_56, %and3A_1283 : i32
    %broadcast_in_dim3A_1285 = arith.constant 0.000000e+00 : f32
    %broadcast_in_dim3A_1286 = vector.broadcast %broadcast_in_dim3A_1285 : f32 to vector<16xf32>
    %get3A_1287 = arith.constant 3 : i32
    %get3A_1288 = arith.constant 3 : i32
    %get3A_1289 = arith.index_cast %get3A_1287 : i32 to index
    %get3A_1290 = arith.index_cast %get3A_1288 : i32 to index
    %get3A_1291 = arith.constant 0 : index
    %get3A_1292 = tpu.vector_load %arg6[%get3A_1289, %get3A_1290, %get3A_1291] {strides = array<i32>} : memref<32x8x128xf32, #tpu.memory_space<vmem>>, vector<1x1x16xf32>,
    %get3A_1293 = vector.shape_cast %get3A_1292 : vector<1x1x16xf32> to vector<16xf32>
    %add3A_1294 = arith.constant 0 : i32
    %add3A_1295 = vector.broadcast %add3A_1294 : i32 to vector<16xi32>
    %add3A_1296 = arith.addi %add3A_1295, %iota3A : vector<16xi32>
    %eq3A_1297 = vector.broadcast %and3A_1284 : i32 to vector<16xi32>
    %eq3A_1298 = arith.cmpi eq, %add3A_1296, %eq3A_1297 : vector<16xi32>
    %select_n3A_1299 = arith.select %eq3A_1298, %get3A_1293, %broadcast_in_dim3A_1286 : vector<16xi1>, vector<16xf32>
    %get3A_1300 = arith.constant 3 : i32
    %get3A_1301 = arith.constant 3 : i32
    %get3A_1302 = arith.index_cast %get3A_1300 : i32 to index
    %get3A_1303 = arith.index_cast %get3A_1301 : i32 to index
    %get3A_1304 = arith.constant 16 : index
    %get3A_1305 = tpu.vector_load %arg6[%get3A_1302, %get3A_1303, %get3A_1304] {strides = array<i32>} : memref<32x8x128xf32, #tpu.memory_space<vmem>>, vector<1x1x16xf32>,
    %get3A_1306 = vector.shape_cast %get3A_1305 : vector<1x1x16xf32> to vector<16xf32>
    %add3A_1307 = arith.constant 16 : i32
    %add3A_1308 = vector.broadcast %add3A_1307 : i32 to vector<16xi32>
    %add3A_1309 = arith.addi %add3A_1308, %iota3A : vector<16xi32>
    %eq3A_1310 = vector.broadcast %and3A_1284 : i32 to vector<16xi32>
    %eq3A_1311 = arith.cmpi eq, %add3A_1309, %eq3A_1310 : vector<16xi32>
    %select_n3A_1312 = arith.select %eq3A_1311, %get3A_1306, %select_n3A_1299 : vector<16xi1>, vector<16xf32>
    %get3A_1313 = arith.constant 3 : i32
    %get3A_1314 = arith.constant 3 : i32
    %get3A_1315 = arith.index_cast %get3A_1313 : i32 to index
    %get3A_1316 = arith.index_cast %get3A_1314 : i32 to index
    %get3A_1317 = arith.constant 32 : index
    %get3A_1318 = tpu.vector_load %arg6[%get3A_1315, %get3A_1316, %get3A_1317] {strides = array<i32>} : memref<32x8x128xf32, #tpu.memory_space<vmem>>, vector<1x1x16xf32>,
    %get3A_1319 = vector.shape_cast %get3A_1318 : vector<1x1x16xf32> to vector<16xf32>
    %add3A_1320 = arith.constant 32 : i32
    %add3A_1321 = vector.broadcast %add3A_1320 : i32 to vector<16xi32>
    %add3A_1322 = arith.addi %add3A_1321, %iota3A : vector<16xi32>
    %eq3A_1323 = vector.broadcast %and3A_1284 : i32 to vector<16xi32>
    %eq3A_1324 = arith.cmpi eq, %add3A_1322, %eq3A_1323 : vector<16xi32>
    %select_n3A_1325 = arith.select %eq3A_1324, %get3A_1319, %select_n3A_1312 : vector<16xi1>, vector<16xf32>
    %get3A_1326 = arith.constant 3 : i32
    %get3A_1327 = arith.constant 3 : i32
    %get3A_1328 = arith.index_cast %get3A_1326 : i32 to index
    %get3A_1329 = arith.index_cast %get3A_1327 : i32 to index
    %get3A_1330 = arith.constant 48 : index
    %get3A_1331 = tpu.vector_load %arg6[%get3A_1328, %get3A_1329, %get3A_1330] {strides = array<i32>} : memref<32x8x128xf32, #tpu.memory_space<vmem>>, vector<1x1x16xf32>,
    %get3A_1332 = vector.shape_cast %get3A_1331 : vector<1x1x16xf32> to vector<16xf32>
    %add3A_1333 = arith.constant 48 : i32
    %add3A_1334 = vector.broadcast %add3A_1333 : i32 to vector<16xi32>
    %add3A_1335 = arith.addi %add3A_1334, %iota3A : vector<16xi32>
    %eq3A_1336 = vector.broadcast %and3A_1284 : i32 to vector<16xi32>
    %eq3A_1337 = arith.cmpi eq, %add3A_1335, %eq3A_1336 : vector<16xi32>
    %select_n3A_1338 = arith.select %eq3A_1337, %get3A_1332, %select_n3A_1325 : vector<16xi1>, vector<16xf32>
    %get3A_1339 = arith.constant 3 : i32
    %get3A_1340 = arith.constant 3 : i32
    %get3A_1341 = arith.index_cast %get3A_1339 : i32 to index
    %get3A_1342 = arith.index_cast %get3A_1340 : i32 to index
    %get3A_1343 = arith.constant 64 : index
    %get3A_1344 = tpu.vector_load %arg6[%get3A_1341, %get3A_1342, %get3A_1343] {strides = array<i32>} : memref<32x8x128xf32, #tpu.memory_space<vmem>>, vector<1x1x16xf32>,
    %get3A_1345 = vector.shape_cast %get3A_1344 : vector<1x1x16xf32> to vector<16xf32>
    %add3A_1346 = arith.constant 64 : i32
    %add3A_1347 = vector.broadcast %add3A_1346 : i32 to vector<16xi32>
    %add3A_1348 = arith.addi %add3A_1347, %iota3A : vector<16xi32>
    %eq3A_1349 = vector.broadcast %and3A_1284 : i32 to vector<16xi32>
    %eq3A_1350 = arith.cmpi eq, %add3A_1348, %eq3A_1349 : vector<16xi32>
    %select_n3A_1351 = arith.select %eq3A_1350, %get3A_1345, %select_n3A_1338 : vector<16xi1>, vector<16xf32>
    %get3A_1352 = arith.constant 3 : i32
    %get3A_1353 = arith.constant 3 : i32
    %get3A_1354 = arith.index_cast %get3A_1352 : i32 to index
    %get3A_1355 = arith.index_cast %get3A_1353 : i32 to index
    %get3A_1356 = arith.constant 80 : index
    %get3A_1357 = tpu.vector_load %arg6[%get3A_1354, %get3A_1355, %get3A_1356] {strides = array<i32>} : memref<32x8x128xf32, #tpu.memory_space<vmem>>, vector<1x1x16xf32>,
    %get3A_1358 = vector.shape_cast %get3A_1357 : vector<1x1x16xf32> to vector<16xf32>
    %add3A_1359 = arith.constant 80 : i32
    %add3A_1360 = vector.broadcast %add3A_1359 : i32 to vector<16xi32>
    %add3A_1361 = arith.addi %add3A_1360, %iota3A : vector<16xi32>
    %eq3A_1362 = vector.broadcast %and3A_1284 : i32 to vector<16xi32>
    %eq3A_1363 = arith.cmpi eq, %add3A_1361, %eq3A_1362 : vector<16xi32>
    %select_n3A_1364 = arith.select %eq3A_1363, %get3A_1358, %select_n3A_1351 : vector<16xi1>, vector<16xf32>
    %get3A_1365 = arith.constant 3 : i32
    %get3A_1366 = arith.constant 3 : i32
    %get3A_1367 = arith.index_cast %get3A_1365 : i32 to index
    %get3A_1368 = arith.index_cast %get3A_1366 : i32 to index
    %get3A_1369 = arith.constant 96 : index
    %get3A_1370 = tpu.vector_load %arg6[%get3A_1367, %get3A_1368, %get3A_1369] {strides = array<i32>} : memref<32x8x128xf32, #tpu.memory_space<vmem>>, vector<1x1x16xf32>,
    %get3A_1371 = vector.shape_cast %get3A_1370 : vector<1x1x16xf32> to vector<16xf32>
    %add3A_1372 = arith.constant 96 : i32
    %add3A_1373 = vector.broadcast %add3A_1372 : i32 to vector<16xi32>
    %add3A_1374 = arith.addi %add3A_1373, %iota3A : vector<16xi32>
    %eq3A_1375 = vector.broadcast %and3A_1284 : i32 to vector<16xi32>
    %eq3A_1376 = arith.cmpi eq, %add3A_1374, %eq3A_1375 : vector<16xi32>
    %select_n3A_1377 = arith.select %eq3A_1376, %get3A_1371, %select_n3A_1364 : vector<16xi1>, vector<16xf32>
    %get3A_1378 = arith.constant 3 : i32
    %get3A_1379 = arith.constant 3 : i32
    %get3A_1380 = arith.index_cast %get3A_1378 : i32 to index
    %get3A_1381 = arith.index_cast %get3A_1379 : i32 to index
    %get3A_1382 = arith.constant 112 : index
    %get3A_1383 = tpu.vector_load %arg6[%get3A_1380, %get3A_1381, %get3A_1382] {strides = array<i32>} : memref<32x8x128xf32, #tpu.memory_space<vmem>>, vector<1x1x16xf32>,
    %get3A_1384 = vector.shape_cast %get3A_1383 : vector<1x1x16xf32> to vector<16xf32>
    %add3A_1385 = arith.constant 112 : i32
    %add3A_1386 = vector.broadcast %add3A_1385 : i32 to vector<16xi32>
    %add3A_1387 = arith.addi %add3A_1386, %iota3A : vector<16xi32>
    %eq3A_1388 = vector.broadcast %and3A_1284 : i32 to vector<16xi32>
    %eq3A_1389 = arith.cmpi eq, %add3A_1387, %eq3A_1388 : vector<16xi32>
    %select_n3A_1390 = arith.select %eq3A_1389, %get3A_1384, %select_n3A_1377 : vector<16xi1>, vector<16xf32>
    %and3A_1391 = arith.constant 15 : i32
    %and3A_1392 = arith.andi %and3A_1284, %and3A_1391 : i32
    %broadcast_in_dim3A_1393 = vector.broadcast %and3A_1392 : i32 to vector<16xi32>
    %broadcast_in_dim3A_1394 = vector.shape_cast %broadcast_in_dim3A_1393 : vector<16xi32> to vector<16x1xi32>
    %gather3A_1395 = vector.shape_cast %broadcast_in_dim3A_1394 : vector<16x1xi32> to vector<16xi32>
    %gather3A_1396 = tpu.dynamic_gather %select_n3A_1390[%gather3A_1395] in [0] : vector<16xf32>, vector<16xi32> -> vector<16xf32>
    %eq3A_1397 = arith.constant 3 : i32
    %eq3A_1398 = vector.broadcast %eq3A_1397 : i32 to vector<16xi32>
    %eq3A_1399 = arith.cmpi eq, %iota3A, %eq3A_1398 : vector<16xi32>
    %select_n3A_1400 = arith.select %eq3A_1399, %gather3A_1396, %select_n3A_1282 : vector<16xi1>, vector<16xf32>
    %and3A_1401 = arith.constant 127 : i32
    %and3A_1402 = arith.andi %squeeze3A_74, %and3A_1401 : i32
    %broadcast_in_dim3A_1403 = arith.constant 0.000000e+00 : f32
    %broadcast_in_dim3A_1404 = vector.broadcast %broadcast_in_dim3A_1403 : f32 to vector<16xf32>
    %get3A_1405 = arith.constant 4 : i32
    %get3A_1406 = arith.constant 4 : i32
    %get3A_1407 = arith.index_cast %get3A_1405 : i32 to index
    %get3A_1408 = arith.index_cast %get3A_1406 : i32 to index
    %get3A_1409 = arith.constant 0 : index
    %get3A_1410 = tpu.vector_load %arg6[%get3A_1407, %get3A_1408, %get3A_1409] {strides = array<i32>} : memref<32x8x128xf32, #tpu.memory_space<vmem>>, vector<1x1x16xf32>,
    %get3A_1411 = vector.shape_cast %get3A_1410 : vector<1x1x16xf32> to vector<16xf32>
    %add3A_1412 = arith.constant 0 : i32
    %add3A_1413 = vector.broadcast %add3A_1412 : i32 to vector<16xi32>
    %add3A_1414 = arith.addi %add3A_1413, %iota3A : vector<16xi32>
    %eq3A_1415 = vector.broadcast %and3A_1402 : i32 to vector<16xi32>
    %eq3A_1416 = arith.cmpi eq, %add3A_1414, %eq3A_1415 : vector<16xi32>
    %select_n3A_1417 = arith.select %eq3A_1416, %get3A_1411, %broadcast_in_dim3A_1404 : vector<16xi1>, vector<16xf32>
    %get3A_1418 = arith.constant 4 : i32
    %get3A_1419 = arith.constant 4 : i32
    %get3A_1420 = arith.index_cast %get3A_1418 : i32 to index
    %get3A_1421 = arith.index_cast %get3A_1419 : i32 to index
    %get3A_1422 = arith.constant 16 : index
    %get3A_1423 = tpu.vector_load %arg6[%get3A_1420, %get3A_1421, %get3A_1422] {strides = array<i32>} : memref<32x8x128xf32, #tpu.memory_space<vmem>>, vector<1x1x16xf32>,
    %get3A_1424 = vector.shape_cast %get3A_1423 : vector<1x1x16xf32> to vector<16xf32>
    %add3A_1425 = arith.constant 16 : i32
    %add3A_1426 = vector.broadcast %add3A_1425 : i32 to vector<16xi32>
    %add3A_1427 = arith.addi %add3A_1426, %iota3A : vector<16xi32>
    %eq3A_1428 = vector.broadcast %and3A_1402 : i32 to vector<16xi32>
    %eq3A_1429 = arith.cmpi eq, %add3A_1427, %eq3A_1428 : vector<16xi32>
    %select_n3A_1430 = arith.select %eq3A_1429, %get3A_1424, %select_n3A_1417 : vector<16xi1>, vector<16xf32>
    %get3A_1431 = arith.constant 4 : i32
    %get3A_1432 = arith.constant 4 : i32
    %get3A_1433 = arith.index_cast %get3A_1431 : i32 to index
    %get3A_1434 = arith.index_cast %get3A_1432 : i32 to index
    %get3A_1435 = arith.constant 32 : index
    %get3A_1436 = tpu.vector_load %arg6[%get3A_1433, %get3A_1434, %get3A_1435] {strides = array<i32>} : memref<32x8x128xf32, #tpu.memory_space<vmem>>, vector<1x1x16xf32>,
    %get3A_1437 = vector.shape_cast %get3A_1436 : vector<1x1x16xf32> to vector<16xf32>
    %add3A_1438 = arith.constant 32 : i32
    %add3A_1439 = vector.broadcast %add3A_1438 : i32 to vector<16xi32>
    %add3A_1440 = arith.addi %add3A_1439, %iota3A : vector<16xi32>
    %eq3A_1441 = vector.broadcast %and3A_1402 : i32 to vector<16xi32>
    %eq3A_1442 = arith.cmpi eq, %add3A_1440, %eq3A_1441 : vector<16xi32>
    %select_n3A_1443 = arith.select %eq3A_1442, %get3A_1437, %select_n3A_1430 : vector<16xi1>, vector<16xf32>
    %get3A_1444 = arith.constant 4 : i32
    %get3A_1445 = arith.constant 4 : i32
    %get3A_1446 = arith.index_cast %get3A_1444 : i32 to index
    %get3A_1447 = arith.index_cast %get3A_1445 : i32 to index
    %get3A_1448 = arith.constant 48 : index
    %get3A_1449 = tpu.vector_load %arg6[%get3A_1446, %get3A_1447, %get3A_1448] {strides = array<i32>} : memref<32x8x128xf32, #tpu.memory_space<vmem>>, vector<1x1x16xf32>,
    %get3A_1450 = vector.shape_cast %get3A_1449 : vector<1x1x16xf32> to vector<16xf32>
    %add3A_1451 = arith.constant 48 : i32
    %add3A_1452 = vector.broadcast %add3A_1451 : i32 to vector<16xi32>
    %add3A_1453 = arith.addi %add3A_1452, %iota3A : vector<16xi32>
    %eq3A_1454 = vector.broadcast %and3A_1402 : i32 to vector<16xi32>
    %eq3A_1455 = arith.cmpi eq, %add3A_1453, %eq3A_1454 : vector<16xi32>
    %select_n3A_1456 = arith.select %eq3A_1455, %get3A_1450, %select_n3A_1443 : vector<16xi1>, vector<16xf32>
    %get3A_1457 = arith.constant 4 : i32
    %get3A_1458 = arith.constant 4 : i32
    %get3A_1459 = arith.index_cast %get3A_1457 : i32 to index
    %get3A_1460 = arith.index_cast %get3A_1458 : i32 to index
    %get3A_1461 = arith.constant 64 : index
    %get3A_1462 = tpu.vector_load %arg6[%get3A_1459, %get3A_1460, %get3A_1461] {strides = array<i32>} : memref<32x8x128xf32, #tpu.memory_space<vmem>>, vector<1x1x16xf32>,
    %get3A_1463 = vector.shape_cast %get3A_1462 : vector<1x1x16xf32> to vector<16xf32>
    %add3A_1464 = arith.constant 64 : i32
    %add3A_1465 = vector.broadcast %add3A_1464 : i32 to vector<16xi32>
    %add3A_1466 = arith.addi %add3A_1465, %iota3A : vector<16xi32>
    %eq3A_1467 = vector.broadcast %and3A_1402 : i32 to vector<16xi32>
    %eq3A_1468 = arith.cmpi eq, %add3A_1466, %eq3A_1467 : vector<16xi32>
    %select_n3A_1469 = arith.select %eq3A_1468, %get3A_1463, %select_n3A_1456 : vector<16xi1>, vector<16xf32>
    %get3A_1470 = arith.constant 4 : i32
    %get3A_1471 = arith.constant 4 : i32
    %get3A_1472 = arith.index_cast %get3A_1470 : i32 to index
    %get3A_1473 = arith.index_cast %get3A_1471 : i32 to index
    %get3A_1474 = arith.constant 80 : index
    %get3A_1475 = tpu.vector_load %arg6[%get3A_1472, %get3A_1473, %get3A_1474] {strides = array<i32>} : memref<32x8x128xf32, #tpu.memory_space<vmem>>, vector<1x1x16xf32>,
    %get3A_1476 = vector.shape_cast %get3A_1475 : vector<1x1x16xf32> to vector<16xf32>
    %add3A_1477 = arith.constant 80 : i32
    %add3A_1478 = vector.broadcast %add3A_1477 : i32 to vector<16xi32>
    %add3A_1479 = arith.addi %add3A_1478, %iota3A : vector<16xi32>
    %eq3A_1480 = vector.broadcast %and3A_1402 : i32 to vector<16xi32>
    %eq3A_1481 = arith.cmpi eq, %add3A_1479, %eq3A_1480 : vector<16xi32>
    %select_n3A_1482 = arith.select %eq3A_1481, %get3A_1476, %select_n3A_1469 : vector<16xi1>, vector<16xf32>
    %get3A_1483 = arith.constant 4 : i32
    %get3A_1484 = arith.constant 4 : i32
    %get3A_1485 = arith.index_cast %get3A_1483 : i32 to index
    %get3A_1486 = arith.index_cast %get3A_1484 : i32 to index
    %get3A_1487 = arith.constant 96 : index
    %get3A_1488 = tpu.vector_load %arg6[%get3A_1485, %get3A_1486, %get3A_1487] {strides = array<i32>} : memref<32x8x128xf32, #tpu.memory_space<vmem>>, vector<1x1x16xf32>,
    %get3A_1489 = vector.shape_cast %get3A_1488 : vector<1x1x16xf32> to vector<16xf32>
    %add3A_1490 = arith.constant 96 : i32
    %add3A_1491 = vector.broadcast %add3A_1490 : i32 to vector<16xi32>
    %add3A_1492 = arith.addi %add3A_1491, %iota3A : vector<16xi32>
    %eq3A_1493 = vector.broadcast %and3A_1402 : i32 to vector<16xi32>
    %eq3A_1494 = arith.cmpi eq, %add3A_1492, %eq3A_1493 : vector<16xi32>
    %select_n3A_1495 = arith.select %eq3A_1494, %get3A_1489, %select_n3A_1482 : vector<16xi1>, vector<16xf32>
    %get3A_1496 = arith.constant 4 : i32
    %get3A_1497 = arith.constant 4 : i32
    %get3A_1498 = arith.index_cast %get3A_1496 : i32 to index
    %get3A_1499 = arith.index_cast %get3A_1497 : i32 to index
    %get3A_1500 = arith.constant 112 : index
    %get3A_1501 = tpu.vector_load %arg6[%get3A_1498, %get3A_1499, %get3A_1500] {strides = array<i32>} : memref<32x8x128xf32, #tpu.memory_space<vmem>>, vector<1x1x16xf32>,
    %get3A_1502 = vector.shape_cast %get3A_1501 : vector<1x1x16xf32> to vector<16xf32>
    %add3A_1503 = arith.constant 112 : i32
    %add3A_1504 = vector.broadcast %add3A_1503 : i32 to vector<16xi32>
    %add3A_1505 = arith.addi %add3A_1504, %iota3A : vector<16xi32>
    %eq3A_1506 = vector.broadcast %and3A_1402 : i32 to vector<16xi32>
    %eq3A_1507 = arith.cmpi eq, %add3A_1505, %eq3A_1506 : vector<16xi32>
    %select_n3A_1508 = arith.select %eq3A_1507, %get3A_1502, %select_n3A_1495 : vector<16xi1>, vector<16xf32>
    %and3A_1509 = arith.constant 15 : i32
    %and3A_1510 = arith.andi %and3A_1402, %and3A_1509 : i32
    %broadcast_in_dim3A_1511 = vector.broadcast %and3A_1510 : i32 to vector<16xi32>
    %broadcast_in_dim3A_1512 = vector.shape_cast %broadcast_in_dim3A_1511 : vector<16xi32> to vector<16x1xi32>
    %gather3A_1513 = vector.shape_cast %broadcast_in_dim3A_1512 : vector<16x1xi32> to vector<16xi32>
    %gather3A_1514 = tpu.dynamic_gather %select_n3A_1508[%gather3A_1513] in [0] : vector<16xf32>, vector<16xi32> -> vector<16xf32>
    %eq3A_1515 = arith.constant 4 : i32
    %eq3A_1516 = vector.broadcast %eq3A_1515 : i32 to vector<16xi32>
    %eq3A_1517 = arith.cmpi eq, %iota3A, %eq3A_1516 : vector<16xi32>
    %select_n3A_1518 = arith.select %eq3A_1517, %gather3A_1514, %select_n3A_1400 : vector<16xi1>, vector<16xf32>
    %and3A_1519 = arith.constant 127 : i32
    %and3A_1520 = arith.andi %squeeze3A_92, %and3A_1519 : i32
    %broadcast_in_dim3A_1521 = arith.constant 0.000000e+00 : f32
    %broadcast_in_dim3A_1522 = vector.broadcast %broadcast_in_dim3A_1521 : f32 to vector<16xf32>
    %get3A_1523 = arith.constant 5 : i32
    %get3A_1524 = arith.constant 5 : i32
    %get3A_1525 = arith.index_cast %get3A_1523 : i32 to index
    %get3A_1526 = arith.index_cast %get3A_1524 : i32 to index
    %get3A_1527 = arith.constant 0 : index
    %get3A_1528 = tpu.vector_load %arg6[%get3A_1525, %get3A_1526, %get3A_1527] {strides = array<i32>} : memref<32x8x128xf32, #tpu.memory_space<vmem>>, vector<1x1x16xf32>,
    %get3A_1529 = vector.shape_cast %get3A_1528 : vector<1x1x16xf32> to vector<16xf32>
    %add3A_1530 = arith.constant 0 : i32
    %add3A_1531 = vector.broadcast %add3A_1530 : i32 to vector<16xi32>
    %add3A_1532 = arith.addi %add3A_1531, %iota3A : vector<16xi32>
    %eq3A_1533 = vector.broadcast %and3A_1520 : i32 to vector<16xi32>
    %eq3A_1534 = arith.cmpi eq, %add3A_1532, %eq3A_1533 : vector<16xi32>
    %select_n3A_1535 = arith.select %eq3A_1534, %get3A_1529, %broadcast_in_dim3A_1522 : vector<16xi1>, vector<16xf32>
    %get3A_1536 = arith.constant 5 : i32
    %get3A_1537 = arith.constant 5 : i32
    %get3A_1538 = arith.index_cast %get3A_1536 : i32 to index
    %get3A_1539 = arith.index_cast %get3A_1537 : i32 to index
    %get3A_1540 = arith.constant 16 : index
    %get3A_1541 = tpu.vector_load %arg6[%get3A_1538, %get3A_1539, %get3A_1540] {strides = array<i32>} : memref<32x8x128xf32, #tpu.memory_space<vmem>>, vector<1x1x16xf32>,
    %get3A_1542 = vector.shape_cast %get3A_1541 : vector<1x1x16xf32> to vector<16xf32>
    %add3A_1543 = arith.constant 16 : i32
    %add3A_1544 = vector.broadcast %add3A_1543 : i32 to vector<16xi32>
    %add3A_1545 = arith.addi %add3A_1544, %iota3A : vector<16xi32>
    %eq3A_1546 = vector.broadcast %and3A_1520 : i32 to vector<16xi32>
    %eq3A_1547 = arith.cmpi eq, %add3A_1545, %eq3A_1546 : vector<16xi32>
    %select_n3A_1548 = arith.select %eq3A_1547, %get3A_1542, %select_n3A_1535 : vector<16xi1>, vector<16xf32>
    %get3A_1549 = arith.constant 5 : i32
    %get3A_1550 = arith.constant 5 : i32
    %get3A_1551 = arith.index_cast %get3A_1549 : i32 to index
    %get3A_1552 = arith.index_cast %get3A_1550 : i32 to index
    %get3A_1553 = arith.constant 32 : index
    %get3A_1554 = tpu.vector_load %arg6[%get3A_1551, %get3A_1552, %get3A_1553] {strides = array<i32>} : memref<32x8x128xf32, #tpu.memory_space<vmem>>, vector<1x1x16xf32>,
    %get3A_1555 = vector.shape_cast %get3A_1554 : vector<1x1x16xf32> to vector<16xf32>
    %add3A_1556 = arith.constant 32 : i32
    %add3A_1557 = vector.broadcast %add3A_1556 : i32 to vector<16xi32>
    %add3A_1558 = arith.addi %add3A_1557, %iota3A : vector<16xi32>
    %eq3A_1559 = vector.broadcast %and3A_1520 : i32 to vector<16xi32>
    %eq3A_1560 = arith.cmpi eq, %add3A_1558, %eq3A_1559 : vector<16xi32>
    %select_n3A_1561 = arith.select %eq3A_1560, %get3A_1555, %select_n3A_1548 : vector<16xi1>, vector<16xf32>
    %get3A_1562 = arith.constant 5 : i32
    %get3A_1563 = arith.constant 5 : i32
    %get3A_1564 = arith.index_cast %get3A_1562 : i32 to index
    %get3A_1565 = arith.index_cast %get3A_1563 : i32 to index
    %get3A_1566 = arith.constant 48 : index
    %get3A_1567 = tpu.vector_load %arg6[%get3A_1564, %get3A_1565, %get3A_1566] {strides = array<i32>} : memref<32x8x128xf32, #tpu.memory_space<vmem>>, vector<1x1x16xf32>,
    %get3A_1568 = vector.shape_cast %get3A_1567 : vector<1x1x16xf32> to vector<16xf32>
    %add3A_1569 = arith.constant 48 : i32
    %add3A_1570 = vector.broadcast %add3A_1569 : i32 to vector<16xi32>
    %add3A_1571 = arith.addi %add3A_1570, %iota3A : vector<16xi32>
    %eq3A_1572 = vector.broadcast %and3A_1520 : i32 to vector<16xi32>
    %eq3A_1573 = arith.cmpi eq, %add3A_1571, %eq3A_1572 : vector<16xi32>
    %select_n3A_1574 = arith.select %eq3A_1573, %get3A_1568, %select_n3A_1561 : vector<16xi1>, vector<16xf32>
    %get3A_1575 = arith.constant 5 : i32
    %get3A_1576 = arith.constant 5 : i32
    %get3A_1577 = arith.index_cast %get3A_1575 : i32 to index
    %get3A_1578 = arith.index_cast %get3A_1576 : i32 to index
    %get3A_1579 = arith.constant 64 : index
    %get3A_1580 = tpu.vector_load %arg6[%get3A_1577, %get3A_1578, %get3A_1579] {strides = array<i32>} : memref<32x8x128xf32, #tpu.memory_space<vmem>>, vector<1x1x16xf32>,
    %get3A_1581 = vector.shape_cast %get3A_1580 : vector<1x1x16xf32> to vector<16xf32>
    %add3A_1582 = arith.constant 64 : i32
    %add3A_1583 = vector.broadcast %add3A_1582 : i32 to vector<16xi32>
    %add3A_1584 = arith.addi %add3A_1583, %iota3A : vector<16xi32>
    %eq3A_1585 = vector.broadcast %and3A_1520 : i32 to vector<16xi32>
    %eq3A_1586 = arith.cmpi eq, %add3A_1584, %eq3A_1585 : vector<16xi32>
    %select_n3A_1587 = arith.select %eq3A_1586, %get3A_1581, %select_n3A_1574 : vector<16xi1>, vector<16xf32>
    %get3A_1588 = arith.constant 5 : i32
    %get3A_1589 = arith.constant 5 : i32
    %get3A_1590 = arith.index_cast %get3A_1588 : i32 to index
    %get3A_1591 = arith.index_cast %get3A_1589 : i32 to index
    %get3A_1592 = arith.constant 80 : index
    %get3A_1593 = tpu.vector_load %arg6[%get3A_1590, %get3A_1591, %get3A_1592] {strides = array<i32>} : memref<32x8x128xf32, #tpu.memory_space<vmem>>, vector<1x1x16xf32>,
    %get3A_1594 = vector.shape_cast %get3A_1593 : vector<1x1x16xf32> to vector<16xf32>
    %add3A_1595 = arith.constant 80 : i32
    %add3A_1596 = vector.broadcast %add3A_1595 : i32 to vector<16xi32>
    %add3A_1597 = arith.addi %add3A_1596, %iota3A : vector<16xi32>
    %eq3A_1598 = vector.broadcast %and3A_1520 : i32 to vector<16xi32>
    %eq3A_1599 = arith.cmpi eq, %add3A_1597, %eq3A_1598 : vector<16xi32>
    %select_n3A_1600 = arith.select %eq3A_1599, %get3A_1594, %select_n3A_1587 : vector<16xi1>, vector<16xf32>
    %get3A_1601 = arith.constant 5 : i32
    %get3A_1602 = arith.constant 5 : i32
    %get3A_1603 = arith.index_cast %get3A_1601 : i32 to index
    %get3A_1604 = arith.index_cast %get3A_1602 : i32 to index
    %get3A_1605 = arith.constant 96 : index
    %get3A_1606 = tpu.vector_load %arg6[%get3A_1603, %get3A_1604, %get3A_1605] {strides = array<i32>} : memref<32x8x128xf32, #tpu.memory_space<vmem>>, vector<1x1x16xf32>,
    %get3A_1607 = vector.shape_cast %get3A_1606 : vector<1x1x16xf32> to vector<16xf32>
    %add3A_1608 = arith.constant 96 : i32
    %add3A_1609 = vector.broadcast %add3A_1608 : i32 to vector<16xi32>
    %add3A_1610 = arith.addi %add3A_1609, %iota3A : vector<16xi32>
    %eq3A_1611 = vector.broadcast %and3A_1520 : i32 to vector<16xi32>
    %eq3A_1612 = arith.cmpi eq, %add3A_1610, %eq3A_1611 : vector<16xi32>
    %select_n3A_1613 = arith.select %eq3A_1612, %get3A_1607, %select_n3A_1600 : vector<16xi1>, vector<16xf32>
    %get3A_1614 = arith.constant 5 : i32
    %get3A_1615 = arith.constant 5 : i32
    %get3A_1616 = arith.index_cast %get3A_1614 : i32 to index
    %get3A_1617 = arith.index_cast %get3A_1615 : i32 to index
    %get3A_1618 = arith.constant 112 : index
    %get3A_1619 = tpu.vector_load %arg6[%get3A_1616, %get3A_1617, %get3A_1618] {strides = array<i32>} : memref<32x8x128xf32, #tpu.memory_space<vmem>>, vector<1x1x16xf32>,
    %get3A_1620 = vector.shape_cast %get3A_1619 : vector<1x1x16xf32> to vector<16xf32>
    %add3A_1621 = arith.constant 112 : i32
    %add3A_1622 = vector.broadcast %add3A_1621 : i32 to vector<16xi32>
    %add3A_1623 = arith.addi %add3A_1622, %iota3A : vector<16xi32>
    %eq3A_1624 = vector.broadcast %and3A_1520 : i32 to vector<16xi32>
    %eq3A_1625 = arith.cmpi eq, %add3A_1623, %eq3A_1624 : vector<16xi32>
    %select_n3A_1626 = arith.select %eq3A_1625, %get3A_1620, %select_n3A_1613 : vector<16xi1>, vector<16xf32>
    %and3A_1627 = arith.constant 15 : i32
    %and3A_1628 = arith.andi %and3A_1520, %and3A_1627 : i32
    %broadcast_in_dim3A_1629 = vector.broadcast %and3A_1628 : i32 to vector<16xi32>
    %broadcast_in_dim3A_1630 = vector.shape_cast %broadcast_in_dim3A_1629 : vector<16xi32> to vector<16x1xi32>
    %gather3A_1631 = vector.shape_cast %broadcast_in_dim3A_1630 : vector<16x1xi32> to vector<16xi32>
    %gather3A_1632 = tpu.dynamic_gather %select_n3A_1626[%gather3A_1631] in [0] : vector<16xf32>, vector<16xi32> -> vector<16xf32>
    %eq3A_1633 = arith.constant 5 : i32
    %eq3A_1634 = vector.broadcast %eq3A_1633 : i32 to vector<16xi32>
    %eq3A_1635 = arith.cmpi eq, %iota3A, %eq3A_1634 : vector<16xi32>
    %select_n3A_1636 = arith.select %eq3A_1635, %gather3A_1632, %select_n3A_1518 : vector<16xi1>, vector<16xf32>
    %and3A_1637 = arith.constant 127 : i32
    %and3A_1638 = arith.andi %squeeze3A_110, %and3A_1637 : i32
    %broadcast_in_dim3A_1639 = arith.constant 0.000000e+00 : f32
    %broadcast_in_dim3A_1640 = vector.broadcast %broadcast_in_dim3A_1639 : f32 to vector<16xf32>
    %get3A_1641 = arith.constant 6 : i32
    %get3A_1642 = arith.constant 6 : i32
    %get3A_1643 = arith.index_cast %get3A_1641 : i32 to index
    %get3A_1644 = arith.index_cast %get3A_1642 : i32 to index
    %get3A_1645 = arith.constant 0 : index
    %get3A_1646 = tpu.vector_load %arg6[%get3A_1643, %get3A_1644, %get3A_1645] {strides = array<i32>} : memref<32x8x128xf32, #tpu.memory_space<vmem>>, vector<1x1x16xf32>,
    %get3A_1647 = vector.shape_cast %get3A_1646 : vector<1x1x16xf32> to vector<16xf32>
    %add3A_1648 = arith.constant 0 : i32
    %add3A_1649 = vector.broadcast %add3A_1648 : i32 to vector<16xi32>
    %add3A_1650 = arith.addi %add3A_1649, %iota3A : vector<16xi32>
    %eq3A_1651 = vector.broadcast %and3A_1638 : i32 to vector<16xi32>
    %eq3A_1652 = arith.cmpi eq, %add3A_1650, %eq3A_1651 : vector<16xi32>
    %select_n3A_1653 = arith.select %eq3A_1652, %get3A_1647, %broadcast_in_dim3A_1640 : vector<16xi1>, vector<16xf32>
    %get3A_1654 = arith.constant 6 : i32
    %get3A_1655 = arith.constant 6 : i32
    %get3A_1656 = arith.index_cast %get3A_1654 : i32 to index
    %get3A_1657 = arith.index_cast %get3A_1655 : i32 to index
    %get3A_1658 = arith.constant 16 : index
    %get3A_1659 = tpu.vector_load %arg6[%get3A_1656, %get3A_1657, %get3A_1658] {strides = array<i32>} : memref<32x8x128xf32, #tpu.memory_space<vmem>>, vector<1x1x16xf32>,
    %get3A_1660 = vector.shape_cast %get3A_1659 : vector<1x1x16xf32> to vector<16xf32>
    %add3A_1661 = arith.constant 16 : i32
    %add3A_1662 = vector.broadcast %add3A_1661 : i32 to vector<16xi32>
    %add3A_1663 = arith.addi %add3A_1662, %iota3A : vector<16xi32>
    %eq3A_1664 = vector.broadcast %and3A_1638 : i32 to vector<16xi32>
    %eq3A_1665 = arith.cmpi eq, %add3A_1663, %eq3A_1664 : vector<16xi32>
    %select_n3A_1666 = arith.select %eq3A_1665, %get3A_1660, %select_n3A_1653 : vector<16xi1>, vector<16xf32>
    %get3A_1667 = arith.constant 6 : i32
    %get3A_1668 = arith.constant 6 : i32
    %get3A_1669 = arith.index_cast %get3A_1667 : i32 to index
    %get3A_1670 = arith.index_cast %get3A_1668 : i32 to index
    %get3A_1671 = arith.constant 32 : index
    %get3A_1672 = tpu.vector_load %arg6[%get3A_1669, %get3A_1670, %get3A_1671] {strides = array<i32>} : memref<32x8x128xf32, #tpu.memory_space<vmem>>, vector<1x1x16xf32>,
    %get3A_1673 = vector.shape_cast %get3A_1672 : vector<1x1x16xf32> to vector<16xf32>
    %add3A_1674 = arith.constant 32 : i32
    %add3A_1675 = vector.broadcast %add3A_1674 : i32 to vector<16xi32>
    %add3A_1676 = arith.addi %add3A_1675, %iota3A : vector<16xi32>
    %eq3A_1677 = vector.broadcast %and3A_1638 : i32 to vector<16xi32>
    %eq3A_1678 = arith.cmpi eq, %add3A_1676, %eq3A_1677 : vector<16xi32>
    %select_n3A_1679 = arith.select %eq3A_1678, %get3A_1673, %select_n3A_1666 : vector<16xi1>, vector<16xf32>
    %get3A_1680 = arith.constant 6 : i32
    %get3A_1681 = arith.constant 6 : i32
    %get3A_1682 = arith.index_cast %get3A_1680 : i32 to index
    %get3A_1683 = arith.index_cast %get3A_1681 : i32 to index
    %get3A_1684 = arith.constant 48 : index
    %get3A_1685 = tpu.vector_load %arg6[%get3A_1682, %get3A_1683, %get3A_1684] {strides = array<i32>} : memref<32x8x128xf32, #tpu.memory_space<vmem>>, vector<1x1x16xf32>,
    %get3A_1686 = vector.shape_cast %get3A_1685 : vector<1x1x16xf32> to vector<16xf32>
    %add3A_1687 = arith.constant 48 : i32
    %add3A_1688 = vector.broadcast %add3A_1687 : i32 to vector<16xi32>
    %add3A_1689 = arith.addi %add3A_1688, %iota3A : vector<16xi32>
    %eq3A_1690 = vector.broadcast %and3A_1638 : i32 to vector<16xi32>
    %eq3A_1691 = arith.cmpi eq, %add3A_1689, %eq3A_1690 : vector<16xi32>
    %select_n3A_1692 = arith.select %eq3A_1691, %get3A_1686, %select_n3A_1679 : vector<16xi1>, vector<16xf32>
    %get3A_1693 = arith.constant 6 : i32
    %get3A_1694 = arith.constant 6 : i32
    %get3A_1695 = arith.index_cast %get3A_1693 : i32 to index
    %get3A_1696 = arith.index_cast %get3A_1694 : i32 to index
    %get3A_1697 = arith.constant 64 : index
    %get3A_1698 = tpu.vector_load %arg6[%get3A_1695, %get3A_1696, %get3A_1697] {strides = array<i32>} : memref<32x8x128xf32, #tpu.memory_space<vmem>>, vector<1x1x16xf32>,
    %get3A_1699 = vector.shape_cast %get3A_1698 : vector<1x1x16xf32> to vector<16xf32>
    %add3A_1700 = arith.constant 64 : i32
    %add3A_1701 = vector.broadcast %add3A_1700 : i32 to vector<16xi32>
    %add3A_1702 = arith.addi %add3A_1701, %iota3A : vector<16xi32>
    %eq3A_1703 = vector.broadcast %and3A_1638 : i32 to vector<16xi32>
    %eq3A_1704 = arith.cmpi eq, %add3A_1702, %eq3A_1703 : vector<16xi32>
    %select_n3A_1705 = arith.select %eq3A_1704, %get3A_1699, %select_n3A_1692 : vector<16xi1>, vector<16xf32>
    %get3A_1706 = arith.constant 6 : i32
    %get3A_1707 = arith.constant 6 : i32
    %get3A_1708 = arith.index_cast %get3A_1706 : i32 to index
    %get3A_1709 = arith.index_cast %get3A_1707 : i32 to index
    %get3A_1710 = arith.constant 80 : index
    %get3A_1711 = tpu.vector_load %arg6[%get3A_1708, %get3A_1709, %get3A_1710] {strides = array<i32>} : memref<32x8x128xf32, #tpu.memory_space<vmem>>, vector<1x1x16xf32>,
    %get3A_1712 = vector.shape_cast %get3A_1711 : vector<1x1x16xf32> to vector<16xf32>
    %add3A_1713 = arith.constant 80 : i32
    %add3A_1714 = vector.broadcast %add3A_1713 : i32 to vector<16xi32>
    %add3A_1715 = arith.addi %add3A_1714, %iota3A : vector<16xi32>
    %eq3A_1716 = vector.broadcast %and3A_1638 : i32 to vector<16xi32>
    %eq3A_1717 = arith.cmpi eq, %add3A_1715, %eq3A_1716 : vector<16xi32>
    %select_n3A_1718 = arith.select %eq3A_1717, %get3A_1712, %select_n3A_1705 : vector<16xi1>, vector<16xf32>
    %get3A_1719 = arith.constant 6 : i32
    %get3A_1720 = arith.constant 6 : i32
    %get3A_1721 = arith.index_cast %get3A_1719 : i32 to index
    %get3A_1722 = arith.index_cast %get3A_1720 : i32 to index
    %get3A_1723 = arith.constant 96 : index
    %get3A_1724 = tpu.vector_load %arg6[%get3A_1721, %get3A_1722, %get3A_1723] {strides = array<i32>} : memref<32x8x128xf32, #tpu.memory_space<vmem>>, vector<1x1x16xf32>,
    %get3A_1725 = vector.shape_cast %get3A_1724 : vector<1x1x16xf32> to vector<16xf32>
    %add3A_1726 = arith.constant 96 : i32
    %add3A_1727 = vector.broadcast %add3A_1726 : i32 to vector<16xi32>
    %add3A_1728 = arith.addi %add3A_1727, %iota3A : vector<16xi32>
    %eq3A_1729 = vector.broadcast %and3A_1638 : i32 to vector<16xi32>
    %eq3A_1730 = arith.cmpi eq, %add3A_1728, %eq3A_1729 : vector<16xi32>
    %select_n3A_1731 = arith.select %eq3A_1730, %get3A_1725, %select_n3A_1718 : vector<16xi1>, vector<16xf32>
    %get3A_1732 = arith.constant 6 : i32
    %get3A_1733 = arith.constant 6 : i32
    %get3A_1734 = arith.index_cast %get3A_1732 : i32 to index
    %get3A_1735 = arith.index_cast %get3A_1733 : i32 to index
    %get3A_1736 = arith.constant 112 : index
    %get3A_1737 = tpu.vector_load %arg6[%get3A_1734, %get3A_1735, %get3A_1736] {strides = array<i32>} : memref<32x8x128xf32, #tpu.memory_space<vmem>>, vector<1x1x16xf32>,
    %get3A_1738 = vector.shape_cast %get3A_1737 : vector<1x1x16xf32> to vector<16xf32>
    %add3A_1739 = arith.constant 112 : i32
    %add3A_1740 = vector.broadcast %add3A_1739 : i32 to vector<16xi32>
    %add3A_1741 = arith.addi %add3A_1740, %iota3A : vector<16xi32>
    %eq3A_1742 = vector.broadcast %and3A_1638 : i32 to vector<16xi32>
    %eq3A_1743 = arith.cmpi eq, %add3A_1741, %eq3A_1742 : vector<16xi32>
    %select_n3A_1744 = arith.select %eq3A_1743, %get3A_1738, %select_n3A_1731 : vector<16xi1>, vector<16xf32>
    %and3A_1745 = arith.constant 15 : i32
    %and3A_1746 = arith.andi %and3A_1638, %and3A_1745 : i32
    %broadcast_in_dim3A_1747 = vector.broadcast %and3A_1746 : i32 to vector<16xi32>
    %broadcast_in_dim3A_1748 = vector.shape_cast %broadcast_in_dim3A_1747 : vector<16xi32> to vector<16x1xi32>
    %gather3A_1749 = vector.shape_cast %broadcast_in_dim3A_1748 : vector<16x1xi32> to vector<16xi32>
    %gather3A_1750 = tpu.dynamic_gather %select_n3A_1744[%gather3A_1749] in [0] : vector<16xf32>, vector<16xi32> -> vector<16xf32>
    %eq3A_1751 = arith.constant 6 : i32
    %eq3A_1752 = vector.broadcast %eq3A_1751 : i32 to vector<16xi32>
    %eq3A_1753 = arith.cmpi eq, %iota3A, %eq3A_1752 : vector<16xi32>
    %select_n3A_1754 = arith.select %eq3A_1753, %gather3A_1750, %select_n3A_1636 : vector<16xi1>, vector<16xf32>
    %and3A_1755 = arith.constant 127 : i32
    %and3A_1756 = arith.andi %squeeze3A_128, %and3A_1755 : i32
    %broadcast_in_dim3A_1757 = arith.constant 0.000000e+00 : f32
    %broadcast_in_dim3A_1758 = vector.broadcast %broadcast_in_dim3A_1757 : f32 to vector<16xf32>
    %get3A_1759 = arith.constant 7 : i32
    %get3A_1760 = arith.constant 7 : i32
    %get3A_1761 = arith.index_cast %get3A_1759 : i32 to index
    %get3A_1762 = arith.index_cast %get3A_1760 : i32 to index
    %get3A_1763 = arith.constant 0 : index
    %get3A_1764 = tpu.vector_load %arg6[%get3A_1761, %get3A_1762, %get3A_1763] {strides = array<i32>} : memref<32x8x128xf32, #tpu.memory_space<vmem>>, vector<1x1x16xf32>,
    %get3A_1765 = vector.shape_cast %get3A_1764 : vector<1x1x16xf32> to vector<16xf32>
    %add3A_1766 = arith.constant 0 : i32
    %add3A_1767 = vector.broadcast %add3A_1766 : i32 to vector<16xi32>
    %add3A_1768 = arith.addi %add3A_1767, %iota3A : vector<16xi32>
    %eq3A_1769 = vector.broadcast %and3A_1756 : i32 to vector<16xi32>
    %eq3A_1770 = arith.cmpi eq, %add3A_1768, %eq3A_1769 : vector<16xi32>
    %select_n3A_1771 = arith.select %eq3A_1770, %get3A_1765, %broadcast_in_dim3A_1758 : vector<16xi1>, vector<16xf32>
    %get3A_1772 = arith.constant 7 : i32
    %get3A_1773 = arith.constant 7 : i32
    %get3A_1774 = arith.index_cast %get3A_1772 : i32 to index
    %get3A_1775 = arith.index_cast %get3A_1773 : i32 to index
    %get3A_1776 = arith.constant 16 : index
    %get3A_1777 = tpu.vector_load %arg6[%get3A_1774, %get3A_1775, %get3A_1776] {strides = array<i32>} : memref<32x8x128xf32, #tpu.memory_space<vmem>>, vector<1x1x16xf32>,
    %get3A_1778 = vector.shape_cast %get3A_1777 : vector<1x1x16xf32> to vector<16xf32>
    %add3A_1779 = arith.constant 16 : i32
    %add3A_1780 = vector.broadcast %add3A_1779 : i32 to vector<16xi32>
    %add3A_1781 = arith.addi %add3A_1780, %iota3A : vector<16xi32>
    %eq3A_1782 = vector.broadcast %and3A_1756 : i32 to vector<16xi32>
    %eq3A_1783 = arith.cmpi eq, %add3A_1781, %eq3A_1782 : vector<16xi32>
    %select_n3A_1784 = arith.select %eq3A_1783, %get3A_1778, %select_n3A_1771 : vector<16xi1>, vector<16xf32>
    %get3A_1785 = arith.constant 7 : i32
    %get3A_1786 = arith.constant 7 : i32
    %get3A_1787 = arith.index_cast %get3A_1785 : i32 to index
    %get3A_1788 = arith.index_cast %get3A_1786 : i32 to index
    %get3A_1789 = arith.constant 32 : index
    %get3A_1790 = tpu.vector_load %arg6[%get3A_1787, %get3A_1788, %get3A_1789] {strides = array<i32>} : memref<32x8x128xf32, #tpu.memory_space<vmem>>, vector<1x1x16xf32>,
    %get3A_1791 = vector.shape_cast %get3A_1790 : vector<1x1x16xf32> to vector<16xf32>
    %add3A_1792 = arith.constant 32 : i32
    %add3A_1793 = vector.broadcast %add3A_1792 : i32 to vector<16xi32>
    %add3A_1794 = arith.addi %add3A_1793, %iota3A : vector<16xi32>
    %eq3A_1795 = vector.broadcast %and3A_1756 : i32 to vector<16xi32>
    %eq3A_1796 = arith.cmpi eq, %add3A_1794, %eq3A_1795 : vector<16xi32>
    %select_n3A_1797 = arith.select %eq3A_1796, %get3A_1791, %select_n3A_1784 : vector<16xi1>, vector<16xf32>
    %get3A_1798 = arith.constant 7 : i32
    %get3A_1799 = arith.constant 7 : i32
    %get3A_1800 = arith.index_cast %get3A_1798 : i32 to index
    %get3A_1801 = arith.index_cast %get3A_1799 : i32 to index
    %get3A_1802 = arith.constant 48 : index
    %get3A_1803 = tpu.vector_load %arg6[%get3A_1800, %get3A_1801, %get3A_1802] {strides = array<i32>} : memref<32x8x128xf32, #tpu.memory_space<vmem>>, vector<1x1x16xf32>,
    %get3A_1804 = vector.shape_cast %get3A_1803 : vector<1x1x16xf32> to vector<16xf32>
    %add3A_1805 = arith.constant 48 : i32
    %add3A_1806 = vector.broadcast %add3A_1805 : i32 to vector<16xi32>
    %add3A_1807 = arith.addi %add3A_1806, %iota3A : vector<16xi32>
    %eq3A_1808 = vector.broadcast %and3A_1756 : i32 to vector<16xi32>
    %eq3A_1809 = arith.cmpi eq, %add3A_1807, %eq3A_1808 : vector<16xi32>
    %select_n3A_1810 = arith.select %eq3A_1809, %get3A_1804, %select_n3A_1797 : vector<16xi1>, vector<16xf32>
    %get3A_1811 = arith.constant 7 : i32
    %get3A_1812 = arith.constant 7 : i32
    %get3A_1813 = arith.index_cast %get3A_1811 : i32 to index
    %get3A_1814 = arith.index_cast %get3A_1812 : i32 to index
    %get3A_1815 = arith.constant 64 : index
    %get3A_1816 = tpu.vector_load %arg6[%get3A_1813, %get3A_1814, %get3A_1815] {strides = array<i32>} : memref<32x8x128xf32, #tpu.memory_space<vmem>>, vector<1x1x16xf32>,
    %get3A_1817 = vector.shape_cast %get3A_1816 : vector<1x1x16xf32> to vector<16xf32>
    %add3A_1818 = arith.constant 64 : i32
    %add3A_1819 = vector.broadcast %add3A_1818 : i32 to vector<16xi32>
    %add3A_1820 = arith.addi %add3A_1819, %iota3A : vector<16xi32>
    %eq3A_1821 = vector.broadcast %and3A_1756 : i32 to vector<16xi32>
    %eq3A_1822 = arith.cmpi eq, %add3A_1820, %eq3A_1821 : vector<16xi32>
    %select_n3A_1823 = arith.select %eq3A_1822, %get3A_1817, %select_n3A_1810 : vector<16xi1>, vector<16xf32>
    %get3A_1824 = arith.constant 7 : i32
    %get3A_1825 = arith.constant 7 : i32
    %get3A_1826 = arith.index_cast %get3A_1824 : i32 to index
    %get3A_1827 = arith.index_cast %get3A_1825 : i32 to index
    %get3A_1828 = arith.constant 80 : index
    %get3A_1829 = tpu.vector_load %arg6[%get3A_1826, %get3A_1827, %get3A_1828] {strides = array<i32>} : memref<32x8x128xf32, #tpu.memory_space<vmem>>, vector<1x1x16xf32>,
    %get3A_1830 = vector.shape_cast %get3A_1829 : vector<1x1x16xf32> to vector<16xf32>
    %add3A_1831 = arith.constant 80 : i32
    %add3A_1832 = vector.broadcast %add3A_1831 : i32 to vector<16xi32>
    %add3A_1833 = arith.addi %add3A_1832, %iota3A : vector<16xi32>
    %eq3A_1834 = vector.broadcast %and3A_1756 : i32 to vector<16xi32>
    %eq3A_1835 = arith.cmpi eq, %add3A_1833, %eq3A_1834 : vector<16xi32>
    %select_n3A_1836 = arith.select %eq3A_1835, %get3A_1830, %select_n3A_1823 : vector<16xi1>, vector<16xf32>
    %get3A_1837 = arith.constant 7 : i32
    %get3A_1838 = arith.constant 7 : i32
    %get3A_1839 = arith.index_cast %get3A_1837 : i32 to index
    %get3A_1840 = arith.index_cast %get3A_1838 : i32 to index
    %get3A_1841 = arith.constant 96 : index
    %get3A_1842 = tpu.vector_load %arg6[%get3A_1839, %get3A_1840, %get3A_1841] {strides = array<i32>} : memref<32x8x128xf32, #tpu.memory_space<vmem>>, vector<1x1x16xf32>,
    %get3A_1843 = vector.shape_cast %get3A_1842 : vector<1x1x16xf32> to vector<16xf32>
    %add3A_1844 = arith.constant 96 : i32
    %add3A_1845 = vector.broadcast %add3A_1844 : i32 to vector<16xi32>
    %add3A_1846 = arith.addi %add3A_1845, %iota3A : vector<16xi32>
    %eq3A_1847 = vector.broadcast %and3A_1756 : i32 to vector<16xi32>
    %eq3A_1848 = arith.cmpi eq, %add3A_1846, %eq3A_1847 : vector<16xi32>
    %select_n3A_1849 = arith.select %eq3A_1848, %get3A_1843, %select_n3A_1836 : vector<16xi1>, vector<16xf32>
    %get3A_1850 = arith.constant 7 : i32
    %get3A_1851 = arith.constant 7 : i32
    %get3A_1852 = arith.index_cast %get3A_1850 : i32 to index
    %get3A_1853 = arith.index_cast %get3A_1851 : i32 to index
    %get3A_1854 = arith.constant 112 : index
    %get3A_1855 = tpu.vector_load %arg6[%get3A_1852, %get3A_1853, %get3A_1854] {strides = array<i32>} : memref<32x8x128xf32, #tpu.memory_space<vmem>>, vector<1x1x16xf32>,
    %get3A_1856 = vector.shape_cast %get3A_1855 : vector<1x1x16xf32> to vector<16xf32>
    %add3A_1857 = arith.constant 112 : i32
    %add3A_1858 = vector.broadcast %add3A_1857 : i32 to vector<16xi32>
    %add3A_1859 = arith.addi %add3A_1858, %iota3A : vector<16xi32>
    %eq3A_1860 = vector.broadcast %and3A_1756 : i32 to vector<16xi32>
    %eq3A_1861 = arith.cmpi eq, %add3A_1859, %eq3A_1860 : vector<16xi32>
    %select_n3A_1862 = arith.select %eq3A_1861, %get3A_1856, %select_n3A_1849 : vector<16xi1>, vector<16xf32>
    %and3A_1863 = arith.constant 15 : i32
    %and3A_1864 = arith.andi %and3A_1756, %and3A_1863 : i32
    %broadcast_in_dim3A_1865 = vector.broadcast %and3A_1864 : i32 to vector<16xi32>
    %broadcast_in_dim3A_1866 = vector.shape_cast %broadcast_in_dim3A_1865 : vector<16xi32> to vector<16x1xi32>
    %gather3A_1867 = vector.shape_cast %broadcast_in_dim3A_1866 : vector<16x1xi32> to vector<16xi32>
    %gather3A_1868 = tpu.dynamic_gather %select_n3A_1862[%gather3A_1867] in [0] : vector<16xf32>, vector<16xi32> -> vector<16xf32>
    %eq3A_1869 = arith.constant 7 : i32
    %eq3A_1870 = vector.broadcast %eq3A_1869 : i32 to vector<16xi32>
    %eq3A_1871 = arith.cmpi eq, %iota3A, %eq3A_1870 : vector<16xi32>
    %select_n3A_1872 = arith.select %eq3A_1871, %gather3A_1868, %select_n3A_1754 : vector<16xi1>, vector<16xf32>
    %and3A_1873 = arith.constant 127 : i32
    %and3A_1874 = arith.andi %squeeze3A_146, %and3A_1873 : i32
    %broadcast_in_dim3A_1875 = arith.constant 0.000000e+00 : f32
    %broadcast_in_dim3A_1876 = vector.broadcast %broadcast_in_dim3A_1875 : f32 to vector<16xf32>
    %get3A_1877 = arith.constant 8 : i32
    %get3A_1878 = arith.constant 0 : i32
    %get3A_1879 = arith.index_cast %get3A_1877 : i32 to index
    %get3A_1880 = arith.index_cast %get3A_1878 : i32 to index
    %get3A_1881 = arith.constant 0 : index
    %get3A_1882 = tpu.vector_load %arg6[%get3A_1879, %get3A_1880, %get3A_1881] {strides = array<i32>} : memref<32x8x128xf32, #tpu.memory_space<vmem>>, vector<1x1x16xf32>,
    %get3A_1883 = vector.shape_cast %get3A_1882 : vector<1x1x16xf32> to vector<16xf32>
    %add3A_1884 = arith.constant 0 : i32
    %add3A_1885 = vector.broadcast %add3A_1884 : i32 to vector<16xi32>
    %add3A_1886 = arith.addi %add3A_1885, %iota3A : vector<16xi32>
    %eq3A_1887 = vector.broadcast %and3A_1874 : i32 to vector<16xi32>
    %eq3A_1888 = arith.cmpi eq, %add3A_1886, %eq3A_1887 : vector<16xi32>
    %select_n3A_1889 = arith.select %eq3A_1888, %get3A_1883, %broadcast_in_dim3A_1876 : vector<16xi1>, vector<16xf32>
    %get3A_1890 = arith.constant 8 : i32
    %get3A_1891 = arith.constant 0 : i32
    %get3A_1892 = arith.index_cast %get3A_1890 : i32 to index
    %get3A_1893 = arith.index_cast %get3A_1891 : i32 to index
    %get3A_1894 = arith.constant 16 : index
    %get3A_1895 = tpu.vector_load %arg6[%get3A_1892, %get3A_1893, %get3A_1894] {strides = array<i32>} : memref<32x8x128xf32, #tpu.memory_space<vmem>>, vector<1x1x16xf32>,
    %get3A_1896 = vector.shape_cast %get3A_1895 : vector<1x1x16xf32> to vector<16xf32>
    %add3A_1897 = arith.constant 16 : i32
    %add3A_1898 = vector.broadcast %add3A_1897 : i32 to vector<16xi32>
    %add3A_1899 = arith.addi %add3A_1898, %iota3A : vector<16xi32>
    %eq3A_1900 = vector.broadcast %and3A_1874 : i32 to vector<16xi32>
    %eq3A_1901 = arith.cmpi eq, %add3A_1899, %eq3A_1900 : vector<16xi32>
    %select_n3A_1902 = arith.select %eq3A_1901, %get3A_1896, %select_n3A_1889 : vector<16xi1>, vector<16xf32>
    %get3A_1903 = arith.constant 8 : i32
    %get3A_1904 = arith.constant 0 : i32
    %get3A_1905 = arith.index_cast %get3A_1903 : i32 to index
    %get3A_1906 = arith.index_cast %get3A_1904 : i32 to index
    %get3A_1907 = arith.constant 32 : index
    %get3A_1908 = tpu.vector_load %arg6[%get3A_1905, %get3A_1906, %get3A_1907] {strides = array<i32>} : memref<32x8x128xf32, #tpu.memory_space<vmem>>, vector<1x1x16xf32>,
    %get3A_1909 = vector.shape_cast %get3A_1908 : vector<1x1x16xf32> to vector<16xf32>
    %add3A_1910 = arith.constant 32 : i32
    %add3A_1911 = vector.broadcast %add3A_1910 : i32 to vector<16xi32>
    %add3A_1912 = arith.addi %add3A_1911, %iota3A : vector<16xi32>
    %eq3A_1913 = vector.broadcast %and3A_1874 : i32 to vector<16xi32>
    %eq3A_1914 = arith.cmpi eq, %add3A_1912, %eq3A_1913 : vector<16xi32>
    %select_n3A_1915 = arith.select %eq3A_1914, %get3A_1909, %select_n3A_1902 : vector<16xi1>, vector<16xf32>
    %get3A_1916 = arith.constant 8 : i32
    %get3A_1917 = arith.constant 0 : i32
    %get3A_1918 = arith.index_cast %get3A_1916 : i32 to index
    %get3A_1919 = arith.index_cast %get3A_1917 : i32 to index
    %get3A_1920 = arith.constant 48 : index
    %get3A_1921 = tpu.vector_load %arg6[%get3A_1918, %get3A_1919, %get3A_1920] {strides = array<i32>} : memref<32x8x128xf32, #tpu.memory_space<vmem>>, vector<1x1x16xf32>,
    %get3A_1922 = vector.shape_cast %get3A_1921 : vector<1x1x16xf32> to vector<16xf32>
    %add3A_1923 = arith.constant 48 : i32
    %add3A_1924 = vector.broadcast %add3A_1923 : i32 to vector<16xi32>
    %add3A_1925 = arith.addi %add3A_1924, %iota3A : vector<16xi32>
    %eq3A_1926 = vector.broadcast %and3A_1874 : i32 to vector<16xi32>
    %eq3A_1927 = arith.cmpi eq, %add3A_1925, %eq3A_1926 : vector<16xi32>
    %select_n3A_1928 = arith.select %eq3A_1927, %get3A_1922, %select_n3A_1915 : vector<16xi1>, vector<16xf32>
    %get3A_1929 = arith.constant 8 : i32
    %get3A_1930 = arith.constant 0 : i32
    %get3A_1931 = arith.index_cast %get3A_1929 : i32 to index
    %get3A_1932 = arith.index_cast %get3A_1930 : i32 to index
    %get3A_1933 = arith.constant 64 : index
    %get3A_1934 = tpu.vector_load %arg6[%get3A_1931, %get3A_1932, %get3A_1933] {strides = array<i32>} : memref<32x8x128xf32, #tpu.memory_space<vmem>>, vector<1x1x16xf32>,
    %get3A_1935 = vector.shape_cast %get3A_1934 : vector<1x1x16xf32> to vector<16xf32>
    %add3A_1936 = arith.constant 64 : i32
    %add3A_1937 = vector.broadcast %add3A_1936 : i32 to vector<16xi32>
    %add3A_1938 = arith.addi %add3A_1937, %iota3A : vector<16xi32>
    %eq3A_1939 = vector.broadcast %and3A_1874 : i32 to vector<16xi32>
    %eq3A_1940 = arith.cmpi eq, %add3A_1938, %eq3A_1939 : vector<16xi32>
    %select_n3A_1941 = arith.select %eq3A_1940, %get3A_1935, %select_n3A_1928 : vector<16xi1>, vector<16xf32>
    %get3A_1942 = arith.constant 8 : i32
    %get3A_1943 = arith.constant 0 : i32
    %get3A_1944 = arith.index_cast %get3A_1942 : i32 to index
    %get3A_1945 = arith.index_cast %get3A_1943 : i32 to index
    %get3A_1946 = arith.constant 80 : index
    %get3A_1947 = tpu.vector_load %arg6[%get3A_1944, %get3A_1945, %get3A_1946] {strides = array<i32>} : memref<32x8x128xf32, #tpu.memory_space<vmem>>, vector<1x1x16xf32>,
    %get3A_1948 = vector.shape_cast %get3A_1947 : vector<1x1x16xf32> to vector<16xf32>
    %add3A_1949 = arith.constant 80 : i32
    %add3A_1950 = vector.broadcast %add3A_1949 : i32 to vector<16xi32>
    %add3A_1951 = arith.addi %add3A_1950, %iota3A : vector<16xi32>
    %eq3A_1952 = vector.broadcast %and3A_1874 : i32 to vector<16xi32>
    %eq3A_1953 = arith.cmpi eq, %add3A_1951, %eq3A_1952 : vector<16xi32>
    %select_n3A_1954 = arith.select %eq3A_1953, %get3A_1948, %select_n3A_1941 : vector<16xi1>, vector<16xf32>
    %get3A_1955 = arith.constant 8 : i32
    %get3A_1956 = arith.constant 0 : i32
    %get3A_1957 = arith.index_cast %get3A_1955 : i32 to index
    %get3A_1958 = arith.index_cast %get3A_1956 : i32 to index
    %get3A_1959 = arith.constant 96 : index
    %get3A_1960 = tpu.vector_load %arg6[%get3A_1957, %get3A_1958, %get3A_1959] {strides = array<i32>} : memref<32x8x128xf32, #tpu.memory_space<vmem>>, vector<1x1x16xf32>,
    %get3A_1961 = vector.shape_cast %get3A_1960 : vector<1x1x16xf32> to vector<16xf32>
    %add3A_1962 = arith.constant 96 : i32
    %add3A_1963 = vector.broadcast %add3A_1962 : i32 to vector<16xi32>
    %add3A_1964 = arith.addi %add3A_1963, %iota3A : vector<16xi32>
    %eq3A_1965 = vector.broadcast %and3A_1874 : i32 to vector<16xi32>
    %eq3A_1966 = arith.cmpi eq, %add3A_1964, %eq3A_1965 : vector<16xi32>
    %select_n3A_1967 = arith.select %eq3A_1966, %get3A_1961, %select_n3A_1954 : vector<16xi1>, vector<16xf32>
    %get3A_1968 = arith.constant 8 : i32
    %get3A_1969 = arith.constant 0 : i32
    %get3A_1970 = arith.index_cast %get3A_1968 : i32 to index
    %get3A_1971 = arith.index_cast %get3A_1969 : i32 to index
    %get3A_1972 = arith.constant 112 : index
    %get3A_1973 = tpu.vector_load %arg6[%get3A_1970, %get3A_1971, %get3A_1972] {strides = array<i32>} : memref<32x8x128xf32, #tpu.memory_space<vmem>>, vector<1x1x16xf32>,
    %get3A_1974 = vector.shape_cast %get3A_1973 : vector<1x1x16xf32> to vector<16xf32>
    %add3A_1975 = arith.constant 112 : i32
    %add3A_1976 = vector.broadcast %add3A_1975 : i32 to vector<16xi32>
    %add3A_1977 = arith.addi %add3A_1976, %iota3A : vector<16xi32>
    %eq3A_1978 = vector.broadcast %and3A_1874 : i32 to vector<16xi32>
    %eq3A_1979 = arith.cmpi eq, %add3A_1977, %eq3A_1978 : vector<16xi32>
    %select_n3A_1980 = arith.select %eq3A_1979, %get3A_1974, %select_n3A_1967 : vector<16xi1>, vector<16xf32>
    %and3A_1981 = arith.constant 15 : i32
    %and3A_1982 = arith.andi %and3A_1874, %and3A_1981 : i32
    %broadcast_in_dim3A_1983 = vector.broadcast %and3A_1982 : i32 to vector<16xi32>
    %broadcast_in_dim3A_1984 = vector.shape_cast %broadcast_in_dim3A_1983 : vector<16xi32> to vector<16x1xi32>
    %gather3A_1985 = vector.shape_cast %broadcast_in_dim3A_1984 : vector<16x1xi32> to vector<16xi32>
    %gather3A_1986 = tpu.dynamic_gather %select_n3A_1980[%gather3A_1985] in [0] : vector<16xf32>, vector<16xi32> -> vector<16xf32>
    %eq3A_1987 = arith.constant 8 : i32
    %eq3A_1988 = vector.broadcast %eq3A_1987 : i32 to vector<16xi32>
    %eq3A_1989 = arith.cmpi eq, %iota3A, %eq3A_1988 : vector<16xi32>
    %select_n3A_1990 = arith.select %eq3A_1989, %gather3A_1986, %select_n3A_1872 : vector<16xi1>, vector<16xf32>
    %and3A_1991 = arith.constant 127 : i32
    %and3A_1992 = arith.andi %squeeze3A_164, %and3A_1991 : i32
    %broadcast_in_dim3A_1993 = arith.constant 0.000000e+00 : f32
    %broadcast_in_dim3A_1994 = vector.broadcast %broadcast_in_dim3A_1993 : f32 to vector<16xf32>
    %get3A_1995 = arith.constant 9 : i32
    %get3A_1996 = arith.constant 1 : i32
    %get3A_1997 = arith.index_cast %get3A_1995 : i32 to index
    %get3A_1998 = arith.index_cast %get3A_1996 : i32 to index
    %get3A_1999 = arith.constant 0 : index
    %get3A_2000 = tpu.vector_load %arg6[%get3A_1997, %get3A_1998, %get3A_1999] {strides = array<i32>} : memref<32x8x128xf32, #tpu.memory_space<vmem>>, vector<1x1x16xf32>,
    %get3A_2001 = vector.shape_cast %get3A_2000 : vector<1x1x16xf32> to vector<16xf32>
    %add3A_2002 = arith.constant 0 : i32
    %add3A_2003 = vector.broadcast %add3A_2002 : i32 to vector<16xi32>
    %add3A_2004 = arith.addi %add3A_2003, %iota3A : vector<16xi32>
    %eq3A_2005 = vector.broadcast %and3A_1992 : i32 to vector<16xi32>
    %eq3A_2006 = arith.cmpi eq, %add3A_2004, %eq3A_2005 : vector<16xi32>
    %select_n3A_2007 = arith.select %eq3A_2006, %get3A_2001, %broadcast_in_dim3A_1994 : vector<16xi1>, vector<16xf32>
    %get3A_2008 = arith.constant 9 : i32
    %get3A_2009 = arith.constant 1 : i32
    %get3A_2010 = arith.index_cast %get3A_2008 : i32 to index
    %get3A_2011 = arith.index_cast %get3A_2009 : i32 to index
    %get3A_2012 = arith.constant 16 : index
    %get3A_2013 = tpu.vector_load %arg6[%get3A_2010, %get3A_2011, %get3A_2012] {strides = array<i32>} : memref<32x8x128xf32, #tpu.memory_space<vmem>>, vector<1x1x16xf32>,
    %get3A_2014 = vector.shape_cast %get3A_2013 : vector<1x1x16xf32> to vector<16xf32>
    %add3A_2015 = arith.constant 16 : i32
    %add3A_2016 = vector.broadcast %add3A_2015 : i32 to vector<16xi32>
    %add3A_2017 = arith.addi %add3A_2016, %iota3A : vector<16xi32>
    %eq3A_2018 = vector.broadcast %and3A_1992 : i32 to vector<16xi32>
    %eq3A_2019 = arith.cmpi eq, %add3A_2017, %eq3A_2018 : vector<16xi32>
    %select_n3A_2020 = arith.select %eq3A_2019, %get3A_2014, %select_n3A_2007 : vector<16xi1>, vector<16xf32>
    %get3A_2021 = arith.constant 9 : i32
    %get3A_2022 = arith.constant 1 : i32
    %get3A_2023 = arith.index_cast %get3A_2021 : i32 to index
    %get3A_2024 = arith.index_cast %get3A_2022 : i32 to index
    %get3A_2025 = arith.constant 32 : index
    %get3A_2026 = tpu.vector_load %arg6[%get3A_2023, %get3A_2024, %get3A_2025] {strides = array<i32>} : memref<32x8x128xf32, #tpu.memory_space<vmem>>, vector<1x1x16xf32>,
    %get3A_2027 = vector.shape_cast %get3A_2026 : vector<1x1x16xf32> to vector<16xf32>
    %add3A_2028 = arith.constant 32 : i32
    %add3A_2029 = vector.broadcast %add3A_2028 : i32 to vector<16xi32>
    %add3A_2030 = arith.addi %add3A_2029, %iota3A : vector<16xi32>
    %eq3A_2031 = vector.broadcast %and3A_1992 : i32 to vector<16xi32>
    %eq3A_2032 = arith.cmpi eq, %add3A_2030, %eq3A_2031 : vector<16xi32>
    %select_n3A_2033 = arith.select %eq3A_2032, %get3A_2027, %select_n3A_2020 : vector<16xi1>, vector<16xf32>
    %get3A_2034 = arith.constant 9 : i32
    %get3A_2035 = arith.constant 1 : i32
    %get3A_2036 = arith.index_cast %get3A_2034 : i32 to index
    %get3A_2037 = arith.index_cast %get3A_2035 : i32 to index
    %get3A_2038 = arith.constant 48 : index
    %get3A_2039 = tpu.vector_load %arg6[%get3A_2036, %get3A_2037, %get3A_2038] {strides = array<i32>} : memref<32x8x128xf32, #tpu.memory_space<vmem>>, vector<1x1x16xf32>,
    %get3A_2040 = vector.shape_cast %get3A_2039 : vector<1x1x16xf32> to vector<16xf32>
    %add3A_2041 = arith.constant 48 : i32
    %add3A_2042 = vector.broadcast %add3A_2041 : i32 to vector<16xi32>
    %add3A_2043 = arith.addi %add3A_2042, %iota3A : vector<16xi32>
    %eq3A_2044 = vector.broadcast %and3A_1992 : i32 to vector<16xi32>
    %eq3A_2045 = arith.cmpi eq, %add3A_2043, %eq3A_2044 : vector<16xi32>
    %select_n3A_2046 = arith.select %eq3A_2045, %get3A_2040, %select_n3A_2033 : vector<16xi1>, vector<16xf32>
    %get3A_2047 = arith.constant 9 : i32
    %get3A_2048 = arith.constant 1 : i32
    %get3A_2049 = arith.index_cast %get3A_2047 : i32 to index
    %get3A_2050 = arith.index_cast %get3A_2048 : i32 to index
    %get3A_2051 = arith.constant 64 : index
    %get3A_2052 = tpu.vector_load %arg6[%get3A_2049, %get3A_2050, %get3A_2051] {strides = array<i32>} : memref<32x8x128xf32, #tpu.memory_space<vmem>>, vector<1x1x16xf32>,
    %get3A_2053 = vector.shape_cast %get3A_2052 : vector<1x1x16xf32> to vector<16xf32>
    %add3A_2054 = arith.constant 64 : i32
    %add3A_2055 = vector.broadcast %add3A_2054 : i32 to vector<16xi32>
    %add3A_2056 = arith.addi %add3A_2055, %iota3A : vector<16xi32>
    %eq3A_2057 = vector.broadcast %and3A_1992 : i32 to vector<16xi32>
    %eq3A_2058 = arith.cmpi eq, %add3A_2056, %eq3A_2057 : vector<16xi32>
    %select_n3A_2059 = arith.select %eq3A_2058, %get3A_2053, %select_n3A_2046 : vector<16xi1>, vector<16xf32>
    %get3A_2060 = arith.constant 9 : i32
    %get3A_2061 = arith.constant 1 : i32
    %get3A_2062 = arith.index_cast %get3A_2060 : i32 to index
    %get3A_2063 = arith.index_cast %get3A_2061 : i32 to index
    %get3A_2064 = arith.constant 80 : index
    %get3A_2065 = tpu.vector_load %arg6[%get3A_2062, %get3A_2063, %get3A_2064] {strides = array<i32>} : memref<32x8x128xf32, #tpu.memory_space<vmem>>, vector<1x1x16xf32>,
    %get3A_2066 = vector.shape_cast %get3A_2065 : vector<1x1x16xf32> to vector<16xf32>
    %add3A_2067 = arith.constant 80 : i32
    %add3A_2068 = vector.broadcast %add3A_2067 : i32 to vector<16xi32>
    %add3A_2069 = arith.addi %add3A_2068, %iota3A : vector<16xi32>
    %eq3A_2070 = vector.broadcast %and3A_1992 : i32 to vector<16xi32>
    %eq3A_2071 = arith.cmpi eq, %add3A_2069, %eq3A_2070 : vector<16xi32>
    %select_n3A_2072 = arith.select %eq3A_2071, %get3A_2066, %select_n3A_2059 : vector<16xi1>, vector<16xf32>
    %get3A_2073 = arith.constant 9 : i32
    %get3A_2074 = arith.constant 1 : i32
    %get3A_2075 = arith.index_cast %get3A_2073 : i32 to index
    %get3A_2076 = arith.index_cast %get3A_2074 : i32 to index
    %get3A_2077 = arith.constant 96 : index
    %get3A_2078 = tpu.vector_load %arg6[%get3A_2075, %get3A_2076, %get3A_2077] {strides = array<i32>} : memref<32x8x128xf32, #tpu.memory_space<vmem>>, vector<1x1x16xf32>,
    %get3A_2079 = vector.shape_cast %get3A_2078 : vector<1x1x16xf32> to vector<16xf32>
    %add3A_2080 = arith.constant 96 : i32
    %add3A_2081 = vector.broadcast %add3A_2080 : i32 to vector<16xi32>
    %add3A_2082 = arith.addi %add3A_2081, %iota3A : vector<16xi32>
    %eq3A_2083 = vector.broadcast %and3A_1992 : i32 to vector<16xi32>
    %eq3A_2084 = arith.cmpi eq, %add3A_2082, %eq3A_2083 : vector<16xi32>
    %select_n3A_2085 = arith.select %eq3A_2084, %get3A_2079, %select_n3A_2072 : vector<16xi1>, vector<16xf32>
    %get3A_2086 = arith.constant 9 : i32
    %get3A_2087 = arith.constant 1 : i32
    %get3A_2088 = arith.index_cast %get3A_2086 : i32 to index
    %get3A_2089 = arith.index_cast %get3A_2087 : i32 to index
    %get3A_2090 = arith.constant 112 : index
    %get3A_2091 = tpu.vector_load %arg6[%get3A_2088, %get3A_2089, %get3A_2090] {strides = array<i32>} : memref<32x8x128xf32, #tpu.memory_space<vmem>>, vector<1x1x16xf32>,
    %get3A_2092 = vector.shape_cast %get3A_2091 : vector<1x1x16xf32> to vector<16xf32>
    %add3A_2093 = arith.constant 112 : i32
    %add3A_2094 = vector.broadcast %add3A_2093 : i32 to vector<16xi32>
    %add3A_2095 = arith.addi %add3A_2094, %iota3A : vector<16xi32>
    %eq3A_2096 = vector.broadcast %and3A_1992 : i32 to vector<16xi32>
    %eq3A_2097 = arith.cmpi eq, %add3A_2095, %eq3A_2096 : vector<16xi32>
    %select_n3A_2098 = arith.select %eq3A_2097, %get3A_2092, %select_n3A_2085 : vector<16xi1>, vector<16xf32>
    %and3A_2099 = arith.constant 15 : i32
    %and3A_2100 = arith.andi %and3A_1992, %and3A_2099 : i32
    %broadcast_in_dim3A_2101 = vector.broadcast %and3A_2100 : i32 to vector<16xi32>
    %broadcast_in_dim3A_2102 = vector.shape_cast %broadcast_in_dim3A_2101 : vector<16xi32> to vector<16x1xi32>
    %gather3A_2103 = vector.shape_cast %broadcast_in_dim3A_2102 : vector<16x1xi32> to vector<16xi32>
    %gather3A_2104 = tpu.dynamic_gather %select_n3A_2098[%gather3A_2103] in [0] : vector<16xf32>, vector<16xi32> -> vector<16xf32>
    %eq3A_2105 = arith.constant 9 : i32
    %eq3A_2106 = vector.broadcast %eq3A_2105 : i32 to vector<16xi32>
    %eq3A_2107 = arith.cmpi eq, %iota3A, %eq3A_2106 : vector<16xi32>
    %select_n3A_2108 = arith.select %eq3A_2107, %gather3A_2104, %select_n3A_1990 : vector<16xi1>, vector<16xf32>
    %and3A_2109 = arith.constant 127 : i32
    %and3A_2110 = arith.andi %squeeze3A_182, %and3A_2109 : i32
    %broadcast_in_dim3A_2111 = arith.constant 0.000000e+00 : f32
    %broadcast_in_dim3A_2112 = vector.broadcast %broadcast_in_dim3A_2111 : f32 to vector<16xf32>
    %get3A_2113 = arith.constant 10 : i32
    %get3A_2114 = arith.constant 2 : i32
    %get3A_2115 = arith.index_cast %get3A_2113 : i32 to index
    %get3A_2116 = arith.index_cast %get3A_2114 : i32 to index
    %get3A_2117 = arith.constant 0 : index
    %get3A_2118 = tpu.vector_load %arg6[%get3A_2115, %get3A_2116, %get3A_2117] {strides = array<i32>} : memref<32x8x128xf32, #tpu.memory_space<vmem>>, vector<1x1x16xf32>,
    %get3A_2119 = vector.shape_cast %get3A_2118 : vector<1x1x16xf32> to vector<16xf32>
    %add3A_2120 = arith.constant 0 : i32
    %add3A_2121 = vector.broadcast %add3A_2120 : i32 to vector<16xi32>
    %add3A_2122 = arith.addi %add3A_2121, %iota3A : vector<16xi32>
    %eq3A_2123 = vector.broadcast %and3A_2110 : i32 to vector<16xi32>
    %eq3A_2124 = arith.cmpi eq, %add3A_2122, %eq3A_2123 : vector<16xi32>
    %select_n3A_2125 = arith.select %eq3A_2124, %get3A_2119, %broadcast_in_dim3A_2112 : vector<16xi1>, vector<16xf32>
    %get3A_2126 = arith.constant 10 : i32
    %get3A_2127 = arith.constant 2 : i32
    %get3A_2128 = arith.index_cast %get3A_2126 : i32 to index
    %get3A_2129 = arith.index_cast %get3A_2127 : i32 to index
    %get3A_2130 = arith.constant 16 : index
    %get3A_2131 = tpu.vector_load %arg6[%get3A_2128, %get3A_2129, %get3A_2130] {strides = array<i32>} : memref<32x8x128xf32, #tpu.memory_space<vmem>>, vector<1x1x16xf32>,
    %get3A_2132 = vector.shape_cast %get3A_2131 : vector<1x1x16xf32> to vector<16xf32>
    %add3A_2133 = arith.constant 16 : i32
    %add3A_2134 = vector.broadcast %add3A_2133 : i32 to vector<16xi32>
    %add3A_2135 = arith.addi %add3A_2134, %iota3A : vector<16xi32>
    %eq3A_2136 = vector.broadcast %and3A_2110 : i32 to vector<16xi32>
    %eq3A_2137 = arith.cmpi eq, %add3A_2135, %eq3A_2136 : vector<16xi32>
    %select_n3A_2138 = arith.select %eq3A_2137, %get3A_2132, %select_n3A_2125 : vector<16xi1>, vector<16xf32>
    %get3A_2139 = arith.constant 10 : i32
    %get3A_2140 = arith.constant 2 : i32
    %get3A_2141 = arith.index_cast %get3A_2139 : i32 to index
    %get3A_2142 = arith.index_cast %get3A_2140 : i32 to index
    %get3A_2143 = arith.constant 32 : index
    %get3A_2144 = tpu.vector_load %arg6[%get3A_2141, %get3A_2142, %get3A_2143] {strides = array<i32>} : memref<32x8x128xf32, #tpu.memory_space<vmem>>, vector<1x1x16xf32>,
    %get3A_2145 = vector.shape_cast %get3A_2144 : vector<1x1x16xf32> to vector<16xf32>
    %add3A_2146 = arith.constant 32 : i32
    %add3A_2147 = vector.broadcast %add3A_2146 : i32 to vector<16xi32>
    %add3A_2148 = arith.addi %add3A_2147, %iota3A : vector<16xi32>
    %eq3A_2149 = vector.broadcast %and3A_2110 : i32 to vector<16xi32>
    %eq3A_2150 = arith.cmpi eq, %add3A_2148, %eq3A_2149 : vector<16xi32>
    %select_n3A_2151 = arith.select %eq3A_2150, %get3A_2145, %select_n3A_2138 : vector<16xi1>, vector<16xf32>
    %get3A_2152 = arith.constant 10 : i32
    %get3A_2153 = arith.constant 2 : i32
    %get3A_2154 = arith.index_cast %get3A_2152 : i32 to index
    %get3A_2155 = arith.index_cast %get3A_2153 : i32 to index
    %get3A_2156 = arith.constant 48 : index
    %get3A_2157 = tpu.vector_load %arg6[%get3A_2154, %get3A_2155, %get3A_2156] {strides = array<i32>} : memref<32x8x128xf32, #tpu.memory_space<vmem>>, vector<1x1x16xf32>,
    %get3A_2158 = vector.shape_cast %get3A_2157 : vector<1x1x16xf32> to vector<16xf32>
    %add3A_2159 = arith.constant 48 : i32
    %add3A_2160 = vector.broadcast %add3A_2159 : i32 to vector<16xi32>
    %add3A_2161 = arith.addi %add3A_2160, %iota3A : vector<16xi32>
    %eq3A_2162 = vector.broadcast %and3A_2110 : i32 to vector<16xi32>
    %eq3A_2163 = arith.cmpi eq, %add3A_2161, %eq3A_2162 : vector<16xi32>
    %select_n3A_2164 = arith.select %eq3A_2163, %get3A_2158, %select_n3A_2151 : vector<16xi1>, vector<16xf32>
    %get3A_2165 = arith.constant 10 : i32
    %get3A_2166 = arith.constant 2 : i32
    %get3A_2167 = arith.index_cast %get3A_2165 : i32 to index
    %get3A_2168 = arith.index_cast %get3A_2166 : i32 to index
    %get3A_2169 = arith.constant 64 : index
    %get3A_2170 = tpu.vector_load %arg6[%get3A_2167, %get3A_2168, %get3A_2169] {strides = array<i32>} : memref<32x8x128xf32, #tpu.memory_space<vmem>>, vector<1x1x16xf32>,
    %get3A_2171 = vector.shape_cast %get3A_2170 : vector<1x1x16xf32> to vector<16xf32>
    %add3A_2172 = arith.constant 64 : i32
    %add3A_2173 = vector.broadcast %add3A_2172 : i32 to vector<16xi32>
    %add3A_2174 = arith.addi %add3A_2173, %iota3A : vector<16xi32>
    %eq3A_2175 = vector.broadcast %and3A_2110 : i32 to vector<16xi32>
    %eq3A_2176 = arith.cmpi eq, %add3A_2174, %eq3A_2175 : vector<16xi32>
    %select_n3A_2177 = arith.select %eq3A_2176, %get3A_2171, %select_n3A_2164 : vector<16xi1>, vector<16xf32>
    %get3A_2178 = arith.constant 10 : i32
    %get3A_2179 = arith.constant 2 : i32
    %get3A_2180 = arith.index_cast %get3A_2178 : i32 to index
    %get3A_2181 = arith.index_cast %get3A_2179 : i32 to index
    %get3A_2182 = arith.constant 80 : index
    %get3A_2183 = tpu.vector_load %arg6[%get3A_2180, %get3A_2181, %get3A_2182] {strides = array<i32>} : memref<32x8x128xf32, #tpu.memory_space<vmem>>, vector<1x1x16xf32>,
    %get3A_2184 = vector.shape_cast %get3A_2183 : vector<1x1x16xf32> to vector<16xf32>
    %add3A_2185 = arith.constant 80 : i32
    %add3A_2186 = vector.broadcast %add3A_2185 : i32 to vector<16xi32>
    %add3A_2187 = arith.addi %add3A_2186, %iota3A : vector<16xi32>
    %eq3A_2188 = vector.broadcast %and3A_2110 : i32 to vector<16xi32>
    %eq3A_2189 = arith.cmpi eq, %add3A_2187, %eq3A_2188 : vector<16xi32>
    %select_n3A_2190 = arith.select %eq3A_2189, %get3A_2184, %select_n3A_2177 : vector<16xi1>, vector<16xf32>
    %get3A_2191 = arith.constant 10 : i32
    %get3A_2192 = arith.constant 2 : i32
    %get3A_2193 = arith.index_cast %get3A_2191 : i32 to index
    %get3A_2194 = arith.index_cast %get3A_2192 : i32 to index
    %get3A_2195 = arith.constant 96 : index
    %get3A_2196 = tpu.vector_load %arg6[%get3A_2193, %get3A_2194, %get3A_2195] {strides = array<i32>} : memref<32x8x128xf32, #tpu.memory_space<vmem>>, vector<1x1x16xf32>,
    %get3A_2197 = vector.shape_cast %get3A_2196 : vector<1x1x16xf32> to vector<16xf32>
    %add3A_2198 = arith.constant 96 : i32
    %add3A_2199 = vector.broadcast %add3A_2198 : i32 to vector<16xi32>
    %add3A_2200 = arith.addi %add3A_2199, %iota3A : vector<16xi32>
    %eq3A_2201 = vector.broadcast %and3A_2110 : i32 to vector<16xi32>
    %eq3A_2202 = arith.cmpi eq, %add3A_2200, %eq3A_2201 : vector<16xi32>
    %select_n3A_2203 = arith.select %eq3A_2202, %get3A_2197, %select_n3A_2190 : vector<16xi1>, vector<16xf32>
    %get3A_2204 = arith.constant 10 : i32
    %get3A_2205 = arith.constant 2 : i32
    %get3A_2206 = arith.index_cast %get3A_2204 : i32 to index
    %get3A_2207 = arith.index_cast %get3A_2205 : i32 to index
    %get3A_2208 = arith.constant 112 : index
    %get3A_2209 = tpu.vector_load %arg6[%get3A_2206, %get3A_2207, %get3A_2208] {strides = array<i32>} : memref<32x8x128xf32, #tpu.memory_space<vmem>>, vector<1x1x16xf32>,
    %get3A_2210 = vector.shape_cast %get3A_2209 : vector<1x1x16xf32> to vector<16xf32>
    %add3A_2211 = arith.constant 112 : i32
    %add3A_2212 = vector.broadcast %add3A_2211 : i32 to vector<16xi32>
    %add3A_2213 = arith.addi %add3A_2212, %iota3A : vector<16xi32>
    %eq3A_2214 = vector.broadcast %and3A_2110 : i32 to vector<16xi32>
    %eq3A_2215 = arith.cmpi eq, %add3A_2213, %eq3A_2214 : vector<16xi32>
    %select_n3A_2216 = arith.select %eq3A_2215, %get3A_2210, %select_n3A_2203 : vector<16xi1>, vector<16xf32>
    %and3A_2217 = arith.constant 15 : i32
    %and3A_2218 = arith.andi %and3A_2110, %and3A_2217 : i32
    %broadcast_in_dim3A_2219 = vector.broadcast %and3A_2218 : i32 to vector<16xi32>
    %broadcast_in_dim3A_2220 = vector.shape_cast %broadcast_in_dim3A_2219 : vector<16xi32> to vector<16x1xi32>
    %gather3A_2221 = vector.shape_cast %broadcast_in_dim3A_2220 : vector<16x1xi32> to vector<16xi32>
    %gather3A_2222 = tpu.dynamic_gather %select_n3A_2216[%gather3A_2221] in [0] : vector<16xf32>, vector<16xi32> -> vector<16xf32>
    %eq3A_2223 = arith.constant 10 : i32
    %eq3A_2224 = vector.broadcast %eq3A_2223 : i32 to vector<16xi32>
    %eq3A_2225 = arith.cmpi eq, %iota3A, %eq3A_2224 : vector<16xi32>
    %select_n3A_2226 = arith.select %eq3A_2225, %gather3A_2222, %select_n3A_2108 : vector<16xi1>, vector<16xf32>
    %and3A_2227 = arith.constant 127 : i32
    %and3A_2228 = arith.andi %squeeze3A_200, %and3A_2227 : i32
    %broadcast_in_dim3A_2229 = arith.constant 0.000000e+00 : f32
    %broadcast_in_dim3A_2230 = vector.broadcast %broadcast_in_dim3A_2229 : f32 to vector<16xf32>
    %get3A_2231 = arith.constant 11 : i32
    %get3A_2232 = arith.constant 3 : i32
    %get3A_2233 = arith.index_cast %get3A_2231 : i32 to index
    %get3A_2234 = arith.index_cast %get3A_2232 : i32 to index
    %get3A_2235 = arith.constant 0 : index
    %get3A_2236 = tpu.vector_load %arg6[%get3A_2233, %get3A_2234, %get3A_2235] {strides = array<i32>} : memref<32x8x128xf32, #tpu.memory_space<vmem>>, vector<1x1x16xf32>,
    %get3A_2237 = vector.shape_cast %get3A_2236 : vector<1x1x16xf32> to vector<16xf32>
    %add3A_2238 = arith.constant 0 : i32
    %add3A_2239 = vector.broadcast %add3A_2238 : i32 to vector<16xi32>
    %add3A_2240 = arith.addi %add3A_2239, %iota3A : vector<16xi32>
    %eq3A_2241 = vector.broadcast %and3A_2228 : i32 to vector<16xi32>
    %eq3A_2242 = arith.cmpi eq, %add3A_2240, %eq3A_2241 : vector<16xi32>
    %select_n3A_2243 = arith.select %eq3A_2242, %get3A_2237, %broadcast_in_dim3A_2230 : vector<16xi1>, vector<16xf32>
    %get3A_2244 = arith.constant 11 : i32
    %get3A_2245 = arith.constant 3 : i32
    %get3A_2246 = arith.index_cast %get3A_2244 : i32 to index
    %get3A_2247 = arith.index_cast %get3A_2245 : i32 to index
    %get3A_2248 = arith.constant 16 : index
    %get3A_2249 = tpu.vector_load %arg6[%get3A_2246, %get3A_2247, %get3A_2248] {strides = array<i32>} : memref<32x8x128xf32, #tpu.memory_space<vmem>>, vector<1x1x16xf32>,
    %get3A_2250 = vector.shape_cast %get3A_2249 : vector<1x1x16xf32> to vector<16xf32>
    %add3A_2251 = arith.constant 16 : i32
    %add3A_2252 = vector.broadcast %add3A_2251 : i32 to vector<16xi32>
    %add3A_2253 = arith.addi %add3A_2252, %iota3A : vector<16xi32>
    %eq3A_2254 = vector.broadcast %and3A_2228 : i32 to vector<16xi32>
    %eq3A_2255 = arith.cmpi eq, %add3A_2253, %eq3A_2254 : vector<16xi32>
    %select_n3A_2256 = arith.select %eq3A_2255, %get3A_2250, %select_n3A_2243 : vector<16xi1>, vector<16xf32>
    %get3A_2257 = arith.constant 11 : i32
    %get3A_2258 = arith.constant 3 : i32
    %get3A_2259 = arith.index_cast %get3A_2257 : i32 to index
    %get3A_2260 = arith.index_cast %get3A_2258 : i32 to index
    %get3A_2261 = arith.constant 32 : index
    %get3A_2262 = tpu.vector_load %arg6[%get3A_2259, %get3A_2260, %get3A_2261] {strides = array<i32>} : memref<32x8x128xf32, #tpu.memory_space<vmem>>, vector<1x1x16xf32>,
    %get3A_2263 = vector.shape_cast %get3A_2262 : vector<1x1x16xf32> to vector<16xf32>
    %add3A_2264 = arith.constant 32 : i32
    %add3A_2265 = vector.broadcast %add3A_2264 : i32 to vector<16xi32>
    %add3A_2266 = arith.addi %add3A_2265, %iota3A : vector<16xi32>
    %eq3A_2267 = vector.broadcast %and3A_2228 : i32 to vector<16xi32>
    %eq3A_2268 = arith.cmpi eq, %add3A_2266, %eq3A_2267 : vector<16xi32>
    %select_n3A_2269 = arith.select %eq3A_2268, %get3A_2263, %select_n3A_2256 : vector<16xi1>, vector<16xf32>
    %get3A_2270 = arith.constant 11 : i32
    %get3A_2271 = arith.constant 3 : i32
    %get3A_2272 = arith.index_cast %get3A_2270 : i32 to index
    %get3A_2273 = arith.index_cast %get3A_2271 : i32 to index
    %get3A_2274 = arith.constant 48 : index
    %get3A_2275 = tpu.vector_load %arg6[%get3A_2272, %get3A_2273, %get3A_2274] {strides = array<i32>} : memref<32x8x128xf32, #tpu.memory_space<vmem>>, vector<1x1x16xf32>,
    %get3A_2276 = vector.shape_cast %get3A_2275 : vector<1x1x16xf32> to vector<16xf32>
    %add3A_2277 = arith.constant 48 : i32
    %add3A_2278 = vector.broadcast %add3A_2277 : i32 to vector<16xi32>
    %add3A_2279 = arith.addi %add3A_2278, %iota3A : vector<16xi32>
    %eq3A_2280 = vector.broadcast %and3A_2228 : i32 to vector<16xi32>
    %eq3A_2281 = arith.cmpi eq, %add3A_2279, %eq3A_2280 : vector<16xi32>
    %select_n3A_2282 = arith.select %eq3A_2281, %get3A_2276, %select_n3A_2269 : vector<16xi1>, vector<16xf32>
    %get3A_2283 = arith.constant 11 : i32
    %get3A_2284 = arith.constant 3 : i32
    %get3A_2285 = arith.index_cast %get3A_2283 : i32 to index
    %get3A_2286 = arith.index_cast %get3A_2284 : i32 to index
    %get3A_2287 = arith.constant 64 : index
    %get3A_2288 = tpu.vector_load %arg6[%get3A_2285, %get3A_2286, %get3A_2287] {strides = array<i32>} : memref<32x8x128xf32, #tpu.memory_space<vmem>>, vector<1x1x16xf32>,
    %get3A_2289 = vector.shape_cast %get3A_2288 : vector<1x1x16xf32> to vector<16xf32>
    %add3A_2290 = arith.constant 64 : i32
    %add3A_2291 = vector.broadcast %add3A_2290 : i32 to vector<16xi32>
    %add3A_2292 = arith.addi %add3A_2291, %iota3A : vector<16xi32>
    %eq3A_2293 = vector.broadcast %and3A_2228 : i32 to vector<16xi32>
    %eq3A_2294 = arith.cmpi eq, %add3A_2292, %eq3A_2293 : vector<16xi32>
    %select_n3A_2295 = arith.select %eq3A_2294, %get3A_2289, %select_n3A_2282 : vector<16xi1>, vector<16xf32>
    %get3A_2296 = arith.constant 11 : i32
    %get3A_2297 = arith.constant 3 : i32
    %get3A_2298 = arith.index_cast %get3A_2296 : i32 to index
    %get3A_2299 = arith.index_cast %get3A_2297 : i32 to index
    %get3A_2300 = arith.constant 80 : index
    %get3A_2301 = tpu.vector_load %arg6[%get3A_2298, %get3A_2299, %get3A_2300] {strides = array<i32>} : memref<32x8x128xf32, #tpu.memory_space<vmem>>, vector<1x1x16xf32>,
    %get3A_2302 = vector.shape_cast %get3A_2301 : vector<1x1x16xf32> to vector<16xf32>
    %add3A_2303 = arith.constant 80 : i32
    %add3A_2304 = vector.broadcast %add3A_2303 : i32 to vector<16xi32>
    %add3A_2305 = arith.addi %add3A_2304, %iota3A : vector<16xi32>
    %eq3A_2306 = vector.broadcast %and3A_2228 : i32 to vector<16xi32>
    %eq3A_2307 = arith.cmpi eq, %add3A_2305, %eq3A_2306 : vector<16xi32>
    %select_n3A_2308 = arith.select %eq3A_2307, %get3A_2302, %select_n3A_2295 : vector<16xi1>, vector<16xf32>
    %get3A_2309 = arith.constant 11 : i32
    %get3A_2310 = arith.constant 3 : i32
    %get3A_2311 = arith.index_cast %get3A_2309 : i32 to index
    %get3A_2312 = arith.index_cast %get3A_2310 : i32 to index
    %get3A_2313 = arith.constant 96 : index
    %get3A_2314 = tpu.vector_load %arg6[%get3A_2311, %get3A_2312, %get3A_2313] {strides = array<i32>} : memref<32x8x128xf32, #tpu.memory_space<vmem>>, vector<1x1x16xf32>,
    %get3A_2315 = vector.shape_cast %get3A_2314 : vector<1x1x16xf32> to vector<16xf32>
    %add3A_2316 = arith.constant 96 : i32
    %add3A_2317 = vector.broadcast %add3A_2316 : i32 to vector<16xi32>
    %add3A_2318 = arith.addi %add3A_2317, %iota3A : vector<16xi32>
    %eq3A_2319 = vector.broadcast %and3A_2228 : i32 to vector<16xi32>
    %eq3A_2320 = arith.cmpi eq, %add3A_2318, %eq3A_2319 : vector<16xi32>
    %select_n3A_2321 = arith.select %eq3A_2320, %get3A_2315, %select_n3A_2308 : vector<16xi1>, vector<16xf32>
    %get3A_2322 = arith.constant 11 : i32
    %get3A_2323 = arith.constant 3 : i32
    %get3A_2324 = arith.index_cast %get3A_2322 : i32 to index
    %get3A_2325 = arith.index_cast %get3A_2323 : i32 to index
    %get3A_2326 = arith.constant 112 : index
    %get3A_2327 = tpu.vector_load %arg6[%get3A_2324, %get3A_2325, %get3A_2326] {strides = array<i32>} : memref<32x8x128xf32, #tpu.memory_space<vmem>>, vector<1x1x16xf32>,
    %get3A_2328 = vector.shape_cast %get3A_2327 : vector<1x1x16xf32> to vector<16xf32>
    %add3A_2329 = arith.constant 112 : i32
    %add3A_2330 = vector.broadcast %add3A_2329 : i32 to vector<16xi32>
    %add3A_2331 = arith.addi %add3A_2330, %iota3A : vector<16xi32>
    %eq3A_2332 = vector.broadcast %and3A_2228 : i32 to vector<16xi32>
    %eq3A_2333 = arith.cmpi eq, %add3A_2331, %eq3A_2332 : vector<16xi32>
    %select_n3A_2334 = arith.select %eq3A_2333, %get3A_2328, %select_n3A_2321 : vector<16xi1>, vector<16xf32>
    %and3A_2335 = arith.constant 15 : i32
    %and3A_2336 = arith.andi %and3A_2228, %and3A_2335 : i32
    %broadcast_in_dim3A_2337 = vector.broadcast %and3A_2336 : i32 to vector<16xi32>
    %broadcast_in_dim3A_2338 = vector.shape_cast %broadcast_in_dim3A_2337 : vector<16xi32> to vector<16x1xi32>
    %gather3A_2339 = vector.shape_cast %broadcast_in_dim3A_2338 : vector<16x1xi32> to vector<16xi32>
    %gather3A_2340 = tpu.dynamic_gather %select_n3A_2334[%gather3A_2339] in [0] : vector<16xf32>, vector<16xi32> -> vector<16xf32>
    %eq3A_2341 = arith.constant 11 : i32
    %eq3A_2342 = vector.broadcast %eq3A_2341 : i32 to vector<16xi32>
    %eq3A_2343 = arith.cmpi eq, %iota3A, %eq3A_2342 : vector<16xi32>
    %select_n3A_2344 = arith.select %eq3A_2343, %gather3A_2340, %select_n3A_2226 : vector<16xi1>, vector<16xf32>
    %and3A_2345 = arith.constant 127 : i32
    %and3A_2346 = arith.andi %squeeze3A_218, %and3A_2345 : i32
    %broadcast_in_dim3A_2347 = arith.constant 0.000000e+00 : f32
    %broadcast_in_dim3A_2348 = vector.broadcast %broadcast_in_dim3A_2347 : f32 to vector<16xf32>
    %get3A_2349 = arith.constant 12 : i32
    %get3A_2350 = arith.constant 4 : i32
    %get3A_2351 = arith.index_cast %get3A_2349 : i32 to index
    %get3A_2352 = arith.index_cast %get3A_2350 : i32 to index
    %get3A_2353 = arith.constant 0 : index
    %get3A_2354 = tpu.vector_load %arg6[%get3A_2351, %get3A_2352, %get3A_2353] {strides = array<i32>} : memref<32x8x128xf32, #tpu.memory_space<vmem>>, vector<1x1x16xf32>,
    %get3A_2355 = vector.shape_cast %get3A_2354 : vector<1x1x16xf32> to vector<16xf32>
    %add3A_2356 = arith.constant 0 : i32
    %add3A_2357 = vector.broadcast %add3A_2356 : i32 to vector<16xi32>
    %add3A_2358 = arith.addi %add3A_2357, %iota3A : vector<16xi32>
    %eq3A_2359 = vector.broadcast %and3A_2346 : i32 to vector<16xi32>
    %eq3A_2360 = arith.cmpi eq, %add3A_2358, %eq3A_2359 : vector<16xi32>
    %select_n3A_2361 = arith.select %eq3A_2360, %get3A_2355, %broadcast_in_dim3A_2348 : vector<16xi1>, vector<16xf32>
    %get3A_2362 = arith.constant 12 : i32
    %get3A_2363 = arith.constant 4 : i32
    %get3A_2364 = arith.index_cast %get3A_2362 : i32 to index
    %get3A_2365 = arith.index_cast %get3A_2363 : i32 to index
    %get3A_2366 = arith.constant 16 : index
    %get3A_2367 = tpu.vector_load %arg6[%get3A_2364, %get3A_2365, %get3A_2366] {strides = array<i32>} : memref<32x8x128xf32, #tpu.memory_space<vmem>>, vector<1x1x16xf32>,
    %get3A_2368 = vector.shape_cast %get3A_2367 : vector<1x1x16xf32> to vector<16xf32>
    %add3A_2369 = arith.constant 16 : i32
    %add3A_2370 = vector.broadcast %add3A_2369 : i32 to vector<16xi32>
    %add3A_2371 = arith.addi %add3A_2370, %iota3A : vector<16xi32>
    %eq3A_2372 = vector.broadcast %and3A_2346 : i32 to vector<16xi32>
    %eq3A_2373 = arith.cmpi eq, %add3A_2371, %eq3A_2372 : vector<16xi32>
    %select_n3A_2374 = arith.select %eq3A_2373, %get3A_2368, %select_n3A_2361 : vector<16xi1>, vector<16xf32>
    %get3A_2375 = arith.constant 12 : i32
    %get3A_2376 = arith.constant 4 : i32
    %get3A_2377 = arith.index_cast %get3A_2375 : i32 to index
    %get3A_2378 = arith.index_cast %get3A_2376 : i32 to index
    %get3A_2379 = arith.constant 32 : index
    %get3A_2380 = tpu.vector_load %arg6[%get3A_2377, %get3A_2378, %get3A_2379] {strides = array<i32>} : memref<32x8x128xf32, #tpu.memory_space<vmem>>, vector<1x1x16xf32>,
    %get3A_2381 = vector.shape_cast %get3A_2380 : vector<1x1x16xf32> to vector<16xf32>
    %add3A_2382 = arith.constant 32 : i32
    %add3A_2383 = vector.broadcast %add3A_2382 : i32 to vector<16xi32>
    %add3A_2384 = arith.addi %add3A_2383, %iota3A : vector<16xi32>
    %eq3A_2385 = vector.broadcast %and3A_2346 : i32 to vector<16xi32>
    %eq3A_2386 = arith.cmpi eq, %add3A_2384, %eq3A_2385 : vector<16xi32>
    %select_n3A_2387 = arith.select %eq3A_2386, %get3A_2381, %select_n3A_2374 : vector<16xi1>, vector<16xf32>
    %get3A_2388 = arith.constant 12 : i32
    %get3A_2389 = arith.constant 4 : i32
    %get3A_2390 = arith.index_cast %get3A_2388 : i32 to index
    %get3A_2391 = arith.index_cast %get3A_2389 : i32 to index
    %get3A_2392 = arith.constant 48 : index
    %get3A_2393 = tpu.vector_load %arg6[%get3A_2390, %get3A_2391, %get3A_2392] {strides = array<i32>} : memref<32x8x128xf32, #tpu.memory_space<vmem>>, vector<1x1x16xf32>,
    %get3A_2394 = vector.shape_cast %get3A_2393 : vector<1x1x16xf32> to vector<16xf32>
    %add3A_2395 = arith.constant 48 : i32
    %add3A_2396 = vector.broadcast %add3A_2395 : i32 to vector<16xi32>
    %add3A_2397 = arith.addi %add3A_2396, %iota3A : vector<16xi32>
    %eq3A_2398 = vector.broadcast %and3A_2346 : i32 to vector<16xi32>
    %eq3A_2399 = arith.cmpi eq, %add3A_2397, %eq3A_2398 : vector<16xi32>
    %select_n3A_2400 = arith.select %eq3A_2399, %get3A_2394, %select_n3A_2387 : vector<16xi1>, vector<16xf32>
    %get3A_2401 = arith.constant 12 : i32
    %get3A_2402 = arith.constant 4 : i32
    %get3A_2403 = arith.index_cast %get3A_2401 : i32 to index
    %get3A_2404 = arith.index_cast %get3A_2402 : i32 to index
    %get3A_2405 = arith.constant 64 : index
    %get3A_2406 = tpu.vector_load %arg6[%get3A_2403, %get3A_2404, %get3A_2405] {strides = array<i32>} : memref<32x8x128xf32, #tpu.memory_space<vmem>>, vector<1x1x16xf32>,
    %get3A_2407 = vector.shape_cast %get3A_2406 : vector<1x1x16xf32> to vector<16xf32>
    %add3A_2408 = arith.constant 64 : i32
    %add3A_2409 = vector.broadcast %add3A_2408 : i32 to vector<16xi32>
    %add3A_2410 = arith.addi %add3A_2409, %iota3A : vector<16xi32>
    %eq3A_2411 = vector.broadcast %and3A_2346 : i32 to vector<16xi32>
    %eq3A_2412 = arith.cmpi eq, %add3A_2410, %eq3A_2411 : vector<16xi32>
    %select_n3A_2413 = arith.select %eq3A_2412, %get3A_2407, %select_n3A_2400 : vector<16xi1>, vector<16xf32>
    %get3A_2414 = arith.constant 12 : i32
    %get3A_2415 = arith.constant 4 : i32
    %get3A_2416 = arith.index_cast %get3A_2414 : i32 to index
    %get3A_2417 = arith.index_cast %get3A_2415 : i32 to index
    %get3A_2418 = arith.constant 80 : index
    %get3A_2419 = tpu.vector_load %arg6[%get3A_2416, %get3A_2417, %get3A_2418] {strides = array<i32>} : memref<32x8x128xf32, #tpu.memory_space<vmem>>, vector<1x1x16xf32>,
    %get3A_2420 = vector.shape_cast %get3A_2419 : vector<1x1x16xf32> to vector<16xf32>
    %add3A_2421 = arith.constant 80 : i32
    %add3A_2422 = vector.broadcast %add3A_2421 : i32 to vector<16xi32>
    %add3A_2423 = arith.addi %add3A_2422, %iota3A : vector<16xi32>
    %eq3A_2424 = vector.broadcast %and3A_2346 : i32 to vector<16xi32>
    %eq3A_2425 = arith.cmpi eq, %add3A_2423, %eq3A_2424 : vector<16xi32>
    %select_n3A_2426 = arith.select %eq3A_2425, %get3A_2420, %select_n3A_2413 : vector<16xi1>, vector<16xf32>
    %get3A_2427 = arith.constant 12 : i32
    %get3A_2428 = arith.constant 4 : i32
    %get3A_2429 = arith.index_cast %get3A_2427 : i32 to index
    %get3A_2430 = arith.index_cast %get3A_2428 : i32 to index
    %get3A_2431 = arith.constant 96 : index
    %get3A_2432 = tpu.vector_load %arg6[%get3A_2429, %get3A_2430, %get3A_2431] {strides = array<i32>} : memref<32x8x128xf32, #tpu.memory_space<vmem>>, vector<1x1x16xf32>,
    %get3A_2433 = vector.shape_cast %get3A_2432 : vector<1x1x16xf32> to vector<16xf32>
    %add3A_2434 = arith.constant 96 : i32
    %add3A_2435 = vector.broadcast %add3A_2434 : i32 to vector<16xi32>
    %add3A_2436 = arith.addi %add3A_2435, %iota3A : vector<16xi32>
    %eq3A_2437 = vector.broadcast %and3A_2346 : i32 to vector<16xi32>
    %eq3A_2438 = arith.cmpi eq, %add3A_2436, %eq3A_2437 : vector<16xi32>
    %select_n3A_2439 = arith.select %eq3A_2438, %get3A_2433, %select_n3A_2426 : vector<16xi1>, vector<16xf32>
    %get3A_2440 = arith.constant 12 : i32
    %get3A_2441 = arith.constant 4 : i32
    %get3A_2442 = arith.index_cast %get3A_2440 : i32 to index
    %get3A_2443 = arith.index_cast %get3A_2441 : i32 to index
    %get3A_2444 = arith.constant 112 : index
    %get3A_2445 = tpu.vector_load %arg6[%get3A_2442, %get3A_2443, %get3A_2444] {strides = array<i32>} : memref<32x8x128xf32, #tpu.memory_space<vmem>>, vector<1x1x16xf32>,
    %get3A_2446 = vector.shape_cast %get3A_2445 : vector<1x1x16xf32> to vector<16xf32>
    %add3A_2447 = arith.constant 112 : i32
    %add3A_2448 = vector.broadcast %add3A_2447 : i32 to vector<16xi32>
    %add3A_2449 = arith.addi %add3A_2448, %iota3A : vector<16xi32>
    %eq3A_2450 = vector.broadcast %and3A_2346 : i32 to vector<16xi32>
    %eq3A_2451 = arith.cmpi eq, %add3A_2449, %eq3A_2450 : vector<16xi32>
    %select_n3A_2452 = arith.select %eq3A_2451, %get3A_2446, %select_n3A_2439 : vector<16xi1>, vector<16xf32>
    %and3A_2453 = arith.constant 15 : i32
    %and3A_2454 = arith.andi %and3A_2346, %and3A_2453 : i32
    %broadcast_in_dim3A_2455 = vector.broadcast %and3A_2454 : i32 to vector<16xi32>
    %broadcast_in_dim3A_2456 = vector.shape_cast %broadcast_in_dim3A_2455 : vector<16xi32> to vector<16x1xi32>
    %gather3A_2457 = vector.shape_cast %broadcast_in_dim3A_2456 : vector<16x1xi32> to vector<16xi32>
    %gather3A_2458 = tpu.dynamic_gather %select_n3A_2452[%gather3A_2457] in [0] : vector<16xf32>, vector<16xi32> -> vector<16xf32>
    %eq3A_2459 = arith.constant 12 : i32
    %eq3A_2460 = vector.broadcast %eq3A_2459 : i32 to vector<16xi32>
    %eq3A_2461 = arith.cmpi eq, %iota3A, %eq3A_2460 : vector<16xi32>
    %select_n3A_2462 = arith.select %eq3A_2461, %gather3A_2458, %select_n3A_2344 : vector<16xi1>, vector<16xf32>
    %and3A_2463 = arith.constant 127 : i32
    %and3A_2464 = arith.andi %squeeze3A_236, %and3A_2463 : i32
    %broadcast_in_dim3A_2465 = arith.constant 0.000000e+00 : f32
    %broadcast_in_dim3A_2466 = vector.broadcast %broadcast_in_dim3A_2465 : f32 to vector<16xf32>
    %get3A_2467 = arith.constant 13 : i32
    %get3A_2468 = arith.constant 5 : i32
    %get3A_2469 = arith.index_cast %get3A_2467 : i32 to index
    %get3A_2470 = arith.index_cast %get3A_2468 : i32 to index
    %get3A_2471 = arith.constant 0 : index
    %get3A_2472 = tpu.vector_load %arg6[%get3A_2469, %get3A_2470, %get3A_2471] {strides = array<i32>} : memref<32x8x128xf32, #tpu.memory_space<vmem>>, vector<1x1x16xf32>,
    %get3A_2473 = vector.shape_cast %get3A_2472 : vector<1x1x16xf32> to vector<16xf32>
    %add3A_2474 = arith.constant 0 : i32
    %add3A_2475 = vector.broadcast %add3A_2474 : i32 to vector<16xi32>
    %add3A_2476 = arith.addi %add3A_2475, %iota3A : vector<16xi32>
    %eq3A_2477 = vector.broadcast %and3A_2464 : i32 to vector<16xi32>
    %eq3A_2478 = arith.cmpi eq, %add3A_2476, %eq3A_2477 : vector<16xi32>
    %select_n3A_2479 = arith.select %eq3A_2478, %get3A_2473, %broadcast_in_dim3A_2466 : vector<16xi1>, vector<16xf32>
    %get3A_2480 = arith.constant 13 : i32
    %get3A_2481 = arith.constant 5 : i32
    %get3A_2482 = arith.index_cast %get3A_2480 : i32 to index
    %get3A_2483 = arith.index_cast %get3A_2481 : i32 to index
    %get3A_2484 = arith.constant 16 : index
    %get3A_2485 = tpu.vector_load %arg6[%get3A_2482, %get3A_2483, %get3A_2484] {strides = array<i32>} : memref<32x8x128xf32, #tpu.memory_space<vmem>>, vector<1x1x16xf32>,
    %get3A_2486 = vector.shape_cast %get3A_2485 : vector<1x1x16xf32> to vector<16xf32>
    %add3A_2487 = arith.constant 16 : i32
    %add3A_2488 = vector.broadcast %add3A_2487 : i32 to vector<16xi32>
    %add3A_2489 = arith.addi %add3A_2488, %iota3A : vector<16xi32>
    %eq3A_2490 = vector.broadcast %and3A_2464 : i32 to vector<16xi32>
    %eq3A_2491 = arith.cmpi eq, %add3A_2489, %eq3A_2490 : vector<16xi32>
    %select_n3A_2492 = arith.select %eq3A_2491, %get3A_2486, %select_n3A_2479 : vector<16xi1>, vector<16xf32>
    %get3A_2493 = arith.constant 13 : i32
    %get3A_2494 = arith.constant 5 : i32
    %get3A_2495 = arith.index_cast %get3A_2493 : i32 to index
    %get3A_2496 = arith.index_cast %get3A_2494 : i32 to index
    %get3A_2497 = arith.constant 32 : index
    %get3A_2498 = tpu.vector_load %arg6[%get3A_2495, %get3A_2496, %get3A_2497] {strides = array<i32>} : memref<32x8x128xf32, #tpu.memory_space<vmem>>, vector<1x1x16xf32>,
    %get3A_2499 = vector.shape_cast %get3A_2498 : vector<1x1x16xf32> to vector<16xf32>
    %add3A_2500 = arith.constant 32 : i32
    %add3A_2501 = vector.broadcast %add3A_2500 : i32 to vector<16xi32>
    %add3A_2502 = arith.addi %add3A_2501, %iota3A : vector<16xi32>
    %eq3A_2503 = vector.broadcast %and3A_2464 : i32 to vector<16xi32>
    %eq3A_2504 = arith.cmpi eq, %add3A_2502, %eq3A_2503 : vector<16xi32>
    %select_n3A_2505 = arith.select %eq3A_2504, %get3A_2499, %select_n3A_2492 : vector<16xi1>, vector<16xf32>
    %get3A_2506 = arith.constant 13 : i32
    %get3A_2507 = arith.constant 5 : i32
    %get3A_2508 = arith.index_cast %get3A_2506 : i32 to index
    %get3A_2509 = arith.index_cast %get3A_2507 : i32 to index
    %get3A_2510 = arith.constant 48 : index
    %get3A_2511 = tpu.vector_load %arg6[%get3A_2508, %get3A_2509, %get3A_2510] {strides = array<i32>} : memref<32x8x128xf32, #tpu.memory_space<vmem>>, vector<1x1x16xf32>,
    %get3A_2512 = vector.shape_cast %get3A_2511 : vector<1x1x16xf32> to vector<16xf32>
    %add3A_2513 = arith.constant 48 : i32
    %add3A_2514 = vector.broadcast %add3A_2513 : i32 to vector<16xi32>
    %add3A_2515 = arith.addi %add3A_2514, %iota3A : vector<16xi32>
    %eq3A_2516 = vector.broadcast %and3A_2464 : i32 to vector<16xi32>
    %eq3A_2517 = arith.cmpi eq, %add3A_2515, %eq3A_2516 : vector<16xi32>
    %select_n3A_2518 = arith.select %eq3A_2517, %get3A_2512, %select_n3A_2505 : vector<16xi1>, vector<16xf32>
    %get3A_2519 = arith.constant 13 : i32
    %get3A_2520 = arith.constant 5 : i32
    %get3A_2521 = arith.index_cast %get3A_2519 : i32 to index
    %get3A_2522 = arith.index_cast %get3A_2520 : i32 to index
    %get3A_2523 = arith.constant 64 : index
    %get3A_2524 = tpu.vector_load %arg6[%get3A_2521, %get3A_2522, %get3A_2523] {strides = array<i32>} : memref<32x8x128xf32, #tpu.memory_space<vmem>>, vector<1x1x16xf32>,
    %get3A_2525 = vector.shape_cast %get3A_2524 : vector<1x1x16xf32> to vector<16xf32>
    %add3A_2526 = arith.constant 64 : i32
    %add3A_2527 = vector.broadcast %add3A_2526 : i32 to vector<16xi32>
    %add3A_2528 = arith.addi %add3A_2527, %iota3A : vector<16xi32>
    %eq3A_2529 = vector.broadcast %and3A_2464 : i32 to vector<16xi32>
    %eq3A_2530 = arith.cmpi eq, %add3A_2528, %eq3A_2529 : vector<16xi32>
    %select_n3A_2531 = arith.select %eq3A_2530, %get3A_2525, %select_n3A_2518 : vector<16xi1>, vector<16xf32>
    %get3A_2532 = arith.constant 13 : i32
    %get3A_2533 = arith.constant 5 : i32
    %get3A_2534 = arith.index_cast %get3A_2532 : i32 to index
    %get3A_2535 = arith.index_cast %get3A_2533 : i32 to index
    %get3A_2536 = arith.constant 80 : index
    %get3A_2537 = tpu.vector_load %arg6[%get3A_2534, %get3A_2535, %get3A_2536] {strides = array<i32>} : memref<32x8x128xf32, #tpu.memory_space<vmem>>, vector<1x1x16xf32>,
    %get3A_2538 = vector.shape_cast %get3A_2537 : vector<1x1x16xf32> to vector<16xf32>
    %add3A_2539 = arith.constant 80 : i32
    %add3A_2540 = vector.broadcast %add3A_2539 : i32 to vector<16xi32>
    %add3A_2541 = arith.addi %add3A_2540, %iota3A : vector<16xi32>
    %eq3A_2542 = vector.broadcast %and3A_2464 : i32 to vector<16xi32>
    %eq3A_2543 = arith.cmpi eq, %add3A_2541, %eq3A_2542 : vector<16xi32>
    %select_n3A_2544 = arith.select %eq3A_2543, %get3A_2538, %select_n3A_2531 : vector<16xi1>, vector<16xf32>
    %get3A_2545 = arith.constant 13 : i32
    %get3A_2546 = arith.constant 5 : i32
    %get3A_2547 = arith.index_cast %get3A_2545 : i32 to index
    %get3A_2548 = arith.index_cast %get3A_2546 : i32 to index
    %get3A_2549 = arith.constant 96 : index
    %get3A_2550 = tpu.vector_load %arg6[%get3A_2547, %get3A_2548, %get3A_2549] {strides = array<i32>} : memref<32x8x128xf32, #tpu.memory_space<vmem>>, vector<1x1x16xf32>,
    %get3A_2551 = vector.shape_cast %get3A_2550 : vector<1x1x16xf32> to vector<16xf32>
    %add3A_2552 = arith.constant 96 : i32
    %add3A_2553 = vector.broadcast %add3A_2552 : i32 to vector<16xi32>
    %add3A_2554 = arith.addi %add3A_2553, %iota3A : vector<16xi32>
    %eq3A_2555 = vector.broadcast %and3A_2464 : i32 to vector<16xi32>
    %eq3A_2556 = arith.cmpi eq, %add3A_2554, %eq3A_2555 : vector<16xi32>
    %select_n3A_2557 = arith.select %eq3A_2556, %get3A_2551, %select_n3A_2544 : vector<16xi1>, vector<16xf32>
    %get3A_2558 = arith.constant 13 : i32
    %get3A_2559 = arith.constant 5 : i32
    %get3A_2560 = arith.index_cast %get3A_2558 : i32 to index
    %get3A_2561 = arith.index_cast %get3A_2559 : i32 to index
    %get3A_2562 = arith.constant 112 : index
    %get3A_2563 = tpu.vector_load %arg6[%get3A_2560, %get3A_2561, %get3A_2562] {strides = array<i32>} : memref<32x8x128xf32, #tpu.memory_space<vmem>>, vector<1x1x16xf32>,
    %get3A_2564 = vector.shape_cast %get3A_2563 : vector<1x1x16xf32> to vector<16xf32>
    %add3A_2565 = arith.constant 112 : i32
    %add3A_2566 = vector.broadcast %add3A_2565 : i32 to vector<16xi32>
    %add3A_2567 = arith.addi %add3A_2566, %iota3A : vector<16xi32>
    %eq3A_2568 = vector.broadcast %and3A_2464 : i32 to vector<16xi32>
    %eq3A_2569 = arith.cmpi eq, %add3A_2567, %eq3A_2568 : vector<16xi32>
    %select_n3A_2570 = arith.select %eq3A_2569, %get3A_2564, %select_n3A_2557 : vector<16xi1>, vector<16xf32>
    %and3A_2571 = arith.constant 15 : i32
    %and3A_2572 = arith.andi %and3A_2464, %and3A_2571 : i32
    %broadcast_in_dim3A_2573 = vector.broadcast %and3A_2572 : i32 to vector<16xi32>
    %broadcast_in_dim3A_2574 = vector.shape_cast %broadcast_in_dim3A_2573 : vector<16xi32> to vector<16x1xi32>
    %gather3A_2575 = vector.shape_cast %broadcast_in_dim3A_2574 : vector<16x1xi32> to vector<16xi32>
    %gather3A_2576 = tpu.dynamic_gather %select_n3A_2570[%gather3A_2575] in [0] : vector<16xf32>, vector<16xi32> -> vector<16xf32>
    %eq3A_2577 = arith.constant 13 : i32
    %eq3A_2578 = vector.broadcast %eq3A_2577 : i32 to vector<16xi32>
    %eq3A_2579 = arith.cmpi eq, %iota3A, %eq3A_2578 : vector<16xi32>
    %select_n3A_2580 = arith.select %eq3A_2579, %gather3A_2576, %select_n3A_2462 : vector<16xi1>, vector<16xf32>
    %and3A_2581 = arith.constant 127 : i32
    %and3A_2582 = arith.andi %squeeze3A_254, %and3A_2581 : i32
    %broadcast_in_dim3A_2583 = arith.constant 0.000000e+00 : f32
    %broadcast_in_dim3A_2584 = vector.broadcast %broadcast_in_dim3A_2583 : f32 to vector<16xf32>
    %get3A_2585 = arith.constant 14 : i32
    %get3A_2586 = arith.constant 6 : i32
    %get3A_2587 = arith.index_cast %get3A_2585 : i32 to index
    %get3A_2588 = arith.index_cast %get3A_2586 : i32 to index
    %get3A_2589 = arith.constant 0 : index
    %get3A_2590 = tpu.vector_load %arg6[%get3A_2587, %get3A_2588, %get3A_2589] {strides = array<i32>} : memref<32x8x128xf32, #tpu.memory_space<vmem>>, vector<1x1x16xf32>,
    %get3A_2591 = vector.shape_cast %get3A_2590 : vector<1x1x16xf32> to vector<16xf32>
    %add3A_2592 = arith.constant 0 : i32
    %add3A_2593 = vector.broadcast %add3A_2592 : i32 to vector<16xi32>
    %add3A_2594 = arith.addi %add3A_2593, %iota3A : vector<16xi32>
    %eq3A_2595 = vector.broadcast %and3A_2582 : i32 to vector<16xi32>
    %eq3A_2596 = arith.cmpi eq, %add3A_2594, %eq3A_2595 : vector<16xi32>
    %select_n3A_2597 = arith.select %eq3A_2596, %get3A_2591, %broadcast_in_dim3A_2584 : vector<16xi1>, vector<16xf32>
    %get3A_2598 = arith.constant 14 : i32
    %get3A_2599 = arith.constant 6 : i32
    %get3A_2600 = arith.index_cast %get3A_2598 : i32 to index
    %get3A_2601 = arith.index_cast %get3A_2599 : i32 to index
    %get3A_2602 = arith.constant 16 : index
    %get3A_2603 = tpu.vector_load %arg6[%get3A_2600, %get3A_2601, %get3A_2602] {strides = array<i32>} : memref<32x8x128xf32, #tpu.memory_space<vmem>>, vector<1x1x16xf32>,
    %get3A_2604 = vector.shape_cast %get3A_2603 : vector<1x1x16xf32> to vector<16xf32>
    %add3A_2605 = arith.constant 16 : i32
    %add3A_2606 = vector.broadcast %add3A_2605 : i32 to vector<16xi32>
    %add3A_2607 = arith.addi %add3A_2606, %iota3A : vector<16xi32>
    %eq3A_2608 = vector.broadcast %and3A_2582 : i32 to vector<16xi32>
    %eq3A_2609 = arith.cmpi eq, %add3A_2607, %eq3A_2608 : vector<16xi32>
    %select_n3A_2610 = arith.select %eq3A_2609, %get3A_2604, %select_n3A_2597 : vector<16xi1>, vector<16xf32>
    %get3A_2611 = arith.constant 14 : i32
    %get3A_2612 = arith.constant 6 : i32
    %get3A_2613 = arith.index_cast %get3A_2611 : i32 to index
    %get3A_2614 = arith.index_cast %get3A_2612 : i32 to index
    %get3A_2615 = arith.constant 32 : index
    %get3A_2616 = tpu.vector_load %arg6[%get3A_2613, %get3A_2614, %get3A_2615] {strides = array<i32>} : memref<32x8x128xf32, #tpu.memory_space<vmem>>, vector<1x1x16xf32>,
    %get3A_2617 = vector.shape_cast %get3A_2616 : vector<1x1x16xf32> to vector<16xf32>
    %add3A_2618 = arith.constant 32 : i32
    %add3A_2619 = vector.broadcast %add3A_2618 : i32 to vector<16xi32>
    %add3A_2620 = arith.addi %add3A_2619, %iota3A : vector<16xi32>
    %eq3A_2621 = vector.broadcast %and3A_2582 : i32 to vector<16xi32>
    %eq3A_2622 = arith.cmpi eq, %add3A_2620, %eq3A_2621 : vector<16xi32>
    %select_n3A_2623 = arith.select %eq3A_2622, %get3A_2617, %select_n3A_2610 : vector<16xi1>, vector<16xf32>
    %get3A_2624 = arith.constant 14 : i32
    %get3A_2625 = arith.constant 6 : i32
    %get3A_2626 = arith.index_cast %get3A_2624 : i32 to index
    %get3A_2627 = arith.index_cast %get3A_2625 : i32 to index
    %get3A_2628 = arith.constant 48 : index
    %get3A_2629 = tpu.vector_load %arg6[%get3A_2626, %get3A_2627, %get3A_2628] {strides = array<i32>} : memref<32x8x128xf32, #tpu.memory_space<vmem>>, vector<1x1x16xf32>,
    %get3A_2630 = vector.shape_cast %get3A_2629 : vector<1x1x16xf32> to vector<16xf32>
    %add3A_2631 = arith.constant 48 : i32
    %add3A_2632 = vector.broadcast %add3A_2631 : i32 to vector<16xi32>
    %add3A_2633 = arith.addi %add3A_2632, %iota3A : vector<16xi32>
    %eq3A_2634 = vector.broadcast %and3A_2582 : i32 to vector<16xi32>
    %eq3A_2635 = arith.cmpi eq, %add3A_2633, %eq3A_2634 : vector<16xi32>
    %select_n3A_2636 = arith.select %eq3A_2635, %get3A_2630, %select_n3A_2623 : vector<16xi1>, vector<16xf32>
    %get3A_2637 = arith.constant 14 : i32
    %get3A_2638 = arith.constant 6 : i32
    %get3A_2639 = arith.index_cast %get3A_2637 : i32 to index
    %get3A_2640 = arith.index_cast %get3A_2638 : i32 to index
    %get3A_2641 = arith.constant 64 : index
    %get3A_2642 = tpu.vector_load %arg6[%get3A_2639, %get3A_2640, %get3A_2641] {strides = array<i32>} : memref<32x8x128xf32, #tpu.memory_space<vmem>>, vector<1x1x16xf32>,
    %get3A_2643 = vector.shape_cast %get3A_2642 : vector<1x1x16xf32> to vector<16xf32>
    %add3A_2644 = arith.constant 64 : i32
    %add3A_2645 = vector.broadcast %add3A_2644 : i32 to vector<16xi32>
    %add3A_2646 = arith.addi %add3A_2645, %iota3A : vector<16xi32>
    %eq3A_2647 = vector.broadcast %and3A_2582 : i32 to vector<16xi32>
    %eq3A_2648 = arith.cmpi eq, %add3A_2646, %eq3A_2647 : vector<16xi32>
    %select_n3A_2649 = arith.select %eq3A_2648, %get3A_2643, %select_n3A_2636 : vector<16xi1>, vector<16xf32>
    %get3A_2650 = arith.constant 14 : i32
    %get3A_2651 = arith.constant 6 : i32
    %get3A_2652 = arith.index_cast %get3A_2650 : i32 to index
    %get3A_2653 = arith.index_cast %get3A_2651 : i32 to index
    %get3A_2654 = arith.constant 80 : index
    %get3A_2655 = tpu.vector_load %arg6[%get3A_2652, %get3A_2653, %get3A_2654] {strides = array<i32>} : memref<32x8x128xf32, #tpu.memory_space<vmem>>, vector<1x1x16xf32>,
    %get3A_2656 = vector.shape_cast %get3A_2655 : vector<1x1x16xf32> to vector<16xf32>
    %add3A_2657 = arith.constant 80 : i32
    %add3A_2658 = vector.broadcast %add3A_2657 : i32 to vector<16xi32>
    %add3A_2659 = arith.addi %add3A_2658, %iota3A : vector<16xi32>
    %eq3A_2660 = vector.broadcast %and3A_2582 : i32 to vector<16xi32>
    %eq3A_2661 = arith.cmpi eq, %add3A_2659, %eq3A_2660 : vector<16xi32>
    %select_n3A_2662 = arith.select %eq3A_2661, %get3A_2656, %select_n3A_2649 : vector<16xi1>, vector<16xf32>
    %get3A_2663 = arith.constant 14 : i32
    %get3A_2664 = arith.constant 6 : i32
    %get3A_2665 = arith.index_cast %get3A_2663 : i32 to index
    %get3A_2666 = arith.index_cast %get3A_2664 : i32 to index
    %get3A_2667 = arith.constant 96 : index
    %get3A_2668 = tpu.vector_load %arg6[%get3A_2665, %get3A_2666, %get3A_2667] {strides = array<i32>} : memref<32x8x128xf32, #tpu.memory_space<vmem>>, vector<1x1x16xf32>,
    %get3A_2669 = vector.shape_cast %get3A_2668 : vector<1x1x16xf32> to vector<16xf32>
    %add3A_2670 = arith.constant 96 : i32
    %add3A_2671 = vector.broadcast %add3A_2670 : i32 to vector<16xi32>
    %add3A_2672 = arith.addi %add3A_2671, %iota3A : vector<16xi32>
    %eq3A_2673 = vector.broadcast %and3A_2582 : i32 to vector<16xi32>
    %eq3A_2674 = arith.cmpi eq, %add3A_2672, %eq3A_2673 : vector<16xi32>
    %select_n3A_2675 = arith.select %eq3A_2674, %get3A_2669, %select_n3A_2662 : vector<16xi1>, vector<16xf32>
    %get3A_2676 = arith.constant 14 : i32
    %get3A_2677 = arith.constant 6 : i32
    %get3A_2678 = arith.index_cast %get3A_2676 : i32 to index
    %get3A_2679 = arith.index_cast %get3A_2677 : i32 to index
    %get3A_2680 = arith.constant 112 : index
    %get3A_2681 = tpu.vector_load %arg6[%get3A_2678, %get3A_2679, %get3A_2680] {strides = array<i32>} : memref<32x8x128xf32, #tpu.memory_space<vmem>>, vector<1x1x16xf32>,
    %get3A_2682 = vector.shape_cast %get3A_2681 : vector<1x1x16xf32> to vector<16xf32>
    %add3A_2683 = arith.constant 112 : i32
    %add3A_2684 = vector.broadcast %add3A_2683 : i32 to vector<16xi32>
    %add3A_2685 = arith.addi %add3A_2684, %iota3A : vector<16xi32>
    %eq3A_2686 = vector.broadcast %and3A_2582 : i32 to vector<16xi32>
    %eq3A_2687 = arith.cmpi eq, %add3A_2685, %eq3A_2686 : vector<16xi32>
    %select_n3A_2688 = arith.select %eq3A_2687, %get3A_2682, %select_n3A_2675 : vector<16xi1>, vector<16xf32>
    %and3A_2689 = arith.constant 15 : i32
    %and3A_2690 = arith.andi %and3A_2582, %and3A_2689 : i32
    %broadcast_in_dim3A_2691 = vector.broadcast %and3A_2690 : i32 to vector<16xi32>
    %broadcast_in_dim3A_2692 = vector.shape_cast %broadcast_in_dim3A_2691 : vector<16xi32> to vector<16x1xi32>
    %gather3A_2693 = vector.shape_cast %broadcast_in_dim3A_2692 : vector<16x1xi32> to vector<16xi32>
    %gather3A_2694 = tpu.dynamic_gather %select_n3A_2688[%gather3A_2693] in [0] : vector<16xf32>, vector<16xi32> -> vector<16xf32>
    %eq3A_2695 = arith.constant 14 : i32
    %eq3A_2696 = vector.broadcast %eq3A_2695 : i32 to vector<16xi32>
    %eq3A_2697 = arith.cmpi eq, %iota3A, %eq3A_2696 : vector<16xi32>
    %select_n3A_2698 = arith.select %eq3A_2697, %gather3A_2694, %select_n3A_2580 : vector<16xi1>, vector<16xf32>
    %and3A_2699 = arith.constant 127 : i32
    %and3A_2700 = arith.andi %squeeze3A_272, %and3A_2699 : i32
    %broadcast_in_dim3A_2701 = arith.constant 0.000000e+00 : f32
    %broadcast_in_dim3A_2702 = vector.broadcast %broadcast_in_dim3A_2701 : f32 to vector<16xf32>
    %get3A_2703 = arith.constant 15 : i32
    %get3A_2704 = arith.constant 7 : i32
    %get3A_2705 = arith.index_cast %get3A_2703 : i32 to index
    %get3A_2706 = arith.index_cast %get3A_2704 : i32 to index
    %get3A_2707 = arith.constant 0 : index
    %get3A_2708 = tpu.vector_load %arg6[%get3A_2705, %get3A_2706, %get3A_2707] {strides = array<i32>} : memref<32x8x128xf32, #tpu.memory_space<vmem>>, vector<1x1x16xf32>,
    %get3A_2709 = vector.shape_cast %get3A_2708 : vector<1x1x16xf32> to vector<16xf32>
    %add3A_2710 = arith.constant 0 : i32
    %add3A_2711 = vector.broadcast %add3A_2710 : i32 to vector<16xi32>
    %add3A_2712 = arith.addi %add3A_2711, %iota3A : vector<16xi32>
    %eq3A_2713 = vector.broadcast %and3A_2700 : i32 to vector<16xi32>
    %eq3A_2714 = arith.cmpi eq, %add3A_2712, %eq3A_2713 : vector<16xi32>
    %select_n3A_2715 = arith.select %eq3A_2714, %get3A_2709, %broadcast_in_dim3A_2702 : vector<16xi1>, vector<16xf32>
    %get3A_2716 = arith.constant 15 : i32
    %get3A_2717 = arith.constant 7 : i32
    %get3A_2718 = arith.index_cast %get3A_2716 : i32 to index
    %get3A_2719 = arith.index_cast %get3A_2717 : i32 to index
    %get3A_2720 = arith.constant 16 : index
    %get3A_2721 = tpu.vector_load %arg6[%get3A_2718, %get3A_2719, %get3A_2720] {strides = array<i32>} : memref<32x8x128xf32, #tpu.memory_space<vmem>>, vector<1x1x16xf32>,
    %get3A_2722 = vector.shape_cast %get3A_2721 : vector<1x1x16xf32> to vector<16xf32>
    %add3A_2723 = arith.constant 16 : i32
    %add3A_2724 = vector.broadcast %add3A_2723 : i32 to vector<16xi32>
    %add3A_2725 = arith.addi %add3A_2724, %iota3A : vector<16xi32>
    %eq3A_2726 = vector.broadcast %and3A_2700 : i32 to vector<16xi32>
    %eq3A_2727 = arith.cmpi eq, %add3A_2725, %eq3A_2726 : vector<16xi32>
    %select_n3A_2728 = arith.select %eq3A_2727, %get3A_2722, %select_n3A_2715 : vector<16xi1>, vector<16xf32>
    %get3A_2729 = arith.constant 15 : i32
    %get3A_2730 = arith.constant 7 : i32
    %get3A_2731 = arith.index_cast %get3A_2729 : i32 to index
    %get3A_2732 = arith.index_cast %get3A_2730 : i32 to index
    %get3A_2733 = arith.constant 32 : index
    %get3A_2734 = tpu.vector_load %arg6[%get3A_2731, %get3A_2732, %get3A_2733] {strides = array<i32>} : memref<32x8x128xf32, #tpu.memory_space<vmem>>, vector<1x1x16xf32>,
    %get3A_2735 = vector.shape_cast %get3A_2734 : vector<1x1x16xf32> to vector<16xf32>
    %add3A_2736 = arith.constant 32 : i32
    %add3A_2737 = vector.broadcast %add3A_2736 : i32 to vector<16xi32>
    %add3A_2738 = arith.addi %add3A_2737, %iota3A : vector<16xi32>
    %eq3A_2739 = vector.broadcast %and3A_2700 : i32 to vector<16xi32>
    %eq3A_2740 = arith.cmpi eq, %add3A_2738, %eq3A_2739 : vector<16xi32>
    %select_n3A_2741 = arith.select %eq3A_2740, %get3A_2735, %select_n3A_2728 : vector<16xi1>, vector<16xf32>
    %get3A_2742 = arith.constant 15 : i32
    %get3A_2743 = arith.constant 7 : i32
    %get3A_2744 = arith.index_cast %get3A_2742 : i32 to index
    %get3A_2745 = arith.index_cast %get3A_2743 : i32 to index
    %get3A_2746 = arith.constant 48 : index
    %get3A_2747 = tpu.vector_load %arg6[%get3A_2744, %get3A_2745, %get3A_2746] {strides = array<i32>} : memref<32x8x128xf32, #tpu.memory_space<vmem>>, vector<1x1x16xf32>,
    %get3A_2748 = vector.shape_cast %get3A_2747 : vector<1x1x16xf32> to vector<16xf32>
    %add3A_2749 = arith.constant 48 : i32
    %add3A_2750 = vector.broadcast %add3A_2749 : i32 to vector<16xi32>
    %add3A_2751 = arith.addi %add3A_2750, %iota3A : vector<16xi32>
    %eq3A_2752 = vector.broadcast %and3A_2700 : i32 to vector<16xi32>
    %eq3A_2753 = arith.cmpi eq, %add3A_2751, %eq3A_2752 : vector<16xi32>
    %select_n3A_2754 = arith.select %eq3A_2753, %get3A_2748, %select_n3A_2741 : vector<16xi1>, vector<16xf32>
    %get3A_2755 = arith.constant 15 : i32
    %get3A_2756 = arith.constant 7 : i32
    %get3A_2757 = arith.index_cast %get3A_2755 : i32 to index
    %get3A_2758 = arith.index_cast %get3A_2756 : i32 to index
    %get3A_2759 = arith.constant 64 : index
    %get3A_2760 = tpu.vector_load %arg6[%get3A_2757, %get3A_2758, %get3A_2759] {strides = array<i32>} : memref<32x8x128xf32, #tpu.memory_space<vmem>>, vector<1x1x16xf32>,
    %get3A_2761 = vector.shape_cast %get3A_2760 : vector<1x1x16xf32> to vector<16xf32>
    %add3A_2762 = arith.constant 64 : i32
    %add3A_2763 = vector.broadcast %add3A_2762 : i32 to vector<16xi32>
    %add3A_2764 = arith.addi %add3A_2763, %iota3A : vector<16xi32>
    %eq3A_2765 = vector.broadcast %and3A_2700 : i32 to vector<16xi32>
    %eq3A_2766 = arith.cmpi eq, %add3A_2764, %eq3A_2765 : vector<16xi32>
    %select_n3A_2767 = arith.select %eq3A_2766, %get3A_2761, %select_n3A_2754 : vector<16xi1>, vector<16xf32>
    %get3A_2768 = arith.constant 15 : i32
    %get3A_2769 = arith.constant 7 : i32
    %get3A_2770 = arith.index_cast %get3A_2768 : i32 to index
    %get3A_2771 = arith.index_cast %get3A_2769 : i32 to index
    %get3A_2772 = arith.constant 80 : index
    %get3A_2773 = tpu.vector_load %arg6[%get3A_2770, %get3A_2771, %get3A_2772] {strides = array<i32>} : memref<32x8x128xf32, #tpu.memory_space<vmem>>, vector<1x1x16xf32>,
    %get3A_2774 = vector.shape_cast %get3A_2773 : vector<1x1x16xf32> to vector<16xf32>
    %add3A_2775 = arith.constant 80 : i32
    %add3A_2776 = vector.broadcast %add3A_2775 : i32 to vector<16xi32>
    %add3A_2777 = arith.addi %add3A_2776, %iota3A : vector<16xi32>
    %eq3A_2778 = vector.broadcast %and3A_2700 : i32 to vector<16xi32>
    %eq3A_2779 = arith.cmpi eq, %add3A_2777, %eq3A_2778 : vector<16xi32>
    %select_n3A_2780 = arith.select %eq3A_2779, %get3A_2774, %select_n3A_2767 : vector<16xi1>, vector<16xf32>
    %get3A_2781 = arith.constant 15 : i32
    %get3A_2782 = arith.constant 7 : i32
    %get3A_2783 = arith.index_cast %get3A_2781 : i32 to index
    %get3A_2784 = arith.index_cast %get3A_2782 : i32 to index
    %get3A_2785 = arith.constant 96 : index
    %get3A_2786 = tpu.vector_load %arg6[%get3A_2783, %get3A_2784, %get3A_2785] {strides = array<i32>} : memref<32x8x128xf32, #tpu.memory_space<vmem>>, vector<1x1x16xf32>,
    %get3A_2787 = vector.shape_cast %get3A_2786 : vector<1x1x16xf32> to vector<16xf32>
    %add3A_2788 = arith.constant 96 : i32
    %add3A_2789 = vector.broadcast %add3A_2788 : i32 to vector<16xi32>
    %add3A_2790 = arith.addi %add3A_2789, %iota3A : vector<16xi32>
    %eq3A_2791 = vector.broadcast %and3A_2700 : i32 to vector<16xi32>
    %eq3A_2792 = arith.cmpi eq, %add3A_2790, %eq3A_2791 : vector<16xi32>
    %select_n3A_2793 = arith.select %eq3A_2792, %get3A_2787, %select_n3A_2780 : vector<16xi1>, vector<16xf32>
    %get3A_2794 = arith.constant 15 : i32
    %get3A_2795 = arith.constant 7 : i32
    %get3A_2796 = arith.index_cast %get3A_2794 : i32 to index
    %get3A_2797 = arith.index_cast %get3A_2795 : i32 to index
    %get3A_2798 = arith.constant 112 : index
    %get3A_2799 = tpu.vector_load %arg6[%get3A_2796, %get3A_2797, %get3A_2798] {strides = array<i32>} : memref<32x8x128xf32, #tpu.memory_space<vmem>>, vector<1x1x16xf32>,
    %get3A_2800 = vector.shape_cast %get3A_2799 : vector<1x1x16xf32> to vector<16xf32>
    %add3A_2801 = arith.constant 112 : i32
    %add3A_2802 = vector.broadcast %add3A_2801 : i32 to vector<16xi32>
    %add3A_2803 = arith.addi %add3A_2802, %iota3A : vector<16xi32>
    %eq3A_2804 = vector.broadcast %and3A_2700 : i32 to vector<16xi32>
    %eq3A_2805 = arith.cmpi eq, %add3A_2803, %eq3A_2804 : vector<16xi32>
    %select_n3A_2806 = arith.select %eq3A_2805, %get3A_2800, %select_n3A_2793 : vector<16xi1>, vector<16xf32>
    %and3A_2807 = arith.constant 15 : i32
    %and3A_2808 = arith.andi %and3A_2700, %and3A_2807 : i32
    %broadcast_in_dim3A_2809 = vector.broadcast %and3A_2808 : i32 to vector<16xi32>
    %broadcast_in_dim3A_2810 = vector.shape_cast %broadcast_in_dim3A_2809 : vector<16xi32> to vector<16x1xi32>
    %gather3A_2811 = vector.shape_cast %broadcast_in_dim3A_2810 : vector<16x1xi32> to vector<16xi32>
    %gather3A_2812 = tpu.dynamic_gather %select_n3A_2806[%gather3A_2811] in [0] : vector<16xf32>, vector<16xi32> -> vector<16xf32>
    %eq3A_2813 = arith.constant 15 : i32
    %eq3A_2814 = vector.broadcast %eq3A_2813 : i32 to vector<16xi32>
    %eq3A_2815 = arith.cmpi eq, %iota3A, %eq3A_2814 : vector<16xi32>
    %select_n3A_2816 = arith.select %eq3A_2815, %gather3A_2812, %select_n3A_2698 : vector<16xi1>, vector<16xf32>
    %swap3A = arith.constant 0 : index
    %swap3A_2817 = tpu.vector_load %arg7[%swap3A] {strides = array<i32>} : memref<32xf32, #tpu.memory_space<vmem>>, vector<16xf32>,
    %swap3A_2818 = vector.shape_cast %swap3A_2817 : vector<16xf32> to vector<16xf32>
    %swap3A_2819 = vector.shape_cast %select_n3A_2816 : vector<16xf32> to vector<16xf32>
    tpu.vector_store %arg7[%swap3A], %swap3A_2819 {strides = array<i32>} : memref<32xf32, #tpu.memory_space<vmem>>, vector<16xf32>,
    %broadcast_in_dim3A_2820 = arith.constant 0.000000e+00 : f32
    %broadcast_in_dim3A_2821 = vector.broadcast %broadcast_in_dim3A_2820 : f32 to vector<16xf32>
    %and3A_2822 = arith.constant 127 : i32
    %and3A_2823 = arith.andi %squeeze3A_293, %and3A_2822 : i32
    %broadcast_in_dim3A_2824 = arith.constant 0.000000e+00 : f32
    %broadcast_in_dim3A_2825 = vector.broadcast %broadcast_in_dim3A_2824 : f32 to vector<16xf32>
    %get3A_2826 = arith.constant 16 : i32
    %get3A_2827 = arith.constant 0 : i32
    %get3A_2828 = arith.index_cast %get3A_2826 : i32 to index
    %get3A_2829 = arith.index_cast %get3A_2827 : i32 to index
    %get3A_2830 = arith.constant 0 : index
    %get3A_2831 = tpu.vector_load %arg6[%get3A_2828, %get3A_2829, %get3A_2830] {strides = array<i32>} : memref<32x8x128xf32, #tpu.memory_space<vmem>>, vector<1x1x16xf32>,
    %get3A_2832 = vector.shape_cast %get3A_2831 : vector<1x1x16xf32> to vector<16xf32>
    %add3A_2833 = arith.constant 0 : i32
    %add3A_2834 = vector.broadcast %add3A_2833 : i32 to vector<16xi32>
    %add3A_2835 = arith.addi %add3A_2834, %iota3A : vector<16xi32>
    %eq3A_2836 = vector.broadcast %and3A_2823 : i32 to vector<16xi32>
    %eq3A_2837 = arith.cmpi eq, %add3A_2835, %eq3A_2836 : vector<16xi32>
    %select_n3A_2838 = arith.select %eq3A_2837, %get3A_2832, %broadcast_in_dim3A_2825 : vector<16xi1>, vector<16xf32>
    %get3A_2839 = arith.constant 16 : i32
    %get3A_2840 = arith.constant 0 : i32
    %get3A_2841 = arith.index_cast %get3A_2839 : i32 to index
    %get3A_2842 = arith.index_cast %get3A_2840 : i32 to index
    %get3A_2843 = arith.constant 16 : index
    %get3A_2844 = tpu.vector_load %arg6[%get3A_2841, %get3A_2842, %get3A_2843] {strides = array<i32>} : memref<32x8x128xf32, #tpu.memory_space<vmem>>, vector<1x1x16xf32>,
    %get3A_2845 = vector.shape_cast %get3A_2844 : vector<1x1x16xf32> to vector<16xf32>
    %add3A_2846 = arith.constant 16 : i32
    %add3A_2847 = vector.broadcast %add3A_2846 : i32 to vector<16xi32>
    %add3A_2848 = arith.addi %add3A_2847, %iota3A : vector<16xi32>
    %eq3A_2849 = vector.broadcast %and3A_2823 : i32 to vector<16xi32>
    %eq3A_2850 = arith.cmpi eq, %add3A_2848, %eq3A_2849 : vector<16xi32>
    %select_n3A_2851 = arith.select %eq3A_2850, %get3A_2845, %select_n3A_2838 : vector<16xi1>, vector<16xf32>
    %get3A_2852 = arith.constant 16 : i32
    %get3A_2853 = arith.constant 0 : i32
    %get3A_2854 = arith.index_cast %get3A_2852 : i32 to index
    %get3A_2855 = arith.index_cast %get3A_2853 : i32 to index
    %get3A_2856 = arith.constant 32 : index
    %get3A_2857 = tpu.vector_load %arg6[%get3A_2854, %get3A_2855, %get3A_2856] {strides = array<i32>} : memref<32x8x128xf32, #tpu.memory_space<vmem>>, vector<1x1x16xf32>,
    %get3A_2858 = vector.shape_cast %get3A_2857 : vector<1x1x16xf32> to vector<16xf32>
    %add3A_2859 = arith.constant 32 : i32
    %add3A_2860 = vector.broadcast %add3A_2859 : i32 to vector<16xi32>
    %add3A_2861 = arith.addi %add3A_2860, %iota3A : vector<16xi32>
    %eq3A_2862 = vector.broadcast %and3A_2823 : i32 to vector<16xi32>
    %eq3A_2863 = arith.cmpi eq, %add3A_2861, %eq3A_2862 : vector<16xi32>
    %select_n3A_2864 = arith.select %eq3A_2863, %get3A_2858, %select_n3A_2851 : vector<16xi1>, vector<16xf32>
    %get3A_2865 = arith.constant 16 : i32
    %get3A_2866 = arith.constant 0 : i32
    %get3A_2867 = arith.index_cast %get3A_2865 : i32 to index
    %get3A_2868 = arith.index_cast %get3A_2866 : i32 to index
    %get3A_2869 = arith.constant 48 : index
    %get3A_2870 = tpu.vector_load %arg6[%get3A_2867, %get3A_2868, %get3A_2869] {strides = array<i32>} : memref<32x8x128xf32, #tpu.memory_space<vmem>>, vector<1x1x16xf32>,
    %get3A_2871 = vector.shape_cast %get3A_2870 : vector<1x1x16xf32> to vector<16xf32>
    %add3A_2872 = arith.constant 48 : i32
    %add3A_2873 = vector.broadcast %add3A_2872 : i32 to vector<16xi32>
    %add3A_2874 = arith.addi %add3A_2873, %iota3A : vector<16xi32>
    %eq3A_2875 = vector.broadcast %and3A_2823 : i32 to vector<16xi32>
    %eq3A_2876 = arith.cmpi eq, %add3A_2874, %eq3A_2875 : vector<16xi32>
    %select_n3A_2877 = arith.select %eq3A_2876, %get3A_2871, %select_n3A_2864 : vector<16xi1>, vector<16xf32>
    %get3A_2878 = arith.constant 16 : i32
    %get3A_2879 = arith.constant 0 : i32
    %get3A_2880 = arith.index_cast %get3A_2878 : i32 to index
    %get3A_2881 = arith.index_cast %get3A_2879 : i32 to index
    %get3A_2882 = arith.constant 64 : index
    %get3A_2883 = tpu.vector_load %arg6[%get3A_2880, %get3A_2881, %get3A_2882] {strides = array<i32>} : memref<32x8x128xf32, #tpu.memory_space<vmem>>, vector<1x1x16xf32>,
    %get3A_2884 = vector.shape_cast %get3A_2883 : vector<1x1x16xf32> to vector<16xf32>
    %add3A_2885 = arith.constant 64 : i32
    %add3A_2886 = vector.broadcast %add3A_2885 : i32 to vector<16xi32>
    %add3A_2887 = arith.addi %add3A_2886, %iota3A : vector<16xi32>
    %eq3A_2888 = vector.broadcast %and3A_2823 : i32 to vector<16xi32>
    %eq3A_2889 = arith.cmpi eq, %add3A_2887, %eq3A_2888 : vector<16xi32>
    %select_n3A_2890 = arith.select %eq3A_2889, %get3A_2884, %select_n3A_2877 : vector<16xi1>, vector<16xf32>
    %get3A_2891 = arith.constant 16 : i32
    %get3A_2892 = arith.constant 0 : i32
    %get3A_2893 = arith.index_cast %get3A_2891 : i32 to index
    %get3A_2894 = arith.index_cast %get3A_2892 : i32 to index
    %get3A_2895 = arith.constant 80 : index
    %get3A_2896 = tpu.vector_load %arg6[%get3A_2893, %get3A_2894, %get3A_2895] {strides = array<i32>} : memref<32x8x128xf32, #tpu.memory_space<vmem>>, vector<1x1x16xf32>,
    %get3A_2897 = vector.shape_cast %get3A_2896 : vector<1x1x16xf32> to vector<16xf32>
    %add3A_2898 = arith.constant 80 : i32
    %add3A_2899 = vector.broadcast %add3A_2898 : i32 to vector<16xi32>
    %add3A_2900 = arith.addi %add3A_2899, %iota3A : vector<16xi32>
    %eq3A_2901 = vector.broadcast %and3A_2823 : i32 to vector<16xi32>
    %eq3A_2902 = arith.cmpi eq, %add3A_2900, %eq3A_2901 : vector<16xi32>
    %select_n3A_2903 = arith.select %eq3A_2902, %get3A_2897, %select_n3A_2890 : vector<16xi1>, vector<16xf32>
    %get3A_2904 = arith.constant 16 : i32
    %get3A_2905 = arith.constant 0 : i32
    %get3A_2906 = arith.index_cast %get3A_2904 : i32 to index
    %get3A_2907 = arith.index_cast %get3A_2905 : i32 to index
    %get3A_2908 = arith.constant 96 : index
    %get3A_2909 = tpu.vector_load %arg6[%get3A_2906, %get3A_2907, %get3A_2908] {strides = array<i32>} : memref<32x8x128xf32, #tpu.memory_space<vmem>>, vector<1x1x16xf32>,
    %get3A_2910 = vector.shape_cast %get3A_2909 : vector<1x1x16xf32> to vector<16xf32>
    %add3A_2911 = arith.constant 96 : i32
    %add3A_2912 = vector.broadcast %add3A_2911 : i32 to vector<16xi32>
    %add3A_2913 = arith.addi %add3A_2912, %iota3A : vector<16xi32>
    %eq3A_2914 = vector.broadcast %and3A_2823 : i32 to vector<16xi32>
    %eq3A_2915 = arith.cmpi eq, %add3A_2913, %eq3A_2914 : vector<16xi32>
    %select_n3A_2916 = arith.select %eq3A_2915, %get3A_2910, %select_n3A_2903 : vector<16xi1>, vector<16xf32>
    %get3A_2917 = arith.constant 16 : i32
    %get3A_2918 = arith.constant 0 : i32
    %get3A_2919 = arith.index_cast %get3A_2917 : i32 to index
    %get3A_2920 = arith.index_cast %get3A_2918 : i32 to index
    %get3A_2921 = arith.constant 112 : index
    %get3A_2922 = tpu.vector_load %arg6[%get3A_2919, %get3A_2920, %get3A_2921] {strides = array<i32>} : memref<32x8x128xf32, #tpu.memory_space<vmem>>, vector<1x1x16xf32>,
    %get3A_2923 = vector.shape_cast %get3A_2922 : vector<1x1x16xf32> to vector<16xf32>
    %add3A_2924 = arith.constant 112 : i32
    %add3A_2925 = vector.broadcast %add3A_2924 : i32 to vector<16xi32>
    %add3A_2926 = arith.addi %add3A_2925, %iota3A : vector<16xi32>
    %eq3A_2927 = vector.broadcast %and3A_2823 : i32 to vector<16xi32>
    %eq3A_2928 = arith.cmpi eq, %add3A_2926, %eq3A_2927 : vector<16xi32>
    %select_n3A_2929 = arith.select %eq3A_2928, %get3A_2923, %select_n3A_2916 : vector<16xi1>, vector<16xf32>
    %and3A_2930 = arith.constant 15 : i32
    %and3A_2931 = arith.andi %and3A_2823, %and3A_2930 : i32
    %broadcast_in_dim3A_2932 = vector.broadcast %and3A_2931 : i32 to vector<16xi32>
    %broadcast_in_dim3A_2933 = vector.shape_cast %broadcast_in_dim3A_2932 : vector<16xi32> to vector<16x1xi32>
    %gather3A_2934 = vector.shape_cast %broadcast_in_dim3A_2933 : vector<16x1xi32> to vector<16xi32>
    %gather3A_2935 = tpu.dynamic_gather %select_n3A_2929[%gather3A_2934] in [0] : vector<16xf32>, vector<16xi32> -> vector<16xf32>
    %eq3A_2936 = arith.constant 0 : i32
    %eq3A_2937 = vector.broadcast %eq3A_2936 : i32 to vector<16xi32>
    %eq3A_2938 = arith.cmpi eq, %iota3A, %eq3A_2937 : vector<16xi32>
    %select_n3A_2939 = arith.select %eq3A_2938, %gather3A_2935, %broadcast_in_dim3A_2821 : vector<16xi1>, vector<16xf32>
    %and3A_2940 = arith.constant 127 : i32
    %and3A_2941 = arith.andi %squeeze3A_311, %and3A_2940 : i32
    %broadcast_in_dim3A_2942 = arith.constant 0.000000e+00 : f32
    %broadcast_in_dim3A_2943 = vector.broadcast %broadcast_in_dim3A_2942 : f32 to vector<16xf32>
    %get3A_2944 = arith.constant 17 : i32
    %get3A_2945 = arith.constant 1 : i32
    %get3A_2946 = arith.index_cast %get3A_2944 : i32 to index
    %get3A_2947 = arith.index_cast %get3A_2945 : i32 to index
    %get3A_2948 = arith.constant 0 : index
    %get3A_2949 = tpu.vector_load %arg6[%get3A_2946, %get3A_2947, %get3A_2948] {strides = array<i32>} : memref<32x8x128xf32, #tpu.memory_space<vmem>>, vector<1x1x16xf32>,
    %get3A_2950 = vector.shape_cast %get3A_2949 : vector<1x1x16xf32> to vector<16xf32>
    %add3A_2951 = arith.constant 0 : i32
    %add3A_2952 = vector.broadcast %add3A_2951 : i32 to vector<16xi32>
    %add3A_2953 = arith.addi %add3A_2952, %iota3A : vector<16xi32>
    %eq3A_2954 = vector.broadcast %and3A_2941 : i32 to vector<16xi32>
    %eq3A_2955 = arith.cmpi eq, %add3A_2953, %eq3A_2954 : vector<16xi32>
    %select_n3A_2956 = arith.select %eq3A_2955, %get3A_2950, %broadcast_in_dim3A_2943 : vector<16xi1>, vector<16xf32>
    %get3A_2957 = arith.constant 17 : i32
    %get3A_2958 = arith.constant 1 : i32
    %get3A_2959 = arith.index_cast %get3A_2957 : i32 to index
    %get3A_2960 = arith.index_cast %get3A_2958 : i32 to index
    %get3A_2961 = arith.constant 16 : index
    %get3A_2962 = tpu.vector_load %arg6[%get3A_2959, %get3A_2960, %get3A_2961] {strides = array<i32>} : memref<32x8x128xf32, #tpu.memory_space<vmem>>, vector<1x1x16xf32>,
    %get3A_2963 = vector.shape_cast %get3A_2962 : vector<1x1x16xf32> to vector<16xf32>
    %add3A_2964 = arith.constant 16 : i32
    %add3A_2965 = vector.broadcast %add3A_2964 : i32 to vector<16xi32>
    %add3A_2966 = arith.addi %add3A_2965, %iota3A : vector<16xi32>
    %eq3A_2967 = vector.broadcast %and3A_2941 : i32 to vector<16xi32>
    %eq3A_2968 = arith.cmpi eq, %add3A_2966, %eq3A_2967 : vector<16xi32>
    %select_n3A_2969 = arith.select %eq3A_2968, %get3A_2963, %select_n3A_2956 : vector<16xi1>, vector<16xf32>
    %get3A_2970 = arith.constant 17 : i32
    %get3A_2971 = arith.constant 1 : i32
    %get3A_2972 = arith.index_cast %get3A_2970 : i32 to index
    %get3A_2973 = arith.index_cast %get3A_2971 : i32 to index
    %get3A_2974 = arith.constant 32 : index
    %get3A_2975 = tpu.vector_load %arg6[%get3A_2972, %get3A_2973, %get3A_2974] {strides = array<i32>} : memref<32x8x128xf32, #tpu.memory_space<vmem>>, vector<1x1x16xf32>,
    %get3A_2976 = vector.shape_cast %get3A_2975 : vector<1x1x16xf32> to vector<16xf32>
    %add3A_2977 = arith.constant 32 : i32
    %add3A_2978 = vector.broadcast %add3A_2977 : i32 to vector<16xi32>
    %add3A_2979 = arith.addi %add3A_2978, %iota3A : vector<16xi32>
    %eq3A_2980 = vector.broadcast %and3A_2941 : i32 to vector<16xi32>
    %eq3A_2981 = arith.cmpi eq, %add3A_2979, %eq3A_2980 : vector<16xi32>
    %select_n3A_2982 = arith.select %eq3A_2981, %get3A_2976, %select_n3A_2969 : vector<16xi1>, vector<16xf32>
    %get3A_2983 = arith.constant 17 : i32
    %get3A_2984 = arith.constant 1 : i32
    %get3A_2985 = arith.index_cast %get3A_2983 : i32 to index
    %get3A_2986 = arith.index_cast %get3A_2984 : i32 to index
    %get3A_2987 = arith.constant 48 : index
    %get3A_2988 = tpu.vector_load %arg6[%get3A_2985, %get3A_2986, %get3A_2987] {strides = array<i32>} : memref<32x8x128xf32, #tpu.memory_space<vmem>>, vector<1x1x16xf32>,
    %get3A_2989 = vector.shape_cast %get3A_2988 : vector<1x1x16xf32> to vector<16xf32>
    %add3A_2990 = arith.constant 48 : i32
    %add3A_2991 = vector.broadcast %add3A_2990 : i32 to vector<16xi32>
    %add3A_2992 = arith.addi %add3A_2991, %iota3A : vector<16xi32>
    %eq3A_2993 = vector.broadcast %and3A_2941 : i32 to vector<16xi32>
    %eq3A_2994 = arith.cmpi eq, %add3A_2992, %eq3A_2993 : vector<16xi32>
    %select_n3A_2995 = arith.select %eq3A_2994, %get3A_2989, %select_n3A_2982 : vector<16xi1>, vector<16xf32>
    %get3A_2996 = arith.constant 17 : i32
    %get3A_2997 = arith.constant 1 : i32
    %get3A_2998 = arith.index_cast %get3A_2996 : i32 to index
    %get3A_2999 = arith.index_cast %get3A_2997 : i32 to index
    %get3A_3000 = arith.constant 64 : index
    %get3A_3001 = tpu.vector_load %arg6[%get3A_2998, %get3A_2999, %get3A_3000] {strides = array<i32>} : memref<32x8x128xf32, #tpu.memory_space<vmem>>, vector<1x1x16xf32>,
    %get3A_3002 = vector.shape_cast %get3A_3001 : vector<1x1x16xf32> to vector<16xf32>
    %add3A_3003 = arith.constant 64 : i32
    %add3A_3004 = vector.broadcast %add3A_3003 : i32 to vector<16xi32>
    %add3A_3005 = arith.addi %add3A_3004, %iota3A : vector<16xi32>
    %eq3A_3006 = vector.broadcast %and3A_2941 : i32 to vector<16xi32>
    %eq3A_3007 = arith.cmpi eq, %add3A_3005, %eq3A_3006 : vector<16xi32>
    %select_n3A_3008 = arith.select %eq3A_3007, %get3A_3002, %select_n3A_2995 : vector<16xi1>, vector<16xf32>
    %get3A_3009 = arith.constant 17 : i32
    %get3A_3010 = arith.constant 1 : i32
    %get3A_3011 = arith.index_cast %get3A_3009 : i32 to index
    %get3A_3012 = arith.index_cast %get3A_3010 : i32 to index
    %get3A_3013 = arith.constant 80 : index
    %get3A_3014 = tpu.vector_load %arg6[%get3A_3011, %get3A_3012, %get3A_3013] {strides = array<i32>} : memref<32x8x128xf32, #tpu.memory_space<vmem>>, vector<1x1x16xf32>,
    %get3A_3015 = vector.shape_cast %get3A_3014 : vector<1x1x16xf32> to vector<16xf32>
    %add3A_3016 = arith.constant 80 : i32
    %add3A_3017 = vector.broadcast %add3A_3016 : i32 to vector<16xi32>
    %add3A_3018 = arith.addi %add3A_3017, %iota3A : vector<16xi32>
    %eq3A_3019 = vector.broadcast %and3A_2941 : i32 to vector<16xi32>
    %eq3A_3020 = arith.cmpi eq, %add3A_3018, %eq3A_3019 : vector<16xi32>
    %select_n3A_3021 = arith.select %eq3A_3020, %get3A_3015, %select_n3A_3008 : vector<16xi1>, vector<16xf32>
    %get3A_3022 = arith.constant 17 : i32
    %get3A_3023 = arith.constant 1 : i32
    %get3A_3024 = arith.index_cast %get3A_3022 : i32 to index
    %get3A_3025 = arith.index_cast %get3A_3023 : i32 to index
    %get3A_3026 = arith.constant 96 : index
    %get3A_3027 = tpu.vector_load %arg6[%get3A_3024, %get3A_3025, %get3A_3026] {strides = array<i32>} : memref<32x8x128xf32, #tpu.memory_space<vmem>>, vector<1x1x16xf32>,
    %get3A_3028 = vector.shape_cast %get3A_3027 : vector<1x1x16xf32> to vector<16xf32>
    %add3A_3029 = arith.constant 96 : i32
    %add3A_3030 = vector.broadcast %add3A_3029 : i32 to vector<16xi32>
    %add3A_3031 = arith.addi %add3A_3030, %iota3A : vector<16xi32>
    %eq3A_3032 = vector.broadcast %and3A_2941 : i32 to vector<16xi32>
    %eq3A_3033 = arith.cmpi eq, %add3A_3031, %eq3A_3032 : vector<16xi32>
    %select_n3A_3034 = arith.select %eq3A_3033, %get3A_3028, %select_n3A_3021 : vector<16xi1>, vector<16xf32>
    %get3A_3035 = arith.constant 17 : i32
    %get3A_3036 = arith.constant 1 : i32
    %get3A_3037 = arith.index_cast %get3A_3035 : i32 to index
    %get3A_3038 = arith.index_cast %get3A_3036 : i32 to index
    %get3A_3039 = arith.constant 112 : index
    %get3A_3040 = tpu.vector_load %arg6[%get3A_3037, %get3A_3038, %get3A_3039] {strides = array<i32>} : memref<32x8x128xf32, #tpu.memory_space<vmem>>, vector<1x1x16xf32>,
    %get3A_3041 = vector.shape_cast %get3A_3040 : vector<1x1x16xf32> to vector<16xf32>
    %add3A_3042 = arith.constant 112 : i32
    %add3A_3043 = vector.broadcast %add3A_3042 : i32 to vector<16xi32>
    %add3A_3044 = arith.addi %add3A_3043, %iota3A : vector<16xi32>
    %eq3A_3045 = vector.broadcast %and3A_2941 : i32 to vector<16xi32>
    %eq3A_3046 = arith.cmpi eq, %add3A_3044, %eq3A_3045 : vector<16xi32>
    %select_n3A_3047 = arith.select %eq3A_3046, %get3A_3041, %select_n3A_3034 : vector<16xi1>, vector<16xf32>
    %and3A_3048 = arith.constant 15 : i32
    %and3A_3049 = arith.andi %and3A_2941, %and3A_3048 : i32
    %broadcast_in_dim3A_3050 = vector.broadcast %and3A_3049 : i32 to vector<16xi32>
    %broadcast_in_dim3A_3051 = vector.shape_cast %broadcast_in_dim3A_3050 : vector<16xi32> to vector<16x1xi32>
    %gather3A_3052 = vector.shape_cast %broadcast_in_dim3A_3051 : vector<16x1xi32> to vector<16xi32>
    %gather3A_3053 = tpu.dynamic_gather %select_n3A_3047[%gather3A_3052] in [0] : vector<16xf32>, vector<16xi32> -> vector<16xf32>
    %eq3A_3054 = arith.constant 1 : i32
    %eq3A_3055 = vector.broadcast %eq3A_3054 : i32 to vector<16xi32>
    %eq3A_3056 = arith.cmpi eq, %iota3A, %eq3A_3055 : vector<16xi32>
    %select_n3A_3057 = arith.select %eq3A_3056, %gather3A_3053, %select_n3A_2939 : vector<16xi1>, vector<16xf32>
    %and3A_3058 = arith.constant 127 : i32
    %and3A_3059 = arith.andi %squeeze3A_329, %and3A_3058 : i32
    %broadcast_in_dim3A_3060 = arith.constant 0.000000e+00 : f32
    %broadcast_in_dim3A_3061 = vector.broadcast %broadcast_in_dim3A_3060 : f32 to vector<16xf32>
    %get3A_3062 = arith.constant 18 : i32
    %get3A_3063 = arith.constant 2 : i32
    %get3A_3064 = arith.index_cast %get3A_3062 : i32 to index
    %get3A_3065 = arith.index_cast %get3A_3063 : i32 to index
    %get3A_3066 = arith.constant 0 : index
    %get3A_3067 = tpu.vector_load %arg6[%get3A_3064, %get3A_3065, %get3A_3066] {strides = array<i32>} : memref<32x8x128xf32, #tpu.memory_space<vmem>>, vector<1x1x16xf32>,
    %get3A_3068 = vector.shape_cast %get3A_3067 : vector<1x1x16xf32> to vector<16xf32>
    %add3A_3069 = arith.constant 0 : i32
    %add3A_3070 = vector.broadcast %add3A_3069 : i32 to vector<16xi32>
    %add3A_3071 = arith.addi %add3A_3070, %iota3A : vector<16xi32>
    %eq3A_3072 = vector.broadcast %and3A_3059 : i32 to vector<16xi32>
    %eq3A_3073 = arith.cmpi eq, %add3A_3071, %eq3A_3072 : vector<16xi32>
    %select_n3A_3074 = arith.select %eq3A_3073, %get3A_3068, %broadcast_in_dim3A_3061 : vector<16xi1>, vector<16xf32>
    %get3A_3075 = arith.constant 18 : i32
    %get3A_3076 = arith.constant 2 : i32
    %get3A_3077 = arith.index_cast %get3A_3075 : i32 to index
    %get3A_3078 = arith.index_cast %get3A_3076 : i32 to index
    %get3A_3079 = arith.constant 16 : index
    %get3A_3080 = tpu.vector_load %arg6[%get3A_3077, %get3A_3078, %get3A_3079] {strides = array<i32>} : memref<32x8x128xf32, #tpu.memory_space<vmem>>, vector<1x1x16xf32>,
    %get3A_3081 = vector.shape_cast %get3A_3080 : vector<1x1x16xf32> to vector<16xf32>
    %add3A_3082 = arith.constant 16 : i32
    %add3A_3083 = vector.broadcast %add3A_3082 : i32 to vector<16xi32>
    %add3A_3084 = arith.addi %add3A_3083, %iota3A : vector<16xi32>
    %eq3A_3085 = vector.broadcast %and3A_3059 : i32 to vector<16xi32>
    %eq3A_3086 = arith.cmpi eq, %add3A_3084, %eq3A_3085 : vector<16xi32>
    %select_n3A_3087 = arith.select %eq3A_3086, %get3A_3081, %select_n3A_3074 : vector<16xi1>, vector<16xf32>
    %get3A_3088 = arith.constant 18 : i32
    %get3A_3089 = arith.constant 2 : i32
    %get3A_3090 = arith.index_cast %get3A_3088 : i32 to index
    %get3A_3091 = arith.index_cast %get3A_3089 : i32 to index
    %get3A_3092 = arith.constant 32 : index
    %get3A_3093 = tpu.vector_load %arg6[%get3A_3090, %get3A_3091, %get3A_3092] {strides = array<i32>} : memref<32x8x128xf32, #tpu.memory_space<vmem>>, vector<1x1x16xf32>,
    %get3A_3094 = vector.shape_cast %get3A_3093 : vector<1x1x16xf32> to vector<16xf32>
    %add3A_3095 = arith.constant 32 : i32
    %add3A_3096 = vector.broadcast %add3A_3095 : i32 to vector<16xi32>
    %add3A_3097 = arith.addi %add3A_3096, %iota3A : vector<16xi32>
    %eq3A_3098 = vector.broadcast %and3A_3059 : i32 to vector<16xi32>
    %eq3A_3099 = arith.cmpi eq, %add3A_3097, %eq3A_3098 : vector<16xi32>
    %select_n3A_3100 = arith.select %eq3A_3099, %get3A_3094, %select_n3A_3087 : vector<16xi1>, vector<16xf32>
    %get3A_3101 = arith.constant 18 : i32
    %get3A_3102 = arith.constant 2 : i32
    %get3A_3103 = arith.index_cast %get3A_3101 : i32 to index
    %get3A_3104 = arith.index_cast %get3A_3102 : i32 to index
    %get3A_3105 = arith.constant 48 : index
    %get3A_3106 = tpu.vector_load %arg6[%get3A_3103, %get3A_3104, %get3A_3105] {strides = array<i32>} : memref<32x8x128xf32, #tpu.memory_space<vmem>>, vector<1x1x16xf32>,
    %get3A_3107 = vector.shape_cast %get3A_3106 : vector<1x1x16xf32> to vector<16xf32>
    %add3A_3108 = arith.constant 48 : i32
    %add3A_3109 = vector.broadcast %add3A_3108 : i32 to vector<16xi32>
    %add3A_3110 = arith.addi %add3A_3109, %iota3A : vector<16xi32>
    %eq3A_3111 = vector.broadcast %and3A_3059 : i32 to vector<16xi32>
    %eq3A_3112 = arith.cmpi eq, %add3A_3110, %eq3A_3111 : vector<16xi32>
    %select_n3A_3113 = arith.select %eq3A_3112, %get3A_3107, %select_n3A_3100 : vector<16xi1>, vector<16xf32>
    %get3A_3114 = arith.constant 18 : i32
    %get3A_3115 = arith.constant 2 : i32
    %get3A_3116 = arith.index_cast %get3A_3114 : i32 to index
    %get3A_3117 = arith.index_cast %get3A_3115 : i32 to index
    %get3A_3118 = arith.constant 64 : index
    %get3A_3119 = tpu.vector_load %arg6[%get3A_3116, %get3A_3117, %get3A_3118] {strides = array<i32>} : memref<32x8x128xf32, #tpu.memory_space<vmem>>, vector<1x1x16xf32>,
    %get3A_3120 = vector.shape_cast %get3A_3119 : vector<1x1x16xf32> to vector<16xf32>
    %add3A_3121 = arith.constant 64 : i32
    %add3A_3122 = vector.broadcast %add3A_3121 : i32 to vector<16xi32>
    %add3A_3123 = arith.addi %add3A_3122, %iota3A : vector<16xi32>
    %eq3A_3124 = vector.broadcast %and3A_3059 : i32 to vector<16xi32>
    %eq3A_3125 = arith.cmpi eq, %add3A_3123, %eq3A_3124 : vector<16xi32>
    %select_n3A_3126 = arith.select %eq3A_3125, %get3A_3120, %select_n3A_3113 : vector<16xi1>, vector<16xf32>
    %get3A_3127 = arith.constant 18 : i32
    %get3A_3128 = arith.constant 2 : i32
    %get3A_3129 = arith.index_cast %get3A_3127 : i32 to index
    %get3A_3130 = arith.index_cast %get3A_3128 : i32 to index
    %get3A_3131 = arith.constant 80 : index
    %get3A_3132 = tpu.vector_load %arg6[%get3A_3129, %get3A_3130, %get3A_3131] {strides = array<i32>} : memref<32x8x128xf32, #tpu.memory_space<vmem>>, vector<1x1x16xf32>,
    %get3A_3133 = vector.shape_cast %get3A_3132 : vector<1x1x16xf32> to vector<16xf32>
    %add3A_3134 = arith.constant 80 : i32
    %add3A_3135 = vector.broadcast %add3A_3134 : i32 to vector<16xi32>
    %add3A_3136 = arith.addi %add3A_3135, %iota3A : vector<16xi32>
    %eq3A_3137 = vector.broadcast %and3A_3059 : i32 to vector<16xi32>
    %eq3A_3138 = arith.cmpi eq, %add3A_3136, %eq3A_3137 : vector<16xi32>
    %select_n3A_3139 = arith.select %eq3A_3138, %get3A_3133, %select_n3A_3126 : vector<16xi1>, vector<16xf32>
    %get3A_3140 = arith.constant 18 : i32
    %get3A_3141 = arith.constant 2 : i32
    %get3A_3142 = arith.index_cast %get3A_3140 : i32 to index
    %get3A_3143 = arith.index_cast %get3A_3141 : i32 to index
    %get3A_3144 = arith.constant 96 : index
    %get3A_3145 = tpu.vector_load %arg6[%get3A_3142, %get3A_3143, %get3A_3144] {strides = array<i32>} : memref<32x8x128xf32, #tpu.memory_space<vmem>>, vector<1x1x16xf32>,
    %get3A_3146 = vector.shape_cast %get3A_3145 : vector<1x1x16xf32> to vector<16xf32>
    %add3A_3147 = arith.constant 96 : i32
    %add3A_3148 = vector.broadcast %add3A_3147 : i32 to vector<16xi32>
    %add3A_3149 = arith.addi %add3A_3148, %iota3A : vector<16xi32>
    %eq3A_3150 = vector.broadcast %and3A_3059 : i32 to vector<16xi32>
    %eq3A_3151 = arith.cmpi eq, %add3A_3149, %eq3A_3150 : vector<16xi32>
    %select_n3A_3152 = arith.select %eq3A_3151, %get3A_3146, %select_n3A_3139 : vector<16xi1>, vector<16xf32>
    %get3A_3153 = arith.constant 18 : i32
    %get3A_3154 = arith.constant 2 : i32
    %get3A_3155 = arith.index_cast %get3A_3153 : i32 to index
    %get3A_3156 = arith.index_cast %get3A_3154 : i32 to index
    %get3A_3157 = arith.constant 112 : index
    %get3A_3158 = tpu.vector_load %arg6[%get3A_3155, %get3A_3156, %get3A_3157] {strides = array<i32>} : memref<32x8x128xf32, #tpu.memory_space<vmem>>, vector<1x1x16xf32>,
    %get3A_3159 = vector.shape_cast %get3A_3158 : vector<1x1x16xf32> to vector<16xf32>
    %add3A_3160 = arith.constant 112 : i32
    %add3A_3161 = vector.broadcast %add3A_3160 : i32 to vector<16xi32>
    %add3A_3162 = arith.addi %add3A_3161, %iota3A : vector<16xi32>
    %eq3A_3163 = vector.broadcast %and3A_3059 : i32 to vector<16xi32>
    %eq3A_3164 = arith.cmpi eq, %add3A_3162, %eq3A_3163 : vector<16xi32>
    %select_n3A_3165 = arith.select %eq3A_3164, %get3A_3159, %select_n3A_3152 : vector<16xi1>, vector<16xf32>
    %and3A_3166 = arith.constant 15 : i32
    %and3A_3167 = arith.andi %and3A_3059, %and3A_3166 : i32
    %broadcast_in_dim3A_3168 = vector.broadcast %and3A_3167 : i32 to vector<16xi32>
    %broadcast_in_dim3A_3169 = vector.shape_cast %broadcast_in_dim3A_3168 : vector<16xi32> to vector<16x1xi32>
    %gather3A_3170 = vector.shape_cast %broadcast_in_dim3A_3169 : vector<16x1xi32> to vector<16xi32>
    %gather3A_3171 = tpu.dynamic_gather %select_n3A_3165[%gather3A_3170] in [0] : vector<16xf32>, vector<16xi32> -> vector<16xf32>
    %eq3A_3172 = arith.constant 2 : i32
    %eq3A_3173 = vector.broadcast %eq3A_3172 : i32 to vector<16xi32>
    %eq3A_3174 = arith.cmpi eq, %iota3A, %eq3A_3173 : vector<16xi32>
    %select_n3A_3175 = arith.select %eq3A_3174, %gather3A_3171, %select_n3A_3057 : vector<16xi1>, vector<16xf32>
    %and3A_3176 = arith.constant 127 : i32
    %and3A_3177 = arith.andi %squeeze3A_347, %and3A_3176 : i32
    %broadcast_in_dim3A_3178 = arith.constant 0.000000e+00 : f32
    %broadcast_in_dim3A_3179 = vector.broadcast %broadcast_in_dim3A_3178 : f32 to vector<16xf32>
    %get3A_3180 = arith.constant 19 : i32
    %get3A_3181 = arith.constant 3 : i32
    %get3A_3182 = arith.index_cast %get3A_3180 : i32 to index
    %get3A_3183 = arith.index_cast %get3A_3181 : i32 to index
    %get3A_3184 = arith.constant 0 : index
    %get3A_3185 = tpu.vector_load %arg6[%get3A_3182, %get3A_3183, %get3A_3184] {strides = array<i32>} : memref<32x8x128xf32, #tpu.memory_space<vmem>>, vector<1x1x16xf32>,
    %get3A_3186 = vector.shape_cast %get3A_3185 : vector<1x1x16xf32> to vector<16xf32>
    %add3A_3187 = arith.constant 0 : i32
    %add3A_3188 = vector.broadcast %add3A_3187 : i32 to vector<16xi32>
    %add3A_3189 = arith.addi %add3A_3188, %iota3A : vector<16xi32>
    %eq3A_3190 = vector.broadcast %and3A_3177 : i32 to vector<16xi32>
    %eq3A_3191 = arith.cmpi eq, %add3A_3189, %eq3A_3190 : vector<16xi32>
    %select_n3A_3192 = arith.select %eq3A_3191, %get3A_3186, %broadcast_in_dim3A_3179 : vector<16xi1>, vector<16xf32>
    %get3A_3193 = arith.constant 19 : i32
    %get3A_3194 = arith.constant 3 : i32
    %get3A_3195 = arith.index_cast %get3A_3193 : i32 to index
    %get3A_3196 = arith.index_cast %get3A_3194 : i32 to index
    %get3A_3197 = arith.constant 16 : index
    %get3A_3198 = tpu.vector_load %arg6[%get3A_3195, %get3A_3196, %get3A_3197] {strides = array<i32>} : memref<32x8x128xf32, #tpu.memory_space<vmem>>, vector<1x1x16xf32>,
    %get3A_3199 = vector.shape_cast %get3A_3198 : vector<1x1x16xf32> to vector<16xf32>
    %add3A_3200 = arith.constant 16 : i32
    %add3A_3201 = vector.broadcast %add3A_3200 : i32 to vector<16xi32>
    %add3A_3202 = arith.addi %add3A_3201, %iota3A : vector<16xi32>
    %eq3A_3203 = vector.broadcast %and3A_3177 : i32 to vector<16xi32>
    %eq3A_3204 = arith.cmpi eq, %add3A_3202, %eq3A_3203 : vector<16xi32>
    %select_n3A_3205 = arith.select %eq3A_3204, %get3A_3199, %select_n3A_3192 : vector<16xi1>, vector<16xf32>
    %get3A_3206 = arith.constant 19 : i32
    %get3A_3207 = arith.constant 3 : i32
    %get3A_3208 = arith.index_cast %get3A_3206 : i32 to index
    %get3A_3209 = arith.index_cast %get3A_3207 : i32 to index
    %get3A_3210 = arith.constant 32 : index
    %get3A_3211 = tpu.vector_load %arg6[%get3A_3208, %get3A_3209, %get3A_3210] {strides = array<i32>} : memref<32x8x128xf32, #tpu.memory_space<vmem>>, vector<1x1x16xf32>,
    %get3A_3212 = vector.shape_cast %get3A_3211 : vector<1x1x16xf32> to vector<16xf32>
    %add3A_3213 = arith.constant 32 : i32
    %add3A_3214 = vector.broadcast %add3A_3213 : i32 to vector<16xi32>
    %add3A_3215 = arith.addi %add3A_3214, %iota3A : vector<16xi32>
    %eq3A_3216 = vector.broadcast %and3A_3177 : i32 to vector<16xi32>
    %eq3A_3217 = arith.cmpi eq, %add3A_3215, %eq3A_3216 : vector<16xi32>
    %select_n3A_3218 = arith.select %eq3A_3217, %get3A_3212, %select_n3A_3205 : vector<16xi1>, vector<16xf32>
    %get3A_3219 = arith.constant 19 : i32
    %get3A_3220 = arith.constant 3 : i32
    %get3A_3221 = arith.index_cast %get3A_3219 : i32 to index
    %get3A_3222 = arith.index_cast %get3A_3220 : i32 to index
    %get3A_3223 = arith.constant 48 : index
    %get3A_3224 = tpu.vector_load %arg6[%get3A_3221, %get3A_3222, %get3A_3223] {strides = array<i32>} : memref<32x8x128xf32, #tpu.memory_space<vmem>>, vector<1x1x16xf32>,
    %get3A_3225 = vector.shape_cast %get3A_3224 : vector<1x1x16xf32> to vector<16xf32>
    %add3A_3226 = arith.constant 48 : i32
    %add3A_3227 = vector.broadcast %add3A_3226 : i32 to vector<16xi32>
    %add3A_3228 = arith.addi %add3A_3227, %iota3A : vector<16xi32>
    %eq3A_3229 = vector.broadcast %and3A_3177 : i32 to vector<16xi32>
    %eq3A_3230 = arith.cmpi eq, %add3A_3228, %eq3A_3229 : vector<16xi32>
    %select_n3A_3231 = arith.select %eq3A_3230, %get3A_3225, %select_n3A_3218 : vector<16xi1>, vector<16xf32>
    %get3A_3232 = arith.constant 19 : i32
    %get3A_3233 = arith.constant 3 : i32
    %get3A_3234 = arith.index_cast %get3A_3232 : i32 to index
    %get3A_3235 = arith.index_cast %get3A_3233 : i32 to index
    %get3A_3236 = arith.constant 64 : index
    %get3A_3237 = tpu.vector_load %arg6[%get3A_3234, %get3A_3235, %get3A_3236] {strides = array<i32>} : memref<32x8x128xf32, #tpu.memory_space<vmem>>, vector<1x1x16xf32>,
    %get3A_3238 = vector.shape_cast %get3A_3237 : vector<1x1x16xf32> to vector<16xf32>
    %add3A_3239 = arith.constant 64 : i32
    %add3A_3240 = vector.broadcast %add3A_3239 : i32 to vector<16xi32>
    %add3A_3241 = arith.addi %add3A_3240, %iota3A : vector<16xi32>
    %eq3A_3242 = vector.broadcast %and3A_3177 : i32 to vector<16xi32>
    %eq3A_3243 = arith.cmpi eq, %add3A_3241, %eq3A_3242 : vector<16xi32>
    %select_n3A_3244 = arith.select %eq3A_3243, %get3A_3238, %select_n3A_3231 : vector<16xi1>, vector<16xf32>
    %get3A_3245 = arith.constant 19 : i32
    %get3A_3246 = arith.constant 3 : i32
    %get3A_3247 = arith.index_cast %get3A_3245 : i32 to index
    %get3A_3248 = arith.index_cast %get3A_3246 : i32 to index
    %get3A_3249 = arith.constant 80 : index
    %get3A_3250 = tpu.vector_load %arg6[%get3A_3247, %get3A_3248, %get3A_3249] {strides = array<i32>} : memref<32x8x128xf32, #tpu.memory_space<vmem>>, vector<1x1x16xf32>,
    %get3A_3251 = vector.shape_cast %get3A_3250 : vector<1x1x16xf32> to vector<16xf32>
    %add3A_3252 = arith.constant 80 : i32
    %add3A_3253 = vector.broadcast %add3A_3252 : i32 to vector<16xi32>
    %add3A_3254 = arith.addi %add3A_3253, %iota3A : vector<16xi32>
    %eq3A_3255 = vector.broadcast %and3A_3177 : i32 to vector<16xi32>
    %eq3A_3256 = arith.cmpi eq, %add3A_3254, %eq3A_3255 : vector<16xi32>
    %select_n3A_3257 = arith.select %eq3A_3256, %get3A_3251, %select_n3A_3244 : vector<16xi1>, vector<16xf32>
    %get3A_3258 = arith.constant 19 : i32
    %get3A_3259 = arith.constant 3 : i32
    %get3A_3260 = arith.index_cast %get3A_3258 : i32 to index
    %get3A_3261 = arith.index_cast %get3A_3259 : i32 to index
    %get3A_3262 = arith.constant 96 : index
    %get3A_3263 = tpu.vector_load %arg6[%get3A_3260, %get3A_3261, %get3A_3262] {strides = array<i32>} : memref<32x8x128xf32, #tpu.memory_space<vmem>>, vector<1x1x16xf32>,
    %get3A_3264 = vector.shape_cast %get3A_3263 : vector<1x1x16xf32> to vector<16xf32>
    %add3A_3265 = arith.constant 96 : i32
    %add3A_3266 = vector.broadcast %add3A_3265 : i32 to vector<16xi32>
    %add3A_3267 = arith.addi %add3A_3266, %iota3A : vector<16xi32>
    %eq3A_3268 = vector.broadcast %and3A_3177 : i32 to vector<16xi32>
    %eq3A_3269 = arith.cmpi eq, %add3A_3267, %eq3A_3268 : vector<16xi32>
    %select_n3A_3270 = arith.select %eq3A_3269, %get3A_3264, %select_n3A_3257 : vector<16xi1>, vector<16xf32>
    %get3A_3271 = arith.constant 19 : i32
    %get3A_3272 = arith.constant 3 : i32
    %get3A_3273 = arith.index_cast %get3A_3271 : i32 to index
    %get3A_3274 = arith.index_cast %get3A_3272 : i32 to index
    %get3A_3275 = arith.constant 112 : index
    %get3A_3276 = tpu.vector_load %arg6[%get3A_3273, %get3A_3274, %get3A_3275] {strides = array<i32>} : memref<32x8x128xf32, #tpu.memory_space<vmem>>, vector<1x1x16xf32>,
    %get3A_3277 = vector.shape_cast %get3A_3276 : vector<1x1x16xf32> to vector<16xf32>
    %add3A_3278 = arith.constant 112 : i32
    %add3A_3279 = vector.broadcast %add3A_3278 : i32 to vector<16xi32>
    %add3A_3280 = arith.addi %add3A_3279, %iota3A : vector<16xi32>
    %eq3A_3281 = vector.broadcast %and3A_3177 : i32 to vector<16xi32>
    %eq3A_3282 = arith.cmpi eq, %add3A_3280, %eq3A_3281 : vector<16xi32>
    %select_n3A_3283 = arith.select %eq3A_3282, %get3A_3277, %select_n3A_3270 : vector<16xi1>, vector<16xf32>
    %and3A_3284 = arith.constant 15 : i32
    %and3A_3285 = arith.andi %and3A_3177, %and3A_3284 : i32
    %broadcast_in_dim3A_3286 = vector.broadcast %and3A_3285 : i32 to vector<16xi32>
    %broadcast_in_dim3A_3287 = vector.shape_cast %broadcast_in_dim3A_3286 : vector<16xi32> to vector<16x1xi32>
    %gather3A_3288 = vector.shape_cast %broadcast_in_dim3A_3287 : vector<16x1xi32> to vector<16xi32>
    %gather3A_3289 = tpu.dynamic_gather %select_n3A_3283[%gather3A_3288] in [0] : vector<16xf32>, vector<16xi32> -> vector<16xf32>
    %eq3A_3290 = arith.constant 3 : i32
    %eq3A_3291 = vector.broadcast %eq3A_3290 : i32 to vector<16xi32>
    %eq3A_3292 = arith.cmpi eq, %iota3A, %eq3A_3291 : vector<16xi32>
    %select_n3A_3293 = arith.select %eq3A_3292, %gather3A_3289, %select_n3A_3175 : vector<16xi1>, vector<16xf32>
    %and3A_3294 = arith.constant 127 : i32
    %and3A_3295 = arith.andi %squeeze3A_365, %and3A_3294 : i32
    %broadcast_in_dim3A_3296 = arith.constant 0.000000e+00 : f32
    %broadcast_in_dim3A_3297 = vector.broadcast %broadcast_in_dim3A_3296 : f32 to vector<16xf32>
    %get3A_3298 = arith.constant 20 : i32
    %get3A_3299 = arith.constant 4 : i32
    %get3A_3300 = arith.index_cast %get3A_3298 : i32 to index
    %get3A_3301 = arith.index_cast %get3A_3299 : i32 to index
    %get3A_3302 = arith.constant 0 : index
    %get3A_3303 = tpu.vector_load %arg6[%get3A_3300, %get3A_3301, %get3A_3302] {strides = array<i32>} : memref<32x8x128xf32, #tpu.memory_space<vmem>>, vector<1x1x16xf32>,
    %get3A_3304 = vector.shape_cast %get3A_3303 : vector<1x1x16xf32> to vector<16xf32>
    %add3A_3305 = arith.constant 0 : i32
    %add3A_3306 = vector.broadcast %add3A_3305 : i32 to vector<16xi32>
    %add3A_3307 = arith.addi %add3A_3306, %iota3A : vector<16xi32>
    %eq3A_3308 = vector.broadcast %and3A_3295 : i32 to vector<16xi32>
    %eq3A_3309 = arith.cmpi eq, %add3A_3307, %eq3A_3308 : vector<16xi32>
    %select_n3A_3310 = arith.select %eq3A_3309, %get3A_3304, %broadcast_in_dim3A_3297 : vector<16xi1>, vector<16xf32>
    %get3A_3311 = arith.constant 20 : i32
    %get3A_3312 = arith.constant 4 : i32
    %get3A_3313 = arith.index_cast %get3A_3311 : i32 to index
    %get3A_3314 = arith.index_cast %get3A_3312 : i32 to index
    %get3A_3315 = arith.constant 16 : index
    %get3A_3316 = tpu.vector_load %arg6[%get3A_3313, %get3A_3314, %get3A_3315] {strides = array<i32>} : memref<32x8x128xf32, #tpu.memory_space<vmem>>, vector<1x1x16xf32>,
    %get3A_3317 = vector.shape_cast %get3A_3316 : vector<1x1x16xf32> to vector<16xf32>
    %add3A_3318 = arith.constant 16 : i32
    %add3A_3319 = vector.broadcast %add3A_3318 : i32 to vector<16xi32>
    %add3A_3320 = arith.addi %add3A_3319, %iota3A : vector<16xi32>
    %eq3A_3321 = vector.broadcast %and3A_3295 : i32 to vector<16xi32>
    %eq3A_3322 = arith.cmpi eq, %add3A_3320, %eq3A_3321 : vector<16xi32>
    %select_n3A_3323 = arith.select %eq3A_3322, %get3A_3317, %select_n3A_3310 : vector<16xi1>, vector<16xf32>
    %get3A_3324 = arith.constant 20 : i32
    %get3A_3325 = arith.constant 4 : i32
    %get3A_3326 = arith.index_cast %get3A_3324 : i32 to index
    %get3A_3327 = arith.index_cast %get3A_3325 : i32 to index
    %get3A_3328 = arith.constant 32 : index
    %get3A_3329 = tpu.vector_load %arg6[%get3A_3326, %get3A_3327, %get3A_3328] {strides = array<i32>} : memref<32x8x128xf32, #tpu.memory_space<vmem>>, vector<1x1x16xf32>,
    %get3A_3330 = vector.shape_cast %get3A_3329 : vector<1x1x16xf32> to vector<16xf32>
    %add3A_3331 = arith.constant 32 : i32
    %add3A_3332 = vector.broadcast %add3A_3331 : i32 to vector<16xi32>
    %add3A_3333 = arith.addi %add3A_3332, %iota3A : vector<16xi32>
    %eq3A_3334 = vector.broadcast %and3A_3295 : i32 to vector<16xi32>
    %eq3A_3335 = arith.cmpi eq, %add3A_3333, %eq3A_3334 : vector<16xi32>
    %select_n3A_3336 = arith.select %eq3A_3335, %get3A_3330, %select_n3A_3323 : vector<16xi1>, vector<16xf32>
    %get3A_3337 = arith.constant 20 : i32
    %get3A_3338 = arith.constant 4 : i32
    %get3A_3339 = arith.index_cast %get3A_3337 : i32 to index
    %get3A_3340 = arith.index_cast %get3A_3338 : i32 to index
    %get3A_3341 = arith.constant 48 : index
    %get3A_3342 = tpu.vector_load %arg6[%get3A_3339, %get3A_3340, %get3A_3341] {strides = array<i32>} : memref<32x8x128xf32, #tpu.memory_space<vmem>>, vector<1x1x16xf32>,
    %get3A_3343 = vector.shape_cast %get3A_3342 : vector<1x1x16xf32> to vector<16xf32>
    %add3A_3344 = arith.constant 48 : i32
    %add3A_3345 = vector.broadcast %add3A_3344 : i32 to vector<16xi32>
    %add3A_3346 = arith.addi %add3A_3345, %iota3A : vector<16xi32>
    %eq3A_3347 = vector.broadcast %and3A_3295 : i32 to vector<16xi32>
    %eq3A_3348 = arith.cmpi eq, %add3A_3346, %eq3A_3347 : vector<16xi32>
    %select_n3A_3349 = arith.select %eq3A_3348, %get3A_3343, %select_n3A_3336 : vector<16xi1>, vector<16xf32>
    %get3A_3350 = arith.constant 20 : i32
    %get3A_3351 = arith.constant 4 : i32
    %get3A_3352 = arith.index_cast %get3A_3350 : i32 to index
    %get3A_3353 = arith.index_cast %get3A_3351 : i32 to index
    %get3A_3354 = arith.constant 64 : index
    %get3A_3355 = tpu.vector_load %arg6[%get3A_3352, %get3A_3353, %get3A_3354] {strides = array<i32>} : memref<32x8x128xf32, #tpu.memory_space<vmem>>, vector<1x1x16xf32>,
    %get3A_3356 = vector.shape_cast %get3A_3355 : vector<1x1x16xf32> to vector<16xf32>
    %add3A_3357 = arith.constant 64 : i32
    %add3A_3358 = vector.broadcast %add3A_3357 : i32 to vector<16xi32>
    %add3A_3359 = arith.addi %add3A_3358, %iota3A : vector<16xi32>
    %eq3A_3360 = vector.broadcast %and3A_3295 : i32 to vector<16xi32>
    %eq3A_3361 = arith.cmpi eq, %add3A_3359, %eq3A_3360 : vector<16xi32>
    %select_n3A_3362 = arith.select %eq3A_3361, %get3A_3356, %select_n3A_3349 : vector<16xi1>, vector<16xf32>
    %get3A_3363 = arith.constant 20 : i32
    %get3A_3364 = arith.constant 4 : i32
    %get3A_3365 = arith.index_cast %get3A_3363 : i32 to index
    %get3A_3366 = arith.index_cast %get3A_3364 : i32 to index
    %get3A_3367 = arith.constant 80 : index
    %get3A_3368 = tpu.vector_load %arg6[%get3A_3365, %get3A_3366, %get3A_3367] {strides = array<i32>} : memref<32x8x128xf32, #tpu.memory_space<vmem>>, vector<1x1x16xf32>,
    %get3A_3369 = vector.shape_cast %get3A_3368 : vector<1x1x16xf32> to vector<16xf32>
    %add3A_3370 = arith.constant 80 : i32
    %add3A_3371 = vector.broadcast %add3A_3370 : i32 to vector<16xi32>
    %add3A_3372 = arith.addi %add3A_3371, %iota3A : vector<16xi32>
    %eq3A_3373 = vector.broadcast %and3A_3295 : i32 to vector<16xi32>
    %eq3A_3374 = arith.cmpi eq, %add3A_3372, %eq3A_3373 : vector<16xi32>
    %select_n3A_3375 = arith.select %eq3A_3374, %get3A_3369, %select_n3A_3362 : vector<16xi1>, vector<16xf32>
    %get3A_3376 = arith.constant 20 : i32
    %get3A_3377 = arith.constant 4 : i32
    %get3A_3378 = arith.index_cast %get3A_3376 : i32 to index
    %get3A_3379 = arith.index_cast %get3A_3377 : i32 to index
    %get3A_3380 = arith.constant 96 : index
    %get3A_3381 = tpu.vector_load %arg6[%get3A_3378, %get3A_3379, %get3A_3380] {strides = array<i32>} : memref<32x8x128xf32, #tpu.memory_space<vmem>>, vector<1x1x16xf32>,
    %get3A_3382 = vector.shape_cast %get3A_3381 : vector<1x1x16xf32> to vector<16xf32>
    %add3A_3383 = arith.constant 96 : i32
    %add3A_3384 = vector.broadcast %add3A_3383 : i32 to vector<16xi32>
    %add3A_3385 = arith.addi %add3A_3384, %iota3A : vector<16xi32>
    %eq3A_3386 = vector.broadcast %and3A_3295 : i32 to vector<16xi32>
    %eq3A_3387 = arith.cmpi eq, %add3A_3385, %eq3A_3386 : vector<16xi32>
    %select_n3A_3388 = arith.select %eq3A_3387, %get3A_3382, %select_n3A_3375 : vector<16xi1>, vector<16xf32>
    %get3A_3389 = arith.constant 20 : i32
    %get3A_3390 = arith.constant 4 : i32
    %get3A_3391 = arith.index_cast %get3A_3389 : i32 to index
    %get3A_3392 = arith.index_cast %get3A_3390 : i32 to index
    %get3A_3393 = arith.constant 112 : index
    %get3A_3394 = tpu.vector_load %arg6[%get3A_3391, %get3A_3392, %get3A_3393] {strides = array<i32>} : memref<32x8x128xf32, #tpu.memory_space<vmem>>, vector<1x1x16xf32>,
    %get3A_3395 = vector.shape_cast %get3A_3394 : vector<1x1x16xf32> to vector<16xf32>
    %add3A_3396 = arith.constant 112 : i32
    %add3A_3397 = vector.broadcast %add3A_3396 : i32 to vector<16xi32>
    %add3A_3398 = arith.addi %add3A_3397, %iota3A : vector<16xi32>
    %eq3A_3399 = vector.broadcast %and3A_3295 : i32 to vector<16xi32>
    %eq3A_3400 = arith.cmpi eq, %add3A_3398, %eq3A_3399 : vector<16xi32>
    %select_n3A_3401 = arith.select %eq3A_3400, %get3A_3395, %select_n3A_3388 : vector<16xi1>, vector<16xf32>
    %and3A_3402 = arith.constant 15 : i32
    %and3A_3403 = arith.andi %and3A_3295, %and3A_3402 : i32
    %broadcast_in_dim3A_3404 = vector.broadcast %and3A_3403 : i32 to vector<16xi32>
    %broadcast_in_dim3A_3405 = vector.shape_cast %broadcast_in_dim3A_3404 : vector<16xi32> to vector<16x1xi32>
    %gather3A_3406 = vector.shape_cast %broadcast_in_dim3A_3405 : vector<16x1xi32> to vector<16xi32>
    %gather3A_3407 = tpu.dynamic_gather %select_n3A_3401[%gather3A_3406] in [0] : vector<16xf32>, vector<16xi32> -> vector<16xf32>
    %eq3A_3408 = arith.constant 4 : i32
    %eq3A_3409 = vector.broadcast %eq3A_3408 : i32 to vector<16xi32>
    %eq3A_3410 = arith.cmpi eq, %iota3A, %eq3A_3409 : vector<16xi32>
    %select_n3A_3411 = arith.select %eq3A_3410, %gather3A_3407, %select_n3A_3293 : vector<16xi1>, vector<16xf32>
    %and3A_3412 = arith.constant 127 : i32
    %and3A_3413 = arith.andi %squeeze3A_383, %and3A_3412 : i32
    %broadcast_in_dim3A_3414 = arith.constant 0.000000e+00 : f32
    %broadcast_in_dim3A_3415 = vector.broadcast %broadcast_in_dim3A_3414 : f32 to vector<16xf32>
    %get3A_3416 = arith.constant 21 : i32
    %get3A_3417 = arith.constant 5 : i32
    %get3A_3418 = arith.index_cast %get3A_3416 : i32 to index
    %get3A_3419 = arith.index_cast %get3A_3417 : i32 to index
    %get3A_3420 = arith.constant 0 : index
    %get3A_3421 = tpu.vector_load %arg6[%get3A_3418, %get3A_3419, %get3A_3420] {strides = array<i32>} : memref<32x8x128xf32, #tpu.memory_space<vmem>>, vector<1x1x16xf32>,
    %get3A_3422 = vector.shape_cast %get3A_3421 : vector<1x1x16xf32> to vector<16xf32>
    %add3A_3423 = arith.constant 0 : i32
    %add3A_3424 = vector.broadcast %add3A_3423 : i32 to vector<16xi32>
    %add3A_3425 = arith.addi %add3A_3424, %iota3A : vector<16xi32>
    %eq3A_3426 = vector.broadcast %and3A_3413 : i32 to vector<16xi32>
    %eq3A_3427 = arith.cmpi eq, %add3A_3425, %eq3A_3426 : vector<16xi32>
    %select_n3A_3428 = arith.select %eq3A_3427, %get3A_3422, %broadcast_in_dim3A_3415 : vector<16xi1>, vector<16xf32>
    %get3A_3429 = arith.constant 21 : i32
    %get3A_3430 = arith.constant 5 : i32
    %get3A_3431 = arith.index_cast %get3A_3429 : i32 to index
    %get3A_3432 = arith.index_cast %get3A_3430 : i32 to index
    %get3A_3433 = arith.constant 16 : index
    %get3A_3434 = tpu.vector_load %arg6[%get3A_3431, %get3A_3432, %get3A_3433] {strides = array<i32>} : memref<32x8x128xf32, #tpu.memory_space<vmem>>, vector<1x1x16xf32>,
    %get3A_3435 = vector.shape_cast %get3A_3434 : vector<1x1x16xf32> to vector<16xf32>
    %add3A_3436 = arith.constant 16 : i32
    %add3A_3437 = vector.broadcast %add3A_3436 : i32 to vector<16xi32>
    %add3A_3438 = arith.addi %add3A_3437, %iota3A : vector<16xi32>
    %eq3A_3439 = vector.broadcast %and3A_3413 : i32 to vector<16xi32>
    %eq3A_3440 = arith.cmpi eq, %add3A_3438, %eq3A_3439 : vector<16xi32>
    %select_n3A_3441 = arith.select %eq3A_3440, %get3A_3435, %select_n3A_3428 : vector<16xi1>, vector<16xf32>
    %get3A_3442 = arith.constant 21 : i32
    %get3A_3443 = arith.constant 5 : i32
    %get3A_3444 = arith.index_cast %get3A_3442 : i32 to index
    %get3A_3445 = arith.index_cast %get3A_3443 : i32 to index
    %get3A_3446 = arith.constant 32 : index
    %get3A_3447 = tpu.vector_load %arg6[%get3A_3444, %get3A_3445, %get3A_3446] {strides = array<i32>} : memref<32x8x128xf32, #tpu.memory_space<vmem>>, vector<1x1x16xf32>,
    %get3A_3448 = vector.shape_cast %get3A_3447 : vector<1x1x16xf32> to vector<16xf32>
    %add3A_3449 = arith.constant 32 : i32
    %add3A_3450 = vector.broadcast %add3A_3449 : i32 to vector<16xi32>
    %add3A_3451 = arith.addi %add3A_3450, %iota3A : vector<16xi32>
    %eq3A_3452 = vector.broadcast %and3A_3413 : i32 to vector<16xi32>
    %eq3A_3453 = arith.cmpi eq, %add3A_3451, %eq3A_3452 : vector<16xi32>
    %select_n3A_3454 = arith.select %eq3A_3453, %get3A_3448, %select_n3A_3441 : vector<16xi1>, vector<16xf32>
    %get3A_3455 = arith.constant 21 : i32
    %get3A_3456 = arith.constant 5 : i32
    %get3A_3457 = arith.index_cast %get3A_3455 : i32 to index
    %get3A_3458 = arith.index_cast %get3A_3456 : i32 to index
    %get3A_3459 = arith.constant 48 : index
    %get3A_3460 = tpu.vector_load %arg6[%get3A_3457, %get3A_3458, %get3A_3459] {strides = array<i32>} : memref<32x8x128xf32, #tpu.memory_space<vmem>>, vector<1x1x16xf32>,
    %get3A_3461 = vector.shape_cast %get3A_3460 : vector<1x1x16xf32> to vector<16xf32>
    %add3A_3462 = arith.constant 48 : i32
    %add3A_3463 = vector.broadcast %add3A_3462 : i32 to vector<16xi32>
    %add3A_3464 = arith.addi %add3A_3463, %iota3A : vector<16xi32>
    %eq3A_3465 = vector.broadcast %and3A_3413 : i32 to vector<16xi32>
    %eq3A_3466 = arith.cmpi eq, %add3A_3464, %eq3A_3465 : vector<16xi32>
    %select_n3A_3467 = arith.select %eq3A_3466, %get3A_3461, %select_n3A_3454 : vector<16xi1>, vector<16xf32>
    %get3A_3468 = arith.constant 21 : i32
    %get3A_3469 = arith.constant 5 : i32
    %get3A_3470 = arith.index_cast %get3A_3468 : i32 to index
    %get3A_3471 = arith.index_cast %get3A_3469 : i32 to index
    %get3A_3472 = arith.constant 64 : index
    %get3A_3473 = tpu.vector_load %arg6[%get3A_3470, %get3A_3471, %get3A_3472] {strides = array<i32>} : memref<32x8x128xf32, #tpu.memory_space<vmem>>, vector<1x1x16xf32>,
    %get3A_3474 = vector.shape_cast %get3A_3473 : vector<1x1x16xf32> to vector<16xf32>
    %add3A_3475 = arith.constant 64 : i32
    %add3A_3476 = vector.broadcast %add3A_3475 : i32 to vector<16xi32>
    %add3A_3477 = arith.addi %add3A_3476, %iota3A : vector<16xi32>
    %eq3A_3478 = vector.broadcast %and3A_3413 : i32 to vector<16xi32>
    %eq3A_3479 = arith.cmpi eq, %add3A_3477, %eq3A_3478 : vector<16xi32>
    %select_n3A_3480 = arith.select %eq3A_3479, %get3A_3474, %select_n3A_3467 : vector<16xi1>, vector<16xf32>
    %get3A_3481 = arith.constant 21 : i32
    %get3A_3482 = arith.constant 5 : i32
    %get3A_3483 = arith.index_cast %get3A_3481 : i32 to index
    %get3A_3484 = arith.index_cast %get3A_3482 : i32 to index
    %get3A_3485 = arith.constant 80 : index
    %get3A_3486 = tpu.vector_load %arg6[%get3A_3483, %get3A_3484, %get3A_3485] {strides = array<i32>} : memref<32x8x128xf32, #tpu.memory_space<vmem>>, vector<1x1x16xf32>,
    %get3A_3487 = vector.shape_cast %get3A_3486 : vector<1x1x16xf32> to vector<16xf32>
    %add3A_3488 = arith.constant 80 : i32
    %add3A_3489 = vector.broadcast %add3A_3488 : i32 to vector<16xi32>
    %add3A_3490 = arith.addi %add3A_3489, %iota3A : vector<16xi32>
    %eq3A_3491 = vector.broadcast %and3A_3413 : i32 to vector<16xi32>
    %eq3A_3492 = arith.cmpi eq, %add3A_3490, %eq3A_3491 : vector<16xi32>
    %select_n3A_3493 = arith.select %eq3A_3492, %get3A_3487, %select_n3A_3480 : vector<16xi1>, vector<16xf32>
    %get3A_3494 = arith.constant 21 : i32
    %get3A_3495 = arith.constant 5 : i32
    %get3A_3496 = arith.index_cast %get3A_3494 : i32 to index
    %get3A_3497 = arith.index_cast %get3A_3495 : i32 to index
    %get3A_3498 = arith.constant 96 : index
    %get3A_3499 = tpu.vector_load %arg6[%get3A_3496, %get3A_3497, %get3A_3498] {strides = array<i32>} : memref<32x8x128xf32, #tpu.memory_space<vmem>>, vector<1x1x16xf32>,
    %get3A_3500 = vector.shape_cast %get3A_3499 : vector<1x1x16xf32> to vector<16xf32>
    %add3A_3501 = arith.constant 96 : i32
    %add3A_3502 = vector.broadcast %add3A_3501 : i32 to vector<16xi32>
    %add3A_3503 = arith.addi %add3A_3502, %iota3A : vector<16xi32>
    %eq3A_3504 = vector.broadcast %and3A_3413 : i32 to vector<16xi32>
    %eq3A_3505 = arith.cmpi eq, %add3A_3503, %eq3A_3504 : vector<16xi32>
    %select_n3A_3506 = arith.select %eq3A_3505, %get3A_3500, %select_n3A_3493 : vector<16xi1>, vector<16xf32>
    %get3A_3507 = arith.constant 21 : i32
    %get3A_3508 = arith.constant 5 : i32
    %get3A_3509 = arith.index_cast %get3A_3507 : i32 to index
    %get3A_3510 = arith.index_cast %get3A_3508 : i32 to index
    %get3A_3511 = arith.constant 112 : index
    %get3A_3512 = tpu.vector_load %arg6[%get3A_3509, %get3A_3510, %get3A_3511] {strides = array<i32>} : memref<32x8x128xf32, #tpu.memory_space<vmem>>, vector<1x1x16xf32>,
    %get3A_3513 = vector.shape_cast %get3A_3512 : vector<1x1x16xf32> to vector<16xf32>
    %add3A_3514 = arith.constant 112 : i32
    %add3A_3515 = vector.broadcast %add3A_3514 : i32 to vector<16xi32>
    %add3A_3516 = arith.addi %add3A_3515, %iota3A : vector<16xi32>
    %eq3A_3517 = vector.broadcast %and3A_3413 : i32 to vector<16xi32>
    %eq3A_3518 = arith.cmpi eq, %add3A_3516, %eq3A_3517 : vector<16xi32>
    %select_n3A_3519 = arith.select %eq3A_3518, %get3A_3513, %select_n3A_3506 : vector<16xi1>, vector<16xf32>
    %and3A_3520 = arith.constant 15 : i32
    %and3A_3521 = arith.andi %and3A_3413, %and3A_3520 : i32
    %broadcast_in_dim3A_3522 = vector.broadcast %and3A_3521 : i32 to vector<16xi32>
    %broadcast_in_dim3A_3523 = vector.shape_cast %broadcast_in_dim3A_3522 : vector<16xi32> to vector<16x1xi32>
    %gather3A_3524 = vector.shape_cast %broadcast_in_dim3A_3523 : vector<16x1xi32> to vector<16xi32>
    %gather3A_3525 = tpu.dynamic_gather %select_n3A_3519[%gather3A_3524] in [0] : vector<16xf32>, vector<16xi32> -> vector<16xf32>
    %eq3A_3526 = arith.constant 5 : i32
    %eq3A_3527 = vector.broadcast %eq3A_3526 : i32 to vector<16xi32>
    %eq3A_3528 = arith.cmpi eq, %iota3A, %eq3A_3527 : vector<16xi32>
    %select_n3A_3529 = arith.select %eq3A_3528, %gather3A_3525, %select_n3A_3411 : vector<16xi1>, vector<16xf32>
    %and3A_3530 = arith.constant 127 : i32
    %and3A_3531 = arith.andi %squeeze3A_401, %and3A_3530 : i32
    %broadcast_in_dim3A_3532 = arith.constant 0.000000e+00 : f32
    %broadcast_in_dim3A_3533 = vector.broadcast %broadcast_in_dim3A_3532 : f32 to vector<16xf32>
    %get3A_3534 = arith.constant 22 : i32
    %get3A_3535 = arith.constant 6 : i32
    %get3A_3536 = arith.index_cast %get3A_3534 : i32 to index
    %get3A_3537 = arith.index_cast %get3A_3535 : i32 to index
    %get3A_3538 = arith.constant 0 : index
    %get3A_3539 = tpu.vector_load %arg6[%get3A_3536, %get3A_3537, %get3A_3538] {strides = array<i32>} : memref<32x8x128xf32, #tpu.memory_space<vmem>>, vector<1x1x16xf32>,
    %get3A_3540 = vector.shape_cast %get3A_3539 : vector<1x1x16xf32> to vector<16xf32>
    %add3A_3541 = arith.constant 0 : i32
    %add3A_3542 = vector.broadcast %add3A_3541 : i32 to vector<16xi32>
    %add3A_3543 = arith.addi %add3A_3542, %iota3A : vector<16xi32>
    %eq3A_3544 = vector.broadcast %and3A_3531 : i32 to vector<16xi32>
    %eq3A_3545 = arith.cmpi eq, %add3A_3543, %eq3A_3544 : vector<16xi32>
    %select_n3A_3546 = arith.select %eq3A_3545, %get3A_3540, %broadcast_in_dim3A_3533 : vector<16xi1>, vector<16xf32>
    %get3A_3547 = arith.constant 22 : i32
    %get3A_3548 = arith.constant 6 : i32
    %get3A_3549 = arith.index_cast %get3A_3547 : i32 to index
    %get3A_3550 = arith.index_cast %get3A_3548 : i32 to index
    %get3A_3551 = arith.constant 16 : index
    %get3A_3552 = tpu.vector_load %arg6[%get3A_3549, %get3A_3550, %get3A_3551] {strides = array<i32>} : memref<32x8x128xf32, #tpu.memory_space<vmem>>, vector<1x1x16xf32>,
    %get3A_3553 = vector.shape_cast %get3A_3552 : vector<1x1x16xf32> to vector<16xf32>
    %add3A_3554 = arith.constant 16 : i32
    %add3A_3555 = vector.broadcast %add3A_3554 : i32 to vector<16xi32>
    %add3A_3556 = arith.addi %add3A_3555, %iota3A : vector<16xi32>
    %eq3A_3557 = vector.broadcast %and3A_3531 : i32 to vector<16xi32>
    %eq3A_3558 = arith.cmpi eq, %add3A_3556, %eq3A_3557 : vector<16xi32>
    %select_n3A_3559 = arith.select %eq3A_3558, %get3A_3553, %select_n3A_3546 : vector<16xi1>, vector<16xf32>
    %get3A_3560 = arith.constant 22 : i32
    %get3A_3561 = arith.constant 6 : i32
    %get3A_3562 = arith.index_cast %get3A_3560 : i32 to index
    %get3A_3563 = arith.index_cast %get3A_3561 : i32 to index
    %get3A_3564 = arith.constant 32 : index
    %get3A_3565 = tpu.vector_load %arg6[%get3A_3562, %get3A_3563, %get3A_3564] {strides = array<i32>} : memref<32x8x128xf32, #tpu.memory_space<vmem>>, vector<1x1x16xf32>,
    %get3A_3566 = vector.shape_cast %get3A_3565 : vector<1x1x16xf32> to vector<16xf32>
    %add3A_3567 = arith.constant 32 : i32
    %add3A_3568 = vector.broadcast %add3A_3567 : i32 to vector<16xi32>
    %add3A_3569 = arith.addi %add3A_3568, %iota3A : vector<16xi32>
    %eq3A_3570 = vector.broadcast %and3A_3531 : i32 to vector<16xi32>
    %eq3A_3571 = arith.cmpi eq, %add3A_3569, %eq3A_3570 : vector<16xi32>
    %select_n3A_3572 = arith.select %eq3A_3571, %get3A_3566, %select_n3A_3559 : vector<16xi1>, vector<16xf32>
    %get3A_3573 = arith.constant 22 : i32
    %get3A_3574 = arith.constant 6 : i32
    %get3A_3575 = arith.index_cast %get3A_3573 : i32 to index
    %get3A_3576 = arith.index_cast %get3A_3574 : i32 to index
    %get3A_3577 = arith.constant 48 : index
    %get3A_3578 = tpu.vector_load %arg6[%get3A_3575, %get3A_3576, %get3A_3577] {strides = array<i32>} : memref<32x8x128xf32, #tpu.memory_space<vmem>>, vector<1x1x16xf32>,
    %get3A_3579 = vector.shape_cast %get3A_3578 : vector<1x1x16xf32> to vector<16xf32>
    %add3A_3580 = arith.constant 48 : i32
    %add3A_3581 = vector.broadcast %add3A_3580 : i32 to vector<16xi32>
    %add3A_3582 = arith.addi %add3A_3581, %iota3A : vector<16xi32>
    %eq3A_3583 = vector.broadcast %and3A_3531 : i32 to vector<16xi32>
    %eq3A_3584 = arith.cmpi eq, %add3A_3582, %eq3A_3583 : vector<16xi32>
    %select_n3A_3585 = arith.select %eq3A_3584, %get3A_3579, %select_n3A_3572 : vector<16xi1>, vector<16xf32>
    %get3A_3586 = arith.constant 22 : i32
    %get3A_3587 = arith.constant 6 : i32
    %get3A_3588 = arith.index_cast %get3A_3586 : i32 to index
    %get3A_3589 = arith.index_cast %get3A_3587 : i32 to index
    %get3A_3590 = arith.constant 64 : index
    %get3A_3591 = tpu.vector_load %arg6[%get3A_3588, %get3A_3589, %get3A_3590] {strides = array<i32>} : memref<32x8x128xf32, #tpu.memory_space<vmem>>, vector<1x1x16xf32>,
    %get3A_3592 = vector.shape_cast %get3A_3591 : vector<1x1x16xf32> to vector<16xf32>
    %add3A_3593 = arith.constant 64 : i32
    %add3A_3594 = vector.broadcast %add3A_3593 : i32 to vector<16xi32>
    %add3A_3595 = arith.addi %add3A_3594, %iota3A : vector<16xi32>
    %eq3A_3596 = vector.broadcast %and3A_3531 : i32 to vector<16xi32>
    %eq3A_3597 = arith.cmpi eq, %add3A_3595, %eq3A_3596 : vector<16xi32>
    %select_n3A_3598 = arith.select %eq3A_3597, %get3A_3592, %select_n3A_3585 : vector<16xi1>, vector<16xf32>
    %get3A_3599 = arith.constant 22 : i32
    %get3A_3600 = arith.constant 6 : i32
    %get3A_3601 = arith.index_cast %get3A_3599 : i32 to index
    %get3A_3602 = arith.index_cast %get3A_3600 : i32 to index
    %get3A_3603 = arith.constant 80 : index
    %get3A_3604 = tpu.vector_load %arg6[%get3A_3601, %get3A_3602, %get3A_3603] {strides = array<i32>} : memref<32x8x128xf32, #tpu.memory_space<vmem>>, vector<1x1x16xf32>,
    %get3A_3605 = vector.shape_cast %get3A_3604 : vector<1x1x16xf32> to vector<16xf32>
    %add3A_3606 = arith.constant 80 : i32
    %add3A_3607 = vector.broadcast %add3A_3606 : i32 to vector<16xi32>
    %add3A_3608 = arith.addi %add3A_3607, %iota3A : vector<16xi32>
    %eq3A_3609 = vector.broadcast %and3A_3531 : i32 to vector<16xi32>
    %eq3A_3610 = arith.cmpi eq, %add3A_3608, %eq3A_3609 : vector<16xi32>
    %select_n3A_3611 = arith.select %eq3A_3610, %get3A_3605, %select_n3A_3598 : vector<16xi1>, vector<16xf32>
    %get3A_3612 = arith.constant 22 : i32
    %get3A_3613 = arith.constant 6 : i32
    %get3A_3614 = arith.index_cast %get3A_3612 : i32 to index
    %get3A_3615 = arith.index_cast %get3A_3613 : i32 to index
    %get3A_3616 = arith.constant 96 : index
    %get3A_3617 = tpu.vector_load %arg6[%get3A_3614, %get3A_3615, %get3A_3616] {strides = array<i32>} : memref<32x8x128xf32, #tpu.memory_space<vmem>>, vector<1x1x16xf32>,
    %get3A_3618 = vector.shape_cast %get3A_3617 : vector<1x1x16xf32> to vector<16xf32>
    %add3A_3619 = arith.constant 96 : i32
    %add3A_3620 = vector.broadcast %add3A_3619 : i32 to vector<16xi32>
    %add3A_3621 = arith.addi %add3A_3620, %iota3A : vector<16xi32>
    %eq3A_3622 = vector.broadcast %and3A_3531 : i32 to vector<16xi32>
    %eq3A_3623 = arith.cmpi eq, %add3A_3621, %eq3A_3622 : vector<16xi32>
    %select_n3A_3624 = arith.select %eq3A_3623, %get3A_3618, %select_n3A_3611 : vector<16xi1>, vector<16xf32>
    %get3A_3625 = arith.constant 22 : i32
    %get3A_3626 = arith.constant 6 : i32
    %get3A_3627 = arith.index_cast %get3A_3625 : i32 to index
    %get3A_3628 = arith.index_cast %get3A_3626 : i32 to index
    %get3A_3629 = arith.constant 112 : index
    %get3A_3630 = tpu.vector_load %arg6[%get3A_3627, %get3A_3628, %get3A_3629] {strides = array<i32>} : memref<32x8x128xf32, #tpu.memory_space<vmem>>, vector<1x1x16xf32>,
    %get3A_3631 = vector.shape_cast %get3A_3630 : vector<1x1x16xf32> to vector<16xf32>
    %add3A_3632 = arith.constant 112 : i32
    %add3A_3633 = vector.broadcast %add3A_3632 : i32 to vector<16xi32>
    %add3A_3634 = arith.addi %add3A_3633, %iota3A : vector<16xi32>
    %eq3A_3635 = vector.broadcast %and3A_3531 : i32 to vector<16xi32>
    %eq3A_3636 = arith.cmpi eq, %add3A_3634, %eq3A_3635 : vector<16xi32>
    %select_n3A_3637 = arith.select %eq3A_3636, %get3A_3631, %select_n3A_3624 : vector<16xi1>, vector<16xf32>
    %and3A_3638 = arith.constant 15 : i32
    %and3A_3639 = arith.andi %and3A_3531, %and3A_3638 : i32
    %broadcast_in_dim3A_3640 = vector.broadcast %and3A_3639 : i32 to vector<16xi32>
    %broadcast_in_dim3A_3641 = vector.shape_cast %broadcast_in_dim3A_3640 : vector<16xi32> to vector<16x1xi32>
    %gather3A_3642 = vector.shape_cast %broadcast_in_dim3A_3641 : vector<16x1xi32> to vector<16xi32>
    %gather3A_3643 = tpu.dynamic_gather %select_n3A_3637[%gather3A_3642] in [0] : vector<16xf32>, vector<16xi32> -> vector<16xf32>
    %eq3A_3644 = arith.constant 6 : i32
    %eq3A_3645 = vector.broadcast %eq3A_3644 : i32 to vector<16xi32>
    %eq3A_3646 = arith.cmpi eq, %iota3A, %eq3A_3645 : vector<16xi32>
    %select_n3A_3647 = arith.select %eq3A_3646, %gather3A_3643, %select_n3A_3529 : vector<16xi1>, vector<16xf32>
    %and3A_3648 = arith.constant 127 : i32
    %and3A_3649 = arith.andi %squeeze3A_419, %and3A_3648 : i32
    %broadcast_in_dim3A_3650 = arith.constant 0.000000e+00 : f32
    %broadcast_in_dim3A_3651 = vector.broadcast %broadcast_in_dim3A_3650 : f32 to vector<16xf32>
    %get3A_3652 = arith.constant 23 : i32
    %get3A_3653 = arith.constant 7 : i32
    %get3A_3654 = arith.index_cast %get3A_3652 : i32 to index
    %get3A_3655 = arith.index_cast %get3A_3653 : i32 to index
    %get3A_3656 = arith.constant 0 : index
    %get3A_3657 = tpu.vector_load %arg6[%get3A_3654, %get3A_3655, %get3A_3656] {strides = array<i32>} : memref<32x8x128xf32, #tpu.memory_space<vmem>>, vector<1x1x16xf32>,
    %get3A_3658 = vector.shape_cast %get3A_3657 : vector<1x1x16xf32> to vector<16xf32>
    %add3A_3659 = arith.constant 0 : i32
    %add3A_3660 = vector.broadcast %add3A_3659 : i32 to vector<16xi32>
    %add3A_3661 = arith.addi %add3A_3660, %iota3A : vector<16xi32>
    %eq3A_3662 = vector.broadcast %and3A_3649 : i32 to vector<16xi32>
    %eq3A_3663 = arith.cmpi eq, %add3A_3661, %eq3A_3662 : vector<16xi32>
    %select_n3A_3664 = arith.select %eq3A_3663, %get3A_3658, %broadcast_in_dim3A_3651 : vector<16xi1>, vector<16xf32>
    %get3A_3665 = arith.constant 23 : i32
    %get3A_3666 = arith.constant 7 : i32
    %get3A_3667 = arith.index_cast %get3A_3665 : i32 to index
    %get3A_3668 = arith.index_cast %get3A_3666 : i32 to index
    %get3A_3669 = arith.constant 16 : index
    %get3A_3670 = tpu.vector_load %arg6[%get3A_3667, %get3A_3668, %get3A_3669] {strides = array<i32>} : memref<32x8x128xf32, #tpu.memory_space<vmem>>, vector<1x1x16xf32>,
    %get3A_3671 = vector.shape_cast %get3A_3670 : vector<1x1x16xf32> to vector<16xf32>
    %add3A_3672 = arith.constant 16 : i32
    %add3A_3673 = vector.broadcast %add3A_3672 : i32 to vector<16xi32>
    %add3A_3674 = arith.addi %add3A_3673, %iota3A : vector<16xi32>
    %eq3A_3675 = vector.broadcast %and3A_3649 : i32 to vector<16xi32>
    %eq3A_3676 = arith.cmpi eq, %add3A_3674, %eq3A_3675 : vector<16xi32>
    %select_n3A_3677 = arith.select %eq3A_3676, %get3A_3671, %select_n3A_3664 : vector<16xi1>, vector<16xf32>
    %get3A_3678 = arith.constant 23 : i32
    %get3A_3679 = arith.constant 7 : i32
    %get3A_3680 = arith.index_cast %get3A_3678 : i32 to index
    %get3A_3681 = arith.index_cast %get3A_3679 : i32 to index
    %get3A_3682 = arith.constant 32 : index
    %get3A_3683 = tpu.vector_load %arg6[%get3A_3680, %get3A_3681, %get3A_3682] {strides = array<i32>} : memref<32x8x128xf32, #tpu.memory_space<vmem>>, vector<1x1x16xf32>,
    %get3A_3684 = vector.shape_cast %get3A_3683 : vector<1x1x16xf32> to vector<16xf32>
    %add3A_3685 = arith.constant 32 : i32
    %add3A_3686 = vector.broadcast %add3A_3685 : i32 to vector<16xi32>
    %add3A_3687 = arith.addi %add3A_3686, %iota3A : vector<16xi32>
    %eq3A_3688 = vector.broadcast %and3A_3649 : i32 to vector<16xi32>
    %eq3A_3689 = arith.cmpi eq, %add3A_3687, %eq3A_3688 : vector<16xi32>
    %select_n3A_3690 = arith.select %eq3A_3689, %get3A_3684, %select_n3A_3677 : vector<16xi1>, vector<16xf32>
    %get3A_3691 = arith.constant 23 : i32
    %get3A_3692 = arith.constant 7 : i32
    %get3A_3693 = arith.index_cast %get3A_3691 : i32 to index
    %get3A_3694 = arith.index_cast %get3A_3692 : i32 to index
    %get3A_3695 = arith.constant 48 : index
    %get3A_3696 = tpu.vector_load %arg6[%get3A_3693, %get3A_3694, %get3A_3695] {strides = array<i32>} : memref<32x8x128xf32, #tpu.memory_space<vmem>>, vector<1x1x16xf32>,
    %get3A_3697 = vector.shape_cast %get3A_3696 : vector<1x1x16xf32> to vector<16xf32>
    %add3A_3698 = arith.constant 48 : i32
    %add3A_3699 = vector.broadcast %add3A_3698 : i32 to vector<16xi32>
    %add3A_3700 = arith.addi %add3A_3699, %iota3A : vector<16xi32>
    %eq3A_3701 = vector.broadcast %and3A_3649 : i32 to vector<16xi32>
    %eq3A_3702 = arith.cmpi eq, %add3A_3700, %eq3A_3701 : vector<16xi32>
    %select_n3A_3703 = arith.select %eq3A_3702, %get3A_3697, %select_n3A_3690 : vector<16xi1>, vector<16xf32>
    %get3A_3704 = arith.constant 23 : i32
    %get3A_3705 = arith.constant 7 : i32
    %get3A_3706 = arith.index_cast %get3A_3704 : i32 to index
    %get3A_3707 = arith.index_cast %get3A_3705 : i32 to index
    %get3A_3708 = arith.constant 64 : index
    %get3A_3709 = tpu.vector_load %arg6[%get3A_3706, %get3A_3707, %get3A_3708] {strides = array<i32>} : memref<32x8x128xf32, #tpu.memory_space<vmem>>, vector<1x1x16xf32>,
    %get3A_3710 = vector.shape_cast %get3A_3709 : vector<1x1x16xf32> to vector<16xf32>
    %add3A_3711 = arith.constant 64 : i32
    %add3A_3712 = vector.broadcast %add3A_3711 : i32 to vector<16xi32>
    %add3A_3713 = arith.addi %add3A_3712, %iota3A : vector<16xi32>
    %eq3A_3714 = vector.broadcast %and3A_3649 : i32 to vector<16xi32>
    %eq3A_3715 = arith.cmpi eq, %add3A_3713, %eq3A_3714 : vector<16xi32>
    %select_n3A_3716 = arith.select %eq3A_3715, %get3A_3710, %select_n3A_3703 : vector<16xi1>, vector<16xf32>
    %get3A_3717 = arith.constant 23 : i32
    %get3A_3718 = arith.constant 7 : i32
    %get3A_3719 = arith.index_cast %get3A_3717 : i32 to index
    %get3A_3720 = arith.index_cast %get3A_3718 : i32 to index
    %get3A_3721 = arith.constant 80 : index
    %get3A_3722 = tpu.vector_load %arg6[%get3A_3719, %get3A_3720, %get3A_3721] {strides = array<i32>} : memref<32x8x128xf32, #tpu.memory_space<vmem>>, vector<1x1x16xf32>,
    %get3A_3723 = vector.shape_cast %get3A_3722 : vector<1x1x16xf32> to vector<16xf32>
    %add3A_3724 = arith.constant 80 : i32
    %add3A_3725 = vector.broadcast %add3A_3724 : i32 to vector<16xi32>
    %add3A_3726 = arith.addi %add3A_3725, %iota3A : vector<16xi32>
    %eq3A_3727 = vector.broadcast %and3A_3649 : i32 to vector<16xi32>
    %eq3A_3728 = arith.cmpi eq, %add3A_3726, %eq3A_3727 : vector<16xi32>
    %select_n3A_3729 = arith.select %eq3A_3728, %get3A_3723, %select_n3A_3716 : vector<16xi1>, vector<16xf32>
    %get3A_3730 = arith.constant 23 : i32
    %get3A_3731 = arith.constant 7 : i32
    %get3A_3732 = arith.index_cast %get3A_3730 : i32 to index
    %get3A_3733 = arith.index_cast %get3A_3731 : i32 to index
    %get3A_3734 = arith.constant 96 : index
    %get3A_3735 = tpu.vector_load %arg6[%get3A_3732, %get3A_3733, %get3A_3734] {strides = array<i32>} : memref<32x8x128xf32, #tpu.memory_space<vmem>>, vector<1x1x16xf32>,
    %get3A_3736 = vector.shape_cast %get3A_3735 : vector<1x1x16xf32> to vector<16xf32>
    %add3A_3737 = arith.constant 96 : i32
    %add3A_3738 = vector.broadcast %add3A_3737 : i32 to vector<16xi32>
    %add3A_3739 = arith.addi %add3A_3738, %iota3A : vector<16xi32>
    %eq3A_3740 = vector.broadcast %and3A_3649 : i32 to vector<16xi32>
    %eq3A_3741 = arith.cmpi eq, %add3A_3739, %eq3A_3740 : vector<16xi32>
    %select_n3A_3742 = arith.select %eq3A_3741, %get3A_3736, %select_n3A_3729 : vector<16xi1>, vector<16xf32>
    %get3A_3743 = arith.constant 23 : i32
    %get3A_3744 = arith.constant 7 : i32
    %get3A_3745 = arith.index_cast %get3A_3743 : i32 to index
    %get3A_3746 = arith.index_cast %get3A_3744 : i32 to index
    %get3A_3747 = arith.constant 112 : index
    %get3A_3748 = tpu.vector_load %arg6[%get3A_3745, %get3A_3746, %get3A_3747] {strides = array<i32>} : memref<32x8x128xf32, #tpu.memory_space<vmem>>, vector<1x1x16xf32>,
    %get3A_3749 = vector.shape_cast %get3A_3748 : vector<1x1x16xf32> to vector<16xf32>
    %add3A_3750 = arith.constant 112 : i32
    %add3A_3751 = vector.broadcast %add3A_3750 : i32 to vector<16xi32>
    %add3A_3752 = arith.addi %add3A_3751, %iota3A : vector<16xi32>
    %eq3A_3753 = vector.broadcast %and3A_3649 : i32 to vector<16xi32>
    %eq3A_3754 = arith.cmpi eq, %add3A_3752, %eq3A_3753 : vector<16xi32>
    %select_n3A_3755 = arith.select %eq3A_3754, %get3A_3749, %select_n3A_3742 : vector<16xi1>, vector<16xf32>
    %and3A_3756 = arith.constant 15 : i32
    %and3A_3757 = arith.andi %and3A_3649, %and3A_3756 : i32
    %broadcast_in_dim3A_3758 = vector.broadcast %and3A_3757 : i32 to vector<16xi32>
    %broadcast_in_dim3A_3759 = vector.shape_cast %broadcast_in_dim3A_3758 : vector<16xi32> to vector<16x1xi32>
    %gather3A_3760 = vector.shape_cast %broadcast_in_dim3A_3759 : vector<16x1xi32> to vector<16xi32>
    %gather3A_3761 = tpu.dynamic_gather %select_n3A_3755[%gather3A_3760] in [0] : vector<16xf32>, vector<16xi32> -> vector<16xf32>
    %eq3A_3762 = arith.constant 7 : i32
    %eq3A_3763 = vector.broadcast %eq3A_3762 : i32 to vector<16xi32>
    %eq3A_3764 = arith.cmpi eq, %iota3A, %eq3A_3763 : vector<16xi32>
    %select_n3A_3765 = arith.select %eq3A_3764, %gather3A_3761, %select_n3A_3647 : vector<16xi1>, vector<16xf32>
    %and3A_3766 = arith.constant 127 : i32
    %and3A_3767 = arith.andi %squeeze3A_437, %and3A_3766 : i32
    %broadcast_in_dim3A_3768 = arith.constant 0.000000e+00 : f32
    %broadcast_in_dim3A_3769 = vector.broadcast %broadcast_in_dim3A_3768 : f32 to vector<16xf32>
    %get3A_3770 = arith.constant 24 : i32
    %get3A_3771 = arith.constant 0 : i32
    %get3A_3772 = arith.index_cast %get3A_3770 : i32 to index
    %get3A_3773 = arith.index_cast %get3A_3771 : i32 to index
    %get3A_3774 = arith.constant 0 : index
    %get3A_3775 = tpu.vector_load %arg6[%get3A_3772, %get3A_3773, %get3A_3774] {strides = array<i32>} : memref<32x8x128xf32, #tpu.memory_space<vmem>>, vector<1x1x16xf32>,
    %get3A_3776 = vector.shape_cast %get3A_3775 : vector<1x1x16xf32> to vector<16xf32>
    %add3A_3777 = arith.constant 0 : i32
    %add3A_3778 = vector.broadcast %add3A_3777 : i32 to vector<16xi32>
    %add3A_3779 = arith.addi %add3A_3778, %iota3A : vector<16xi32>
    %eq3A_3780 = vector.broadcast %and3A_3767 : i32 to vector<16xi32>
    %eq3A_3781 = arith.cmpi eq, %add3A_3779, %eq3A_3780 : vector<16xi32>
    %select_n3A_3782 = arith.select %eq3A_3781, %get3A_3776, %broadcast_in_dim3A_3769 : vector<16xi1>, vector<16xf32>
    %get3A_3783 = arith.constant 24 : i32
    %get3A_3784 = arith.constant 0 : i32
    %get3A_3785 = arith.index_cast %get3A_3783 : i32 to index
    %get3A_3786 = arith.index_cast %get3A_3784 : i32 to index
    %get3A_3787 = arith.constant 16 : index
    %get3A_3788 = tpu.vector_load %arg6[%get3A_3785, %get3A_3786, %get3A_3787] {strides = array<i32>} : memref<32x8x128xf32, #tpu.memory_space<vmem>>, vector<1x1x16xf32>,
    %get3A_3789 = vector.shape_cast %get3A_3788 : vector<1x1x16xf32> to vector<16xf32>
    %add3A_3790 = arith.constant 16 : i32
    %add3A_3791 = vector.broadcast %add3A_3790 : i32 to vector<16xi32>
    %add3A_3792 = arith.addi %add3A_3791, %iota3A : vector<16xi32>
    %eq3A_3793 = vector.broadcast %and3A_3767 : i32 to vector<16xi32>
    %eq3A_3794 = arith.cmpi eq, %add3A_3792, %eq3A_3793 : vector<16xi32>
    %select_n3A_3795 = arith.select %eq3A_3794, %get3A_3789, %select_n3A_3782 : vector<16xi1>, vector<16xf32>
    %get3A_3796 = arith.constant 24 : i32
    %get3A_3797 = arith.constant 0 : i32
    %get3A_3798 = arith.index_cast %get3A_3796 : i32 to index
    %get3A_3799 = arith.index_cast %get3A_3797 : i32 to index
    %get3A_3800 = arith.constant 32 : index
    %get3A_3801 = tpu.vector_load %arg6[%get3A_3798, %get3A_3799, %get3A_3800] {strides = array<i32>} : memref<32x8x128xf32, #tpu.memory_space<vmem>>, vector<1x1x16xf32>,
    %get3A_3802 = vector.shape_cast %get3A_3801 : vector<1x1x16xf32> to vector<16xf32>
    %add3A_3803 = arith.constant 32 : i32
    %add3A_3804 = vector.broadcast %add3A_3803 : i32 to vector<16xi32>
    %add3A_3805 = arith.addi %add3A_3804, %iota3A : vector<16xi32>
    %eq3A_3806 = vector.broadcast %and3A_3767 : i32 to vector<16xi32>
    %eq3A_3807 = arith.cmpi eq, %add3A_3805, %eq3A_3806 : vector<16xi32>
    %select_n3A_3808 = arith.select %eq3A_3807, %get3A_3802, %select_n3A_3795 : vector<16xi1>, vector<16xf32>
    %get3A_3809 = arith.constant 24 : i32
    %get3A_3810 = arith.constant 0 : i32
    %get3A_3811 = arith.index_cast %get3A_3809 : i32 to index
    %get3A_3812 = arith.index_cast %get3A_3810 : i32 to index
    %get3A_3813 = arith.constant 48 : index
    %get3A_3814 = tpu.vector_load %arg6[%get3A_3811, %get3A_3812, %get3A_3813] {strides = array<i32>} : memref<32x8x128xf32, #tpu.memory_space<vmem>>, vector<1x1x16xf32>,
    %get3A_3815 = vector.shape_cast %get3A_3814 : vector<1x1x16xf32> to vector<16xf32>
    %add3A_3816 = arith.constant 48 : i32
    %add3A_3817 = vector.broadcast %add3A_3816 : i32 to vector<16xi32>
    %add3A_3818 = arith.addi %add3A_3817, %iota3A : vector<16xi32>
    %eq3A_3819 = vector.broadcast %and3A_3767 : i32 to vector<16xi32>
    %eq3A_3820 = arith.cmpi eq, %add3A_3818, %eq3A_3819 : vector<16xi32>
    %select_n3A_3821 = arith.select %eq3A_3820, %get3A_3815, %select_n3A_3808 : vector<16xi1>, vector<16xf32>
    %get3A_3822 = arith.constant 24 : i32
    %get3A_3823 = arith.constant 0 : i32
    %get3A_3824 = arith.index_cast %get3A_3822 : i32 to index
    %get3A_3825 = arith.index_cast %get3A_3823 : i32 to index
    %get3A_3826 = arith.constant 64 : index
    %get3A_3827 = tpu.vector_load %arg6[%get3A_3824, %get3A_3825, %get3A_3826] {strides = array<i32>} : memref<32x8x128xf32, #tpu.memory_space<vmem>>, vector<1x1x16xf32>,
    %get3A_3828 = vector.shape_cast %get3A_3827 : vector<1x1x16xf32> to vector<16xf32>
    %add3A_3829 = arith.constant 64 : i32
    %add3A_3830 = vector.broadcast %add3A_3829 : i32 to vector<16xi32>
    %add3A_3831 = arith.addi %add3A_3830, %iota3A : vector<16xi32>
    %eq3A_3832 = vector.broadcast %and3A_3767 : i32 to vector<16xi32>
    %eq3A_3833 = arith.cmpi eq, %add3A_3831, %eq3A_3832 : vector<16xi32>
    %select_n3A_3834 = arith.select %eq3A_3833, %get3A_3828, %select_n3A_3821 : vector<16xi1>, vector<16xf32>
    %get3A_3835 = arith.constant 24 : i32
    %get3A_3836 = arith.constant 0 : i32
    %get3A_3837 = arith.index_cast %get3A_3835 : i32 to index
    %get3A_3838 = arith.index_cast %get3A_3836 : i32 to index
    %get3A_3839 = arith.constant 80 : index
    %get3A_3840 = tpu.vector_load %arg6[%get3A_3837, %get3A_3838, %get3A_3839] {strides = array<i32>} : memref<32x8x128xf32, #tpu.memory_space<vmem>>, vector<1x1x16xf32>,
    %get3A_3841 = vector.shape_cast %get3A_3840 : vector<1x1x16xf32> to vector<16xf32>
    %add3A_3842 = arith.constant 80 : i32
    %add3A_3843 = vector.broadcast %add3A_3842 : i32 to vector<16xi32>
    %add3A_3844 = arith.addi %add3A_3843, %iota3A : vector<16xi32>
    %eq3A_3845 = vector.broadcast %and3A_3767 : i32 to vector<16xi32>
    %eq3A_3846 = arith.cmpi eq, %add3A_3844, %eq3A_3845 : vector<16xi32>
    %select_n3A_3847 = arith.select %eq3A_3846, %get3A_3841, %select_n3A_3834 : vector<16xi1>, vector<16xf32>
    %get3A_3848 = arith.constant 24 : i32
    %get3A_3849 = arith.constant 0 : i32
    %get3A_3850 = arith.index_cast %get3A_3848 : i32 to index
    %get3A_3851 = arith.index_cast %get3A_3849 : i32 to index
    %get3A_3852 = arith.constant 96 : index
    %get3A_3853 = tpu.vector_load %arg6[%get3A_3850, %get3A_3851, %get3A_3852] {strides = array<i32>} : memref<32x8x128xf32, #tpu.memory_space<vmem>>, vector<1x1x16xf32>,
    %get3A_3854 = vector.shape_cast %get3A_3853 : vector<1x1x16xf32> to vector<16xf32>
    %add3A_3855 = arith.constant 96 : i32
    %add3A_3856 = vector.broadcast %add3A_3855 : i32 to vector<16xi32>
    %add3A_3857 = arith.addi %add3A_3856, %iota3A : vector<16xi32>
    %eq3A_3858 = vector.broadcast %and3A_3767 : i32 to vector<16xi32>
    %eq3A_3859 = arith.cmpi eq, %add3A_3857, %eq3A_3858 : vector<16xi32>
    %select_n3A_3860 = arith.select %eq3A_3859, %get3A_3854, %select_n3A_3847 : vector<16xi1>, vector<16xf32>
    %get3A_3861 = arith.constant 24 : i32
    %get3A_3862 = arith.constant 0 : i32
    %get3A_3863 = arith.index_cast %get3A_3861 : i32 to index
    %get3A_3864 = arith.index_cast %get3A_3862 : i32 to index
    %get3A_3865 = arith.constant 112 : index
    %get3A_3866 = tpu.vector_load %arg6[%get3A_3863, %get3A_3864, %get3A_3865] {strides = array<i32>} : memref<32x8x128xf32, #tpu.memory_space<vmem>>, vector<1x1x16xf32>,
    %get3A_3867 = vector.shape_cast %get3A_3866 : vector<1x1x16xf32> to vector<16xf32>
    %add3A_3868 = arith.constant 112 : i32
    %add3A_3869 = vector.broadcast %add3A_3868 : i32 to vector<16xi32>
    %add3A_3870 = arith.addi %add3A_3869, %iota3A : vector<16xi32>
    %eq3A_3871 = vector.broadcast %and3A_3767 : i32 to vector<16xi32>
    %eq3A_3872 = arith.cmpi eq, %add3A_3870, %eq3A_3871 : vector<16xi32>
    %select_n3A_3873 = arith.select %eq3A_3872, %get3A_3867, %select_n3A_3860 : vector<16xi1>, vector<16xf32>
    %and3A_3874 = arith.constant 15 : i32
    %and3A_3875 = arith.andi %and3A_3767, %and3A_3874 : i32
    %broadcast_in_dim3A_3876 = vector.broadcast %and3A_3875 : i32 to vector<16xi32>
    %broadcast_in_dim3A_3877 = vector.shape_cast %broadcast_in_dim3A_3876 : vector<16xi32> to vector<16x1xi32>
    %gather3A_3878 = vector.shape_cast %broadcast_in_dim3A_3877 : vector<16x1xi32> to vector<16xi32>
    %gather3A_3879 = tpu.dynamic_gather %select_n3A_3873[%gather3A_3878] in [0] : vector<16xf32>, vector<16xi32> -> vector<16xf32>
    %eq3A_3880 = arith.constant 8 : i32
    %eq3A_3881 = vector.broadcast %eq3A_3880 : i32 to vector<16xi32>
    %eq3A_3882 = arith.cmpi eq, %iota3A, %eq3A_3881 : vector<16xi32>
    %select_n3A_3883 = arith.select %eq3A_3882, %gather3A_3879, %select_n3A_3765 : vector<16xi1>, vector<16xf32>
    %and3A_3884 = arith.constant 127 : i32
    %and3A_3885 = arith.andi %squeeze3A_455, %and3A_3884 : i32
    %broadcast_in_dim3A_3886 = arith.constant 0.000000e+00 : f32
    %broadcast_in_dim3A_3887 = vector.broadcast %broadcast_in_dim3A_3886 : f32 to vector<16xf32>
    %get3A_3888 = arith.constant 25 : i32
    %get3A_3889 = arith.constant 1 : i32
    %get3A_3890 = arith.index_cast %get3A_3888 : i32 to index
    %get3A_3891 = arith.index_cast %get3A_3889 : i32 to index
    %get3A_3892 = arith.constant 0 : index
    %get3A_3893 = tpu.vector_load %arg6[%get3A_3890, %get3A_3891, %get3A_3892] {strides = array<i32>} : memref<32x8x128xf32, #tpu.memory_space<vmem>>, vector<1x1x16xf32>,
    %get3A_3894 = vector.shape_cast %get3A_3893 : vector<1x1x16xf32> to vector<16xf32>
    %add3A_3895 = arith.constant 0 : i32
    %add3A_3896 = vector.broadcast %add3A_3895 : i32 to vector<16xi32>
    %add3A_3897 = arith.addi %add3A_3896, %iota3A : vector<16xi32>
    %eq3A_3898 = vector.broadcast %and3A_3885 : i32 to vector<16xi32>
    %eq3A_3899 = arith.cmpi eq, %add3A_3897, %eq3A_3898 : vector<16xi32>
    %select_n3A_3900 = arith.select %eq3A_3899, %get3A_3894, %broadcast_in_dim3A_3887 : vector<16xi1>, vector<16xf32>
    %get3A_3901 = arith.constant 25 : i32
    %get3A_3902 = arith.constant 1 : i32
    %get3A_3903 = arith.index_cast %get3A_3901 : i32 to index
    %get3A_3904 = arith.index_cast %get3A_3902 : i32 to index
    %get3A_3905 = arith.constant 16 : index
    %get3A_3906 = tpu.vector_load %arg6[%get3A_3903, %get3A_3904, %get3A_3905] {strides = array<i32>} : memref<32x8x128xf32, #tpu.memory_space<vmem>>, vector<1x1x16xf32>,
    %get3A_3907 = vector.shape_cast %get3A_3906 : vector<1x1x16xf32> to vector<16xf32>
    %add3A_3908 = arith.constant 16 : i32
    %add3A_3909 = vector.broadcast %add3A_3908 : i32 to vector<16xi32>
    %add3A_3910 = arith.addi %add3A_3909, %iota3A : vector<16xi32>
    %eq3A_3911 = vector.broadcast %and3A_3885 : i32 to vector<16xi32>
    %eq3A_3912 = arith.cmpi eq, %add3A_3910, %eq3A_3911 : vector<16xi32>
    %select_n3A_3913 = arith.select %eq3A_3912, %get3A_3907, %select_n3A_3900 : vector<16xi1>, vector<16xf32>
    %get3A_3914 = arith.constant 25 : i32
    %get3A_3915 = arith.constant 1 : i32
    %get3A_3916 = arith.index_cast %get3A_3914 : i32 to index
    %get3A_3917 = arith.index_cast %get3A_3915 : i32 to index
    %get3A_3918 = arith.constant 32 : index
    %get3A_3919 = tpu.vector_load %arg6[%get3A_3916, %get3A_3917, %get3A_3918] {strides = array<i32>} : memref<32x8x128xf32, #tpu.memory_space<vmem>>, vector<1x1x16xf32>,
    %get3A_3920 = vector.shape_cast %get3A_3919 : vector<1x1x16xf32> to vector<16xf32>
    %add3A_3921 = arith.constant 32 : i32
    %add3A_3922 = vector.broadcast %add3A_3921 : i32 to vector<16xi32>
    %add3A_3923 = arith.addi %add3A_3922, %iota3A : vector<16xi32>
    %eq3A_3924 = vector.broadcast %and3A_3885 : i32 to vector<16xi32>
    %eq3A_3925 = arith.cmpi eq, %add3A_3923, %eq3A_3924 : vector<16xi32>
    %select_n3A_3926 = arith.select %eq3A_3925, %get3A_3920, %select_n3A_3913 : vector<16xi1>, vector<16xf32>
    %get3A_3927 = arith.constant 25 : i32
    %get3A_3928 = arith.constant 1 : i32
    %get3A_3929 = arith.index_cast %get3A_3927 : i32 to index
    %get3A_3930 = arith.index_cast %get3A_3928 : i32 to index
    %get3A_3931 = arith.constant 48 : index
    %get3A_3932 = tpu.vector_load %arg6[%get3A_3929, %get3A_3930, %get3A_3931] {strides = array<i32>} : memref<32x8x128xf32, #tpu.memory_space<vmem>>, vector<1x1x16xf32>,
    %get3A_3933 = vector.shape_cast %get3A_3932 : vector<1x1x16xf32> to vector<16xf32>
    %add3A_3934 = arith.constant 48 : i32
    %add3A_3935 = vector.broadcast %add3A_3934 : i32 to vector<16xi32>
    %add3A_3936 = arith.addi %add3A_3935, %iota3A : vector<16xi32>
    %eq3A_3937 = vector.broadcast %and3A_3885 : i32 to vector<16xi32>
    %eq3A_3938 = arith.cmpi eq, %add3A_3936, %eq3A_3937 : vector<16xi32>
    %select_n3A_3939 = arith.select %eq3A_3938, %get3A_3933, %select_n3A_3926 : vector<16xi1>, vector<16xf32>
    %get3A_3940 = arith.constant 25 : i32
    %get3A_3941 = arith.constant 1 : i32
    %get3A_3942 = arith.index_cast %get3A_3940 : i32 to index
    %get3A_3943 = arith.index_cast %get3A_3941 : i32 to index
    %get3A_3944 = arith.constant 64 : index
    %get3A_3945 = tpu.vector_load %arg6[%get3A_3942, %get3A_3943, %get3A_3944] {strides = array<i32>} : memref<32x8x128xf32, #tpu.memory_space<vmem>>, vector<1x1x16xf32>,
    %get3A_3946 = vector.shape_cast %get3A_3945 : vector<1x1x16xf32> to vector<16xf32>
    %add3A_3947 = arith.constant 64 : i32
    %add3A_3948 = vector.broadcast %add3A_3947 : i32 to vector<16xi32>
    %add3A_3949 = arith.addi %add3A_3948, %iota3A : vector<16xi32>
    %eq3A_3950 = vector.broadcast %and3A_3885 : i32 to vector<16xi32>
    %eq3A_3951 = arith.cmpi eq, %add3A_3949, %eq3A_3950 : vector<16xi32>
    %select_n3A_3952 = arith.select %eq3A_3951, %get3A_3946, %select_n3A_3939 : vector<16xi1>, vector<16xf32>
    %get3A_3953 = arith.constant 25 : i32
    %get3A_3954 = arith.constant 1 : i32
    %get3A_3955 = arith.index_cast %get3A_3953 : i32 to index
    %get3A_3956 = arith.index_cast %get3A_3954 : i32 to index
    %get3A_3957 = arith.constant 80 : index
    %get3A_3958 = tpu.vector_load %arg6[%get3A_3955, %get3A_3956, %get3A_3957] {strides = array<i32>} : memref<32x8x128xf32, #tpu.memory_space<vmem>>, vector<1x1x16xf32>,
    %get3A_3959 = vector.shape_cast %get3A_3958 : vector<1x1x16xf32> to vector<16xf32>
    %add3A_3960 = arith.constant 80 : i32
    %add3A_3961 = vector.broadcast %add3A_3960 : i32 to vector<16xi32>
    %add3A_3962 = arith.addi %add3A_3961, %iota3A : vector<16xi32>
    %eq3A_3963 = vector.broadcast %and3A_3885 : i32 to vector<16xi32>
    %eq3A_3964 = arith.cmpi eq, %add3A_3962, %eq3A_3963 : vector<16xi32>
    %select_n3A_3965 = arith.select %eq3A_3964, %get3A_3959, %select_n3A_3952 : vector<16xi1>, vector<16xf32>
    %get3A_3966 = arith.constant 25 : i32
    %get3A_3967 = arith.constant 1 : i32
    %get3A_3968 = arith.index_cast %get3A_3966 : i32 to index
    %get3A_3969 = arith.index_cast %get3A_3967 : i32 to index
    %get3A_3970 = arith.constant 96 : index
    %get3A_3971 = tpu.vector_load %arg6[%get3A_3968, %get3A_3969, %get3A_3970] {strides = array<i32>} : memref<32x8x128xf32, #tpu.memory_space<vmem>>, vector<1x1x16xf32>,
    %get3A_3972 = vector.shape_cast %get3A_3971 : vector<1x1x16xf32> to vector<16xf32>
    %add3A_3973 = arith.constant 96 : i32
    %add3A_3974 = vector.broadcast %add3A_3973 : i32 to vector<16xi32>
    %add3A_3975 = arith.addi %add3A_3974, %iota3A : vector<16xi32>
    %eq3A_3976 = vector.broadcast %and3A_3885 : i32 to vector<16xi32>
    %eq3A_3977 = arith.cmpi eq, %add3A_3975, %eq3A_3976 : vector<16xi32>
    %select_n3A_3978 = arith.select %eq3A_3977, %get3A_3972, %select_n3A_3965 : vector<16xi1>, vector<16xf32>
    %get3A_3979 = arith.constant 25 : i32
    %get3A_3980 = arith.constant 1 : i32
    %get3A_3981 = arith.index_cast %get3A_3979 : i32 to index
    %get3A_3982 = arith.index_cast %get3A_3980 : i32 to index
    %get3A_3983 = arith.constant 112 : index
    %get3A_3984 = tpu.vector_load %arg6[%get3A_3981, %get3A_3982, %get3A_3983] {strides = array<i32>} : memref<32x8x128xf32, #tpu.memory_space<vmem>>, vector<1x1x16xf32>,
    %get3A_3985 = vector.shape_cast %get3A_3984 : vector<1x1x16xf32> to vector<16xf32>
    %add3A_3986 = arith.constant 112 : i32
    %add3A_3987 = vector.broadcast %add3A_3986 : i32 to vector<16xi32>
    %add3A_3988 = arith.addi %add3A_3987, %iota3A : vector<16xi32>
    %eq3A_3989 = vector.broadcast %and3A_3885 : i32 to vector<16xi32>
    %eq3A_3990 = arith.cmpi eq, %add3A_3988, %eq3A_3989 : vector<16xi32>
    %select_n3A_3991 = arith.select %eq3A_3990, %get3A_3985, %select_n3A_3978 : vector<16xi1>, vector<16xf32>
    %and3A_3992 = arith.constant 15 : i32
    %and3A_3993 = arith.andi %and3A_3885, %and3A_3992 : i32
    %broadcast_in_dim3A_3994 = vector.broadcast %and3A_3993 : i32 to vector<16xi32>
    %broadcast_in_dim3A_3995 = vector.shape_cast %broadcast_in_dim3A_3994 : vector<16xi32> to vector<16x1xi32>
    %gather3A_3996 = vector.shape_cast %broadcast_in_dim3A_3995 : vector<16x1xi32> to vector<16xi32>
    %gather3A_3997 = tpu.dynamic_gather %select_n3A_3991[%gather3A_3996] in [0] : vector<16xf32>, vector<16xi32> -> vector<16xf32>
    %eq3A_3998 = arith.constant 9 : i32
    %eq3A_3999 = vector.broadcast %eq3A_3998 : i32 to vector<16xi32>
    %eq3A_4000 = arith.cmpi eq, %iota3A, %eq3A_3999 : vector<16xi32>
    %select_n3A_4001 = arith.select %eq3A_4000, %gather3A_3997, %select_n3A_3883 : vector<16xi1>, vector<16xf32>
    %and3A_4002 = arith.constant 127 : i32
    %and3A_4003 = arith.andi %squeeze3A_473, %and3A_4002 : i32
    %broadcast_in_dim3A_4004 = arith.constant 0.000000e+00 : f32
    %broadcast_in_dim3A_4005 = vector.broadcast %broadcast_in_dim3A_4004 : f32 to vector<16xf32>
    %get3A_4006 = arith.constant 26 : i32
    %get3A_4007 = arith.constant 2 : i32
    %get3A_4008 = arith.index_cast %get3A_4006 : i32 to index
    %get3A_4009 = arith.index_cast %get3A_4007 : i32 to index
    %get3A_4010 = arith.constant 0 : index
    %get3A_4011 = tpu.vector_load %arg6[%get3A_4008, %get3A_4009, %get3A_4010] {strides = array<i32>} : memref<32x8x128xf32, #tpu.memory_space<vmem>>, vector<1x1x16xf32>,
    %get3A_4012 = vector.shape_cast %get3A_4011 : vector<1x1x16xf32> to vector<16xf32>
    %add3A_4013 = arith.constant 0 : i32
    %add3A_4014 = vector.broadcast %add3A_4013 : i32 to vector<16xi32>
    %add3A_4015 = arith.addi %add3A_4014, %iota3A : vector<16xi32>
    %eq3A_4016 = vector.broadcast %and3A_4003 : i32 to vector<16xi32>
    %eq3A_4017 = arith.cmpi eq, %add3A_4015, %eq3A_4016 : vector<16xi32>
    %select_n3A_4018 = arith.select %eq3A_4017, %get3A_4012, %broadcast_in_dim3A_4005 : vector<16xi1>, vector<16xf32>
    %get3A_4019 = arith.constant 26 : i32
    %get3A_4020 = arith.constant 2 : i32
    %get3A_4021 = arith.index_cast %get3A_4019 : i32 to index
    %get3A_4022 = arith.index_cast %get3A_4020 : i32 to index
    %get3A_4023 = arith.constant 16 : index
    %get3A_4024 = tpu.vector_load %arg6[%get3A_4021, %get3A_4022, %get3A_4023] {strides = array<i32>} : memref<32x8x128xf32, #tpu.memory_space<vmem>>, vector<1x1x16xf32>,
    %get3A_4025 = vector.shape_cast %get3A_4024 : vector<1x1x16xf32> to vector<16xf32>
    %add3A_4026 = arith.constant 16 : i32
    %add3A_4027 = vector.broadcast %add3A_4026 : i32 to vector<16xi32>
    %add3A_4028 = arith.addi %add3A_4027, %iota3A : vector<16xi32>
    %eq3A_4029 = vector.broadcast %and3A_4003 : i32 to vector<16xi32>
    %eq3A_4030 = arith.cmpi eq, %add3A_4028, %eq3A_4029 : vector<16xi32>
    %select_n3A_4031 = arith.select %eq3A_4030, %get3A_4025, %select_n3A_4018 : vector<16xi1>, vector<16xf32>
    %get3A_4032 = arith.constant 26 : i32
    %get3A_4033 = arith.constant 2 : i32
    %get3A_4034 = arith.index_cast %get3A_4032 : i32 to index
    %get3A_4035 = arith.index_cast %get3A_4033 : i32 to index
    %get3A_4036 = arith.constant 32 : index
    %get3A_4037 = tpu.vector_load %arg6[%get3A_4034, %get3A_4035, %get3A_4036] {strides = array<i32>} : memref<32x8x128xf32, #tpu.memory_space<vmem>>, vector<1x1x16xf32>,
    %get3A_4038 = vector.shape_cast %get3A_4037 : vector<1x1x16xf32> to vector<16xf32>
    %add3A_4039 = arith.constant 32 : i32
    %add3A_4040 = vector.broadcast %add3A_4039 : i32 to vector<16xi32>
    %add3A_4041 = arith.addi %add3A_4040, %iota3A : vector<16xi32>
    %eq3A_4042 = vector.broadcast %and3A_4003 : i32 to vector<16xi32>
    %eq3A_4043 = arith.cmpi eq, %add3A_4041, %eq3A_4042 : vector<16xi32>
    %select_n3A_4044 = arith.select %eq3A_4043, %get3A_4038, %select_n3A_4031 : vector<16xi1>, vector<16xf32>
    %get3A_4045 = arith.constant 26 : i32
    %get3A_4046 = arith.constant 2 : i32
    %get3A_4047 = arith.index_cast %get3A_4045 : i32 to index
    %get3A_4048 = arith.index_cast %get3A_4046 : i32 to index
    %get3A_4049 = arith.constant 48 : index
    %get3A_4050 = tpu.vector_load %arg6[%get3A_4047, %get3A_4048, %get3A_4049] {strides = array<i32>} : memref<32x8x128xf32, #tpu.memory_space<vmem>>, vector<1x1x16xf32>,
    %get3A_4051 = vector.shape_cast %get3A_4050 : vector<1x1x16xf32> to vector<16xf32>
    %add3A_4052 = arith.constant 48 : i32
    %add3A_4053 = vector.broadcast %add3A_4052 : i32 to vector<16xi32>
    %add3A_4054 = arith.addi %add3A_4053, %iota3A : vector<16xi32>
    %eq3A_4055 = vector.broadcast %and3A_4003 : i32 to vector<16xi32>
    %eq3A_4056 = arith.cmpi eq, %add3A_4054, %eq3A_4055 : vector<16xi32>
    %select_n3A_4057 = arith.select %eq3A_4056, %get3A_4051, %select_n3A_4044 : vector<16xi1>, vector<16xf32>
    %get3A_4058 = arith.constant 26 : i32
    %get3A_4059 = arith.constant 2 : i32
    %get3A_4060 = arith.index_cast %get3A_4058 : i32 to index
    %get3A_4061 = arith.index_cast %get3A_4059 : i32 to index
    %get3A_4062 = arith.constant 64 : index
    %get3A_4063 = tpu.vector_load %arg6[%get3A_4060, %get3A_4061, %get3A_4062] {strides = array<i32>} : memref<32x8x128xf32, #tpu.memory_space<vmem>>, vector<1x1x16xf32>,
    %get3A_4064 = vector.shape_cast %get3A_4063 : vector<1x1x16xf32> to vector<16xf32>
    %add3A_4065 = arith.constant 64 : i32
    %add3A_4066 = vector.broadcast %add3A_4065 : i32 to vector<16xi32>
    %add3A_4067 = arith.addi %add3A_4066, %iota3A : vector<16xi32>
    %eq3A_4068 = vector.broadcast %and3A_4003 : i32 to vector<16xi32>
    %eq3A_4069 = arith.cmpi eq, %add3A_4067, %eq3A_4068 : vector<16xi32>
    %select_n3A_4070 = arith.select %eq3A_4069, %get3A_4064, %select_n3A_4057 : vector<16xi1>, vector<16xf32>
    %get3A_4071 = arith.constant 26 : i32
    %get3A_4072 = arith.constant 2 : i32
    %get3A_4073 = arith.index_cast %get3A_4071 : i32 to index
    %get3A_4074 = arith.index_cast %get3A_4072 : i32 to index
    %get3A_4075 = arith.constant 80 : index
    %get3A_4076 = tpu.vector_load %arg6[%get3A_4073, %get3A_4074, %get3A_4075] {strides = array<i32>} : memref<32x8x128xf32, #tpu.memory_space<vmem>>, vector<1x1x16xf32>,
    %get3A_4077 = vector.shape_cast %get3A_4076 : vector<1x1x16xf32> to vector<16xf32>
    %add3A_4078 = arith.constant 80 : i32
    %add3A_4079 = vector.broadcast %add3A_4078 : i32 to vector<16xi32>
    %add3A_4080 = arith.addi %add3A_4079, %iota3A : vector<16xi32>
    %eq3A_4081 = vector.broadcast %and3A_4003 : i32 to vector<16xi32>
    %eq3A_4082 = arith.cmpi eq, %add3A_4080, %eq3A_4081 : vector<16xi32>
    %select_n3A_4083 = arith.select %eq3A_4082, %get3A_4077, %select_n3A_4070 : vector<16xi1>, vector<16xf32>
    %get3A_4084 = arith.constant 26 : i32
    %get3A_4085 = arith.constant 2 : i32
    %get3A_4086 = arith.index_cast %get3A_4084 : i32 to index
    %get3A_4087 = arith.index_cast %get3A_4085 : i32 to index
    %get3A_4088 = arith.constant 96 : index
    %get3A_4089 = tpu.vector_load %arg6[%get3A_4086, %get3A_4087, %get3A_4088] {strides = array<i32>} : memref<32x8x128xf32, #tpu.memory_space<vmem>>, vector<1x1x16xf32>,
    %get3A_4090 = vector.shape_cast %get3A_4089 : vector<1x1x16xf32> to vector<16xf32>
    %add3A_4091 = arith.constant 96 : i32
    %add3A_4092 = vector.broadcast %add3A_4091 : i32 to vector<16xi32>
    %add3A_4093 = arith.addi %add3A_4092, %iota3A : vector<16xi32>
    %eq3A_4094 = vector.broadcast %and3A_4003 : i32 to vector<16xi32>
    %eq3A_4095 = arith.cmpi eq, %add3A_4093, %eq3A_4094 : vector<16xi32>
    %select_n3A_4096 = arith.select %eq3A_4095, %get3A_4090, %select_n3A_4083 : vector<16xi1>, vector<16xf32>
    %get3A_4097 = arith.constant 26 : i32
    %get3A_4098 = arith.constant 2 : i32
    %get3A_4099 = arith.index_cast %get3A_4097 : i32 to index
    %get3A_4100 = arith.index_cast %get3A_4098 : i32 to index
    %get3A_4101 = arith.constant 112 : index
    %get3A_4102 = tpu.vector_load %arg6[%get3A_4099, %get3A_4100, %get3A_4101] {strides = array<i32>} : memref<32x8x128xf32, #tpu.memory_space<vmem>>, vector<1x1x16xf32>,
    %get3A_4103 = vector.shape_cast %get3A_4102 : vector<1x1x16xf32> to vector<16xf32>
    %add3A_4104 = arith.constant 112 : i32
    %add3A_4105 = vector.broadcast %add3A_4104 : i32 to vector<16xi32>
    %add3A_4106 = arith.addi %add3A_4105, %iota3A : vector<16xi32>
    %eq3A_4107 = vector.broadcast %and3A_4003 : i32 to vector<16xi32>
    %eq3A_4108 = arith.cmpi eq, %add3A_4106, %eq3A_4107 : vector<16xi32>
    %select_n3A_4109 = arith.select %eq3A_4108, %get3A_4103, %select_n3A_4096 : vector<16xi1>, vector<16xf32>
    %and3A_4110 = arith.constant 15 : i32
    %and3A_4111 = arith.andi %and3A_4003, %and3A_4110 : i32
    %broadcast_in_dim3A_4112 = vector.broadcast %and3A_4111 : i32 to vector<16xi32>
    %broadcast_in_dim3A_4113 = vector.shape_cast %broadcast_in_dim3A_4112 : vector<16xi32> to vector<16x1xi32>
    %gather3A_4114 = vector.shape_cast %broadcast_in_dim3A_4113 : vector<16x1xi32> to vector<16xi32>
    %gather3A_4115 = tpu.dynamic_gather %select_n3A_4109[%gather3A_4114] in [0] : vector<16xf32>, vector<16xi32> -> vector<16xf32>
    %eq3A_4116 = arith.constant 10 : i32
    %eq3A_4117 = vector.broadcast %eq3A_4116 : i32 to vector<16xi32>
    %eq3A_4118 = arith.cmpi eq, %iota3A, %eq3A_4117 : vector<16xi32>
    %select_n3A_4119 = arith.select %eq3A_4118, %gather3A_4115, %select_n3A_4001 : vector<16xi1>, vector<16xf32>
    %and3A_4120 = arith.constant 127 : i32
    %and3A_4121 = arith.andi %squeeze3A_491, %and3A_4120 : i32
    %broadcast_in_dim3A_4122 = arith.constant 0.000000e+00 : f32
    %broadcast_in_dim3A_4123 = vector.broadcast %broadcast_in_dim3A_4122 : f32 to vector<16xf32>
    %get3A_4124 = arith.constant 27 : i32
    %get3A_4125 = arith.constant 3 : i32
    %get3A_4126 = arith.index_cast %get3A_4124 : i32 to index
    %get3A_4127 = arith.index_cast %get3A_4125 : i32 to index
    %get3A_4128 = arith.constant 0 : index
    %get3A_4129 = tpu.vector_load %arg6[%get3A_4126, %get3A_4127, %get3A_4128] {strides = array<i32>} : memref<32x8x128xf32, #tpu.memory_space<vmem>>, vector<1x1x16xf32>,
    %get3A_4130 = vector.shape_cast %get3A_4129 : vector<1x1x16xf32> to vector<16xf32>
    %add3A_4131 = arith.constant 0 : i32
    %add3A_4132 = vector.broadcast %add3A_4131 : i32 to vector<16xi32>
    %add3A_4133 = arith.addi %add3A_4132, %iota3A : vector<16xi32>
    %eq3A_4134 = vector.broadcast %and3A_4121 : i32 to vector<16xi32>
    %eq3A_4135 = arith.cmpi eq, %add3A_4133, %eq3A_4134 : vector<16xi32>
    %select_n3A_4136 = arith.select %eq3A_4135, %get3A_4130, %broadcast_in_dim3A_4123 : vector<16xi1>, vector<16xf32>
    %get3A_4137 = arith.constant 27 : i32
    %get3A_4138 = arith.constant 3 : i32
    %get3A_4139 = arith.index_cast %get3A_4137 : i32 to index
    %get3A_4140 = arith.index_cast %get3A_4138 : i32 to index
    %get3A_4141 = arith.constant 16 : index
    %get3A_4142 = tpu.vector_load %arg6[%get3A_4139, %get3A_4140, %get3A_4141] {strides = array<i32>} : memref<32x8x128xf32, #tpu.memory_space<vmem>>, vector<1x1x16xf32>,
    %get3A_4143 = vector.shape_cast %get3A_4142 : vector<1x1x16xf32> to vector<16xf32>
    %add3A_4144 = arith.constant 16 : i32
    %add3A_4145 = vector.broadcast %add3A_4144 : i32 to vector<16xi32>
    %add3A_4146 = arith.addi %add3A_4145, %iota3A : vector<16xi32>
    %eq3A_4147 = vector.broadcast %and3A_4121 : i32 to vector<16xi32>
    %eq3A_4148 = arith.cmpi eq, %add3A_4146, %eq3A_4147 : vector<16xi32>
    %select_n3A_4149 = arith.select %eq3A_4148, %get3A_4143, %select_n3A_4136 : vector<16xi1>, vector<16xf32>
    %get3A_4150 = arith.constant 27 : i32
    %get3A_4151 = arith.constant 3 : i32
    %get3A_4152 = arith.index_cast %get3A_4150 : i32 to index
    %get3A_4153 = arith.index_cast %get3A_4151 : i32 to index
    %get3A_4154 = arith.constant 32 : index
    %get3A_4155 = tpu.vector_load %arg6[%get3A_4152, %get3A_4153, %get3A_4154] {strides = array<i32>} : memref<32x8x128xf32, #tpu.memory_space<vmem>>, vector<1x1x16xf32>,
    %get3A_4156 = vector.shape_cast %get3A_4155 : vector<1x1x16xf32> to vector<16xf32>
    %add3A_4157 = arith.constant 32 : i32
    %add3A_4158 = vector.broadcast %add3A_4157 : i32 to vector<16xi32>
    %add3A_4159 = arith.addi %add3A_4158, %iota3A : vector<16xi32>
    %eq3A_4160 = vector.broadcast %and3A_4121 : i32 to vector<16xi32>
    %eq3A_4161 = arith.cmpi eq, %add3A_4159, %eq3A_4160 : vector<16xi32>
    %select_n3A_4162 = arith.select %eq3A_4161, %get3A_4156, %select_n3A_4149 : vector<16xi1>, vector<16xf32>
    %get3A_4163 = arith.constant 27 : i32
    %get3A_4164 = arith.constant 3 : i32
    %get3A_4165 = arith.index_cast %get3A_4163 : i32 to index
    %get3A_4166 = arith.index_cast %get3A_4164 : i32 to index
    %get3A_4167 = arith.constant 48 : index
    %get3A_4168 = tpu.vector_load %arg6[%get3A_4165, %get3A_4166, %get3A_4167] {strides = array<i32>} : memref<32x8x128xf32, #tpu.memory_space<vmem>>, vector<1x1x16xf32>,
    %get3A_4169 = vector.shape_cast %get3A_4168 : vector<1x1x16xf32> to vector<16xf32>
    %add3A_4170 = arith.constant 48 : i32
    %add3A_4171 = vector.broadcast %add3A_4170 : i32 to vector<16xi32>
    %add3A_4172 = arith.addi %add3A_4171, %iota3A : vector<16xi32>
    %eq3A_4173 = vector.broadcast %and3A_4121 : i32 to vector<16xi32>
    %eq3A_4174 = arith.cmpi eq, %add3A_4172, %eq3A_4173 : vector<16xi32>
    %select_n3A_4175 = arith.select %eq3A_4174, %get3A_4169, %select_n3A_4162 : vector<16xi1>, vector<16xf32>
    %get3A_4176 = arith.constant 27 : i32
    %get3A_4177 = arith.constant 3 : i32
    %get3A_4178 = arith.index_cast %get3A_4176 : i32 to index
    %get3A_4179 = arith.index_cast %get3A_4177 : i32 to index
    %get3A_4180 = arith.constant 64 : index
    %get3A_4181 = tpu.vector_load %arg6[%get3A_4178, %get3A_4179, %get3A_4180] {strides = array<i32>} : memref<32x8x128xf32, #tpu.memory_space<vmem>>, vector<1x1x16xf32>,
    %get3A_4182 = vector.shape_cast %get3A_4181 : vector<1x1x16xf32> to vector<16xf32>
    %add3A_4183 = arith.constant 64 : i32
    %add3A_4184 = vector.broadcast %add3A_4183 : i32 to vector<16xi32>
    %add3A_4185 = arith.addi %add3A_4184, %iota3A : vector<16xi32>
    %eq3A_4186 = vector.broadcast %and3A_4121 : i32 to vector<16xi32>
    %eq3A_4187 = arith.cmpi eq, %add3A_4185, %eq3A_4186 : vector<16xi32>
    %select_n3A_4188 = arith.select %eq3A_4187, %get3A_4182, %select_n3A_4175 : vector<16xi1>, vector<16xf32>
    %get3A_4189 = arith.constant 27 : i32
    %get3A_4190 = arith.constant 3 : i32
    %get3A_4191 = arith.index_cast %get3A_4189 : i32 to index
    %get3A_4192 = arith.index_cast %get3A_4190 : i32 to index
    %get3A_4193 = arith.constant 80 : index
    %get3A_4194 = tpu.vector_load %arg6[%get3A_4191, %get3A_4192, %get3A_4193] {strides = array<i32>} : memref<32x8x128xf32, #tpu.memory_space<vmem>>, vector<1x1x16xf32>,
    %get3A_4195 = vector.shape_cast %get3A_4194 : vector<1x1x16xf32> to vector<16xf32>
    %add3A_4196 = arith.constant 80 : i32
    %add3A_4197 = vector.broadcast %add3A_4196 : i32 to vector<16xi32>
    %add3A_4198 = arith.addi %add3A_4197, %iota3A : vector<16xi32>
    %eq3A_4199 = vector.broadcast %and3A_4121 : i32 to vector<16xi32>
    %eq3A_4200 = arith.cmpi eq, %add3A_4198, %eq3A_4199 : vector<16xi32>
    %select_n3A_4201 = arith.select %eq3A_4200, %get3A_4195, %select_n3A_4188 : vector<16xi1>, vector<16xf32>
    %get3A_4202 = arith.constant 27 : i32
    %get3A_4203 = arith.constant 3 : i32
    %get3A_4204 = arith.index_cast %get3A_4202 : i32 to index
    %get3A_4205 = arith.index_cast %get3A_4203 : i32 to index
    %get3A_4206 = arith.constant 96 : index
    %get3A_4207 = tpu.vector_load %arg6[%get3A_4204, %get3A_4205, %get3A_4206] {strides = array<i32>} : memref<32x8x128xf32, #tpu.memory_space<vmem>>, vector<1x1x16xf32>,
    %get3A_4208 = vector.shape_cast %get3A_4207 : vector<1x1x16xf32> to vector<16xf32>
    %add3A_4209 = arith.constant 96 : i32
    %add3A_4210 = vector.broadcast %add3A_4209 : i32 to vector<16xi32>
    %add3A_4211 = arith.addi %add3A_4210, %iota3A : vector<16xi32>
    %eq3A_4212 = vector.broadcast %and3A_4121 : i32 to vector<16xi32>
    %eq3A_4213 = arith.cmpi eq, %add3A_4211, %eq3A_4212 : vector<16xi32>
    %select_n3A_4214 = arith.select %eq3A_4213, %get3A_4208, %select_n3A_4201 : vector<16xi1>, vector<16xf32>
    %get3A_4215 = arith.constant 27 : i32
    %get3A_4216 = arith.constant 3 : i32
    %get3A_4217 = arith.index_cast %get3A_4215 : i32 to index
    %get3A_4218 = arith.index_cast %get3A_4216 : i32 to index
    %get3A_4219 = arith.constant 112 : index
    %get3A_4220 = tpu.vector_load %arg6[%get3A_4217, %get3A_4218, %get3A_4219] {strides = array<i32>} : memref<32x8x128xf32, #tpu.memory_space<vmem>>, vector<1x1x16xf32>,
    %get3A_4221 = vector.shape_cast %get3A_4220 : vector<1x1x16xf32> to vector<16xf32>
    %add3A_4222 = arith.constant 112 : i32
    %add3A_4223 = vector.broadcast %add3A_4222 : i32 to vector<16xi32>
    %add3A_4224 = arith.addi %add3A_4223, %iota3A : vector<16xi32>
    %eq3A_4225 = vector.broadcast %and3A_4121 : i32 to vector<16xi32>
    %eq3A_4226 = arith.cmpi eq, %add3A_4224, %eq3A_4225 : vector<16xi32>
    %select_n3A_4227 = arith.select %eq3A_4226, %get3A_4221, %select_n3A_4214 : vector<16xi1>, vector<16xf32>
    %and3A_4228 = arith.constant 15 : i32
    %and3A_4229 = arith.andi %and3A_4121, %and3A_4228 : i32
    %broadcast_in_dim3A_4230 = vector.broadcast %and3A_4229 : i32 to vector<16xi32>
    %broadcast_in_dim3A_4231 = vector.shape_cast %broadcast_in_dim3A_4230 : vector<16xi32> to vector<16x1xi32>
    %gather3A_4232 = vector.shape_cast %broadcast_in_dim3A_4231 : vector<16x1xi32> to vector<16xi32>
    %gather3A_4233 = tpu.dynamic_gather %select_n3A_4227[%gather3A_4232] in [0] : vector<16xf32>, vector<16xi32> -> vector<16xf32>
    %eq3A_4234 = arith.constant 11 : i32
    %eq3A_4235 = vector.broadcast %eq3A_4234 : i32 to vector<16xi32>
    %eq3A_4236 = arith.cmpi eq, %iota3A, %eq3A_4235 : vector<16xi32>
    %select_n3A_4237 = arith.select %eq3A_4236, %gather3A_4233, %select_n3A_4119 : vector<16xi1>, vector<16xf32>
    %and3A_4238 = arith.constant 127 : i32
    %and3A_4239 = arith.andi %squeeze3A_509, %and3A_4238 : i32
    %broadcast_in_dim3A_4240 = arith.constant 0.000000e+00 : f32
    %broadcast_in_dim3A_4241 = vector.broadcast %broadcast_in_dim3A_4240 : f32 to vector<16xf32>
    %get3A_4242 = arith.constant 28 : i32
    %get3A_4243 = arith.constant 4 : i32
    %get3A_4244 = arith.index_cast %get3A_4242 : i32 to index
    %get3A_4245 = arith.index_cast %get3A_4243 : i32 to index
    %get3A_4246 = arith.constant 0 : index
    %get3A_4247 = tpu.vector_load %arg6[%get3A_4244, %get3A_4245, %get3A_4246] {strides = array<i32>} : memref<32x8x128xf32, #tpu.memory_space<vmem>>, vector<1x1x16xf32>,
    %get3A_4248 = vector.shape_cast %get3A_4247 : vector<1x1x16xf32> to vector<16xf32>
    %add3A_4249 = arith.constant 0 : i32
    %add3A_4250 = vector.broadcast %add3A_4249 : i32 to vector<16xi32>
    %add3A_4251 = arith.addi %add3A_4250, %iota3A : vector<16xi32>
    %eq3A_4252 = vector.broadcast %and3A_4239 : i32 to vector<16xi32>
    %eq3A_4253 = arith.cmpi eq, %add3A_4251, %eq3A_4252 : vector<16xi32>
    %select_n3A_4254 = arith.select %eq3A_4253, %get3A_4248, %broadcast_in_dim3A_4241 : vector<16xi1>, vector<16xf32>
    %get3A_4255 = arith.constant 28 : i32
    %get3A_4256 = arith.constant 4 : i32
    %get3A_4257 = arith.index_cast %get3A_4255 : i32 to index
    %get3A_4258 = arith.index_cast %get3A_4256 : i32 to index
    %get3A_4259 = arith.constant 16 : index
    %get3A_4260 = tpu.vector_load %arg6[%get3A_4257, %get3A_4258, %get3A_4259] {strides = array<i32>} : memref<32x8x128xf32, #tpu.memory_space<vmem>>, vector<1x1x16xf32>,
    %get3A_4261 = vector.shape_cast %get3A_4260 : vector<1x1x16xf32> to vector<16xf32>
    %add3A_4262 = arith.constant 16 : i32
    %add3A_4263 = vector.broadcast %add3A_4262 : i32 to vector<16xi32>
    %add3A_4264 = arith.addi %add3A_4263, %iota3A : vector<16xi32>
    %eq3A_4265 = vector.broadcast %and3A_4239 : i32 to vector<16xi32>
    %eq3A_4266 = arith.cmpi eq, %add3A_4264, %eq3A_4265 : vector<16xi32>
    %select_n3A_4267 = arith.select %eq3A_4266, %get3A_4261, %select_n3A_4254 : vector<16xi1>, vector<16xf32>
    %get3A_4268 = arith.constant 28 : i32
    %get3A_4269 = arith.constant 4 : i32
    %get3A_4270 = arith.index_cast %get3A_4268 : i32 to index
    %get3A_4271 = arith.index_cast %get3A_4269 : i32 to index
    %get3A_4272 = arith.constant 32 : index
    %get3A_4273 = tpu.vector_load %arg6[%get3A_4270, %get3A_4271, %get3A_4272] {strides = array<i32>} : memref<32x8x128xf32, #tpu.memory_space<vmem>>, vector<1x1x16xf32>,
    %get3A_4274 = vector.shape_cast %get3A_4273 : vector<1x1x16xf32> to vector<16xf32>
    %add3A_4275 = arith.constant 32 : i32
    %add3A_4276 = vector.broadcast %add3A_4275 : i32 to vector<16xi32>
    %add3A_4277 = arith.addi %add3A_4276, %iota3A : vector<16xi32>
    %eq3A_4278 = vector.broadcast %and3A_4239 : i32 to vector<16xi32>
    %eq3A_4279 = arith.cmpi eq, %add3A_4277, %eq3A_4278 : vector<16xi32>
    %select_n3A_4280 = arith.select %eq3A_4279, %get3A_4274, %select_n3A_4267 : vector<16xi1>, vector<16xf32>
    %get3A_4281 = arith.constant 28 : i32
    %get3A_4282 = arith.constant 4 : i32
    %get3A_4283 = arith.index_cast %get3A_4281 : i32 to index
    %get3A_4284 = arith.index_cast %get3A_4282 : i32 to index
    %get3A_4285 = arith.constant 48 : index
    %get3A_4286 = tpu.vector_load %arg6[%get3A_4283, %get3A_4284, %get3A_4285] {strides = array<i32>} : memref<32x8x128xf32, #tpu.memory_space<vmem>>, vector<1x1x16xf32>,
    %get3A_4287 = vector.shape_cast %get3A_4286 : vector<1x1x16xf32> to vector<16xf32>
    %add3A_4288 = arith.constant 48 : i32
    %add3A_4289 = vector.broadcast %add3A_4288 : i32 to vector<16xi32>
    %add3A_4290 = arith.addi %add3A_4289, %iota3A : vector<16xi32>
    %eq3A_4291 = vector.broadcast %and3A_4239 : i32 to vector<16xi32>
    %eq3A_4292 = arith.cmpi eq, %add3A_4290, %eq3A_4291 : vector<16xi32>
    %select_n3A_4293 = arith.select %eq3A_4292, %get3A_4287, %select_n3A_4280 : vector<16xi1>, vector<16xf32>
    %get3A_4294 = arith.constant 28 : i32
    %get3A_4295 = arith.constant 4 : i32
    %get3A_4296 = arith.index_cast %get3A_4294 : i32 to index
    %get3A_4297 = arith.index_cast %get3A_4295 : i32 to index
    %get3A_4298 = arith.constant 64 : index
    %get3A_4299 = tpu.vector_load %arg6[%get3A_4296, %get3A_4297, %get3A_4298] {strides = array<i32>} : memref<32x8x128xf32, #tpu.memory_space<vmem>>, vector<1x1x16xf32>,
    %get3A_4300 = vector.shape_cast %get3A_4299 : vector<1x1x16xf32> to vector<16xf32>
    %add3A_4301 = arith.constant 64 : i32
    %add3A_4302 = vector.broadcast %add3A_4301 : i32 to vector<16xi32>
    %add3A_4303 = arith.addi %add3A_4302, %iota3A : vector<16xi32>
    %eq3A_4304 = vector.broadcast %and3A_4239 : i32 to vector<16xi32>
    %eq3A_4305 = arith.cmpi eq, %add3A_4303, %eq3A_4304 : vector<16xi32>
    %select_n3A_4306 = arith.select %eq3A_4305, %get3A_4300, %select_n3A_4293 : vector<16xi1>, vector<16xf32>
    %get3A_4307 = arith.constant 28 : i32
    %get3A_4308 = arith.constant 4 : i32
    %get3A_4309 = arith.index_cast %get3A_4307 : i32 to index
    %get3A_4310 = arith.index_cast %get3A_4308 : i32 to index
    %get3A_4311 = arith.constant 80 : index
    %get3A_4312 = tpu.vector_load %arg6[%get3A_4309, %get3A_4310, %get3A_4311] {strides = array<i32>} : memref<32x8x128xf32, #tpu.memory_space<vmem>>, vector<1x1x16xf32>,
    %get3A_4313 = vector.shape_cast %get3A_4312 : vector<1x1x16xf32> to vector<16xf32>
    %add3A_4314 = arith.constant 80 : i32
    %add3A_4315 = vector.broadcast %add3A_4314 : i32 to vector<16xi32>
    %add3A_4316 = arith.addi %add3A_4315, %iota3A : vector<16xi32>
    %eq3A_4317 = vector.broadcast %and3A_4239 : i32 to vector<16xi32>
    %eq3A_4318 = arith.cmpi eq, %add3A_4316, %eq3A_4317 : vector<16xi32>
    %select_n3A_4319 = arith.select %eq3A_4318, %get3A_4313, %select_n3A_4306 : vector<16xi1>, vector<16xf32>
    %get3A_4320 = arith.constant 28 : i32
    %get3A_4321 = arith.constant 4 : i32
    %get3A_4322 = arith.index_cast %get3A_4320 : i32 to index
    %get3A_4323 = arith.index_cast %get3A_4321 : i32 to index
    %get3A_4324 = arith.constant 96 : index
    %get3A_4325 = tpu.vector_load %arg6[%get3A_4322, %get3A_4323, %get3A_4324] {strides = array<i32>} : memref<32x8x128xf32, #tpu.memory_space<vmem>>, vector<1x1x16xf32>,
    %get3A_4326 = vector.shape_cast %get3A_4325 : vector<1x1x16xf32> to vector<16xf32>
    %add3A_4327 = arith.constant 96 : i32
    %add3A_4328 = vector.broadcast %add3A_4327 : i32 to vector<16xi32>
    %add3A_4329 = arith.addi %add3A_4328, %iota3A : vector<16xi32>
    %eq3A_4330 = vector.broadcast %and3A_4239 : i32 to vector<16xi32>
    %eq3A_4331 = arith.cmpi eq, %add3A_4329, %eq3A_4330 : vector<16xi32>
    %select_n3A_4332 = arith.select %eq3A_4331, %get3A_4326, %select_n3A_4319 : vector<16xi1>, vector<16xf32>
    %get3A_4333 = arith.constant 28 : i32
    %get3A_4334 = arith.constant 4 : i32
    %get3A_4335 = arith.index_cast %get3A_4333 : i32 to index
    %get3A_4336 = arith.index_cast %get3A_4334 : i32 to index
    %get3A_4337 = arith.constant 112 : index
    %get3A_4338 = tpu.vector_load %arg6[%get3A_4335, %get3A_4336, %get3A_4337] {strides = array<i32>} : memref<32x8x128xf32, #tpu.memory_space<vmem>>, vector<1x1x16xf32>,
    %get3A_4339 = vector.shape_cast %get3A_4338 : vector<1x1x16xf32> to vector<16xf32>
    %add3A_4340 = arith.constant 112 : i32
    %add3A_4341 = vector.broadcast %add3A_4340 : i32 to vector<16xi32>
    %add3A_4342 = arith.addi %add3A_4341, %iota3A : vector<16xi32>
    %eq3A_4343 = vector.broadcast %and3A_4239 : i32 to vector<16xi32>
    %eq3A_4344 = arith.cmpi eq, %add3A_4342, %eq3A_4343 : vector<16xi32>
    %select_n3A_4345 = arith.select %eq3A_4344, %get3A_4339, %select_n3A_4332 : vector<16xi1>, vector<16xf32>
    %and3A_4346 = arith.constant 15 : i32
    %and3A_4347 = arith.andi %and3A_4239, %and3A_4346 : i32
    %broadcast_in_dim3A_4348 = vector.broadcast %and3A_4347 : i32 to vector<16xi32>
    %broadcast_in_dim3A_4349 = vector.shape_cast %broadcast_in_dim3A_4348 : vector<16xi32> to vector<16x1xi32>
    %gather3A_4350 = vector.shape_cast %broadcast_in_dim3A_4349 : vector<16x1xi32> to vector<16xi32>
    %gather3A_4351 = tpu.dynamic_gather %select_n3A_4345[%gather3A_4350] in [0] : vector<16xf32>, vector<16xi32> -> vector<16xf32>
    %eq3A_4352 = arith.constant 12 : i32
    %eq3A_4353 = vector.broadcast %eq3A_4352 : i32 to vector<16xi32>
    %eq3A_4354 = arith.cmpi eq, %iota3A, %eq3A_4353 : vector<16xi32>
    %select_n3A_4355 = arith.select %eq3A_4354, %gather3A_4351, %select_n3A_4237 : vector<16xi1>, vector<16xf32>
    %and3A_4356 = arith.constant 127 : i32
    %and3A_4357 = arith.andi %squeeze3A_527, %and3A_4356 : i32
    %broadcast_in_dim3A_4358 = arith.constant 0.000000e+00 : f32
    %broadcast_in_dim3A_4359 = vector.broadcast %broadcast_in_dim3A_4358 : f32 to vector<16xf32>
    %get3A_4360 = arith.constant 29 : i32
    %get3A_4361 = arith.constant 5 : i32
    %get3A_4362 = arith.index_cast %get3A_4360 : i32 to index
    %get3A_4363 = arith.index_cast %get3A_4361 : i32 to index
    %get3A_4364 = arith.constant 0 : index
    %get3A_4365 = tpu.vector_load %arg6[%get3A_4362, %get3A_4363, %get3A_4364] {strides = array<i32>} : memref<32x8x128xf32, #tpu.memory_space<vmem>>, vector<1x1x16xf32>,
    %get3A_4366 = vector.shape_cast %get3A_4365 : vector<1x1x16xf32> to vector<16xf32>
    %add3A_4367 = arith.constant 0 : i32
    %add3A_4368 = vector.broadcast %add3A_4367 : i32 to vector<16xi32>
    %add3A_4369 = arith.addi %add3A_4368, %iota3A : vector<16xi32>
    %eq3A_4370 = vector.broadcast %and3A_4357 : i32 to vector<16xi32>
    %eq3A_4371 = arith.cmpi eq, %add3A_4369, %eq3A_4370 : vector<16xi32>
    %select_n3A_4372 = arith.select %eq3A_4371, %get3A_4366, %broadcast_in_dim3A_4359 : vector<16xi1>, vector<16xf32>
    %get3A_4373 = arith.constant 29 : i32
    %get3A_4374 = arith.constant 5 : i32
    %get3A_4375 = arith.index_cast %get3A_4373 : i32 to index
    %get3A_4376 = arith.index_cast %get3A_4374 : i32 to index
    %get3A_4377 = arith.constant 16 : index
    %get3A_4378 = tpu.vector_load %arg6[%get3A_4375, %get3A_4376, %get3A_4377] {strides = array<i32>} : memref<32x8x128xf32, #tpu.memory_space<vmem>>, vector<1x1x16xf32>,
    %get3A_4379 = vector.shape_cast %get3A_4378 : vector<1x1x16xf32> to vector<16xf32>
    %add3A_4380 = arith.constant 16 : i32
    %add3A_4381 = vector.broadcast %add3A_4380 : i32 to vector<16xi32>
    %add3A_4382 = arith.addi %add3A_4381, %iota3A : vector<16xi32>
    %eq3A_4383 = vector.broadcast %and3A_4357 : i32 to vector<16xi32>
    %eq3A_4384 = arith.cmpi eq, %add3A_4382, %eq3A_4383 : vector<16xi32>
    %select_n3A_4385 = arith.select %eq3A_4384, %get3A_4379, %select_n3A_4372 : vector<16xi1>, vector<16xf32>
    %get3A_4386 = arith.constant 29 : i32
    %get3A_4387 = arith.constant 5 : i32
    %get3A_4388 = arith.index_cast %get3A_4386 : i32 to index
    %get3A_4389 = arith.index_cast %get3A_4387 : i32 to index
    %get3A_4390 = arith.constant 32 : index
    %get3A_4391 = tpu.vector_load %arg6[%get3A_4388, %get3A_4389, %get3A_4390] {strides = array<i32>} : memref<32x8x128xf32, #tpu.memory_space<vmem>>, vector<1x1x16xf32>,
    %get3A_4392 = vector.shape_cast %get3A_4391 : vector<1x1x16xf32> to vector<16xf32>
    %add3A_4393 = arith.constant 32 : i32
    %add3A_4394 = vector.broadcast %add3A_4393 : i32 to vector<16xi32>
    %add3A_4395 = arith.addi %add3A_4394, %iota3A : vector<16xi32>
    %eq3A_4396 = vector.broadcast %and3A_4357 : i32 to vector<16xi32>
    %eq3A_4397 = arith.cmpi eq, %add3A_4395, %eq3A_4396 : vector<16xi32>
    %select_n3A_4398 = arith.select %eq3A_4397, %get3A_4392, %select_n3A_4385 : vector<16xi1>, vector<16xf32>
    %get3A_4399 = arith.constant 29 : i32
    %get3A_4400 = arith.constant 5 : i32
    %get3A_4401 = arith.index_cast %get3A_4399 : i32 to index
    %get3A_4402 = arith.index_cast %get3A_4400 : i32 to index
    %get3A_4403 = arith.constant 48 : index
    %get3A_4404 = tpu.vector_load %arg6[%get3A_4401, %get3A_4402, %get3A_4403] {strides = array<i32>} : memref<32x8x128xf32, #tpu.memory_space<vmem>>, vector<1x1x16xf32>,
    %get3A_4405 = vector.shape_cast %get3A_4404 : vector<1x1x16xf32> to vector<16xf32>
    %add3A_4406 = arith.constant 48 : i32
    %add3A_4407 = vector.broadcast %add3A_4406 : i32 to vector<16xi32>
    %add3A_4408 = arith.addi %add3A_4407, %iota3A : vector<16xi32>
    %eq3A_4409 = vector.broadcast %and3A_4357 : i32 to vector<16xi32>
    %eq3A_4410 = arith.cmpi eq, %add3A_4408, %eq3A_4409 : vector<16xi32>
    %select_n3A_4411 = arith.select %eq3A_4410, %get3A_4405, %select_n3A_4398 : vector<16xi1>, vector<16xf32>
    %get3A_4412 = arith.constant 29 : i32
    %get3A_4413 = arith.constant 5 : i32
    %get3A_4414 = arith.index_cast %get3A_4412 : i32 to index
    %get3A_4415 = arith.index_cast %get3A_4413 : i32 to index
    %get3A_4416 = arith.constant 64 : index
    %get3A_4417 = tpu.vector_load %arg6[%get3A_4414, %get3A_4415, %get3A_4416] {strides = array<i32>} : memref<32x8x128xf32, #tpu.memory_space<vmem>>, vector<1x1x16xf32>,
    %get3A_4418 = vector.shape_cast %get3A_4417 : vector<1x1x16xf32> to vector<16xf32>
    %add3A_4419 = arith.constant 64 : i32
    %add3A_4420 = vector.broadcast %add3A_4419 : i32 to vector<16xi32>
    %add3A_4421 = arith.addi %add3A_4420, %iota3A : vector<16xi32>
    %eq3A_4422 = vector.broadcast %and3A_4357 : i32 to vector<16xi32>
    %eq3A_4423 = arith.cmpi eq, %add3A_4421, %eq3A_4422 : vector<16xi32>
    %select_n3A_4424 = arith.select %eq3A_4423, %get3A_4418, %select_n3A_4411 : vector<16xi1>, vector<16xf32>
    %get3A_4425 = arith.constant 29 : i32
    %get3A_4426 = arith.constant 5 : i32
    %get3A_4427 = arith.index_cast %get3A_4425 : i32 to index
    %get3A_4428 = arith.index_cast %get3A_4426 : i32 to index
    %get3A_4429 = arith.constant 80 : index
    %get3A_4430 = tpu.vector_load %arg6[%get3A_4427, %get3A_4428, %get3A_4429] {strides = array<i32>} : memref<32x8x128xf32, #tpu.memory_space<vmem>>, vector<1x1x16xf32>,
    %get3A_4431 = vector.shape_cast %get3A_4430 : vector<1x1x16xf32> to vector<16xf32>
    %add3A_4432 = arith.constant 80 : i32
    %add3A_4433 = vector.broadcast %add3A_4432 : i32 to vector<16xi32>
    %add3A_4434 = arith.addi %add3A_4433, %iota3A : vector<16xi32>
    %eq3A_4435 = vector.broadcast %and3A_4357 : i32 to vector<16xi32>
    %eq3A_4436 = arith.cmpi eq, %add3A_4434, %eq3A_4435 : vector<16xi32>
    %select_n3A_4437 = arith.select %eq3A_4436, %get3A_4431, %select_n3A_4424 : vector<16xi1>, vector<16xf32>
    %get3A_4438 = arith.constant 29 : i32
    %get3A_4439 = arith.constant 5 : i32
    %get3A_4440 = arith.index_cast %get3A_4438 : i32 to index
    %get3A_4441 = arith.index_cast %get3A_4439 : i32 to index
    %get3A_4442 = arith.constant 96 : index
    %get3A_4443 = tpu.vector_load %arg6[%get3A_4440, %get3A_4441, %get3A_4442] {strides = array<i32>} : memref<32x8x128xf32, #tpu.memory_space<vmem>>, vector<1x1x16xf32>,
    %get3A_4444 = vector.shape_cast %get3A_4443 : vector<1x1x16xf32> to vector<16xf32>
    %add3A_4445 = arith.constant 96 : i32
    %add3A_4446 = vector.broadcast %add3A_4445 : i32 to vector<16xi32>
    %add3A_4447 = arith.addi %add3A_4446, %iota3A : vector<16xi32>
    %eq3A_4448 = vector.broadcast %and3A_4357 : i32 to vector<16xi32>
    %eq3A_4449 = arith.cmpi eq, %add3A_4447, %eq3A_4448 : vector<16xi32>
    %select_n3A_4450 = arith.select %eq3A_4449, %get3A_4444, %select_n3A_4437 : vector<16xi1>, vector<16xf32>
    %get3A_4451 = arith.constant 29 : i32
    %get3A_4452 = arith.constant 5 : i32
    %get3A_4453 = arith.index_cast %get3A_4451 : i32 to index
    %get3A_4454 = arith.index_cast %get3A_4452 : i32 to index
    %get3A_4455 = arith.constant 112 : index
    %get3A_4456 = tpu.vector_load %arg6[%get3A_4453, %get3A_4454, %get3A_4455] {strides = array<i32>} : memref<32x8x128xf32, #tpu.memory_space<vmem>>, vector<1x1x16xf32>,
    %get3A_4457 = vector.shape_cast %get3A_4456 : vector<1x1x16xf32> to vector<16xf32>
    %add3A_4458 = arith.constant 112 : i32
    %add3A_4459 = vector.broadcast %add3A_4458 : i32 to vector<16xi32>
    %add3A_4460 = arith.addi %add3A_4459, %iota3A : vector<16xi32>
    %eq3A_4461 = vector.broadcast %and3A_4357 : i32 to vector<16xi32>
    %eq3A_4462 = arith.cmpi eq, %add3A_4460, %eq3A_4461 : vector<16xi32>
    %select_n3A_4463 = arith.select %eq3A_4462, %get3A_4457, %select_n3A_4450 : vector<16xi1>, vector<16xf32>
    %and3A_4464 = arith.constant 15 : i32
    %and3A_4465 = arith.andi %and3A_4357, %and3A_4464 : i32
    %broadcast_in_dim3A_4466 = vector.broadcast %and3A_4465 : i32 to vector<16xi32>
    %broadcast_in_dim3A_4467 = vector.shape_cast %broadcast_in_dim3A_4466 : vector<16xi32> to vector<16x1xi32>
    %gather3A_4468 = vector.shape_cast %broadcast_in_dim3A_4467 : vector<16x1xi32> to vector<16xi32>
    %gather3A_4469 = tpu.dynamic_gather %select_n3A_4463[%gather3A_4468] in [0] : vector<16xf32>, vector<16xi32> -> vector<16xf32>
    %eq3A_4470 = arith.constant 13 : i32
    %eq3A_4471 = vector.broadcast %eq3A_4470 : i32 to vector<16xi32>
    %eq3A_4472 = arith.cmpi eq, %iota3A, %eq3A_4471 : vector<16xi32>
    %select_n3A_4473 = arith.select %eq3A_4472, %gather3A_4469, %select_n3A_4355 : vector<16xi1>, vector<16xf32>
    %and3A_4474 = arith.constant 127 : i32
    %and3A_4475 = arith.andi %squeeze3A_545, %and3A_4474 : i32
    %broadcast_in_dim3A_4476 = arith.constant 0.000000e+00 : f32
    %broadcast_in_dim3A_4477 = vector.broadcast %broadcast_in_dim3A_4476 : f32 to vector<16xf32>
    %get3A_4478 = arith.constant 30 : i32
    %get3A_4479 = arith.constant 6 : i32
    %get3A_4480 = arith.index_cast %get3A_4478 : i32 to index
    %get3A_4481 = arith.index_cast %get3A_4479 : i32 to index
    %get3A_4482 = arith.constant 0 : index
    %get3A_4483 = tpu.vector_load %arg6[%get3A_4480, %get3A_4481, %get3A_4482] {strides = array<i32>} : memref<32x8x128xf32, #tpu.memory_space<vmem>>, vector<1x1x16xf32>,
    %get3A_4484 = vector.shape_cast %get3A_4483 : vector<1x1x16xf32> to vector<16xf32>
    %add3A_4485 = arith.constant 0 : i32
    %add3A_4486 = vector.broadcast %add3A_4485 : i32 to vector<16xi32>
    %add3A_4487 = arith.addi %add3A_4486, %iota3A : vector<16xi32>
    %eq3A_4488 = vector.broadcast %and3A_4475 : i32 to vector<16xi32>
    %eq3A_4489 = arith.cmpi eq, %add3A_4487, %eq3A_4488 : vector<16xi32>
    %select_n3A_4490 = arith.select %eq3A_4489, %get3A_4484, %broadcast_in_dim3A_4477 : vector<16xi1>, vector<16xf32>
    %get3A_4491 = arith.constant 30 : i32
    %get3A_4492 = arith.constant 6 : i32
    %get3A_4493 = arith.index_cast %get3A_4491 : i32 to index
    %get3A_4494 = arith.index_cast %get3A_4492 : i32 to index
    %get3A_4495 = arith.constant 16 : index
    %get3A_4496 = tpu.vector_load %arg6[%get3A_4493, %get3A_4494, %get3A_4495] {strides = array<i32>} : memref<32x8x128xf32, #tpu.memory_space<vmem>>, vector<1x1x16xf32>,
    %get3A_4497 = vector.shape_cast %get3A_4496 : vector<1x1x16xf32> to vector<16xf32>
    %add3A_4498 = arith.constant 16 : i32
    %add3A_4499 = vector.broadcast %add3A_4498 : i32 to vector<16xi32>
    %add3A_4500 = arith.addi %add3A_4499, %iota3A : vector<16xi32>
    %eq3A_4501 = vector.broadcast %and3A_4475 : i32 to vector<16xi32>
    %eq3A_4502 = arith.cmpi eq, %add3A_4500, %eq3A_4501 : vector<16xi32>
    %select_n3A_4503 = arith.select %eq3A_4502, %get3A_4497, %select_n3A_4490 : vector<16xi1>, vector<16xf32>
    %get3A_4504 = arith.constant 30 : i32
    %get3A_4505 = arith.constant 6 : i32
    %get3A_4506 = arith.index_cast %get3A_4504 : i32 to index
    %get3A_4507 = arith.index_cast %get3A_4505 : i32 to index
    %get3A_4508 = arith.constant 32 : index
    %get3A_4509 = tpu.vector_load %arg6[%get3A_4506, %get3A_4507, %get3A_4508] {strides = array<i32>} : memref<32x8x128xf32, #tpu.memory_space<vmem>>, vector<1x1x16xf32>,
    %get3A_4510 = vector.shape_cast %get3A_4509 : vector<1x1x16xf32> to vector<16xf32>
    %add3A_4511 = arith.constant 32 : i32
    %add3A_4512 = vector.broadcast %add3A_4511 : i32 to vector<16xi32>
    %add3A_4513 = arith.addi %add3A_4512, %iota3A : vector<16xi32>
    %eq3A_4514 = vector.broadcast %and3A_4475 : i32 to vector<16xi32>
    %eq3A_4515 = arith.cmpi eq, %add3A_4513, %eq3A_4514 : vector<16xi32>
    %select_n3A_4516 = arith.select %eq3A_4515, %get3A_4510, %select_n3A_4503 : vector<16xi1>, vector<16xf32>
    %get3A_4517 = arith.constant 30 : i32
    %get3A_4518 = arith.constant 6 : i32
    %get3A_4519 = arith.index_cast %get3A_4517 : i32 to index
    %get3A_4520 = arith.index_cast %get3A_4518 : i32 to index
    %get3A_4521 = arith.constant 48 : index
    %get3A_4522 = tpu.vector_load %arg6[%get3A_4519, %get3A_4520, %get3A_4521] {strides = array<i32>} : memref<32x8x128xf32, #tpu.memory_space<vmem>>, vector<1x1x16xf32>,
    %get3A_4523 = vector.shape_cast %get3A_4522 : vector<1x1x16xf32> to vector<16xf32>
    %add3A_4524 = arith.constant 48 : i32
    %add3A_4525 = vector.broadcast %add3A_4524 : i32 to vector<16xi32>
    %add3A_4526 = arith.addi %add3A_4525, %iota3A : vector<16xi32>
    %eq3A_4527 = vector.broadcast %and3A_4475 : i32 to vector<16xi32>
    %eq3A_4528 = arith.cmpi eq, %add3A_4526, %eq3A_4527 : vector<16xi32>
    %select_n3A_4529 = arith.select %eq3A_4528, %get3A_4523, %select_n3A_4516 : vector<16xi1>, vector<16xf32>
    %get3A_4530 = arith.constant 30 : i32
    %get3A_4531 = arith.constant 6 : i32
    %get3A_4532 = arith.index_cast %get3A_4530 : i32 to index
    %get3A_4533 = arith.index_cast %get3A_4531 : i32 to index
    %get3A_4534 = arith.constant 64 : index
    %get3A_4535 = tpu.vector_load %arg6[%get3A_4532, %get3A_4533, %get3A_4534] {strides = array<i32>} : memref<32x8x128xf32, #tpu.memory_space<vmem>>, vector<1x1x16xf32>,
    %get3A_4536 = vector.shape_cast %get3A_4535 : vector<1x1x16xf32> to vector<16xf32>
    %add3A_4537 = arith.constant 64 : i32
    %add3A_4538 = vector.broadcast %add3A_4537 : i32 to vector<16xi32>
    %add3A_4539 = arith.addi %add3A_4538, %iota3A : vector<16xi32>
    %eq3A_4540 = vector.broadcast %and3A_4475 : i32 to vector<16xi32>
    %eq3A_4541 = arith.cmpi eq, %add3A_4539, %eq3A_4540 : vector<16xi32>
    %select_n3A_4542 = arith.select %eq3A_4541, %get3A_4536, %select_n3A_4529 : vector<16xi1>, vector<16xf32>
    %get3A_4543 = arith.constant 30 : i32
    %get3A_4544 = arith.constant 6 : i32
    %get3A_4545 = arith.index_cast %get3A_4543 : i32 to index
    %get3A_4546 = arith.index_cast %get3A_4544 : i32 to index
    %get3A_4547 = arith.constant 80 : index
    %get3A_4548 = tpu.vector_load %arg6[%get3A_4545, %get3A_4546, %get3A_4547] {strides = array<i32>} : memref<32x8x128xf32, #tpu.memory_space<vmem>>, vector<1x1x16xf32>,
    %get3A_4549 = vector.shape_cast %get3A_4548 : vector<1x1x16xf32> to vector<16xf32>
    %add3A_4550 = arith.constant 80 : i32
    %add3A_4551 = vector.broadcast %add3A_4550 : i32 to vector<16xi32>
    %add3A_4552 = arith.addi %add3A_4551, %iota3A : vector<16xi32>
    %eq3A_4553 = vector.broadcast %and3A_4475 : i32 to vector<16xi32>
    %eq3A_4554 = arith.cmpi eq, %add3A_4552, %eq3A_4553 : vector<16xi32>
    %select_n3A_4555 = arith.select %eq3A_4554, %get3A_4549, %select_n3A_4542 : vector<16xi1>, vector<16xf32>
    %get3A_4556 = arith.constant 30 : i32
    %get3A_4557 = arith.constant 6 : i32
    %get3A_4558 = arith.index_cast %get3A_4556 : i32 to index
    %get3A_4559 = arith.index_cast %get3A_4557 : i32 to index
    %get3A_4560 = arith.constant 96 : index
    %get3A_4561 = tpu.vector_load %arg6[%get3A_4558, %get3A_4559, %get3A_4560] {strides = array<i32>} : memref<32x8x128xf32, #tpu.memory_space<vmem>>, vector<1x1x16xf32>,
    %get3A_4562 = vector.shape_cast %get3A_4561 : vector<1x1x16xf32> to vector<16xf32>
    %add3A_4563 = arith.constant 96 : i32
    %add3A_4564 = vector.broadcast %add3A_4563 : i32 to vector<16xi32>
    %add3A_4565 = arith.addi %add3A_4564, %iota3A : vector<16xi32>
    %eq3A_4566 = vector.broadcast %and3A_4475 : i32 to vector<16xi32>
    %eq3A_4567 = arith.cmpi eq, %add3A_4565, %eq3A_4566 : vector<16xi32>
    %select_n3A_4568 = arith.select %eq3A_4567, %get3A_4562, %select_n3A_4555 : vector<16xi1>, vector<16xf32>
    %get3A_4569 = arith.constant 30 : i32
    %get3A_4570 = arith.constant 6 : i32
    %get3A_4571 = arith.index_cast %get3A_4569 : i32 to index
    %get3A_4572 = arith.index_cast %get3A_4570 : i32 to index
    %get3A_4573 = arith.constant 112 : index
    %get3A_4574 = tpu.vector_load %arg6[%get3A_4571, %get3A_4572, %get3A_4573] {strides = array<i32>} : memref<32x8x128xf32, #tpu.memory_space<vmem>>, vector<1x1x16xf32>,
    %get3A_4575 = vector.shape_cast %get3A_4574 : vector<1x1x16xf32> to vector<16xf32>
    %add3A_4576 = arith.constant 112 : i32
    %add3A_4577 = vector.broadcast %add3A_4576 : i32 to vector<16xi32>
    %add3A_4578 = arith.addi %add3A_4577, %iota3A : vector<16xi32>
    %eq3A_4579 = vector.broadcast %and3A_4475 : i32 to vector<16xi32>
    %eq3A_4580 = arith.cmpi eq, %add3A_4578, %eq3A_4579 : vector<16xi32>
    %select_n3A_4581 = arith.select %eq3A_4580, %get3A_4575, %select_n3A_4568 : vector<16xi1>, vector<16xf32>
    %and3A_4582 = arith.constant 15 : i32
    %and3A_4583 = arith.andi %and3A_4475, %and3A_4582 : i32
    %broadcast_in_dim3A_4584 = vector.broadcast %and3A_4583 : i32 to vector<16xi32>
    %broadcast_in_dim3A_4585 = vector.shape_cast %broadcast_in_dim3A_4584 : vector<16xi32> to vector<16x1xi32>
    %gather3A_4586 = vector.shape_cast %broadcast_in_dim3A_4585 : vector<16x1xi32> to vector<16xi32>
    %gather3A_4587 = tpu.dynamic_gather %select_n3A_4581[%gather3A_4586] in [0] : vector<16xf32>, vector<16xi32> -> vector<16xf32>
    %eq3A_4588 = arith.constant 14 : i32
    %eq3A_4589 = vector.broadcast %eq3A_4588 : i32 to vector<16xi32>
    %eq3A_4590 = arith.cmpi eq, %iota3A, %eq3A_4589 : vector<16xi32>
    %select_n3A_4591 = arith.select %eq3A_4590, %gather3A_4587, %select_n3A_4473 : vector<16xi1>, vector<16xf32>
    %and3A_4592 = arith.constant 127 : i32
    %and3A_4593 = arith.andi %squeeze3A_563, %and3A_4592 : i32
    %broadcast_in_dim3A_4594 = arith.constant 0.000000e+00 : f32
    %broadcast_in_dim3A_4595 = vector.broadcast %broadcast_in_dim3A_4594 : f32 to vector<16xf32>
    %get3A_4596 = arith.constant 31 : i32
    %get3A_4597 = arith.constant 7 : i32
    %get3A_4598 = arith.index_cast %get3A_4596 : i32 to index
    %get3A_4599 = arith.index_cast %get3A_4597 : i32 to index
    %get3A_4600 = arith.constant 0 : index
    %get3A_4601 = tpu.vector_load %arg6[%get3A_4598, %get3A_4599, %get3A_4600] {strides = array<i32>} : memref<32x8x128xf32, #tpu.memory_space<vmem>>, vector<1x1x16xf32>,
    %get3A_4602 = vector.shape_cast %get3A_4601 : vector<1x1x16xf32> to vector<16xf32>
    %add3A_4603 = arith.constant 0 : i32
    %add3A_4604 = vector.broadcast %add3A_4603 : i32 to vector<16xi32>
    %add3A_4605 = arith.addi %add3A_4604, %iota3A : vector<16xi32>
    %eq3A_4606 = vector.broadcast %and3A_4593 : i32 to vector<16xi32>
    %eq3A_4607 = arith.cmpi eq, %add3A_4605, %eq3A_4606 : vector<16xi32>
    %select_n3A_4608 = arith.select %eq3A_4607, %get3A_4602, %broadcast_in_dim3A_4595 : vector<16xi1>, vector<16xf32>
    %get3A_4609 = arith.constant 31 : i32
    %get3A_4610 = arith.constant 7 : i32
    %get3A_4611 = arith.index_cast %get3A_4609 : i32 to index
    %get3A_4612 = arith.index_cast %get3A_4610 : i32 to index
    %get3A_4613 = arith.constant 16 : index
    %get3A_4614 = tpu.vector_load %arg6[%get3A_4611, %get3A_4612, %get3A_4613] {strides = array<i32>} : memref<32x8x128xf32, #tpu.memory_space<vmem>>, vector<1x1x16xf32>,
    %get3A_4615 = vector.shape_cast %get3A_4614 : vector<1x1x16xf32> to vector<16xf32>
    %add3A_4616 = arith.constant 16 : i32
    %add3A_4617 = vector.broadcast %add3A_4616 : i32 to vector<16xi32>
    %add3A_4618 = arith.addi %add3A_4617, %iota3A : vector<16xi32>
    %eq3A_4619 = vector.broadcast %and3A_4593 : i32 to vector<16xi32>
    %eq3A_4620 = arith.cmpi eq, %add3A_4618, %eq3A_4619 : vector<16xi32>
    %select_n3A_4621 = arith.select %eq3A_4620, %get3A_4615, %select_n3A_4608 : vector<16xi1>, vector<16xf32>
    %get3A_4622 = arith.constant 31 : i32
    %get3A_4623 = arith.constant 7 : i32
    %get3A_4624 = arith.index_cast %get3A_4622 : i32 to index
    %get3A_4625 = arith.index_cast %get3A_4623 : i32 to index
    %get3A_4626 = arith.constant 32 : index
    %get3A_4627 = tpu.vector_load %arg6[%get3A_4624, %get3A_4625, %get3A_4626] {strides = array<i32>} : memref<32x8x128xf32, #tpu.memory_space<vmem>>, vector<1x1x16xf32>,
    %get3A_4628 = vector.shape_cast %get3A_4627 : vector<1x1x16xf32> to vector<16xf32>
    %add3A_4629 = arith.constant 32 : i32
    %add3A_4630 = vector.broadcast %add3A_4629 : i32 to vector<16xi32>
    %add3A_4631 = arith.addi %add3A_4630, %iota3A : vector<16xi32>
    %eq3A_4632 = vector.broadcast %and3A_4593 : i32 to vector<16xi32>
    %eq3A_4633 = arith.cmpi eq, %add3A_4631, %eq3A_4632 : vector<16xi32>
    %select_n3A_4634 = arith.select %eq3A_4633, %get3A_4628, %select_n3A_4621 : vector<16xi1>, vector<16xf32>
    %get3A_4635 = arith.constant 31 : i32
    %get3A_4636 = arith.constant 7 : i32
    %get3A_4637 = arith.index_cast %get3A_4635 : i32 to index
    %get3A_4638 = arith.index_cast %get3A_4636 : i32 to index
    %get3A_4639 = arith.constant 48 : index
    %get3A_4640 = tpu.vector_load %arg6[%get3A_4637, %get3A_4638, %get3A_4639] {strides = array<i32>} : memref<32x8x128xf32, #tpu.memory_space<vmem>>, vector<1x1x16xf32>,
    %get3A_4641 = vector.shape_cast %get3A_4640 : vector<1x1x16xf32> to vector<16xf32>
    %add3A_4642 = arith.constant 48 : i32
    %add3A_4643 = vector.broadcast %add3A_4642 : i32 to vector<16xi32>
    %add3A_4644 = arith.addi %add3A_4643, %iota3A : vector<16xi32>
    %eq3A_4645 = vector.broadcast %and3A_4593 : i32 to vector<16xi32>
    %eq3A_4646 = arith.cmpi eq, %add3A_4644, %eq3A_4645 : vector<16xi32>
    %select_n3A_4647 = arith.select %eq3A_4646, %get3A_4641, %select_n3A_4634 : vector<16xi1>, vector<16xf32>
    %get3A_4648 = arith.constant 31 : i32
    %get3A_4649 = arith.constant 7 : i32
    %get3A_4650 = arith.index_cast %get3A_4648 : i32 to index
    %get3A_4651 = arith.index_cast %get3A_4649 : i32 to index
    %get3A_4652 = arith.constant 64 : index
    %get3A_4653 = tpu.vector_load %arg6[%get3A_4650, %get3A_4651, %get3A_4652] {strides = array<i32>} : memref<32x8x128xf32, #tpu.memory_space<vmem>>, vector<1x1x16xf32>,
    %get3A_4654 = vector.shape_cast %get3A_4653 : vector<1x1x16xf32> to vector<16xf32>
    %add3A_4655 = arith.constant 64 : i32
    %add3A_4656 = vector.broadcast %add3A_4655 : i32 to vector<16xi32>
    %add3A_4657 = arith.addi %add3A_4656, %iota3A : vector<16xi32>
    %eq3A_4658 = vector.broadcast %and3A_4593 : i32 to vector<16xi32>
    %eq3A_4659 = arith.cmpi eq, %add3A_4657, %eq3A_4658 : vector<16xi32>
    %select_n3A_4660 = arith.select %eq3A_4659, %get3A_4654, %select_n3A_4647 : vector<16xi1>, vector<16xf32>
    %get3A_4661 = arith.constant 31 : i32
    %get3A_4662 = arith.constant 7 : i32
    %get3A_4663 = arith.index_cast %get3A_4661 : i32 to index
    %get3A_4664 = arith.index_cast %get3A_4662 : i32 to index
    %get3A_4665 = arith.constant 80 : index
    %get3A_4666 = tpu.vector_load %arg6[%get3A_4663, %get3A_4664, %get3A_4665] {strides = array<i32>} : memref<32x8x128xf32, #tpu.memory_space<vmem>>, vector<1x1x16xf32>,
    %get3A_4667 = vector.shape_cast %get3A_4666 : vector<1x1x16xf32> to vector<16xf32>
    %add3A_4668 = arith.constant 80 : i32
    %add3A_4669 = vector.broadcast %add3A_4668 : i32 to vector<16xi32>
    %add3A_4670 = arith.addi %add3A_4669, %iota3A : vector<16xi32>
    %eq3A_4671 = vector.broadcast %and3A_4593 : i32 to vector<16xi32>
    %eq3A_4672 = arith.cmpi eq, %add3A_4670, %eq3A_4671 : vector<16xi32>
    %select_n3A_4673 = arith.select %eq3A_4672, %get3A_4667, %select_n3A_4660 : vector<16xi1>, vector<16xf32>
    %get3A_4674 = arith.constant 31 : i32
    %get3A_4675 = arith.constant 7 : i32
    %get3A_4676 = arith.index_cast %get3A_4674 : i32 to index
    %get3A_4677 = arith.index_cast %get3A_4675 : i32 to index
    %get3A_4678 = arith.constant 96 : index
    %get3A_4679 = tpu.vector_load %arg6[%get3A_4676, %get3A_4677, %get3A_4678] {strides = array<i32>} : memref<32x8x128xf32, #tpu.memory_space<vmem>>, vector<1x1x16xf32>,
    %get3A_4680 = vector.shape_cast %get3A_4679 : vector<1x1x16xf32> to vector<16xf32>
    %add3A_4681 = arith.constant 96 : i32
    %add3A_4682 = vector.broadcast %add3A_4681 : i32 to vector<16xi32>
    %add3A_4683 = arith.addi %add3A_4682, %iota3A : vector<16xi32>
    %eq3A_4684 = vector.broadcast %and3A_4593 : i32 to vector<16xi32>
    %eq3A_4685 = arith.cmpi eq, %add3A_4683, %eq3A_4684 : vector<16xi32>
    %select_n3A_4686 = arith.select %eq3A_4685, %get3A_4680, %select_n3A_4673 : vector<16xi1>, vector<16xf32>
    %get3A_4687 = arith.constant 31 : i32
    %get3A_4688 = arith.constant 7 : i32
    %get3A_4689 = arith.index_cast %get3A_4687 : i32 to index
    %get3A_4690 = arith.index_cast %get3A_4688 : i32 to index
    %get3A_4691 = arith.constant 112 : index
    %get3A_4692 = tpu.vector_load %arg6[%get3A_4689, %get3A_4690, %get3A_4691] {strides = array<i32>} : memref<32x8x128xf32, #tpu.memory_space<vmem>>, vector<1x1x16xf32>,
    %get3A_4693 = vector.shape_cast %get3A_4692 : vector<1x1x16xf32> to vector<16xf32>
    %add3A_4694 = arith.constant 112 : i32
    %add3A_4695 = vector.broadcast %add3A_4694 : i32 to vector<16xi32>
    %add3A_4696 = arith.addi %add3A_4695, %iota3A : vector<16xi32>
    %eq3A_4697 = vector.broadcast %and3A_4593 : i32 to vector<16xi32>
    %eq3A_4698 = arith.cmpi eq, %add3A_4696, %eq3A_4697 : vector<16xi32>
    %select_n3A_4699 = arith.select %eq3A_4698, %get3A_4693, %select_n3A_4686 : vector<16xi1>, vector<16xf32>
    %and3A_4700 = arith.constant 15 : i32
    %and3A_4701 = arith.andi %and3A_4593, %and3A_4700 : i32
    %broadcast_in_dim3A_4702 = vector.broadcast %and3A_4701 : i32 to vector<16xi32>
    %broadcast_in_dim3A_4703 = vector.shape_cast %broadcast_in_dim3A_4702 : vector<16xi32> to vector<16x1xi32>
    %gather3A_4704 = vector.shape_cast %broadcast_in_dim3A_4703 : vector<16x1xi32> to vector<16xi32>
    %gather3A_4705 = tpu.dynamic_gather %select_n3A_4699[%gather3A_4704] in [0] : vector<16xf32>, vector<16xi32> -> vector<16xf32>
    %eq3A_4706 = arith.constant 15 : i32
    %eq3A_4707 = vector.broadcast %eq3A_4706 : i32 to vector<16xi32>
    %eq3A_4708 = arith.cmpi eq, %iota3A, %eq3A_4707 : vector<16xi32>
    %select_n3A_4709 = arith.select %eq3A_4708, %gather3A_4705, %select_n3A_4591 : vector<16xi1>, vector<16xf32>
    %swap3A_4710 = arith.constant 16 : index
    %swap3A_4711 = tpu.vector_load %arg7[%swap3A_4710] {strides = array<i32>} : memref<32xf32, #tpu.memory_space<vmem>>, vector<16xf32>,
    %swap3A_4712 = vector.shape_cast %swap3A_4711 : vector<16xf32> to vector<16xf32>
    %swap3A_4713 = vector.shape_cast %select_n3A_4709 : vector<16xf32> to vector<16xf32>
    tpu.vector_store %arg7[%swap3A_4710], %swap3A_4713 {strides = array<i32>} : memref<32xf32, #tpu.memory_space<vmem>>, vector<16xf32>,
    "tpu.region"() ({
      %run_scoped3A = tpu.sem_alloc : memref<!tpu.dma_semaphore, #tpu.memory_space<semaphore_mem>>
      %dma_start3A_4714 = tpu.memref_slice %arg4[%multiple_of3A] : memref<1024xf32, #tpu.memory_space<hbm>> -> memref<32xf32, #tpu.memory_space<hbm>>
      %dma_start3A_4715 = tpu.memref_slice %arg4[%multiple_of3A] : memref<1024xf32, #tpu.memory_space<hbm>> -> memref<32xf32, #tpu.memory_space<hbm>>
      tpu.enqueue_dma source(%arg7 : memref<32xf32, #tpu.memory_space<vmem>>) target(%dma_start3A_4715 : memref<32xf32, #tpu.memory_space<hbm>>) target_semaphore(%run_scoped3A : memref<!tpu.dma_semaphore, #tpu.memory_space<semaphore_mem>>)
      %dma_wait3A_4716 = tpu.memref_slice %arg4[%multiple_of3A] : memref<1024xf32, #tpu.memory_space<hbm>> -> memref<32xf32, #tpu.memory_space<hbm>>
      %dma_wait3A_4717 = tpu.memref_slice %arg4[%multiple_of3A] : memref<1024xf32, #tpu.memory_space<hbm>> -> memref<32xf32, #tpu.memory_space<hbm>>
      tpu.wait_dma2 semaphore(%run_scoped3A : memref<!tpu.dma_semaphore, #tpu.memory_space<semaphore_mem>>) src(%arg7 : memref<32xf32, #tpu.memory_space<vmem>>) dst(%dma_wait3A_4717 : memref<32xf32, #tpu.memory_space<hbm>>)
      tpu.yield
    }) : () -> ()
    return
  }
}

module attributes {stable_mosaic.version = 14 : i64} {
  func.func @_tc_body(%arg0: i32, %arg1: memref<1024x512xf32, #tpu.memory_space<vmem>>, %arg2: memref<1024x512xf32, #tpu.memory_space<vmem>>, %arg3: memref<1024x512xf32, #tpu.memory_space<vmem>>, %arg4: memref<1024x512xf32, #tpu.memory_space<vmem>>, %arg5: memref<1024x512xf32, #tpu.memory_space<vmem>>, %arg6: memref<1024x512xf32, #tpu.memory_space<vmem>>, %arg7: memref<1024x512xf32, #tpu.memory_space<vmem>>, %arg8: memref<1024x1xf32, #tpu.memory_space<vmem>>, %arg9: memref<1x1xf32, #tpu.memory_space<vmem>>, %arg10: memref<1024x1xf32, #tpu.memory_space<vmem>>) attributes {dimension_semantics = [#tpu.dimension_semantics<arbitrary>], iteration_bounds = array<i64: 28>, scalar_prefetch = 0 : i64, scratch_operands = 1 : i64, tpu.core_type = #tpu.core_type<tc>, window_params = [{transform_indices = @transform_0, window_bounds = array<i64: 1024, 512>}, {transform_indices = @transform_1, window_bounds = array<i64: 1024, 512>}, {transform_indices = @transform_2, window_bounds = array<i64: 1024, 512>}, {transform_indices = @transform_3, window_bounds = array<i64: 1024, 512>}, {transform_indices = @transform_4, window_bounds = array<i64: 1024, 512>}, {transform_indices = @transform_5, window_bounds = array<i64: 1024, 512>}, {transform_indices = @transform_6, window_bounds = array<i64: 1024, 512>}, {pipeline_mode = #tpu.pipeline_mode<synchronous>, transform_indices = @transform_7, window_bounds = array<i64: 1024, 1>}, {pipeline_mode = #tpu.pipeline_mode<synchronous>, transform_indices = @transform_8, window_bounds = array<i64: 1, 1>}]} {
    %eq3A = arith.constant 0 : i32
    %eq3A_0 = arith.cmpi eq, %arg0, %eq3A : i32
    %convert_element_type3A = arith.extui %eq3A_0 : i1 to i32
    %cond3A = arith.constant 0 : i32
    %cond3A_1 = arith.cmpi ne, %convert_element_type3A, %cond3A : i32
    scf.if %cond3A_1 {
      %broadcast_in_dim3A = arith.constant 0.000000e+00 : f32
      %broadcast_in_dim3A_11 = vector.broadcast %broadcast_in_dim3A : f32 to vector<1024x1xf32>
      %swap3A = arith.constant 0 : index
      %swap3A_12 = arith.constant 0 : index
      %swap3A_13 = vector.load %arg10[%swap3A, %swap3A_12] : memref<1024x1xf32, #tpu.memory_space<vmem>>, vector<1024x1xf32>
      tpu.vector_store %arg10[%swap3A, %swap3A_12], %broadcast_in_dim3A_11 {strides = array<i32>} : memref<1024x1xf32, #tpu.memory_space<vmem>>, vector<1024x1xf32>,
    } else {
    }
    %lt3A = arith.constant 27 : i32
    %lt3A_2 = arith.cmpi slt, %arg0, %lt3A : i32
    %convert_element_type3A_3 = arith.extui %lt3A_2 : i1 to i32
    %cond3A_4 = arith.constant 0 : i32
    %cond3A_5 = arith.cmpi ne, %convert_element_type3A_3, %cond3A_4 : i32
    scf.if %cond3A_5 {
      %broadcast_in_dim3A = arith.constant 0.000000e+00 : f32
      %broadcast_in_dim3A_11 = vector.broadcast %broadcast_in_dim3A : f32 to vector<1024x1xf32>
      %get3A = arith.constant 0 : index
      %get3A_12 = arith.constant 0 : index
      %get3A_13 = vector.load %arg1[%get3A, %get3A_12] : memref<1024x512xf32, #tpu.memory_space<vmem>>, vector<1024x512xf32>
      %mul3A = arith.constant 43.2808495 : f32
      %mul3A_14 = vector.broadcast %mul3A : f32 to vector<1024x512xf32>
      %mul3A_15 = arith.mulf %get3A_13, %mul3A_14 : vector<1024x512xf32>
      %exp23A = math.exp2 %mul3A_15 : vector<1024x512xf32>
      %reduce_sum3A = arith.constant dense<0.000000e+00> : vector<1024xf32>
      %reduce_sum3A_16 = vector.multi_reduction <add>, %exp23A, %reduce_sum3A [1] : vector<1024x512xf32> to vector<1024xf32>
      %broadcast_in_dim3A_17 = vector.shape_cast %reduce_sum3A_16 : vector<1024xf32> to vector<1024x1xf32>
      %add3A = arith.addf %broadcast_in_dim3A_11, %broadcast_in_dim3A_17 : vector<1024x1xf32>
      %get3A_18 = arith.constant 0 : index
      %get3A_19 = arith.constant 0 : index
      %get3A_20 = vector.load %arg2[%get3A_18, %get3A_19] : memref<1024x512xf32, #tpu.memory_space<vmem>>, vector<1024x512xf32>
      %mul3A_21 = arith.constant 43.2808495 : f32
      %mul3A_22 = vector.broadcast %mul3A_21 : f32 to vector<1024x512xf32>
      %mul3A_23 = arith.mulf %get3A_20, %mul3A_22 : vector<1024x512xf32>
      %exp23A_24 = math.exp2 %mul3A_23 : vector<1024x512xf32>
      %reduce_sum3A_25 = arith.constant dense<0.000000e+00> : vector<1024xf32>
      %reduce_sum3A_26 = vector.multi_reduction <add>, %exp23A_24, %reduce_sum3A_25 [1] : vector<1024x512xf32> to vector<1024xf32>
      %broadcast_in_dim3A_27 = vector.shape_cast %reduce_sum3A_26 : vector<1024xf32> to vector<1024x1xf32>
      %add3A_28 = arith.addf %add3A, %broadcast_in_dim3A_27 : vector<1024x1xf32>
      %get3A_29 = arith.constant 0 : index
      %get3A_30 = arith.constant 0 : index
      %get3A_31 = vector.load %arg3[%get3A_29, %get3A_30] : memref<1024x512xf32, #tpu.memory_space<vmem>>, vector<1024x512xf32>
      %mul3A_32 = arith.constant 43.2808495 : f32
      %mul3A_33 = vector.broadcast %mul3A_32 : f32 to vector<1024x512xf32>
      %mul3A_34 = arith.mulf %get3A_31, %mul3A_33 : vector<1024x512xf32>
      %exp23A_35 = math.exp2 %mul3A_34 : vector<1024x512xf32>
      %reduce_sum3A_36 = arith.constant dense<0.000000e+00> : vector<1024xf32>
      %reduce_sum3A_37 = vector.multi_reduction <add>, %exp23A_35, %reduce_sum3A_36 [1] : vector<1024x512xf32> to vector<1024xf32>
      %broadcast_in_dim3A_38 = vector.shape_cast %reduce_sum3A_37 : vector<1024xf32> to vector<1024x1xf32>
      %add3A_39 = arith.addf %add3A_28, %broadcast_in_dim3A_38 : vector<1024x1xf32>
      %get3A_40 = arith.constant 0 : index
      %get3A_41 = arith.constant 0 : index
      %get3A_42 = vector.load %arg4[%get3A_40, %get3A_41] : memref<1024x512xf32, #tpu.memory_space<vmem>>, vector<1024x512xf32>
      %mul3A_43 = arith.constant 43.2808495 : f32
      %mul3A_44 = vector.broadcast %mul3A_43 : f32 to vector<1024x512xf32>
      %mul3A_45 = arith.mulf %get3A_42, %mul3A_44 : vector<1024x512xf32>
      %exp23A_46 = math.exp2 %mul3A_45 : vector<1024x512xf32>
      %reduce_sum3A_47 = arith.constant dense<0.000000e+00> : vector<1024xf32>
      %reduce_sum3A_48 = vector.multi_reduction <add>, %exp23A_46, %reduce_sum3A_47 [1] : vector<1024x512xf32> to vector<1024xf32>
      %broadcast_in_dim3A_49 = vector.shape_cast %reduce_sum3A_48 : vector<1024xf32> to vector<1024x1xf32>
      %add3A_50 = arith.addf %add3A_39, %broadcast_in_dim3A_49 : vector<1024x1xf32>
      %get3A_51 = arith.constant 0 : index
      %get3A_52 = arith.constant 0 : index
      %get3A_53 = vector.load %arg5[%get3A_51, %get3A_52] : memref<1024x512xf32, #tpu.memory_space<vmem>>, vector<1024x512xf32>
      %mul3A_54 = arith.constant 43.2808495 : f32
      %mul3A_55 = vector.broadcast %mul3A_54 : f32 to vector<1024x512xf32>
      %mul3A_56 = arith.mulf %get3A_53, %mul3A_55 : vector<1024x512xf32>
      %exp23A_57 = math.exp2 %mul3A_56 : vector<1024x512xf32>
      %reduce_sum3A_58 = arith.constant dense<0.000000e+00> : vector<1024xf32>
      %reduce_sum3A_59 = vector.multi_reduction <add>, %exp23A_57, %reduce_sum3A_58 [1] : vector<1024x512xf32> to vector<1024xf32>
      %broadcast_in_dim3A_60 = vector.shape_cast %reduce_sum3A_59 : vector<1024xf32> to vector<1024x1xf32>
      %add3A_61 = arith.addf %add3A_50, %broadcast_in_dim3A_60 : vector<1024x1xf32>
      %get3A_62 = arith.constant 0 : index
      %get3A_63 = arith.constant 0 : index
      %get3A_64 = vector.load %arg6[%get3A_62, %get3A_63] : memref<1024x512xf32, #tpu.memory_space<vmem>>, vector<1024x512xf32>
      %mul3A_65 = arith.constant 43.2808495 : f32
      %mul3A_66 = vector.broadcast %mul3A_65 : f32 to vector<1024x512xf32>
      %mul3A_67 = arith.mulf %get3A_64, %mul3A_66 : vector<1024x512xf32>
      %exp23A_68 = math.exp2 %mul3A_67 : vector<1024x512xf32>
      %reduce_sum3A_69 = arith.constant dense<0.000000e+00> : vector<1024xf32>
      %reduce_sum3A_70 = vector.multi_reduction <add>, %exp23A_68, %reduce_sum3A_69 [1] : vector<1024x512xf32> to vector<1024xf32>
      %broadcast_in_dim3A_71 = vector.shape_cast %reduce_sum3A_70 : vector<1024xf32> to vector<1024x1xf32>
      %add3A_72 = arith.addf %add3A_61, %broadcast_in_dim3A_71 : vector<1024x1xf32>
      %get3A_73 = arith.constant 0 : index
      %get3A_74 = arith.constant 0 : index
      %get3A_75 = vector.load %arg7[%get3A_73, %get3A_74] : memref<1024x512xf32, #tpu.memory_space<vmem>>, vector<1024x512xf32>
      %mul3A_76 = arith.constant 43.2808495 : f32
      %mul3A_77 = vector.broadcast %mul3A_76 : f32 to vector<1024x512xf32>
      %mul3A_78 = arith.mulf %get3A_75, %mul3A_77 : vector<1024x512xf32>
      %exp23A_79 = math.exp2 %mul3A_78 : vector<1024x512xf32>
      %reduce_sum3A_80 = arith.constant dense<0.000000e+00> : vector<1024xf32>
      %reduce_sum3A_81 = vector.multi_reduction <add>, %exp23A_79, %reduce_sum3A_80 [1] : vector<1024x512xf32> to vector<1024xf32>
      %broadcast_in_dim3A_82 = vector.shape_cast %reduce_sum3A_81 : vector<1024xf32> to vector<1024x1xf32>
      %add3A_83 = arith.addf %add3A_72, %broadcast_in_dim3A_82 : vector<1024x1xf32>
      %get3A_84 = arith.constant 0 : index
      %get3A_85 = arith.constant 0 : index
      %get3A_86 = vector.load %arg10[%get3A_84, %get3A_85] : memref<1024x1xf32, #tpu.memory_space<vmem>>, vector<1024x1xf32>
      %add3A_87 = arith.addf %get3A_86, %add3A_83 : vector<1024x1xf32>
      %swap3A = arith.constant 0 : index
      %swap3A_88 = arith.constant 0 : index
      %swap3A_89 = vector.load %arg10[%swap3A, %swap3A_88] : memref<1024x1xf32, #tpu.memory_space<vmem>>, vector<1024x1xf32>
      tpu.vector_store %arg10[%swap3A, %swap3A_88], %add3A_87 {strides = array<i32>} : memref<1024x1xf32, #tpu.memory_space<vmem>>, vector<1024x1xf32>,
    } else {
    }
    %eq3A_6 = arith.constant 27 : i32
    %eq3A_7 = arith.cmpi eq, %arg0, %eq3A_6 : i32
    %convert_element_type3A_8 = arith.extui %eq3A_7 : i1 to i32
    %cond3A_9 = arith.constant 0 : i32
    %cond3A_10 = arith.cmpi ne, %convert_element_type3A_8, %cond3A_9 : i32
    scf.if %cond3A_10 {
      %get3A = arith.constant 0 : index
      %get3A_11 = arith.constant 0 : index
      %get3A_12 = vector.load %arg10[%get3A, %get3A_11] : memref<1024x1xf32, #tpu.memory_space<vmem>>, vector<1024x1xf32>
      %get3A_13 = arith.constant 0 : index
      %get3A_14 = arith.constant 0 : index
      %get3A_15 = vector.load %arg1[%get3A_13, %get3A_14] : memref<1024x512xf32, #tpu.memory_space<vmem>>, vector<1024x512xf32>
      %mul3A = arith.constant 43.2808495 : f32
      %mul3A_16 = vector.broadcast %mul3A : f32 to vector<1024x512xf32>
      %mul3A_17 = arith.mulf %get3A_15, %mul3A_16 : vector<1024x512xf32>
      %exp23A = math.exp2 %mul3A_17 : vector<1024x512xf32>
      %reduce_sum3A = arith.constant dense<0.000000e+00> : vector<1024xf32>
      %reduce_sum3A_18 = vector.multi_reduction <add>, %exp23A, %reduce_sum3A [1] : vector<1024x512xf32> to vector<1024xf32>
      %broadcast_in_dim3A = vector.shape_cast %reduce_sum3A_18 : vector<1024xf32> to vector<1024x1xf32>
      %add3A = arith.addf %get3A_12, %broadcast_in_dim3A : vector<1024x1xf32>
      %get3A_19 = arith.constant 0 : index
      %get3A_20 = arith.constant 0 : index
      %get3A_21 = vector.load %arg2[%get3A_19, %get3A_20] : memref<1024x512xf32, #tpu.memory_space<vmem>>, vector<1024x512xf32>
      %mul3A_22 = arith.constant 43.2808495 : f32
      %mul3A_23 = vector.broadcast %mul3A_22 : f32 to vector<1024x512xf32>
      %mul3A_24 = arith.mulf %get3A_21, %mul3A_23 : vector<1024x512xf32>
      %exp23A_25 = math.exp2 %mul3A_24 : vector<1024x512xf32>
      %reduce_sum3A_26 = arith.constant dense<0.000000e+00> : vector<1024xf32>
      %reduce_sum3A_27 = vector.multi_reduction <add>, %exp23A_25, %reduce_sum3A_26 [1] : vector<1024x512xf32> to vector<1024xf32>
      %broadcast_in_dim3A_28 = vector.shape_cast %reduce_sum3A_27 : vector<1024xf32> to vector<1024x1xf32>
      %add3A_29 = arith.addf %add3A, %broadcast_in_dim3A_28 : vector<1024x1xf32>
      %get3A_30 = arith.constant 0 : index
      %get3A_31 = arith.constant 0 : index
      %get3A_32 = vector.load %arg3[%get3A_30, %get3A_31] : memref<1024x512xf32, #tpu.memory_space<vmem>>, vector<1024x512xf32>
      %mul3A_33 = arith.constant 43.2808495 : f32
      %mul3A_34 = vector.broadcast %mul3A_33 : f32 to vector<1024x512xf32>
      %mul3A_35 = arith.mulf %get3A_32, %mul3A_34 : vector<1024x512xf32>
      %exp23A_36 = math.exp2 %mul3A_35 : vector<1024x512xf32>
      %reduce_sum3A_37 = arith.constant dense<0.000000e+00> : vector<1024xf32>
      %reduce_sum3A_38 = vector.multi_reduction <add>, %exp23A_36, %reduce_sum3A_37 [1] : vector<1024x512xf32> to vector<1024xf32>
      %broadcast_in_dim3A_39 = vector.shape_cast %reduce_sum3A_38 : vector<1024xf32> to vector<1024x1xf32>
      %add3A_40 = arith.addf %add3A_29, %broadcast_in_dim3A_39 : vector<1024x1xf32>
      %get3A_41 = arith.constant 0 : index
      %get3A_42 = arith.constant 0 : index
      %get3A_43 = vector.load %arg4[%get3A_41, %get3A_42] : memref<1024x512xf32, #tpu.memory_space<vmem>>, vector<1024x512xf32>
      %mul3A_44 = arith.constant 43.2808495 : f32
      %mul3A_45 = vector.broadcast %mul3A_44 : f32 to vector<1024x512xf32>
      %mul3A_46 = arith.mulf %get3A_43, %mul3A_45 : vector<1024x512xf32>
      %exp23A_47 = math.exp2 %mul3A_46 : vector<1024x512xf32>
      %reduce_sum3A_48 = arith.constant dense<0.000000e+00> : vector<1024xf32>
      %reduce_sum3A_49 = vector.multi_reduction <add>, %exp23A_47, %reduce_sum3A_48 [1] : vector<1024x512xf32> to vector<1024xf32>
      %broadcast_in_dim3A_50 = vector.shape_cast %reduce_sum3A_49 : vector<1024xf32> to vector<1024x1xf32>
      %add3A_51 = arith.addf %add3A_40, %broadcast_in_dim3A_50 : vector<1024x1xf32>
      %get3A_52 = arith.constant 0 : index
      %get3A_53 = arith.constant 0 : index
      %get3A_54 = vector.load %arg5[%get3A_52, %get3A_53] : memref<1024x512xf32, #tpu.memory_space<vmem>>, vector<1024x512xf32>
      %mul3A_55 = arith.constant 43.2808495 : f32
      %mul3A_56 = vector.broadcast %mul3A_55 : f32 to vector<1024x512xf32>
      %mul3A_57 = arith.mulf %get3A_54, %mul3A_56 : vector<1024x512xf32>
      %exp23A_58 = math.exp2 %mul3A_57 : vector<1024x512xf32>
      %reduce_sum3A_59 = arith.constant dense<0.000000e+00> : vector<1024xf32>
      %reduce_sum3A_60 = vector.multi_reduction <add>, %exp23A_58, %reduce_sum3A_59 [1] : vector<1024x512xf32> to vector<1024xf32>
      %broadcast_in_dim3A_61 = vector.shape_cast %reduce_sum3A_60 : vector<1024xf32> to vector<1024x1xf32>
      %add3A_62 = arith.addf %add3A_51, %broadcast_in_dim3A_61 : vector<1024x1xf32>
      %get3A_63 = arith.constant 0 : index
      %get3A_64 = arith.constant 0 : index
      %get3A_65 = vector.load %arg6[%get3A_63, %get3A_64] : memref<1024x512xf32, #tpu.memory_space<vmem>>, vector<1024x512xf32>
      %mul3A_66 = arith.constant 43.2808495 : f32
      %mul3A_67 = vector.broadcast %mul3A_66 : f32 to vector<1024x512xf32>
      %mul3A_68 = arith.mulf %get3A_65, %mul3A_67 : vector<1024x512xf32>
      %exp23A_69 = math.exp2 %mul3A_68 : vector<1024x512xf32>
      %reduce_sum3A_70 = arith.constant dense<0.000000e+00> : vector<1024xf32>
      %reduce_sum3A_71 = vector.multi_reduction <add>, %exp23A_69, %reduce_sum3A_70 [1] : vector<1024x512xf32> to vector<1024xf32>
      %broadcast_in_dim3A_72 = vector.shape_cast %reduce_sum3A_71 : vector<1024xf32> to vector<1024x1xf32>
      %add3A_73 = arith.addf %add3A_62, %broadcast_in_dim3A_72 : vector<1024x1xf32>
      %iota3A = tpu.iota {dimensions = array<i32: 1>} : vector<1x512xi32>
      %add3A_74 = arith.constant 99840 : i32
      %add3A_75 = vector.broadcast %add3A_74 : i32 to vector<1x512xi32>
      %add3A_76 = arith.addi %add3A_75, %iota3A : vector<1x512xi32>
      %get3A_77 = arith.constant 0 : index
      %get3A_78 = arith.constant 0 : index
      %get3A_79 = vector.load %arg7[%get3A_77, %get3A_78] : memref<1024x512xf32, #tpu.memory_space<vmem>>, vector<1024x512xf32>
      %mul3A_80 = arith.constant 43.2808495 : f32
      %mul3A_81 = vector.broadcast %mul3A_80 : f32 to vector<1024x512xf32>
      %mul3A_82 = arith.mulf %get3A_79, %mul3A_81 : vector<1024x512xf32>
      %exp23A_83 = math.exp2 %mul3A_82 : vector<1024x512xf32>
      %lt3A_84 = arith.constant 100000 : i32
      %lt3A_85 = vector.broadcast %lt3A_84 : i32 to vector<1x512xi32>
      %lt3A_86 = arith.cmpi slt, %add3A_76, %lt3A_85 : vector<1x512xi32>
      %jit3A = arith.constant 0.000000e+00 : f32
      %broadcast_in_dim3A_87 = vector.shape_cast %lt3A_86 : vector<1x512xi1> to vector<1x512xi1>
      %broadcast_in_dim3A_88 = vector.broadcast %broadcast_in_dim3A_87 : vector<1x512xi1> to vector<1024x512xi1>
      %broadcast_in_dim3A_89 = vector.broadcast %jit3A : f32 to vector<1024x512xf32>
      %select_n3A = arith.select %broadcast_in_dim3A_88, %exp23A_83, %broadcast_in_dim3A_89 : vector<1024x512xi1>, vector<1024x512xf32>
      %reduce_sum3A_90 = arith.constant dense<0.000000e+00> : vector<1024xf32>
      %reduce_sum3A_91 = vector.multi_reduction <add>, %select_n3A, %reduce_sum3A_90 [1] : vector<1024x512xf32> to vector<1024xf32>
      %broadcast_in_dim3A_92 = vector.shape_cast %reduce_sum3A_91 : vector<1024xf32> to vector<1024x1xf32>
      %add3A_93 = arith.addf %add3A_73, %broadcast_in_dim3A_92 : vector<1024x1xf32>
      %get3A_94 = arith.constant 0 : index
      %get3A_95 = arith.constant 0 : index
      %get3A_96 = vector.load %arg8[%get3A_94, %get3A_95] : memref<1024x1xf32, #tpu.memory_space<vmem>>, vector<1024x1xf32>
      %mul3A_97 = arith.constant 43.2808495 : f32
      %mul3A_98 = vector.broadcast %mul3A_97 : f32 to vector<1024x1xf32>
      %mul3A_99 = arith.mulf %get3A_96, %mul3A_98 : vector<1024x1xf32>
      %exp23A_100 = math.exp2 %mul3A_99 : vector<1024x1xf32>
      %sub3A = arith.constant 2.000000e-01 : f32
      %sub3A_101 = vector.broadcast %sub3A : f32 to vector<1024x1xf32>
      %sub3A_102 = arith.subf %get3A_96, %sub3A_101 : vector<1024x1xf32>
      %mul3A_103 = arith.constant 43.2808495 : f32
      %mul3A_104 = vector.broadcast %mul3A_103 : f32 to vector<1024x1xf32>
      %mul3A_105 = arith.mulf %sub3A_102, %mul3A_104 : vector<1024x1xf32>
      %exp23A_106 = math.exp2 %mul3A_105 : vector<1024x1xf32>
      %sub3A_107 = arith.subf %add3A_93, %exp23A_100 : vector<1024x1xf32>
      %add3A_108 = arith.addf %sub3A_107, %exp23A_106 : vector<1024x1xf32>
      %log3A = math.log %add3A_108 : vector<1024x1xf32>
      %sub3A_109 = arith.constant 2.000000e-01 : f32
      %sub3A_110 = vector.broadcast %sub3A_109 : f32 to vector<1024x1xf32>
      %sub3A_111 = arith.subf %get3A_96, %sub3A_110 : vector<1024x1xf32>
      %mul3A_112 = arith.constant 3.000000e+01 : f32
      %mul3A_113 = vector.broadcast %mul3A_112 : f32 to vector<1024x1xf32>
      %mul3A_114 = arith.mulf %mul3A_113, %sub3A_111 : vector<1024x1xf32>
      %sub3A_115 = arith.subf %log3A, %mul3A_114 : vector<1024x1xf32>
      %reduce_sum3A_116 = vector.shape_cast %sub3A_115 : vector<1024x1xf32> to vector<1x1024x1xf32>
      %reduce_sum3A_117 = arith.constant dense<0.000000e+00> : vector<1xf32>
      %reduce_sum3A_118 = vector.multi_reduction <add>, %reduce_sum3A_116, %reduce_sum3A_117 [1, 2] : vector<1x1024x1xf32> to vector<1xf32>
      %reduce_sum3A_119 = vector.shape_cast %reduce_sum3A_118 : vector<1xf32> to vector<1x1x1xf32>
      %reduce_sum3A_120 = vector.extract %reduce_sum3A_119[0, 0, 0] : f32 from vector<1x1x1xf32>
      %broadcast_in_dim3A_121 = vector.broadcast %reduce_sum3A_120 : f32 to vector<1x1xf32>
      %div3A = arith.constant 1.024000e+03 : f32
      %div3A_122 = vector.broadcast %div3A : f32 to vector<1x1xf32>
      %div3A_123 = arith.divf %broadcast_in_dim3A_121, %div3A_122 : vector<1x1xf32>
      %swap3A = arith.constant 0 : index
      %swap3A_124 = arith.constant 0 : index
      %swap3A_125 = vector.load %arg9[%swap3A, %swap3A_124] : memref<1x1xf32, #tpu.memory_space<vmem>>, vector<1x1xf32>
      tpu.vector_store %arg9[%swap3A, %swap3A_124], %div3A_123 {strides = array<i32>} : memref<1x1xf32, #tpu.memory_space<vmem>>, vector<1x1xf32>,
    } else {
    }
    return
  }
  func.func @transform_0(%arg0: i32) -> (i32, i32) {
    %add3A = arith.constant 0 : i32
    %add3A_0 = arith.addi %add3A, %arg0 : i32
    %c0_i32 = arith.constant 0 : i32
    %c0_i32_1 = arith.constant 0 : i32
    return %c0_i32, %add3A_0 : i32, i32
  }
  func.func @transform_1(%arg0: i32) -> (i32, i32) {
    %add3A = arith.constant 28 : i32
    %add3A_0 = arith.addi %add3A, %arg0 : i32
    %c0_i32 = arith.constant 0 : i32
    %c0_i32_1 = arith.constant 0 : i32
    return %c0_i32, %add3A_0 : i32, i32
  }
  func.func @transform_2(%arg0: i32) -> (i32, i32) {
    %add3A = arith.constant 56 : i32
    %add3A_0 = arith.addi %add3A, %arg0 : i32
    %c0_i32 = arith.constant 0 : i32
    %c0_i32_1 = arith.constant 0 : i32
    return %c0_i32, %add3A_0 : i32, i32
  }
  func.func @transform_3(%arg0: i32) -> (i32, i32) {
    %add3A = arith.constant 84 : i32
    %add3A_0 = arith.addi %add3A, %arg0 : i32
    %c0_i32 = arith.constant 0 : i32
    %c0_i32_1 = arith.constant 0 : i32
    return %c0_i32, %add3A_0 : i32, i32
  }
  func.func @transform_4(%arg0: i32) -> (i32, i32) {
    %add3A = arith.constant 112 : i32
    %add3A_0 = arith.addi %add3A, %arg0 : i32
    %c0_i32 = arith.constant 0 : i32
    %c0_i32_1 = arith.constant 0 : i32
    return %c0_i32, %add3A_0 : i32, i32
  }
  func.func @transform_5(%arg0: i32) -> (i32, i32) {
    %add3A = arith.constant 140 : i32
    %add3A_0 = arith.addi %add3A, %arg0 : i32
    %c0_i32 = arith.constant 0 : i32
    %c0_i32_1 = arith.constant 0 : i32
    return %c0_i32, %add3A_0 : i32, i32
  }
  func.func @transform_6(%arg0: i32) -> (i32, i32) {
    %add3A = arith.constant 168 : i32
    %add3A_0 = arith.addi %add3A, %arg0 : i32
    %c0_i32 = arith.constant 0 : i32
    %c0_i32_1 = arith.constant 0 : i32
    return %c0_i32, %add3A_0 : i32, i32
  }
  func.func @transform_7(%arg0: i32) -> (i32, i32) {
    %c0_i32 = arith.constant 0 : i32
    %c0_i32_0 = arith.constant 0 : i32
    %c0_i32_1 = arith.constant 0 : i32
    return %c0_i32, %c0_i32_0 : i32, i32
  }
  func.func @transform_8(%arg0: i32) -> (i32, i32) {
    %c0_i32 = arith.constant 0 : i32
    %c0_i32_0 = arith.constant 0 : i32
    %c0_i32_1 = arith.constant 0 : i32
    return %c0_i32, %c0_i32_0 : i32, i32
  }
}

</mosaic_0001>

<sc_bundles>
// kernel: kernel.4.cloned.1.call-start
scs
__scs_entry_jumppad:
0x0: {  	(pc) =	sbr.rel $0x88, $3  }
0x1: {  	(tag) =	ssettag $0x0;
	lr =	simm.s32 $0x1  }
0x2: {  	[smem:$0x3F9F] =	sst lr;
	_ =	strace $0xD0000000  }
0x3: {  	_ = 	snop  }
0x4: {  	_ = 	snop  }
0x5: {  	_ = 	snop  }
0x6: {  	_ = 	snop  }
0x7: {  	_ = 	snop  }
__scs_overlays_trampoline_lowered:
0x8: {  	[smem:$0x3FAE] =	sst s0  }
0x9: {  	[smem:$0x3FAF] =	sst s1  }
0xa: {  	[smem:$0x3FB0] =	sst s2  }
0xb: {  	[smem:$0x3FB1] =	sst s3  }
0xc: {  	[smem:$0x3FB2] =	sst s4  }
0xd: {  	[smem:$0x3FB3] =	sst s5  }
0xe: {  	[smem:$0x3FB4] =	sst s6  }
0xf: {  	[smem:$0x3FB5] =	sst s7  }
0x10: {  	[smem:$0x3FB6] =	sst s8  }
0x11: {  	[smem:$0x3FB7] =	sst s9;
	s0 =	simm.s32 @!p0 $0x0  }
0x12: {  	s1 =	sld [smem:$0x3F9D];
	s0 =	simm.s32 @p0 $0x1  }
0x13: {  	[smem:$0x3FB8] =	sst s0;
	s0 =	simm.s32 @!p1 $0x0  }
0x14: {  	s2 =	sld [smem:$0x3F9C];
	s0 =	simm.s32 @p1 $0x1  }
0x15: {  	[smem:$0x3FB9] =	sst s0;
	s0 =	simm.s32 @!p2 $0x0  }
0x16: {  	s3 =	sld [smem:$0x3FDB];
	s0 =	simm.s32 @p2 $0x1  }
0x17: {  	s4 =	simm.s32 $0x1BF5;
	[smem:$0x3FBB] =	sst s0  }
0x18: {  	s0 =	sld [smem:$0x3F9E];
	_ =	swait.ge [sflag:s4], $0x0  }
0x19: {  	s7 =	sld [smem:$0x3F9F]  }
0x1a: {  	s8 =	sadd.s32 $0xFFFFE003, lr  }
0x1b: {  	s9 =	sadd.s32 $0xFFFFFEF7, lr;
	s5 =	simm.s32 $0xFFFFFFFF;
	p2 =	slt.u32 s8, $0xFFFFF086  }
0x1c: {  	p1 =	slt.u32 s9, $0xF7A;
	s5 =	simm.s32 @!p2 $0x0  }
0x1d: {  	s5 =	simm.s32 @p1 $0x1;
	p0 =	seq.s32 s7, s2  }
0x1e: {  	s7 =	smul.u32 @!p0 $0xF7A, s2;
	p2 =	seq.s32 @!p0 s5, $0x0  }
0x1f: {  	s9 =	smul.u32 $0xF7A, s1;
	s8 =	simm.s32 @!p0 $0x1BF5;
	p2 =	por !p2, p0  }
0x20: {  	[sflag:s8] =	ssyncset.s32 @!p0 $0xFFFFF086;
	s6 =	sadd.s32 @!p0 s3, s7;
	s7 =	simm.s32 @!p0 $0x108  }
0x21: {  	s3 =	sadd.s32 s3, s9;
	s6 =	sadd.s32 @!p0 $0x88, s6;
	s7 =	simm.s32 @p2 $0x1082  }
0x22: {  	[simem:s7], [sflag:s8] =	dma.local @!p0 [hbm:s6], $0xF7A  }
0x23: {  	s9 =	sor.u32 $0xD0000000, s2;
	s6 =	simm.s32 $0x108;
	_ =	swait.ge @!p0 [sflag:s8], $0x0  }
0x24: {  	s3 =	sadd.s32 $0x88, s3;
	s6 =	simm.s32 @!p1 $0x1082;
	[sflag:s4] =	ssyncset.s32 $0xFFFFF086  }
0x25: {  	[simem:s6], [sflag:s4] =	dma.local [hbm:s3], $0xF7A  }
0x26: {  	[smem:$0x3F9F] =	sst s1;
	(tag) =	ssettag s2;
	_ =	strace s9  }
0x27: {  	s1 =	sld [smem:$0x3FAF]  }
0x28: {  	s2 =	sld [smem:$0x3FB0]  }
0x29: {  	s4 =	sld [smem:$0x3FB2]  }
0x2a: {  	p0 =	seq.s32 s5, $0x0;
	s5 =	sld [smem:$0x3FB3]  }
0x2b: {  	s6 =	sld [smem:$0x3FB4]  }
0x2c: {  	s7 =	sld [smem:$0x3FB5]  }
0x2d: {  	s3 =	simm.s32 $0x108;
	s8 =	sld [smem:$0x3FB6]  }
0x2e: {  	s3 =	simm.s32 @!p0 $0x1082;
	s9 =	sld [smem:$0x3FB7]  }
0x2f: {  	lr =	sadd.s32 s0, s3;
	s0 =	sld [smem:$0x3FAE]  }
0x30: {  	s3 =	sld [smem:$0x3FB1]  }
0x31: {  	[smem:$0x3FBA] =	sst s10  }
0x32: {  	s10 =	sld [smem:$0x3FB8];
	_ =	sdelay $0x3  }
0x33: {  	p0 =	seq.s32 s10, $0x1;
	s10 =	sld [smem:$0x3FBA];
	_ =	sdelay $0x3  }
0x34: {  	[smem:$0x3FBA] =	sst s10  }
0x35: {  	s10 =	sld [smem:$0x3FB9];
	_ =	sdelay $0x3  }
0x36: {  	p1 =	seq.s32 s10, $0x1;
	s10 =	sld [smem:$0x3FBA];
	_ =	sdelay $0x3  }
0x37: {  	[smem:$0x3FBA] =	sst s10  }
0x38: {  	s10 =	sld [smem:$0x3FBB]  }
0x39: {  	_ = 	snop;
	(pc) =	sbr.ind lr, $3  }
0x3a: {  	_ = 	snop  }
0x3b: {  	_ = 	snop  }
0x3c: {  	p2 =	seq.s32 s10, $0x1;
	s10 =	sld [smem:$0x3FBA]  }
0x3d: {  	_ =	shalt  }
0x3e: {  	_ =	shalt  }
0x3f: {  	_ =	shalt  }
0x40: {  	_ =	shalt  }
0x41: {  	_ =	shalt  }
0x42: {  	_ =	shalt  }
0x43: {  	_ =	shalt  }
0x44: {  	_ =	shalt  }
0x45: {  	_ =	shalt  }
0x46: {  	_ =	shalt  }
0x47: {  	_ =	shalt  }
0x48: {  	_ =	shalt  }
0x49: {  	_ =	shalt  }
0x4a: {  	_ =	shalt  }
0x4b: {  	_ =	shalt  }
0x4c: {  	_ =	shalt  }
0x4d: {  	_ =	shalt  }
0x4e: {  	_ =	shalt  }
0x4f: {  	_ =	shalt  }
0x50: {  	_ =	shalt  }
0x51: {  	_ =	shalt  }
0x52: {  	_ =	shalt  }
0x53: {  	_ =	shalt  }
0x54: {  	_ =	shalt  }
0x55: {  	_ =	shalt  }
0x56: {  	_ =	shalt  }
0x57: {  	_ =	shalt  }
0x58: {  	_ =	shalt  }
0x59: {  	_ =	shalt  }
0x5a: {  	_ =	shalt  }
0x5b: {  	_ =	shalt  }
0x5c: {  	_ =	shalt  }
0x5d: {  	_ =	shalt  }
0x5e: {  	_ =	shalt  }
0x5f: {  	_ =	shalt  }
0x60: {  	_ =	shalt  }
0x61: {  	_ =	shalt  }
0x62: {  	_ =	shalt  }
0x63: {  	_ =	shalt  }
0x64: {  	_ =	shalt  }
0x65: {  	_ =	shalt  }
0x66: {  	_ =	shalt  }
0x67: {  	_ =	shalt  }
0x68: {  	_ =	shalt  }
0x69: {  	_ =	shalt  }
0x6a: {  	_ =	shalt  }
0x6b: {  	_ =	shalt  }
0x6c: {  	_ =	shalt  }
0x6d: {  	_ =	shalt  }
0x6e: {  	_ =	shalt  }
0x6f: {  	_ =	shalt  }
0x70: {  	_ =	shalt  }
0x71: {  	_ =	shalt  }
0x72: {  	_ =	shalt  }
0x73: {  	_ =	shalt  }
0x74: {  	_ =	shalt  }
0x75: {  	_ =	shalt  }
0x76: {  	_ =	shalt  }
0x77: {  	_ =	shalt  }
0x78: {  	_ =	shalt  }
0x79: {  	_ =	shalt  }
0x7a: {  	_ =	shalt  }
0x7b: {  	_ =	shalt  }
0x7c: {  	_ =	shalt  }
0x7d: {  	_ =	shalt  }
0x7e: {  	_ =	shalt  }
0x7f: {  	_ =	shalt  }
0x80: {  	_ =	shalt  }
0x81: {  	_ =	shalt  }
0x82: {  	_ =	shalt  }
0x83: {  	_ =	shalt  }
0x84: {  	_ =	shalt  }
0x85: {  	_ =	shalt  }
0x86: {  	_ =	shalt  }
0x87: {  	_ =	shalt  }
.Lfunc_end0:
.L_simem_size_0:
called_computation_lowered:
.L_overlay_start_0:
0x88: {  	s2 =	sld [smem:$0x3FD9]  }
0x89: {  	s3 =	sld [smem:$0x3FFE];
	_ =	sdelay $0x1  }
0x8a: {  	s1 =	srdreg.scid  }
0x8b: {  	s0 =	sand.u32 $0x1, s1  }
0x8c: {  	s17 =	sshll.u32 s0, $0xA;
	s2 =	sadd.s32 s3, s2  }
0x8d: {  	s2 =	sadd.s32 s2, s17  }
0x8e: {  	[smem:$0x3FC6] =	sst s2  }
0x8f: {  	_ = 	snop  }
0x90: {  	s2 =	sld [smem:$0x3FC8];
	(tm) =	ssettm $0x1  }
0x91: {  	s18 =	sld [smem:$0x3FFB];
	_ =	sdelay $0x3  }
0x92: {  	_ =	strace s18  }
0x93: {  	s3 =	sld [smem:$0x3FFC];
	_ =	sdelay $0x3  }
0x94: {  	_ =	strace s3  }
0x95: {  	s3 =	sld [smem:$0x3FFD];
	_ =	sdelay $0x3  }
0x96: {  	_ =	strace s3  }
0x97: {  	_ =	strace $0x8FFFFFFF  }
0x98: {  	s19 =	sld [smem:$0x3FDB];
	_ =	sdelay $0x1  }
0x99: {  	s4 =	simm.s32 $_scs_section_size  }
0x9a: {  	s5 =	simm.s32 $_size__tile_overlayer_lowered;
	s6 =	simm.s32 $_tile_overlayer_lowered  }
0x9b: {  	s22 =	simm.s32 $0x1BFF;
	s21 =	sshll.u32 s6, $0x1;
	s3 =	sadd.s32 s4, s19  }
0x9c: {  	s7 =	simm.s32 $0x0;
	s20 =	sshll.u32 s5, $0x1;
	s5 =	sadd.s32 s21, s3  }
0x9d: {  	[timem:s7], [sflag:s22] =	dma.local [hbm:s5], s20  }
0x9e: {  	_ =	swait.ge [sflag:s22], s20  }
0x9f: {  	s4 =	ssub.s32 $0x0, s20;
	[sflag:s22] =	ssyncset.done $0x0  }
0xa0: {  	[sflag:s22] =	ssyncadd.s32 s4;
	_ =	sdelay $0x1  }
0xa1: {  	s23 =	simm.s32 $0x1B8B  }
0xa2: {  	_ =	swait.ge [sflag:s23], $0x1  }
0xa3: {  	[sflag:s23] =	ssyncset.done $0x0  }
0xa4: {  	s25 =	simm.s32 $0x1B8E;
	s24 =	sld [smem:$0x3FFE];
	[sflag:s23] =	ssyncadd.s32 $0xFFFFFFFF  }
0xa5: {  	s26 =	simm.s32 $execute0_lowered;
	[smem:$0x3FD2] =	sst s25  }
0xa6: {  	s5 =	sshll.u32 s26, $0x1;
	_ =	strace $0x80000046;
	[dreg:$0x1] =	wrdreg $0xFFFFFFFF  }
0xa7: {  	s28 =	simm.s32 $_size_execute0_lowered;
	s3 =	sadd.s32 s3, s5;
	[dreg:$0x0] =	wrdreg $0x0  }
0xa8: {  	s5 =	sshll.u32 s28, $0x1;
	[dreg:$0x2] =	wrdreg s3  }
0xa9: {  	[dreg:$0x3] =	wrdreg s5  }
0xaa: {  	[dreg:$0x4] =	wrdreg $0xC0  }
0xab: {  	_ =	task [dreg:s7], $0x5FFFF  }
0xac: {  	[dreg:$0x1] =	wrdreg $0xFFFFFFFF  }
0xad: {  	[dreg:$0x0] =	wrdreg $0x60  }
0xae: {  	[dreg:$0x2] =	wrdreg s24  }
0xaf: {  	[dreg:$0x3] =	wrdreg s2  }
0xb0: {  	[dreg:$0x4] =	wrdreg $0x9  }
0xb1: {  	_ =	task.clear_ibuf [dreg:s7], $0x5FFFF;
	_ =	strace $0x90000046  }
0xb2: {  	s29 =	simm.s32 $0x9;
	_ =	strace $0x80000048  }
0xb3: {  	_ =	swait.ge [sflag:s29], $0x1  }
0xb4: {  	[sflag:s29] =	ssyncadd.s32 $0xFFFFFFFF  }
0xb5: {  	_ =	strace $0x90000048  }
0xb6: {  	_ =	sfence  }
0xb7: {  	s30 =	sld [smem:$0x0];
	_ =	sdelay $0x2  }
0xb8: {  	s31 =	sshll.u32 s1, $0xD;
	s1 =	sshrl.u32 s1, $0x2  }
0xb9: {  	s3 =	sand.u32 $0x4000, s31;
	s1 =	sadd.s32 s1, s30  }
0xba: {  	s0 =	sor.u32 s3, s0;
	s1 =	sshll.u32 s1, $0x11  }
0xbb: {  	s0 =	sor.u32 s1, s0  }
0xbc: {  	s0 =	sadd.s32 $0x8F2B, s0  }
0xbd: {  	[sflag:s0] =	ssyncadd.remote.s32 $0x1  }
0xbe: {  	_ =	sfence.sel $0xFFFF  }
0xbf: {  	[dreg:$0x0] =	wrdreg $0xFFFFFFFF;
	(pc) =	sbr.abs _section_cstart, $3  }
0xc0: {  	[dreg:$0x1] =	wrdreg $0xFFFFFFFF  }
0xc1: {  	_ =	task.clear_ibuf [dreg:s7], $0x2FFFF;
	_ =	strace $0x9FFFFFFF  }
0xc2: {  	(tm) =	ssettm $0x7FFFFFFF  }
0xc3: {  	_ =	shalt  }
tec
execute0_lowered:
.L_overlay_start_1:
0x0: {  	(tag) =	ssettag $0x1  }
0x1: {  	s1 =	rddreg [dreg:$0x0]  }
0x2: {  	s3 =	rddreg [dreg:$0x1];
	s19 =	simm.s32 $0x0  }
0x3: {  	s18 =	simm.s32 $0x80;
	[smem:$0x7FF] =	sst s19  }
0x4: {  	s20 =	simm.s32 $0x480;
	_ =	strace $0x80000047;
	[dreg:$0x5] =	wrdreg s18  }
0x5: {  	s21 =	simm.s32 $0x880;
	[dreg:$0x6] =	wrdreg s20  }
0x6: {  	s22 =	simm.s32 $0xC80;
	[dreg:$0x7] =	wrdreg s21  }
0x7: {  	s23 =	simm.s32 $0x1080;
	[dreg:$0x8] =	wrdreg s22  }
0x8: {  	s24 =	simm.s32 $0x1480;
	[dreg:$0x9] =	wrdreg s23  }
0x9: {  	s25 =	simm.s32 $0x1880;
	[dreg:$0xa] =	wrdreg s24  }
0xa: {  	s26 =	simm.s32 $0x1C80;
	[dreg:$0xb] =	wrdreg s25  }
0xb: {  	s28 =	simm.s32 $0x2080;
	[dreg:$0xc] =	wrdreg s26  }
0xc: {  	s29 =	simm.s32 $0x2480;
	[dreg:$0xd] =	wrdreg s28  }
0xd: {  	s30 =	simm.s32 $0x2880;
	[dreg:$0xe] =	wrdreg s29  }
0xe: {  	s31 =	simm.s32 $0x2C80;
	[dreg:$0xf] =	wrdreg s30  }
0xf: {  	s2 =	simm.s32 $0x3080;
	[dreg:$0x10] =	wrdreg s31  }
0x10: {  	s6 =	simm.s32 $0x3880;
	[dreg:$0x11] =	wrdreg s2  }
0x11: {  	s7 =	simm.s32 $0x3C80;
	[dreg:$0x13] =	wrdreg s6  }
0x12: {  	s8 =	simm.s32 $0x4080;
	[dreg:$0x14] =	wrdreg s7  }
0x13: {  	s9 =	simm.s32 $0x4480;
	[dreg:$0x15] =	wrdreg s8  }
0x14: {  	s10 =	simm.s32 $0x4880;
	[dreg:$0x16] =	wrdreg s9  }
0x15: {  	s11 =	simm.s32 $0x4C80;
	[dreg:$0x17] =	wrdreg s10  }
0x16: {  	s12 =	simm.s32 $0x5080;
	[dreg:$0x18] =	wrdreg s11  }
0x17: {  	s13 =	simm.s32 $0x5480;
	[dreg:$0x19] =	wrdreg s12  }
0x18: {  	s14 =	simm.s32 $0x5880;
	[dreg:$0x1a] =	wrdreg s13  }
0x19: {  	[dreg:$0x1b] =	wrdreg s14;
	s20 =	simm.s32 $0x6880  }
0x1a: {  	s21 =	simm.s32 $0x6C80;
	[dreg:$0x1f] =	wrdreg s20  }
0x1b: {  	s0 =	srdreg.scid;
	s23 =	simm.s32 $0x7080;
	[smem:$0x7F4] =	sst s21  }
0x1c: {  	s5 =	stileid.u32;
	s25 =	simm.s32 $0x7480;
	[smem:$0x7F6] =	sst s23  }
0x1d: {  	s4 =	sand.u32 $0x1, s0;
	s28 =	simm.s32 $0x7880;
	[smem:$0x7F8] =	sst s25  }
0x1e: {  	s15 =	sshll.u32 s5, $0x3;
	s30 =	simm.s32 $0x7C80;
	[smem:$0x7FB] =	sst s28  }
0x1f: {  	s16 =	sshll.u32 s4, $0x2;
	s31 =	simm.s32 $0x8080;
	[smem:$0x7FC] =	sst s30  }
0x20: {  	s0 =	sor.u32 s16, s15;
	s15 =	simm.s32 $0x5C80;
	[smem:$0x7FD] =	sst s31  }
0x21: {  	s16 =	simm.s32 $0x6080;
	[dreg:$0x1c] =	wrdreg s15  }
0x22: {  	v0 =	vlaneseq.u32;
	vm0 =	vmmov $0x1;
	s5 =	sadd.s32 s0, s1;
	s3 =	sadd.s32 s3, s0;
	[dreg:$0x1d] =	wrdreg s16  }
0x23: {  	vm1 =	vmmov $0x3;
	vm2 =	vmmov $0x7;
	vm3 =	vmmov $0xf;
	[dreg:$0x3] =	wrdreg s3;
	s17 =	sadd.s32 $0xC38400, s5  }
0x24: {  	vm4 =	vmmov $0x1f;
	vm5 =	vmmov $0x3f;
	vm6 =	vmmov $0x7f;
	s6 =	smul.u32 $0xC3800, s0;
	s5 =	simm.s32 $0x3480;
	[dreg:$0x4] =	wrdreg s17  }
0x25: {  	vm7 =	vmmov $0xff;
	vm8 =	vmmov $0x1ff;
	vm9 =	vmmov $0x3ff;
	[dreg:$0x12] =	wrdreg s5  }
0x26: {  	vm10 =	vmmov $0x7ff;
	v1 =	vor.u32 $0x10, v0;
	v2 =	vor.u32 $0x20, v0;
	s4 =	ssub.s32 $0x2, s4;
	s17 =	simm.s32 $0x6480;
	[smem:$0x7F9] =	sst s6  }
0x27: {  	v3 =	vor.u32 $0x30, v0;
	v4 =	vor.u32 $0x40, v0;
	v5 =	vor.u32 $0x50, v0;
	s10 =	simm.s32 $0x1;
	s24 =	sadd.s32 $0xC3800, s6;
	[dreg:$0x1e] =	wrdreg s17  }
0x28: {  	v6 =	vor.u32 $0x60, v0;
	v7 =	vor.u32 $0x70, v0;
	v0 =	vimm.s32 $0x0;
	s18 =	sshrl.u32 s4, $0x1;
	s26 =	sadd.s32 $0x187000, s6;
	[smem:$0x7F5] =	sst s24  }
0x29: {  	vm11 =	vmmov $0xfff;
	vm12 =	vmmov $0x1fff;
	v0 =	vsel vm0, $0xFFFFFFFF, v0;
	s22 =	ssub.s32 s4, s18;
	s29 =	sadd.s32 $0x24A800, s6;
	[smem:$0x7F7] =	sst s26  }
0x2a: {  	vm13 =	vmmov $0x3fff;
	vm14 =	vmmov $0x7fff;
	v50 =	vlaneseq.u32;
	[tilespmem:$0x1FFF0] =	vst v0;
	s3 =	sadd.s32 $0x400, s1;
	s1 =	smax.u32 s22, $0x1;
	[smem:$0x7FA] =	sst s29  }
.LBB2_1:
0x2b: {  	[smem:$0x7F3] =	sst s1  }
0x2c: {  	s0 =	rddreg [dreg:$0x3];
	s11 =	simm.s32 $0x2  }
0x2d: {  	[tilespmem:s19], [sflag:$0x2] =	stream.linear.gather [hbm4b:s0+s19], $0x20, $0x38;
	[tilespmem:$0x8100] =	vst v63  }
0x2e: {  	_ =	swait.ge [sflag:s11], $0x20  }
0x2f: {  	[sflag:s11] =	ssyncset.done $0x0  }
0x30: {  	[sflag:s11] =	ssyncadd.s32 $0xFFFFFFE0  }
0x31: {  	v9 =	vld [tilespmem:$0x0];
	_ =	sdelay $0x4  }
0x32: {  	(v2sf) =	vpush v9, $0x0;
	_ =	sdelay $0x3  }
0x33: {  	(v2sf) =	vpush v9, $0x1;
	_ =	sdelay $0x4  }
0x34: {  	(v2sf) =	vpush v9, $0x2;
	_ =	sdelay $0x5  }
0x35: {  	s4 =	sld [smem:$0x7F9];
	s30 =	spop (v2sf)  }
0x36: {  	s12 =	sshll.u32 s30, $0x3  }
0x37: {  	(v2sf) =	vpush v9, $0x3;
	s0 =	sand.u32 $0x7FFFFC00, s12  }
0x38: {  	s0 =	sadd.s32 s4, s0  }
0x39: {  	s31 =	spop (v2sf);
	s0 =	sshrl.u32 s0, $0x3  }
0x3a: {  	s13 =	rddreg [dreg:$0x5];
	s14 =	sshll.u32 s31, $0x3;
	s0 =	sadd.s32 s3, s0  }
0x3b: {  	(v2sf) =	vpush v9, $0x4;
	[tilespmem:s13], [sflag:$0x1] =	stream.linear.gather [hbm4b:s0+s19], $0x400, $0x38;
	[tilespmem:$0x8100] =	vst v63  }
0x3c: {  	s0 =	sand.u32 $0x7FFFFC00, s14  }
0x3d: {  	s0 =	sadd.s32 s4, s0  }
0x3e: {  	s18 =	spop (v2sf);
	s0 =	sshrl.u32 s0, $0x3  }
0x3f: {  	s15 =	rddreg [dreg:$0x6];
	s16 =	sshll.u32 s18, $0x3;
	s0 =	sadd.s32 s3, s0  }
0x40: {  	(v2sf) =	vpush v9, $0x5;
	[tilespmem:s15], [sflag:$0x1] =	stream.linear.gather [hbm4b:s0+s19], $0x400, $0x38;
	[tilespmem:$0x8100] =	vst v63  }
0x41: {  	s0 =	sand.u32 $0x7FFFFC00, s16  }
0x42: {  	s0 =	sadd.s32 s4, s0  }
0x43: {  	s0 =	sshrl.u32 s0, $0x3  }
0x44: {  	s17 =	rddreg [dreg:$0x7];
	s0 =	sadd.s32 s3, s0  }
0x45: {  	[tilespmem:s17], [sflag:$0x1] =	stream.linear.gather [hbm4b:s0+s19], $0x400, $0x38;
	[tilespmem:$0x8100] =	vst v63  }
0x46: {  	s17 =	spop (v2sf)  }
0x47: {  	s20 =	sshll.u32 s17, $0x3  }
0x48: {  	(v2sf) =	vpush v9, $0x6;
	s0 =	sand.u32 $0x7FFFFC00, s20  }
0x49: {  	s0 =	sadd.s32 s4, s0  }
0x4a: {  	s12 =	spop (v2sf);
	s0 =	sshrl.u32 s0, $0x3  }
0x4b: {  	s21 =	rddreg [dreg:$0x8];
	s22 =	sshll.u32 s12, $0x3;
	s0 =	sadd.s32 s3, s0  }
0x4c: {  	[tilespmem:s21], [sflag:$0x1] =	stream.linear.gather [hbm4b:s0+s19], $0x400, $0x38;
	[tilespmem:$0x8100] =	vst v63  }
0x4d: {  	s0 =	sand.u32 $0x7FFFFC00, s22  }
0x4e: {  	s0 =	sadd.s32 s4, s0  }
0x4f: {  	(v2sf) =	vpush v9, $0x7;
	s9 =	spop (v2sf);
	s0 =	sshrl.u32 s0, $0x3  }
0x50: {  	s23 =	rddreg [dreg:$0x9];
	s24 =	sshll.u32 s9, $0x3;
	s0 =	sadd.s32 s3, s0  }
0x51: {  	[tilespmem:s23], [sflag:$0x1] =	stream.linear.gather [hbm4b:s0+s19], $0x400, $0x38;
	[tilespmem:$0x8100] =	vst v63  }
0x52: {  	s0 =	sand.u32 $0x7FFFFC00, s24  }
0x53: {  	(v2sf) =	vpush v9, $0x8;
	s0 =	sadd.s32 s4, s0  }
0x54: {  	s0 =	sshrl.u32 s0, $0x3  }
0x55: {  	s25 =	rddreg [dreg:$0xa];
	s0 =	sadd.s32 s3, s0  }
0x56: {  	[tilespmem:s25], [sflag:$0x1] =	stream.linear.gather [hbm4b:s0+s19], $0x400, $0x38;
	[tilespmem:$0x8100] =	vst v63  }
0x57: {  	s7 =	spop (v2sf)  }
0x58: {  	s26 =	sshll.u32 s7, $0x3  }
0x59: {  	s0 =	sand.u32 $0x7FFFFC00, s26  }
0x5a: {  	s0 =	sadd.s32 s4, s0  }
0x5b: {  	(v2sf) =	vpush v9, $0x9;
	s0 =	sshrl.u32 s0, $0x3  }
0x5c: {  	s28 =	rddreg [dreg:$0xb];
	s0 =	sadd.s32 s3, s0  }
0x5d: {  	[tilespmem:s28], [sflag:$0x1] =	stream.linear.gather [hbm4b:s0+s19], $0x400, $0x38;
	[tilespmem:$0x8100] =	vst v63  }
0x5e: {  	s6 =	spop (v2sf)  }
0x5f: {  	s29 =	sshll.u32 s6, $0x3  }
0x60: {  	s0 =	sand.u32 $0x7FFFFC00, s29  }
0x61: {  	s0 =	sadd.s32 s4, s0  }
0x62: {  	s5 =	rddreg [dreg:$0xc];
	(v2sf) =	vpush v9, $0xA;
	s4 =	spop (v2sf);
	s0 =	sshrl.u32 s0, $0x3  }
0x63: {  	s2 =	sld [smem:$0x7F5];
	s1 =	sshll.u32 s4, $0x3;
	s0 =	sadd.s32 s3, s0  }
0x64: {  	[tilespmem:s5], [sflag:$0x1] =	stream.linear.gather [hbm4b:s0+s19], $0x400, $0x38;
	[tilespmem:$0x8100] =	vst v63  }
0x65: {  	s5 =	sand.u32 $0x7FFFFC00, s1  }
0x66: {  	s5 =	sadd.s32 s2, s5  }
0x67: {  	s5 =	sshrl.u32 s5, $0x3  }
0x68: {  	s8 =	rddreg [dreg:$0xd];
	s5 =	sadd.s32 s3, s5  }
0x69: {  	(v2sf) =	vpush v9, $0xB;
	[tilespmem:s8], [sflag:$0x1] =	stream.linear.gather [hbm4b:s5+s19], $0x400, $0x38;
	[tilespmem:$0x8100] =	vst v63  }
0x6a: {  	s5 =	spop (v2sf)  }
0x6b: {  	s16 =	sshll.u32 s5, $0x3  }
0x6c: {  	s8 =	sand.u32 $0x7FFFFC00, s16  }
0x6d: {  	s8 =	sadd.s32 s2, s8  }
0x6e: {  	s8 =	sshrl.u32 s8, $0x3  }
0x6f: {  	s11 =	rddreg [dreg:$0xe];
	s8 =	sadd.s32 s3, s8  }
0x70: {  	(v2sf) =	vpush v9, $0xC;
	[tilespmem:s11], [sflag:$0x1] =	stream.linear.gather [hbm4b:s8+s19], $0x400, $0x38;
	[tilespmem:$0x8100] =	vst v63  }
0x71: {  	s8 =	spop (v2sf)  }
0x72: {  	s20 =	sshll.u32 s8, $0x3  }
0x73: {  	s11 =	sand.u32 $0x7FFFFC00, s20  }
0x74: {  	s11 =	sadd.s32 s2, s11  }
0x75: {  	s11 =	sshrl.u32 s11, $0x3  }
0x76: {  	s13 =	rddreg [dreg:$0xf];
	s11 =	sadd.s32 s3, s11  }
0x77: {  	(v2sf) =	vpush v9, $0xD;
	[tilespmem:s13], [sflag:$0x1] =	stream.linear.gather [hbm4b:s11+s19], $0x400, $0x38;
	[tilespmem:$0x8100] =	vst v63  }
0x78: {  	s11 =	spop (v2sf)  }
0x79: {  	s21 =	sshll.u32 s11, $0x3  }
0x7a: {  	s13 =	sand.u32 $0x7FFFFC00, s21  }
0x7b: {  	(v2sf) =	vpush v9, $0xE;
	s13 =	sadd.s32 s2, s13  }
0x7c: {  	s13 =	sshrl.u32 s13, $0x3  }
0x7d: {  	s14 =	rddreg [dreg:$0x10];
	s13 =	sadd.s32 s3, s13  }
0x7e: {  	[tilespmem:s14], [sflag:$0x1] =	stream.linear.gather [hbm4b:s13+s19], $0x400, $0x38;
	[tilespmem:$0x8100] =	vst v63  }
0x7f: {  	s13 =	spop (v2sf)  }
0x80: {  	s22 =	sshll.u32 s13, $0x3  }
0x81: {  	(v2sf) =	vpush v9, $0xF;
	s14 =	sand.u32 $0x7FFFFC00, s22  }
0x82: {  	s14 =	sadd.s32 s2, s14  }
0x83: {  	s14 =	sshrl.u32 s14, $0x3  }
0x84: {  	s15 =	rddreg [dreg:$0x11];
	s14 =	sadd.s32 s3, s14  }
0x85: {  	[tilespmem:s15], [sflag:$0x1] =	stream.linear.gather [hbm4b:s14+s19], $0x400, $0x38;
	[tilespmem:$0x8100] =	vst v63  }
0x86: {  	s14 =	spop (v2sf)  }
0x87: {  	s23 =	sshll.u32 s14, $0x3  }
0x88: {  	s15 =	sand.u32 $0x7FFFFC00, s23  }
0x89: {  	s15 =	sadd.s32 s2, s15  }
0x8a: {  	s29 =	spop (v2sf);
	s15 =	sshrl.u32 s15, $0x3  }
0x8b: {  	s16 =	rddreg [dreg:$0x12];
	s24 =	sshll.u32 s29, $0x3;
	s15 =	sadd.s32 s3, s15  }
0x8c: {  	[tilespmem:s16], [sflag:$0x1] =	stream.linear.gather [hbm4b:s15+s19], $0x400, $0x38;
	[tilespmem:$0x8100] =	vst v63  }
0x8d: {  	s15 =	sand.u32 $0x7FFFFC00, s24  }
0x8e: {  	s15 =	sadd.s32 s2, s15  }
0x8f: {  	s15 =	sshrl.u32 s15, $0x3  }
0x90: {  	s25 =	rddreg [dreg:$0x13];
	s15 =	sadd.s32 s3, s15;
	s28 =	spop (v2sf)  }
0x91: {  	[tilespmem:s25], [sflag:$0x1] =	stream.linear.gather [hbm4b:s15+s19], $0x400, $0x38;
	[tilespmem:$0x8100] =	vst v63  }
0x92: {  	s26 =	sshll.u32 s28, $0x3  }
0x93: {  	s15 =	sand.u32 $0x7FFFFC00, s26  }
0x94: {  	s15 =	sadd.s32 s2, s15  }
0x95: {  	s15 =	sshrl.u32 s15, $0x3  }
0x96: {  	s0 =	rddreg [dreg:$0x14];
	s15 =	sadd.s32 s3, s15  }
0x97: {  	[tilespmem:s0], [sflag:$0x1] =	stream.linear.gather [hbm4b:s15+s19], $0x400, $0x38;
	[tilespmem:$0x8100] =	vst v63  }
0x98: {  	v8 =	vld [tilespmem:$0x10];
	_ =	sdelay $0x4  }
0x99: {  	(v2sf) =	vpush v8, $0x0;
	_ =	sdelay $0x3  }
0x9a: {  	(v2sf) =	vpush v8, $0x1;
	_ =	sdelay $0x4  }
0x9b: {  	(v2sf) =	vpush v8, $0x2;
	_ =	sdelay $0x5  }
0x9c: {  	s0 =	sld [smem:$0x7F7];
	s25 =	spop (v2sf)  }
0x9d: {  	s1 =	sshll.u32 s25, $0x3  }
0x9e: {  	(v2sf) =	vpush v8, $0x3;
	s15 =	sand.u32 $0x7FFFFC00, s1  }
0x9f: {  	s15 =	sadd.s32 s0, s15  }
0xa0: {  	s26 =	spop (v2sf);
	s15 =	sshrl.u32 s15, $0x3  }
0xa1: {  	s2 =	rddreg [dreg:$0x15];
	s20 =	sshll.u32 s26, $0x3;
	s15 =	sadd.s32 s3, s15  }
0xa2: {  	(v2sf) =	vpush v8, $0x4;
	[tilespmem:s2], [sflag:$0x1] =	stream.linear.gather [hbm4b:s15+s19], $0x400, $0x38;
	[tilespmem:$0x8100] =	vst v63  }
0xa3: {  	s15 =	sand.u32 $0x7FFFFC00, s20  }
0xa4: {  	s15 =	sadd.s32 s0, s15  }
0xa5: {  	s23 =	spop (v2sf);
	s15 =	sshrl.u32 s15, $0x3  }
0xa6: {  	s21 =	rddreg [dreg:$0x16];
	s22 =	sshll.u32 s23, $0x3;
	s15 =	sadd.s32 s3, s15  }
0xa7: {  	[tilespmem:s21], [sflag:$0x1] =	stream.linear.gather [hbm4b:s15+s19], $0x400, $0x38;
	[tilespmem:$0x8100] =	vst v63  }
0xa8: {  	s15 =	sand.u32 $0x7FFFFC00, s22  }
0xa9: {  	s15 =	sadd.s32 s0, s15  }
0xaa: {  	(v2sf) =	vpush v8, $0x5;
	s15 =	sshrl.u32 s15, $0x3  }
0xab: {  	s24 =	rddreg [dreg:$0x17];
	s15 =	sadd.s32 s3, s15  }
0xac: {  	[tilespmem:s24], [sflag:$0x1] =	stream.linear.gather [hbm4b:s15+s19], $0x400, $0x38;
	[tilespmem:$0x8100] =	vst v63  }
0xad: {  	s24 =	spop (v2sf)  }
0xae: {  	s1 =	sshll.u32 s24, $0x3  }
0xaf: {  	s15 =	sand.u32 $0x7FFFFC00, s1  }
0xb0: {  	s15 =	sadd.s32 s0, s15  }
0xb1: {  	(v2sf) =	vpush v8, $0x6;
	s21 =	spop (v2sf);
	s15 =	sshrl.u32 s15, $0x3  }
0xb2: {  	s2 =	rddreg [dreg:$0x18];
	s20 =	sshll.u32 s21, $0x3;
	s15 =	sadd.s32 s3, s15  }
0xb3: {  	[tilespmem:s2], [sflag:$0x1] =	stream.linear.gather [hbm4b:s15+s19], $0x400, $0x38;
	[tilespmem:$0x8100] =	vst v63  }
0xb4: {  	s15 =	sand.u32 $0x7FFFFC00, s20  }
0xb5: {  	s15 =	sadd.s32 s0, s15  }
0xb6: {  	s15 =	sshrl.u32 s15, $0x3  }
0xb7: {  	s22 =	rddreg [dreg:$0x19];
	s15 =	sadd.s32 s3, s15  }
0xb8: {  	(v2sf) =	vpush v8, $0x7;
	[tilespmem:s22], [sflag:$0x1] =	stream.linear.gather [hbm4b:s15+s19], $0x400, $0x38;
	[tilespmem:$0x8100] =	vst v63  }
0xb9: {  	s22 =	spop (v2sf)  }
0xba: {  	s1 =	sshll.u32 s22, $0x3  }
0xbb: {  	s15 =	sand.u32 $0x7FFFFC00, s1  }
0xbc: {  	s15 =	sadd.s32 s0, s15  }
0xbd: {  	s15 =	sshrl.u32 s15, $0x3  }
0xbe: {  	s2 =	rddreg [dreg:$0x1a];
	s15 =	sadd.s32 s3, s15  }
0xbf: {  	(v2sf) =	vpush v8, $0x8;
	[tilespmem:s2], [sflag:$0x1] =	stream.linear.gather [hbm4b:s15+s19], $0x400, $0x38;
	[tilespmem:$0x8100] =	vst v63  }
0xc0: {  	s15 =	spop (v2sf)  }
0xc1: {  	s16 =	sshll.u32 s15, $0x3  }
0xc2: {  	[smem:$0x7EC] =	sst s15;
	s15 =	sand.u32 $0x7FFFFC00, s16  }
0xc3: {  	(v2sf) =	vpush v8, $0x9;
	s15 =	sadd.s32 s0, s15  }
0xc4: {  	s15 =	sshrl.u32 s15, $0x3  }
0xc5: {  	s20 =	rddreg [dreg:$0x1b];
	s15 =	sadd.s32 s3, s15  }
0xc6: {  	[tilespmem:s20], [sflag:$0x1] =	stream.linear.gather [hbm4b:s15+s19], $0x400, $0x38;
	[tilespmem:$0x8100] =	vst v63  }
0xc7: {  	s20 =	spop (v2sf)  }
0xc8: {  	s1 =	sshll.u32 s20, $0x3  }
0xc9: {  	s15 =	sand.u32 $0x7FFFFC00, s1  }
0xca: {  	s15 =	sadd.s32 s0, s15  }
0xcb: {  	(v2sf) =	vpush v8, $0xA;
	s15 =	sshrl.u32 s15, $0x3  }
0xcc: {  	s2 =	rddreg [dreg:$0x1c];
	s15 =	sadd.s32 s3, s15  }
0xcd: {  	[tilespmem:s2], [sflag:$0x1] =	stream.linear.gather [hbm4b:s15+s19], $0x400, $0x38;
	[tilespmem:$0x8100] =	vst v63  }
0xce: {  	s16 =	spop (v2sf);
	s2 =	sld [smem:$0x7FA]  }
0xcf: {  	s0 =	sshll.u32 s16, $0x3  }
0xd0: {  	s15 =	sand.u32 $0x7FFFFC00, s0  }
0xd1: {  	s15 =	sadd.s32 s2, s15  }
0xd2: {  	(v2sf) =	vpush v8, $0xB;
	[smem:$0x7ED] =	sst s16;
	s16 =	spop (v2sf);
	s15 =	sshrl.u32 s15, $0x3  }
0xd3: {  	s1 =	rddreg [dreg:$0x1d];
	s0 =	sshll.u32 s16, $0x3;
	s15 =	sadd.s32 s3, s15  }
0xd4: {  	[tilespmem:s1], [sflag:$0x1] =	stream.linear.gather [hbm4b:s15+s19], $0x400, $0x38;
	[tilespmem:$0x8100] =	vst v63  }
0xd5: {  	s15 =	sand.u32 $0x7FFFFC00, s0  }
0xd6: {  	s15 =	sadd.s32 s2, s15  }
0xd7: {  	s15 =	sshrl.u32 s15, $0x3  }
0xd8: {  	s1 =	rddreg [dreg:$0x1e];
	s15 =	sadd.s32 s3, s15  }
0xd9: {  	(v2sf) =	vpush v8, $0xC;
	[tilespmem:s1], [sflag:$0x1] =	stream.linear.gather [hbm4b:s15+s19], $0x400, $0x38;
	[tilespmem:$0x8100] =	vst v63  }
0xda: {  	s15 =	spop (v2sf)  }
0xdb: {  	s0 =	sshll.u32 s15, $0x3  }
0xdc: {  	[smem:$0x7EE] =	sst s16;
	s16 =	sand.u32 $0x7FFFFC00, s0  }
0xdd: {  	s16 =	sadd.s32 s2, s16  }
0xde: {  	s16 =	sshrl.u32 s16, $0x3  }
0xdf: {  	s1 =	rddreg [dreg:$0x1f];
	s16 =	sadd.s32 s3, s16  }
0xe0: {  	(v2sf) =	vpush v8, $0xD;
	[tilespmem:s1], [sflag:$0x1] =	stream.linear.gather [hbm4b:s16+s19], $0x400, $0x38;
	[tilespmem:$0x8100] =	vst v63  }
0xe1: {  	s16 =	spop (v2sf)  }
0xe2: {  	s1 =	sshll.u32 s16, $0x3  }
0xe3: {  	s0 =	sand.u32 $0x7FFFFC00, s1  }
0xe4: {  	s1 =	sld [smem:$0x7F4];
	s0 =	sadd.s32 s2, s0  }
0xe5: {  	s0 =	sshrl.u32 s0, $0x3  }
0xe6: {  	s0 =	sadd.s32 s3, s0  }
0xe7: {  	(v2sf) =	vpush v8, $0xE;
	[tilespmem:s1], [sflag:$0x1] =	stream.linear.gather [hbm4b:s0+s19], $0x400, $0x38;
	[tilespmem:$0x8100] =	vst v63  }
0xe8: {  	s1 =	spop (v2sf)  }
0xe9: {  	s0 =	sshll.u32 s1, $0x3  }
0xea: {  	[smem:$0x7EF] =	sst s1;
	s0 =	sand.u32 $0x7FFFFC00, s0  }
0xeb: {  	s1 =	sld [smem:$0x7F6];
	s0 =	sadd.s32 s2, s0  }
0xec: {  	s0 =	sshrl.u32 s0, $0x3  }
0xed: {  	s0 =	sadd.s32 s3, s0  }
0xee: {  	(v2sf) =	vpush v8, $0xF;
	[tilespmem:s1], [sflag:$0x1] =	stream.linear.gather [hbm4b:s0+s19], $0x400, $0x38;
	[tilespmem:$0x8100] =	vst v63  }
0xef: {  	s1 =	spop (v2sf)  }
0xf0: {  	s0 =	sshll.u32 s1, $0x3  }
0xf1: {  	[smem:$0x7F0] =	sst s1;
	s0 =	sand.u32 $0x7FFFFC00, s0  }
0xf2: {  	s1 =	sld [smem:$0x7F8];
	s0 =	sadd.s32 s2, s0  }
0xf3: {  	s0 =	sshrl.u32 s0, $0x3  }
0xf4: {  	s0 =	sadd.s32 s3, s0  }
0xf5: {  	[tilespmem:s1], [sflag:$0x1] =	stream.linear.gather [hbm4b:s0+s19], $0x400, $0x38;
	[tilespmem:$0x8100] =	vst v63  }
0xf6: {  	s1 =	spop (v2sf)  }
0xf7: {  	s0 =	sshll.u32 s1, $0x3  }
0xf8: {  	[smem:$0x7F1] =	sst s1;
	s0 =	sand.u32 $0x7FFFFC00, s0  }
0xf9: {  	s1 =	sld [smem:$0x7FB];
	s0 =	sadd.s32 s2, s0  }
0xfa: {  	s0 =	sshrl.u32 s0, $0x3  }
0xfb: {  	s0 =	sadd.s32 s3, s0  }
0xfc: {  	[tilespmem:s1], [sflag:$0x1] =	stream.linear.gather [hbm4b:s0+s19], $0x400, $0x38;
	[tilespmem:$0x8100] =	vst v63  }
0xfd: {  	s1 =	spop (v2sf)  }
0xfe: {  	s0 =	sshll.u32 s1, $0x3  }
0xff: {  	s0 =	sand.u32 $0x7FFFFC00, s0  }
0x100: {  	s0 =	sadd.s32 s2, s0;
	s2 =	sld [smem:$0x7FC]  }
0x101: {  	s0 =	sshrl.u32 s0, $0x3  }
0x102: {  	[smem:$0x7F2] =	sst s1;
	s0 =	sadd.s32 s3, s0  }
0x103: {  	[tilespmem:s2], [sflag:$0x1] =	stream.linear.gather [hbm4b:s0+s19], $0x400, $0x38;
	[tilespmem:$0x8100] =	vst v63  }
0x104: {  	_ =	swait.ge [sflag:s10], $0x400  }
0x105: {  	[sflag:s10] =	ssyncset.done $0x0  }
0x106: {  	[sflag:s10] =	ssyncadd.s32 $0xFFFFFC00  }
0x107: {  	_ =	swait.ge [sflag:s10], $0x400  }
0x108: {  	[sflag:s10] =	ssyncset.done $0x0  }
0x109: {  	[sflag:s10] =	ssyncadd.s32 $0xFFFFFC00  }
0x10a: {  	_ =	swait.ge [sflag:s10], $0x400  }
0x10b: {  	[sflag:s10] =	ssyncset.done $0x0  }
0x10c: {  	[sflag:s10] =	ssyncadd.s32 $0xFFFFFC00  }
0x10d: {  	_ =	swait.ge [sflag:s10], $0x400  }
0x10e: {  	[sflag:s10] =	ssyncset.done $0x0  }
0x10f: {  	[sflag:s10] =	ssyncadd.s32 $0xFFFFFC00  }
0x110: {  	_ =	swait.ge [sflag:s10], $0x400  }
0x111: {  	[sflag:s10] =	ssyncset.done $0x0  }
0x112: {  	[sflag:s10] =	ssyncadd.s32 $0xFFFFFC00  }
0x113: {  	_ =	swait.ge [sflag:s10], $0x400  }
0x114: {  	[sflag:s10] =	ssyncset.done $0x0  }
0x115: {  	[sflag:s10] =	ssyncadd.s32 $0xFFFFFC00  }
0x116: {  	_ =	swait.ge [sflag:s10], $0x400  }
0x117: {  	[sflag:s10] =	ssyncset.done $0x0  }
0x118: {  	[sflag:s10] =	ssyncadd.s32 $0xFFFFFC00  }
0x119: {  	_ =	swait.ge [sflag:s10], $0x400  }
0x11a: {  	[sflag:s10] =	ssyncset.done $0x0  }
0x11b: {  	[sflag:s10] =	ssyncadd.s32 $0xFFFFFC00  }
0x11c: {  	_ =	swait.ge [sflag:s10], $0x400  }
0x11d: {  	[sflag:s10] =	ssyncset.done $0x0  }
0x11e: {  	[sflag:s10] =	ssyncadd.s32 $0xFFFFFC00  }
0x11f: {  	_ =	swait.ge [sflag:s10], $0x400  }
0x120: {  	[sflag:s10] =	ssyncset.done $0x0  }
0x121: {  	[sflag:s10] =	ssyncadd.s32 $0xFFFFFC00  }
0x122: {  	_ =	swait.ge [sflag:s10], $0x400  }
0x123: {  	[sflag:s10] =	ssyncset.done $0x0  }
0x124: {  	[sflag:s10] =	ssyncadd.s32 $0xFFFFFC00  }
0x125: {  	_ =	swait.ge [sflag:s10], $0x400  }
0x126: {  	[sflag:s10] =	ssyncset.done $0x0  }
0x127: {  	[sflag:s10] =	ssyncadd.s32 $0xFFFFFC00  }
0x128: {  	_ =	swait.ge [sflag:s10], $0x400  }
0x129: {  	[sflag:s10] =	ssyncset.done $0x0  }
0x12a: {  	[sflag:s10] =	ssyncadd.s32 $0xFFFFFC00  }
0x12b: {  	_ =	swait.ge [sflag:s10], $0x400  }
0x12c: {  	[sflag:s10] =	ssyncset.done $0x0  }
0x12d: {  	[sflag:s10] =	ssyncadd.s32 $0xFFFFFC00  }
0x12e: {  	_ =	swait.ge [sflag:s10], $0x400  }
0x12f: {  	[sflag:s10] =	ssyncset.done $0x0  }
0x130: {  	[sflag:s10] =	ssyncadd.s32 $0xFFFFFC00  }
0x131: {  	_ =	swait.ge [sflag:s10], $0x400  }
0x132: {  	[sflag:s10] =	ssyncset.done $0x0  }
0x133: {  	[sflag:s10] =	ssyncadd.s32 $0xFFFFFC00  }
0x134: {  	_ =	swait.ge [sflag:s10], $0x400  }
0x135: {  	[sflag:s10] =	ssyncset.done $0x0  }
0x136: {  	[sflag:s10] =	ssyncadd.s32 $0xFFFFFC00  }
0x137: {  	_ =	swait.ge [sflag:s10], $0x400  }
0x138: {  	[sflag:s10] =	ssyncset.done $0x0  }
0x139: {  	[sflag:s10] =	ssyncadd.s32 $0xFFFFFC00  }
0x13a: {  	_ =	swait.ge [sflag:s10], $0x400  }
0x13b: {  	[sflag:s10] =	ssyncset.done $0x0  }
0x13c: {  	[sflag:s10] =	ssyncadd.s32 $0xFFFFFC00  }
0x13d: {  	_ =	swait.ge [sflag:s10], $0x400  }
0x13e: {  	[sflag:s10] =	ssyncset.done $0x0  }
0x13f: {  	[sflag:s10] =	ssyncadd.s32 $0xFFFFFC00  }
0x140: {  	_ =	swait.ge [sflag:s10], $0x400  }
0x141: {  	[sflag:s10] =	ssyncset.done $0x0  }
0x142: {  	[sflag:s10] =	ssyncadd.s32 $0xFFFFFC00  }
0x143: {  	_ =	swait.ge [sflag:s10], $0x400  }
0x144: {  	[sflag:s10] =	ssyncset.done $0x0  }
0x145: {  	[sflag:s10] =	ssyncadd.s32 $0xFFFFFC00  }
0x146: {  	_ =	swait.ge [sflag:s10], $0x400  }
0x147: {  	[sflag:s10] =	ssyncset.done $0x0  }
0x148: {  	[sflag:s10] =	ssyncadd.s32 $0xFFFFFC00  }
0x149: {  	_ =	swait.ge [sflag:s10], $0x400  }
0x14a: {  	[sflag:s10] =	ssyncset.done $0x0  }
0x14b: {  	[sflag:s10] =	ssyncadd.s32 $0xFFFFFC00  }
0x14c: {  	_ =	swait.ge [sflag:s10], $0x400  }
0x14d: {  	[sflag:s10] =	ssyncset.done $0x0  }
0x14e: {  	[sflag:s10] =	ssyncadd.s32 $0xFFFFFC00  }
0x14f: {  	_ =	swait.ge [sflag:s10], $0x400  }
0x150: {  	[sflag:s10] =	ssyncset.done $0x0  }
0x151: {  	[sflag:s10] =	ssyncadd.s32 $0xFFFFFC00  }
0x152: {  	_ =	swait.ge [sflag:s10], $0x400  }
0x153: {  	[sflag:s10] =	ssyncset.done $0x0  }
0x154: {  	[sflag:s10] =	ssyncadd.s32 $0xFFFFFC00  }
0x155: {  	_ =	swait.ge [sflag:s10], $0x400  }
0x156: {  	[sflag:s10] =	ssyncset.done $0x0  }
0x157: {  	[sflag:s10] =	ssyncadd.s32 $0xFFFFFC00  }
0x158: {  	_ =	swait.ge [sflag:s10], $0x400  }
0x159: {  	[sflag:s10] =	ssyncset.done $0x0  }
0x15a: {  	[sflag:s10] =	ssyncadd.s32 $0xFFFFFC00  }
0x15b: {  	_ =	swait.ge [sflag:s10], $0x400  }
0x15c: {  	[sflag:s10] =	ssyncset.done $0x0  }
0x15d: {  	[sflag:s10] =	ssyncadd.s32 $0xFFFFFC00  }
0x15e: {  	_ =	swait.ge [sflag:s10], $0x400  }
0x15f: {  	[sflag:s10] =	ssyncset.done $0x0  }
0x160: {  	[sflag:s10] =	ssyncadd.s32 $0xFFFFFC00  }
0x161: {  	_ =	swait.ge [sflag:s10], $0x400  }
0x162: {  	[sflag:s10] =	ssyncset.done $0x0  }
0x163: {  	[sflag:s10] =	ssyncadd.s32 $0xFFFFFC00  }
0x164: {  	v10 =	vld [tilespmem:$0x80]  }
0x165: {  	v11 =	vld [tilespmem:$0x90]  }
0x166: {  	v12 =	vld [tilespmem:$0xA0]  }
0x167: {  	v13 =	vld [tilespmem:$0xB0]  }
0x168: {  	v14 =	vld [tilespmem:$0xC0]  }
0x169: {  	v19 =	vld [tilespmem:$0xD0]  }
0x16a: {  	v31 =	vld [tilespmem:$0xE0]  }
0x16b: {  	v32 =	vld [tilespmem:$0xF0]  }
0x16c: {  	v34 =	vld [tilespmem:$0x500]  }
0x16d: {  	v37 =	vld [tilespmem:$0x510]  }
0x16e: {  	v42 =	vld [tilespmem:$0x520]  }
0x16f: {  	v44 =	vld [tilespmem:$0x530]  }
0x170: {  	v52 =	vld [tilespmem:$0x540]  }
0x171: {  	v54 =	vld [tilespmem:$0x550]  }
0x172: {  	v55 =	vld [tilespmem:$0x560]  }
0x173: {  	v59 =	vld [tilespmem:$0x570]  }
0x174: {  	v56 =	vld [tilespmem:$0x980]  }
0x175: {  	v57 =	vld [tilespmem:$0x990]  }
0x176: {  	v58 =	vld [tilespmem:$0x9A0]  }
0x177: {  	v62 =	vld [tilespmem:$0x9B0]  }
0x178: {  	v63 =	vld [tilespmem:$0x9C0]  }
0x179: {  	v39 =	vld [tilespmem:$0x9D0]  }
0x17a: {  	v43 =	vld [tilespmem:$0x9E0]  }
0x17b: {  	v24 =	vld [tilespmem:$0x9F0]  }
0x17c: {  	v45 =	vld [tilespmem:$0xE00]  }
0x17d: {  	v46 =	vld [tilespmem:$0xE10]  }
0x17e: {  	v20 =	vld [tilespmem:$0xE20]  }
0x17f: {  	v17 =	vld [tilespmem:$0xE30]  }
0x180: {  	v15 =	vld [tilespmem:$0xE40]  }
0x181: {  	v28 =	vld [tilespmem:$0xE50]  }
0x182: {  	v18 =	vld [tilespmem:$0xE60]  }
0x183: {  	v27 =	vld [tilespmem:$0xE70]  }
0x184: {  	v26 =	vld [tilespmem:$0x1280]  }
0x185: {  	v0 =	vld [tilespmem:$0x12F0]  }
0x186: {  	v40 =	vld [tilespmem:$0x1290]  }
0x187: {  	v47 =	vld [tilespmem:$0x12A0]  }
0x188: {  	v38 =	vld [tilespmem:$0x12B0]  }
0x189: {  	v61 =	vld [tilespmem:$0x12C0]  }
0x18a: {  	[tilespmem:$0x1FE30] =	vst v0;
	v0 =	vld [tilespmem:$0x1750]  }
0x18b: {  	v60 =	vld [tilespmem:$0x12D0]  }
0x18c: {  	v36 =	vld [tilespmem:$0x12E0]  }
0x18d: {  	v53 =	vld [tilespmem:$0x1700]  }
0x18e: {  	v23 =	vld [tilespmem:$0x1710]  }
0x18f: {  	[tilespmem:$0x1FE40] =	vst v0;
	v0 =	vld [tilespmem:$0x1760]  }
0x190: {  	v29 =	vld [tilespmem:$0x1720]  }
0x191: {  	v35 =	vld [tilespmem:$0x1730]  }
0x192: {  	v33 =	vld [tilespmem:$0x1740]  }
0x193: {  	v49 =	vld [tilespmem:$0x1BD0]  }
0x194: {  	s1 =	sand.u32 $0x7F, s30;
	[tilespmem:$0x1FE60] =	vst v0;
	v0 =	vld [tilespmem:$0x1770]  }
0x195: {  	v25 =	vmov s1;
	v16 =	vld [tilespmem:$0x1BB0]  }
0x196: {  	vm15 =	veq.s32 v25, v50;
	v41 =	vld [tilespmem:$0x1BC0]  }
0x197: {  	v30 =	vld [tilespmem:$0x2010];
	v10 =	vnsel vm15, $0x0, v10;
	vm15 =	veq.s32 v25, v1  }
0x198: {  	[tilespmem:$0x1FEC0] =	vst v49;
	v49 =	vld [tilespmem:$0x2000];
	v10 =	vsel vm15, v11, v10;
	vm15 =	veq.s32 v25, v2  }
0x199: {  	s2 =	sand.u32 $0x7F, s31;
	v10 =	vsel vm15, v12, v10;
	vm15 =	veq.s32 v25, v3;
	[tilespmem:$0x1FEB0] =	vst v0;
	v0 =	vld [tilespmem:$0x1B80]  }
0x19a: {  	v51 =	vmov s2;
	v12 =	vld [tilespmem:$0x1BE0];
	v10 =	vsel vm15, v13, v10;
	vm15 =	veq.s32 v25, v4  }
0x19b: {  	vm0 =	veq.s32 v51, v50;
	v13 =	vld [tilespmem:$0x1BF0];
	v10 =	vsel vm15, v14, v10;
	vm15 =	veq.s32 v25, v5  }
0x19c: {  	v10 =	vsel vm15, v19, v10;
	vm15 =	veq.s32 v25, v6;
	v19 =	vnsel vm0, $0x0, v34;
	v34 =	vld [tilespmem:$0x2040]  }
0x19d: {  	v10 =	vsel vm15, v31, v10;
	v31 =	vld [tilespmem:$0x2020]  }
0x19e: {  	vm0 =	veq.s32 v51, v1;
	[tilespmem:$0x1FE50] =	vst v0;
	v0 =	vld [tilespmem:$0x1B90]  }
0x19f: {  	[tilespmem:$0x1FEA0] =	vst v41;
	vm15 =	veq.s32 v25, v7;
	v11 =	vsel vm0, v37, v19;
	vm0 =	veq.s32 v51, v2;
	v25 =	vld [tilespmem:$0x2030]  }
0x1a0: {  	v19 =	vld [tilespmem:$0x1FEA0];
	v11 =	vsel vm0, v42, v11;
	vm0 =	veq.s32 v51, v3  }
0x1a1: {  	s30 =	sand.u32 $0x7F, s18;
	v10 =	vsel vm15, v32, v10;
	v32 =	vld [tilespmem:$0x2070];
	v11 =	vsel vm0, v44, v11;
	vm0 =	veq.s32 v51, v4  }
0x1a2: {  	v48 =	vmov s30;
	v42 =	vld [tilespmem:$0x20C0];
	v11 =	vsel vm0, v52, v11;
	vm0 =	veq.s32 v51, v5;
	[tilespmem:$0x1FEE0] =	vst v31  }
0x1a3: {  	v31 =	vsel vm0, v54, v11;
	vm0 =	veq.s32 v48, v50;
	[tilespmem:$0x1FE70] =	vst v0;
	v0 =	vld [tilespmem:$0x1BA0]  }
0x1a4: {  	v37 =	vbroadcast v9, $0x0;
	v44 =	vld [tilespmem:$0x2050];
	[tilespmem:$0x1FEF0] =	vst v34;
	v34 =	vnsel vm0, $0x0, v56;
	vm0 =	veq.s32 v48, v1  }
0x1a5: {  	vm15 =	veq.s32 v51, v6;
	v52 =	vld [tilespmem:$0x2060];
	v11 =	vsel vm0, v57, v34;
	vm0 =	veq.s32 v48, v2  }
0x1a6: {  	v10 =	vperm.xlane v10, v37;
	v54 =	vld [tilespmem:$0x2080];
	v11 =	vsel vm0, v58, v11;
	vm0 =	veq.s32 v48, v3  }
0x1a7: {  	s31 =	sand.u32 $0x7F, s17;
	v37 =	vsel vm15, v55, v31;
	v55 =	vld [tilespmem:$0x2090];
	v11 =	vsel vm0, v62, v11;
	vm0 =	veq.s32 v48, v4  }
0x1a8: {  	v56 =	vld [tilespmem:$0x20A0];
	v11 =	vsel vm0, v63, v11;
	vm0 =	veq.s32 v48, v5;
	[tilespmem:$0x1FE80] =	vst v0;
	v0 =	vmov s31  }
0x1a9: {  	vm15 =	veq.s32 v51, v7;
	v51 =	vld [tilespmem:$0x20E0];
	v11 =	vsel vm0, v39, v11;
	vm0 =	veq.s32 v0, v50  }
0x1aa: {  	[tilespmem:$0x1FF20] =	vst v42;
	v42 =	vld [tilespmem:$0x29D0];
	v14 =	vsel vm15, v59, v37;
	v45 =	vnsel vm0, $0x0, v45;
	vm0 =	veq.s32 v0, v1  }
0x1ab: {  	v57 =	vld [tilespmem:$0x20B0];
	vm15 =	veq.s32 v48, v6;
	v58 =	vsel vm0, v46, v45;
	vm0 =	veq.s32 v0, v2  }
0x1ac: {  	s1 =	sand.u32 $0x7F, s12;
	v59 =	vld [tilespmem:$0x20D0];
	[tilespmem:$0x1FF10] =	vst v52;
	v52 =	vsel vm15, v43, v11;
	v11 =	vsel vm0, v20, v58;
	vm0 =	veq.s32 v0, v3  }
0x1ad: {  	v21 =	vmov s1;
	s2 =	sand.u32 $0x7F, s9;
	v62 =	vld [tilespmem:$0x20F0];
	v17 =	vsel vm0, v17, v11;
	vm0 =	veq.s32 v0, v4  }
0x1ae: {  	v41 =	vmov s2;
	v39 =	vld [tilespmem:$0x2980];
	v17 =	vsel vm0, v15, v17;
	vm0 =	veq.s32 v0, v5  }
0x1af: {  	vm15 =	veq.s32 v48, v7;
	v43 =	vld [tilespmem:$0x2530];
	v17 =	vsel vm0, v28, v17;
	vm0 =	veq.s32 v21, v50  }
0x1b0: {  	v48 =	vld [tilespmem:$0x2E00];
	v63 =	vsel vm15, v24, v52;
	v26 =	vnsel vm0, $0x0, v26;
	vm0 =	veq.s32 v21, v1  }
0x1b1: {  	[tilespmem:$0x1FF70] =	vst v14;
	v24 =	vld [tilespmem:$0x2570];
	vm15 =	veq.s32 v0, v6;
	v14 =	vsel vm0, v40, v26;
	vm0 =	veq.s32 v21, v2  }
0x1b2: {  	v52 =	vld [tilespmem:$0x2550];
	v17 =	vsel vm15, v18, v17;
	v18 =	vsel vm0, v47, v14;
	vm0 =	veq.s32 v21, v3  }
0x1b3: {  	v28 =	vld [tilespmem:$0x1FE30];
	vm15 =	veq.s32 v0, v7;
	v0 =	vsel vm0, v38, v18;
	vm0 =	veq.s32 v21, v4  }
0x1b4: {  	[tilespmem:$0x1FF50] =	vst v62;
	v62 =	vld [tilespmem:$0x2560];
	v26 =	vsel vm15, v27, v17;
	v0 =	vsel vm0, v61, v0;
	vm0 =	veq.s32 v21, v5  }
0x1b5: {  	[tilespmem:$0x1FF90] =	vst v63;
	v63 =	vld [tilespmem:$0x2990];
	vm15 =	veq.s32 v21, v6;
	v0 =	vsel vm0, v60, v0;
	vm0 =	veq.s32 v41, v50  }
0x1b6: {  	[tilespmem:$0x1FF60] =	vst v24;
	v24 =	vld [tilespmem:$0x2E40];
	v27 =	vnsel vm0, $0x0, v53;
	vm0 =	veq.s32 v41, v1;
	v0 =	vsel vm15, v36, v0  }
0x1b7: {  	[tilespmem:$0x1FF40] =	vst v51;
	v51 =	vld [tilespmem:$0x1FE70];
	vm15 =	veq.s32 v21, v7;
	v17 =	vsel vm0, v23, v27;
	vm0 =	veq.s32 v41, v2  }
0x1b8: {  	v46 =	vld [tilespmem:$0x2510];
	v0 =	vsel vm15, v28, v0;
	v17 =	vsel vm0, v29, v17;
	vm0 =	veq.s32 v41, v3  }
0x1b9: {  	[tilespmem:$0x1FFB0] =	vst v0;
	v0 =	vld [tilespmem:$0x1FE40];
	v17 =	vsel vm0, v35, v17;
	vm0 =	veq.s32 v41, v4  }
0x1ba: {  	v17 =	vsel vm0, v33, v17;
	v33 =	vld [tilespmem:$0x1FE60]  }
0x1bb: {  	v23 =	vld [tilespmem:$0x1FEB0]  }
0x1bc: {  	v29 =	vld [tilespmem:$0x1FE50]  }
0x1bd: {  	v45 =	vld [tilespmem:$0x2520];
	vm0 =	veq.s32 v41, v5  }
0x1be: {  	s9 =	sand.u32 $0x7F, s7;
	[tilespmem:$0x1FE90] =	vst v16;
	v14 =	vld [tilespmem:$0x1FE80];
	vm15 =	veq.s32 v41, v6;
	v0 =	vsel vm0, v0, v17  }
0x1bf: {  	v22 =	vmov s9;
	v18 =	vld [tilespmem:$0x1FE90];
	v0 =	vsel vm15, v33, v0;
	vm15 =	veq.s32 v41, v7  }
0x1c0: {  	v20 =	vld [tilespmem:$0x2500];
	vm0 =	veq.s32 v22, v50;
	v0 =	vsel vm15, v23, v0  }
0x1c1: {  	v31 =	vnsel vm0, $0x0, v29;
	vm0 =	veq.s32 v22, v1;
	[tilespmem:$0x1FFC0] =	vst v0;
	v0 =	vld [tilespmem:$0x1FEC0]  }
0x1c2: {  	v58 =	vld [tilespmem:$0x29F0];
	v17 =	vsel vm0, v51, v31;
	vm0 =	veq.s32 v22, v2  }
0x1c3: {  	v11 =	vld [tilespmem:$0x3700];
	v17 =	vsel vm0, v14, v17;
	vm0 =	veq.s32 v22, v3  }
0x1c4: {  	s12 =	sand.u32 $0x7F, s6;
	v15 =	vld [tilespmem:$0x2540];
	v17 =	vsel vm0, v18, v17;
	vm0 =	veq.s32 v22, v4  }
0x1c5: {  	v16 =	vmov s12;
	[tilespmem:$0x1FED0] =	vst v12;
	v47 =	vld [tilespmem:$0x29E0];
	v21 =	vsel vm0, v19, v17;
	vm0 =	veq.s32 v22, v5  }
0x1c6: {  	[tilespmem:$0x1FFA0] =	vst v26;
	v26 =	vld [tilespmem:$0x2E30];
	v0 =	vsel vm0, v0, v21;
	vm0 =	veq.s32 v16, v50  }
0x1c7: {  	v27 =	vnsel vm0, $0x0, v49;
	v49 =	vld [tilespmem:$0x1FED0]  }
0x1c8: {  	v61 =	vld [tilespmem:$0x29C0]  }
0x1c9: {  	v60 =	vld [tilespmem:$0x29B0]  }
0x1ca: {  	v14 =	vld [tilespmem:$0x1FEE0]  }
0x1cb: {  	[tilespmem:$0x1FF00] =	vst v13;
	vm15 =	veq.s32 v22, v6;
	v17 =	vld [tilespmem:$0x1FEF0]  }
0x1cc: {  	v0 =	vsel vm15, v49, v0;
	vm15 =	veq.s32 v22, v7;
	v22 =	vld [tilespmem:$0x1FF00]  }
0x1cd: {  	v53 =	vld [tilespmem:$0x29A0];
	vm0 =	veq.s32 v16, v1  }
0x1ce: {  	v28 =	vld [tilespmem:$0x2E50];
	v18 =	vsel vm0, v30, v27;
	vm0 =	veq.s32 v16, v2  }
0x1cf: {  	s17 =	sand.u32 $0x7F, s4;
	v31 =	vld [tilespmem:$0x2E10];
	v18 =	vsel vm0, v14, v18;
	vm0 =	veq.s32 v16, v3  }
0x1d0: {  	v13 =	vmov s17;
	v51 =	vld [tilespmem:$0x2E20];
	v18 =	vsel vm0, v25, v18;
	vm0 =	veq.s32 v16, v4  }
0x1d1: {  	v41 =	vld [tilespmem:$0x2E60];
	v18 =	vsel vm0, v17, v18;
	vm0 =	veq.s32 v16, v5;
	v0 =	vsel vm15, v22, v0  }
0x1d2: {  	v19 =	vld [tilespmem:$0x3280];
	[tilespmem:$0x1FFD0] =	vst v0;
	v0 =	vsel vm0, v44, v18;
	vm0 =	veq.s32 v13, v50  }
0x1d3: {  	v21 =	vld [tilespmem:$0x3290];
	v23 =	vnsel vm0, $0x0, v54;
	vm0 =	veq.s32 v13, v1  }
0x1d4: {  	v25 =	vld [tilespmem:$0x1FF10];
	v18 =	vsel vm0, v55, v23;
	vm0 =	veq.s32 v13, v2  }
0x1d5: {  	v17 =	vld [tilespmem:$0x32A0];
	v18 =	vsel vm0, v56, v18;
	vm0 =	veq.s32 v13, v3  }
0x1d6: {  	[tilespmem:$0x1FF30] =	vst v32;
	v14 =	vsel vm0, v57, v18;
	v18 =	vld [tilespmem:$0x1FF20]  }
0x1d7: {  	v22 =	vld [tilespmem:$0x1FF30]  }
0x1d8: {  	v49 =	vld [tilespmem:$0x2E70]  }
0x1d9: {  	s18 =	sand.u32 $0x7F, s5;
	vm15 =	veq.s32 v16, v6;
	v44 =	vld [tilespmem:$0x32B0]  }
0x1da: {  	v12 =	vmov s18;
	v54 =	vld [tilespmem:$0x32C0];
	v0 =	vsel vm15, v25, v0;
	vm0 =	veq.s32 v13, v4  }
0x1db: {  	vm15 =	veq.s32 v16, v7;
	v16 =	vsel vm0, v18, v14;
	vm0 =	veq.s32 v13, v5;
	v18 =	vld [tilespmem:$0x1FF40]  }
0x1dc: {  	v55 =	vld [tilespmem:$0x32D0];
	v22 =	vsel vm15, v22, v0;
	v0 =	vsel vm0, v59, v16;
	vm0 =	veq.s32 v12, v50  }
0x1dd: {  	v56 =	vld [tilespmem:$0x32E0];
	v16 =	vnsel vm0, $0x0, v20;
	vm0 =	veq.s32 v12, v1  }
0x1de: {  	v57 =	vld [tilespmem:$0x32F0];
	v16 =	vsel vm0, v46, v16;
	vm0 =	veq.s32 v12, v2  }
0x1df: {  	vm15 =	veq.s32 v13, v6;
	v14 =	vld [tilespmem:$0x3720];
	v16 =	vsel vm0, v45, v16;
	vm0 =	veq.s32 v12, v3  }
0x1e0: {  	v0 =	vsel vm15, v18, v0;
	vm15 =	veq.s32 v13, v7;
	v13 =	vsel vm0, v43, v16;
	v16 =	vld [tilespmem:$0x1FF50]  }
0x1e1: {  	v59 =	vld [tilespmem:$0x3710]  }
0x1e2: {  	v46 =	vld [tilespmem:$0x3730]  }
0x1e3: {  	s30 =	sand.u32 $0x7F, s8;
	v45 =	vld [tilespmem:$0x3740]  }
0x1e4: {  	[tilespmem:$0x1FF80] =	vst v10;
	v10 =	vmov s30;
	vm0 =	veq.s32 v12, v4;
	v43 =	vld [tilespmem:$0x3750]  }
0x1e5: {  	v13 =	vsel vm0, v15, v13;
	vm0 =	veq.s32 v12, v5;
	v15 =	vld [tilespmem:$0x3760];
	v0 =	vsel vm15, v16, v0  }
0x1e6: {  	[tilespmem:$0x1FFE0] =	vst v0;
	v0 =	vsel vm0, v52, v13;
	vm0 =	veq.s32 v10, v50;
	v52 =	vld [tilespmem:$0x3770]  }
0x1e7: {  	v16 =	vnsel vm0, $0x0, v39;
	vm0 =	veq.s32 v10, v1;
	v39 =	vld [tilespmem:$0x3B80]  }
0x1e8: {  	vm15 =	veq.s32 v12, v6;
	v13 =	vsel vm0, v63, v16;
	v63 =	vld [tilespmem:$0x1FF60]  }
0x1e9: {  	v0 =	vsel vm15, v62, v0;
	v62 =	vld [tilespmem:$0x3B90];
	vm0 =	veq.s32 v10, v2  }
0x1ea: {  	v13 =	vsel vm0, v53, v13;
	vm0 =	veq.s32 v10, v3;
	v53 =	vld [tilespmem:$0x3BA0]  }
0x1eb: {  	s31 =	sand.u32 $0x7F, s11;
	vm15 =	veq.s32 v12, v7;
	v12 =	vsel vm0, v60, v13;
	vm0 =	veq.s32 v10, v4;
	v60 =	vld [tilespmem:$0x3BB0]  }
0x1ec: {  	v32 =	vmov s31;
	v12 =	vsel vm0, v61, v12;
	vm0 =	veq.s32 v10, v5;
	v61 =	vld [tilespmem:$0x3BC0]  }
0x1ed: {  	v63 =	vsel vm15, v63, v0;
	v0 =	vsel vm0, v42, v12;
	vm0 =	veq.s32 v32, v50;
	v42 =	vld [tilespmem:$0x3BD0]  }
0x1ee: {  	vm15 =	veq.s32 v10, v6;
	v12 =	vnsel vm0, $0x0, v48;
	vm0 =	veq.s32 v32, v1;
	v48 =	vld [tilespmem:$0x3BE0]  }
0x1ef: {  	v0 =	vsel vm15, v47, v0;
	v47 =	vsel vm0, v31, v12;
	vm0 =	veq.s32 v32, v2;
	v31 =	vld [tilespmem:$0x3BF0]  }
0x1f0: {  	v47 =	vsel vm0, v51, v47;
	vm0 =	veq.s32 v32, v3;
	v51 =	vld [tilespmem:$0x4000]  }
0x1f1: {  	v26 =	vsel vm0, v26, v47;
	vm0 =	veq.s32 v32, v4;
	v47 =	vld [tilespmem:$0x4010]  }
0x1f2: {  	s1 =	sand.u32 $0x7F, s13;
	vm15 =	veq.s32 v10, v7;
	v24 =	vsel vm0, v24, v26;
	vm0 =	veq.s32 v32, v5;
	v26 =	vld [tilespmem:$0x4020]  }
0x1f3: {  	v34 =	vmov s1;
	v58 =	vsel vm15, v58, v0;
	v0 =	vsel vm0, v28, v24;
	v28 =	vld [tilespmem:$0x4030]  }
0x1f4: {  	vm15 =	veq.s32 v32, v6;
	vm0 =	veq.s32 v34, v50;
	v24 =	vld [tilespmem:$0x4040]  }
0x1f5: {  	v19 =	vnsel vm0, $0x0, v19;
	vm0 =	veq.s32 v34, v1;
	v0 =	vsel vm15, v41, v0;
	v41 =	vld [tilespmem:$0x4080]  }
0x1f6: {  	vm15 =	veq.s32 v32, v7;
	v19 =	vsel vm0, v21, v19;
	v21 =	vld [tilespmem:$0x4050]  }
0x1f7: {  	s2 =	sand.u32 $0x7F, s14;
	vm0 =	veq.s32 v34, v2;
	v32 =	vsel vm15, v49, v0;
	v49 =	vld [tilespmem:$0x40A0]  }
0x1f8: {  	v37 =	vmov s2;
	v17 =	vsel vm0, v17, v19;
	vm0 =	veq.s32 v34, v3;
	v19 =	vld [tilespmem:$0x4060]  }
0x1f9: {  	vm15 =	veq.s32 v37, v50;
	v0 =	vsel vm0, v44, v17;
	vm0 =	veq.s32 v34, v4;
	v17 =	vld [tilespmem:$0x4070]  }
0x1fa: {  	v11 =	vnsel vm15, $0x0, v11;
	v44 =	vld [tilespmem:$0x4090];
	v0 =	vsel vm0, v54, v0;
	vm0 =	veq.s32 v34, v5  }
0x1fb: {  	vm15 =	veq.s32 v34, v6;
	v54 =	vld [tilespmem:$0x4520];
	v0 =	vsel vm0, v55, v0;
	vm0 =	veq.s32 v37, v1  }
0x1fc: {  	v11 =	vsel vm0, v59, v11;
	vm0 =	veq.s32 v37, v2;
	v0 =	vsel vm15, v56, v0;
	v56 =	vld [tilespmem:$0x4540]  }
0x1fd: {  	vm15 =	veq.s32 v34, v7;
	v11 =	vsel vm0, v14, v11;
	v14 =	vld [tilespmem:$0x40B0]  }
0x1fe: {  	s4 =	sand.u32 $0x7F, s29;
	vm0 =	veq.s32 v37, v3;
	v34 =	vsel vm15, v57, v0;
	v57 =	vld [tilespmem:$0x4550]  }
0x1ff: {  	v40 =	vmov s4;
	v11 =	vsel vm0, v46, v11;
	vm0 =	veq.s32 v37, v4;
	v46 =	vld [tilespmem:$0x40C0]  }
0x200: {  	v0 =	vsel vm0, v45, v11;
	vm0 =	veq.s32 v40, v50;
	v45 =	vld [tilespmem:$0x40D0]  }
0x201: {  	vm15 =	veq.s32 v37, v5;
	v59 =	vnsel vm0, $0x0, v39;
	v39 =	vld [tilespmem:$0x40E0]  }
0x202: {  	vm0 =	veq.s32 v40, v1;
	v0 =	vsel vm15, v43, v0;
	v43 =	vld [tilespmem:$0x40F0];
	vm15 =	veq.s32 v37, v6  }
0x203: {  	v11 =	vsel vm0, v62, v59;
	vm0 =	veq.s32 v40, v2;
	v0 =	vsel vm15, v15, v0;
	v15 =	vld [tilespmem:$0x4510]  }
0x204: {  	v11 =	vsel vm0, v53, v11;
	vm0 =	veq.s32 v40, v3;
	v53 =	vld [tilespmem:$0x4500]  }
0x205: {  	vm15 =	veq.s32 v37, v7;
	v11 =	vsel vm0, v60, v11;
	vm0 =	veq.s32 v40, v4;
	v60 =	vld [tilespmem:$0x4990]  }
0x206: {  	s5 =	sand.u32 $0x7F, s28;
	s6 =	sand.u32 $0x7F, s25;
	v62 =	vsel vm0, v61, v11;
	vm0 =	veq.s32 v40, v5;
	v11 =	vsel vm15, v52, v0;
	v52 =	vld [tilespmem:$0x49E0]  }
0x207: {  	s7 =	sand.u32 $0x7F, s26;
	s9 =	sand.u32 $0x7F, s24;
	s13 =	sld [smem:$0x7EC];
	v38 =	vmov s5;
	v36 =	vmov s6;
	v0 =	vsel vm0, v42, v62;
	v42 =	vld [tilespmem:$0x4530]  }
0x208: {  	s8 =	sand.u32 $0x7F, s23;
	s17 =	sld [smem:$0x7ED];
	v35 =	vmov s7;
	v29 =	vmov s9;
	vm15 =	veq.s32 v40, v6;
	v62 =	vld [tilespmem:$0x49B0]  }
0x209: {  	s12 =	sand.u32 $0x7F, s22;
	s18 =	sld [smem:$0x7EE];
	s11 =	sand.u32 $0x7F, s21;
	v33 =	vmov s8;
	v0 =	vsel vm15, v48, v0;
	vm15 =	veq.s32 v40, v7;
	v40 =	vld [tilespmem:$0x4560]  }
0x20a: {  	s0 =	sand.u32 $0x7F, s13;
	v30 =	vmov s11;
	v27 =	vmov s12;
	vm0 =	veq.s32 v38, v50;
	v48 =	vld [tilespmem:$0x49D0]  }
0x20b: {  	s14 =	sand.u32 $0x7F, s20;
	v25 =	vmov s0;
	s0 =	sand.u32 $0x7F, s17;
	v55 =	vnsel vm0, $0x0, v51;
	vm0 =	veq.s32 v38, v1;
	v51 =	vld [tilespmem:$0x52C0]  }
0x20c: {  	s20 =	sand.u32 $0x7F, s15;
	v23 =	vmov s14;
	v20 =	vmov s0;
	s0 =	sand.u32 $0x7F, s18;
	v37 =	vsel vm0, v47, v55;
	v55 =	vld [tilespmem:$0x4E10]  }
0x20d: {  	v18 =	vmov s0;
	v16 =	vmov s20;
	vm0 =	veq.s32 v38, v2;
	v47 =	vld [tilespmem:$0x5290]  }
0x20e: {  	v26 =	vsel vm0, v26, v37;
	vm0 =	veq.s32 v38, v3;
	v37 =	vsel vm15, v31, v0;
	v31 =	vld [tilespmem:$0x5280]  }
0x20f: {  	vm15 =	veq.s32 v36, v50;
	v0 =	vsel vm0, v28, v26;
	vm0 =	veq.s32 v38, v4;
	v26 =	vld [tilespmem:$0x4570]  }
0x210: {  	v59 =	vnsel vm15, $0x0, v41;
	v41 =	vld [tilespmem:$0x49A0];
	v0 =	vsel vm0, v24, v0;
	vm0 =	veq.s32 v38, v5  }
0x211: {  	vm15 =	veq.s32 v38, v6;
	v24 =	vld [tilespmem:$0x4980];
	v0 =	vsel vm0, v21, v0;
	vm0 =	veq.s32 v36, v1  }
0x212: {  	v21 =	vsel vm0, v44, v59;
	vm0 =	veq.s32 v36, v2;
	v0 =	vsel vm15, v19, v0;
	v19 =	vld [tilespmem:$0x49C0]  }
0x213: {  	vm15 =	veq.s32 v38, v7;
	v59 =	vld [tilespmem:$0x4E40];
	v61 =	vsel vm0, v49, v21;
	vm0 =	veq.s32 v36, v3  }
0x214: {  	v44 =	vld [tilespmem:$0x1FF80];
	v38 =	vsel vm15, v17, v0;
	v14 =	vsel vm0, v14, v61;
	vm0 =	veq.s32 v36, v4  }
0x215: {  	vm15 =	veq.s32 v36, v5;
	v61 =	vld [tilespmem:$0x4E60];
	v0 =	vsel vm0, v46, v14;
	vm0 =	veq.s32 v35, v50  }
0x216: {  	v49 =	vnsel vm0, $0x0, v53;
	vm0 =	veq.s32 v35, v1;
	v0 =	vsel vm15, v45, v0;
	v53 =	vld [tilespmem:$0x49F0]  }
0x217: {  	vm15 =	veq.s32 v36, v6;
	v45 =	vld [tilespmem:$0x5B80];
	v15 =	vsel vm0, v15, v49;
	vm0 =	veq.s32 v35, v2  }
0x218: {  	s22 =	sld [smem:$0x7EF];
	v0 =	vsel vm15, v39, v0;
	v49 =	vld [tilespmem:$0x52B0];
	v15 =	vsel vm0, v54, v15;
	vm0 =	veq.s32 v35, v3  }
0x219: {  	vm15 =	veq.s32 v36, v7;
	v54 =	vld [tilespmem:$0x4E00];
	v15 =	vsel vm0, v42, v15;
	vm0 =	veq.s32 v35, v4  }
0x21a: {  	s21 =	sand.u32 $0x7F, s16;
	v36 =	vsel vm15, v43, v0;
	v43 =	vld [tilespmem:$0x1FFF0];
	v15 =	vsel vm0, v56, v15;
	vm0 =	veq.s32 v35, v5  }
0x21b: {  	s0 =	sand.u32 $0x7F, s22;
	v13 =	vmov s21;
	v42 =	vld [tilespmem:$0x5770];
	v0 =	vsel vm0, v57, v15;
	vm0 =	veq.s32 v33, v50  }
0x21c: {  	v12 =	vmov s0;
	vm15 =	veq.s32 v35, v6;
	v56 =	vld [tilespmem:$0x4E20];
	v24 =	vnsel vm0, $0x0, v24  }
0x21d: {  	s23 =	sld [smem:$0x7F0];
	v57 =	vld [tilespmem:$0x4E30];
	vm0 =	veq.s32 v33, v1;
	v0 =	vsel vm15, v40, v0;
	vm15 =	veq.s32 v35, v7  }
0x21e: {  	v40 =	vld [tilespmem:$0x5750];
	v24 =	vsel vm0, v60, v24;
	vm0 =	veq.s32 v33, v2;
	v35 =	vsel vm15, v26, v0  }
0x21f: {  	v60 =	vld [tilespmem:$0x4E50];
	vm15 =	veq.s32 v29, v50;
	v24 =	vsel vm0, v41, v24;
	vm0 =	veq.s32 v33, v3  }
0x220: {  	s0 =	sand.u32 $0x7F, s23;
	v46 =	vnsel vm15, $0x0, v54;
	v54 =	vld [tilespmem:$0x52E0];
	v0 =	vsel vm0, v62, v24;
	vm0 =	veq.s32 v33, v4  }
0x221: {  	v10 =	vmov s0;
	v41 =	vld [tilespmem:$0x5760];
	v0 =	vsel vm0, v19, v0;
	vm0 =	veq.s32 v33, v5  }
0x222: {  	vm15 =	veq.s32 v33, v6;
	v62 =	vld [tilespmem:$0x4E70];
	v0 =	vsel vm0, v48, v0;
	vm0 =	veq.s32 v29, v1  }
0x223: {  	v48 =	vld [tilespmem:$0x52A0];
	v14 =	vsel vm0, v55, v46;
	vm0 =	veq.s32 v29, v2;
	v0 =	vsel vm15, v52, v0  }
0x224: {  	vm15 =	veq.s32 v33, v7;
	v52 =	vld [tilespmem:$0x52D0];
	v14 =	vsel vm0, v56, v14;
	vm0 =	veq.s32 v29, v3  }
0x225: {  	v55 =	vld [tilespmem:$0x52F0];
	v46 =	vbroadcast v9, $0x2;
	v14 =	vsel vm0, v57, v14;
	vm0 =	veq.s32 v29, v4  }
0x226: {  	v33 =	vsel vm15, v53, v0;
	v56 =	vld [tilespmem:$0x5700];
	v0 =	vsel vm0, v59, v14;
	vm0 =	veq.s32 v30, v50  }
0x227: {  	vm15 =	veq.s32 v29, v5;
	v57 =	vld [tilespmem:$0x5710];
	v53 =	vnsel vm0, $0x0, v31;
	vm0 =	veq.s32 v30, v1  }
0x228: {  	v59 =	vld [tilespmem:$0x5720];
	v0 =	vsel vm15, v60, v0;
	v17 =	vsel vm0, v47, v53;
	vm0 =	veq.s32 v30, v2  }
0x229: {  	vm15 =	veq.s32 v29, v6;
	v31 =	vld [tilespmem:$0x1FF70];
	v17 =	vsel vm0, v48, v17;
	vm0 =	veq.s32 v30, v3  }
0x22a: {  	v0 =	vsel vm15, v61, v0;
	v61 =	vld [tilespmem:$0x5730];
	v17 =	vsel vm0, v49, v17;
	vm0 =	veq.s32 v30, v4  }
0x22b: {  	v60 =	vbroadcast v9, $0x1;
	v47 =	vld [tilespmem:$0x5B90];
	v15 =	vsel vm0, v51, v17;
	vm0 =	veq.s32 v30, v5  }
0x22c: {  	vm15 =	veq.s32 v29, v7;
	v53 =	vld [tilespmem:$0x1FFA0];
	v14 =	vsel vm0, v52, v15;
	vm0 =	veq.s32 v30, v6  }
0x22d: {  	v29 =	vsel vm15, v62, v0;
	v62 =	vld [tilespmem:$0x5740];
	v0 =	vsel vm0, v54, v14;
	vm0 =	veq.s32 v27, v50  }
0x22e: {  	vm15 =	veq.s32 v30, v7;
	v49 =	vld [tilespmem:$0x5BA0];
	v39 =	vnsel vm0, $0x0, v56;
	vm0 =	veq.s32 v27, v1  }
0x22f: {  	v48 =	vbroadcast v9, $0x3;
	v51 =	vld [tilespmem:$0x1FF90];
	v21 =	vsel vm0, v57, v39;
	vm0 =	veq.s32 v27, v2  }
0x230: {  	v19 =	vperm.xlane v31, v60;
	v52 =	vld [tilespmem:$0x5BB0];
	v17 =	vsel vm0, v59, v21;
	vm0 =	veq.s32 v27, v3  }
0x231: {  	v60 =	vbroadcast v9, $0x5;
	v54 =	vld [tilespmem:$0x5BC0];
	v15 =	vsel vm0, v61, v17;
	vm0 =	veq.s32 v27, v4  }
0x232: {  	v28 =	vperm.xlane v53, v48;
	v48 =	vld [tilespmem:$0x1FFD0];
	v14 =	vsel vm0, v62, v15;
	vm0 =	veq.s32 v27, v5  }
0x233: {  	v53 =	vld [tilespmem:$0x60A0];
	v0 =	vsel vm15, v55, v0;
	v14 =	vsel vm0, v40, v14;
	vm0 =	veq.s32 v27, v6  }
0x234: {  	vm15 =	vnez.u8 v43;
	v55 =	vld [tilespmem:$0x5BD0];
	v14 =	vsel vm0, v41, v14;
	vm0 =	veq.s32 v27, v7  }
0x235: {  	v56 =	vld [tilespmem:$0x5BE0];
	v19 =	vsel vm15, v44, v19;
	v14 =	vsel vm0, v42, v14;
	vm0 =	veq.s32 v25, v50  }
0x236: {  	v57 =	vbroadcast v9, $0x4;
	v39 =	vld [tilespmem:$0x6010];
	v17 =	vnsel vm0, $0x0, v45;
	vm0 =	veq.s32 v25, v1  }
0x237: {  	v44 =	vbroadcast v9, $0x6;
	v59 =	vld [tilespmem:$0x5BF0];
	v15 =	vsel vm0, v47, v17;
	vm0 =	veq.s32 v25, v2  }
0x238: {  	v24 =	vperm.xlane v51, v46;
	v61 =	vld [tilespmem:$0x6000];
	v15 =	vsel vm0, v49, v15;
	vm0 =	veq.s32 v25, v3  }
0x239: {  	v46 =	vbroadcast v9, $0x7;
	v62 =	vld [tilespmem:$0x1FFB0];
	v15 =	vsel vm0, v52, v15;
	vm0 =	veq.s32 v25, v4  }
0x23a: {  	v19 =	vsel vm1, v19, v24;
	v40 =	vld [tilespmem:$0x1FFC0];
	v15 =	vsel vm0, v54, v15;
	vm0 =	veq.s32 v25, v5  }
0x23b: {  	v26 =	vperm.xlane v48, v44;
	v41 =	vld [tilespmem:$0x6020];
	v15 =	vsel vm0, v55, v15;
	vm0 =	veq.s32 v25, v6  }
0x23c: {  	v22 =	vperm.xlane v22, v46;
	v42 =	vld [tilespmem:$0x6030];
	v15 =	vsel vm0, v56, v15;
	vm0 =	veq.s32 v25, v7  }
0x23d: {  	v43 =	vld [tilespmem:$0x6040];
	v19 =	vsel vm2, v19, v28;
	v25 =	vsel vm0, v59, v15;
	vm0 =	veq.s32 v23, v50  }
0x23e: {  	v45 =	vld [tilespmem:$0x6050];
	v28 =	vperm.xlane v62, v57;
	v27 =	vnsel vm0, $0x0, v61;
	vm0 =	veq.s32 v23, v1  }
0x23f: {  	v47 =	vld [tilespmem:$0x6060];
	v30 =	vperm.xlane v40, v60;
	v21 =	vsel vm0, v39, v27;
	vm0 =	veq.s32 v23, v2  }
0x240: {  	v49 =	vld [tilespmem:$0x6070];
	v19 =	vsel vm3, v19, v28;
	v21 =	vsel vm0, v41, v21;
	vm0 =	veq.s32 v23, v3  }
0x241: {  	v51 =	vld [tilespmem:$0x6080];
	v19 =	vsel vm4, v19, v30;
	v17 =	vsel vm0, v42, v21;
	vm0 =	veq.s32 v23, v4  }
0x242: {  	v52 =	vld [tilespmem:$0x6090];
	v54 =	vbroadcast v9, $0x8;
	v15 =	vsel vm0, v43, v17;
	vm0 =	veq.s32 v23, v5  }
0x243: {  	v57 =	vld [tilespmem:$0x60C0];
	v19 =	vsel vm5, v19, v26;
	v15 =	vsel vm0, v45, v15;
	vm0 =	veq.s32 v23, v6  }
0x244: {  	v55 =	vld [tilespmem:$0x60B0];
	v56 =	vbroadcast v9, $0x9;
	v15 =	vsel vm0, v47, v15;
	vm0 =	veq.s32 v23, v7  }
0x245: {  	v60 =	vld [tilespmem:$0x60D0];
	v22 =	vsel vm6, v19, v22;
	v19 =	vsel vm0, v49, v15;
	vm0 =	veq.s32 v20, v50  }
0x246: {  	v59 =	vld [tilespmem:$0x1FFE0];
	v27 =	vperm.xlane v63, v56;
	v21 =	vnsel vm0, $0x0, v51;
	vm0 =	veq.s32 v20, v1  }
0x247: {  	v61 =	vld [tilespmem:$0x60E0];
	v39 =	vbroadcast v9, $0xA;
	v17 =	vsel vm0, v52, v21;
	vm0 =	veq.s32 v20, v2  }
0x248: {  	v62 =	vld [tilespmem:$0x60F0];
	v56 =	vbroadcast v9, $0xE;
	v17 =	vsel vm0, v53, v17;
	vm0 =	veq.s32 v20, v3  }
0x249: {  	v63 =	vld [tilespmem:$0x6500];
	v41 =	vbroadcast v9, $0xB;
	v17 =	vsel vm0, v55, v17;
	vm0 =	veq.s32 v20, v4  }
0x24a: {  	v40 =	vld [tilespmem:$0x6510];
	v26 =	vperm.xlane v58, v39;
	v15 =	vsel vm0, v57, v17;
	vm0 =	veq.s32 v20, v5  }
0x24b: {  	v42 =	vld [tilespmem:$0x6520];
	v24 =	vperm.xlane v59, v54;
	v15 =	vsel vm0, v60, v15;
	vm0 =	veq.s32 v20, v6  }
0x24c: {  	v58 =	vbroadcast v9, $0xF;
	v43 =	vld [tilespmem:$0x6530];
	v15 =	vsel vm0, v61, v15;
	vm0 =	veq.s32 v20, v7  }
0x24d: {  	v44 =	vld [tilespmem:$0x6540];
	v22 =	vsel vm7, v22, v24;
	v20 =	vsel vm0, v62, v15;
	vm0 =	veq.s32 v18, v50  }
0x24e: {  	v45 =	vld [tilespmem:$0x6550];
	v47 =	vbroadcast v9, $0xC;
	v23 =	vnsel vm0, $0x0, v63;
	vm0 =	veq.s32 v18, v1  }
0x24f: {  	v46 =	vld [tilespmem:$0x6560];
	v22 =	vsel vm8, v22, v27;
	v17 =	vsel vm0, v40, v23;
	vm0 =	veq.s32 v18, v2  }
0x250: {  	v48 =	vld [tilespmem:$0x6570];
	v27 =	vperm.xlane v32, v41;
	v17 =	vsel vm0, v42, v17;
	vm0 =	veq.s32 v18, v3  }
0x251: {  	v49 =	vbroadcast v9, $0xD;
	v51 =	vld [tilespmem:$0x6980];
	v17 =	vsel vm0, v43, v17;
	vm0 =	veq.s32 v18, v4  }
0x252: {  	v9 =	vperm.xlane v37, v56;
	v52 =	vld [tilespmem:$0x6990];
	v15 =	vsel vm0, v44, v17;
	vm0 =	veq.s32 v18, v5  }
0x253: {  	v32 =	vbroadcast v8, $0x1;
	v53 =	vld [tilespmem:$0x69A0];
	v15 =	vsel vm0, v45, v15;
	vm0 =	veq.s32 v18, v6  }
0x254: {  	v54 =	vld [tilespmem:$0x69B0];
	v22 =	vsel vm9, v22, v26;
	v15 =	vsel vm0, v46, v15;
	vm0 =	veq.s32 v18, v7  }
0x255: {  	v26 =	vperm.xlane v34, v47;
	v55 =	vld [tilespmem:$0x69C0];
	v15 =	vsel vm0, v48, v15;
	vm0 =	veq.s32 v16, v50  }
0x256: {  	v22 =	vsel vm10, v22, v27;
	v57 =	vld [tilespmem:$0x69D0];
	v21 =	vnsel vm0, $0x0, v51;
	vm0 =	veq.s32 v16, v1  }
0x257: {  	v59 =	vld [tilespmem:$0x69E0];
	v11 =	vperm.xlane v11, v49;
	v17 =	vsel vm0, v52, v21;
	vm0 =	veq.s32 v16, v2  }
0x258: {  	v22 =	vsel vm11, v22, v26;
	v60 =	vld [tilespmem:$0x69F0];
	v17 =	vsel vm0, v53, v17;
	vm0 =	veq.s32 v16, v3  }
0x259: {  	v11 =	vsel vm12, v22, v11;
	v61 =	vld [tilespmem:$0x6E00];
	v17 =	vsel vm0, v54, v17;
	vm0 =	veq.s32 v16, v4  }
0x25a: {  	v62 =	vbroadcast v8, $0x0;
	v63 =	vld [tilespmem:$0x6E10];
	v17 =	vsel vm0, v55, v17;
	vm0 =	veq.s32 v16, v5  }
0x25b: {  	s24 =	sld [smem:$0x7F1];
	v34 =	vld [tilespmem:$0x6E20];
	v40 =	vbroadcast v8, $0x2;
	v17 =	vsel vm0, v57, v17;
	vm0 =	veq.s32 v16, v6  }
0x25c: {  	v37 =	vld [tilespmem:$0x6E30];
	v27 =	vperm.xlane v36, v62;
	v17 =	vsel vm0, v59, v17;
	vm0 =	veq.s32 v16, v7  }
0x25d: {  	v39 =	vld [tilespmem:$0x6E40];
	v43 =	vperm.xlane v33, v40;
	v17 =	vsel vm0, v60, v17;
	vm0 =	veq.s32 v13, v50  }
0x25e: {  	s0 =	sand.u32 $0x7F, s24;
	v41 =	vld [tilespmem:$0x6E50];
	v33 =	vbroadcast v8, $0x8;
	v23 =	vnsel vm0, $0x0, v61;
	vm0 =	veq.s32 v13, v1  }
0x25f: {  	v42 =	vld [tilespmem:$0x6E60];
	v40 =	vmov s0;
	v22 =	vsel vm0, v63, v23;
	vm0 =	veq.s32 v13, v2  }
0x260: {  	v44 =	vld [tilespmem:$0x6E70];
	v45 =	vbroadcast v8, $0x3;
	v22 =	vsel vm0, v34, v22;
	vm0 =	veq.s32 v13, v3  }
0x261: {  	v36 =	vperm.xlane v20, v33;
	v46 =	vld [tilespmem:$0x7280];
	v16 =	vsel vm0, v37, v22;
	vm0 =	veq.s32 v13, v4  }
0x262: {  	v47 =	vld [tilespmem:$0x7290];
	v18 =	vperm.xlane v38, v58;
	v16 =	vsel vm0, v39, v16;
	vm0 =	veq.s32 v13, v5  }
0x263: {  	v49 =	vld [tilespmem:$0x72A0];
	v38 =	vperm.xlane v35, v32;
	v16 =	vsel vm0, v41, v16;
	vm0 =	veq.s32 v13, v6  }
0x264: {  	v48 =	vperm.xlane v29, v45;
	v52 =	vld [tilespmem:$0x72B0];
	v16 =	vsel vm0, v42, v16;
	vm0 =	veq.s32 v13, v7  }
0x265: {  	v29 =	vbroadcast v8, $0x7;
	v53 =	vld [tilespmem:$0x72C0];
	v16 =	vsel vm0, v44, v16;
	vm0 =	veq.s32 v12, v50  }
0x266: {  	v45 =	vbroadcast v8, $0xA;
	v54 =	vld [tilespmem:$0x72D0];
	v22 =	vnsel vm0, $0x0, v46;
	vm0 =	veq.s32 v12, v1  }
0x267: {  	v56 =	vld [tilespmem:$0x72E0];
	v51 =	vbroadcast v8, $0x4;
	v22 =	vsel vm0, v47, v22;
	vm0 =	veq.s32 v12, v2  }
0x268: {  	v58 =	vld [tilespmem:$0x72F0];
	v21 =	vsel vm15, v27, v38;
	v57 =	vsel vm0, v49, v22;
	vm0 =	veq.s32 v12, v3  }
0x269: {  	v21 =	vsel vm1, v21, v43;
	v59 =	vld [tilespmem:$0x7700];
	v13 =	vsel vm0, v52, v57;
	vm0 =	veq.s32 v12, v4  }
0x26a: {  	v0 =	vperm.xlane v0, v51;
	v61 =	vld [tilespmem:$0x7710];
	v13 =	vsel vm0, v53, v13;
	vm0 =	veq.s32 v12, v5  }
0x26b: {  	v62 =	vld [tilespmem:$0x7720];
	v21 =	vsel vm2, v21, v48;
	v13 =	vsel vm0, v54, v13;
	vm0 =	veq.s32 v12, v6  }
0x26c: {  	v28 =	vld [tilespmem:$0x7730];
	v55 =	vbroadcast v8, $0x5;
	v13 =	vsel vm0, v56, v13;
	vm0 =	veq.s32 v12, v7  }
0x26d: {  	v30 =	vld [tilespmem:$0x7740];
	v0 =	vsel vm3, v21, v0;
	v13 =	vsel vm0, v58, v13;
	vm0 =	veq.s32 v10, v50  }
0x26e: {  	v31 =	vld [tilespmem:$0x7750];
	v14 =	vperm.xlane v14, v55;
	v21 =	vnsel vm0, $0x0, v59;
	vm0 =	veq.s32 v10, v1  }
0x26f: {  	v32 =	vld [tilespmem:$0x7760];
	v19 =	vperm.xlane v19, v29;
	v21 =	vsel vm0, v61, v21;
	vm0 =	veq.s32 v10, v2  }
0x270: {  	v0 =	vsel vm4, v0, v14;
	v34 =	vld [tilespmem:$0x7770];
	v14 =	vsel vm0, v62, v21;
	vm0 =	veq.s32 v10, v3  }
0x271: {  	v35 =	vld [tilespmem:$0x7B80];
	v38 =	vbroadcast v8, $0x9;
	v12 =	vsel vm0, v28, v14;
	vm0 =	veq.s32 v10, v4  }
0x272: {  	v60 =	vbroadcast v8, $0x6;
	v37 =	vld [tilespmem:$0x7B90];
	v12 =	vsel vm0, v30, v12;
	vm0 =	veq.s32 v10, v5  }
0x273: {  	v15 =	vperm.xlane v15, v38;
	v39 =	vld [tilespmem:$0x7BA0];
	v12 =	vsel vm0, v31, v12;
	vm0 =	veq.s32 v10, v6  }
0x274: {  	v63 =	vperm.xlane v25, v60;
	v41 =	vld [tilespmem:$0x7BB0];
	v12 =	vsel vm0, v32, v12;
	vm0 =	veq.s32 v10, v7  }
0x275: {  	v17 =	vperm.xlane v17, v45;
	v42 =	vld [tilespmem:$0x7BC0];
	v12 =	vsel vm0, v34, v12;
	vm0 =	veq.s32 v40, v50  }
0x276: {  	v43 =	vld [tilespmem:$0x7BD0];
	v0 =	vsel vm5, v0, v63;
	v14 =	vnsel vm0, $0x0, v35;
	vm0 =	veq.s32 v40, v1  }
0x277: {  	v0 =	vsel vm6, v0, v19;
	v44 =	vld [tilespmem:$0x7BE0];
	v14 =	vsel vm0, v37, v14;
	vm0 =	veq.s32 v40, v2  }
0x278: {  	s25 =	sld [smem:$0x7F2];
	v0 =	vsel vm7, v0, v36;
	v46 =	vld [tilespmem:$0x7BF0];
	v14 =	vsel vm0, v39, v14;
	vm0 =	veq.s32 v40, v3  }
0x279: {  	v48 =	vld [tilespmem:$0x8000];
	v0 =	vsel vm8, v0, v15;
	v14 =	vsel vm0, v41, v14;
	vm0 =	veq.s32 v40, v4  }
0x27a: {  	v0 =	vsel vm9, v0, v17;
	v49 =	vld [tilespmem:$0x8010];
	v14 =	vsel vm0, v42, v14;
	vm0 =	veq.s32 v40, v5  }
0x27b: {  	s0 =	sand.u32 $0x7F, s25;
	v51 =	vld [tilespmem:$0x8020];
	v47 =	vbroadcast v8, $0xB;
	v14 =	vsel vm0, v43, v14;
	vm0 =	veq.s32 v40, v6  }
0x27c: {  	v52 =	vmov s0;
	v53 =	vld [tilespmem:$0x8030];
	v14 =	vsel vm0, v44, v14;
	vm0 =	veq.s32 v40, v7  }
0x27d: {  	v16 =	vperm.xlane v16, v47;
	v54 =	vld [tilespmem:$0x8040];
	v14 =	vsel vm0, v46, v14;
	vm0 =	veq.s32 v52, v50  }
0x27e: {  	v57 =	vbroadcast v8, $0xC;
	v56 =	vld [tilespmem:$0x8050];
	v55 =	vnsel vm0, $0x0, v48;
	vm0 =	veq.s32 v52, v1  }
0x27f: {  	v0 =	vsel vm10, v0, v16;
	v58 =	vld [tilespmem:$0x8060];
	v16 =	vsel vm0, v49, v55;
	vm0 =	veq.s32 v52, v2  }
0x280: {  	v60 =	vld [tilespmem:$0x8070];
	v59 =	vbroadcast v8, $0xD;
	v16 =	vsel vm0, v51, v16;
	vm0 =	veq.s32 v52, v3  }
0x281: {  	v13 =	vperm.xlane v13, v57;
	v15 =	vsel vm0, v53, v16;
	vm0 =	veq.s32 v52, v4  }
0x282: {  	v61 =	vbroadcast v8, $0xE;
	v15 =	vsel vm0, v54, v15;
	vm0 =	veq.s32 v52, v5  }
0x283: {  	v8 =	vbroadcast v8, $0xF;
	v15 =	vsel vm0, v56, v15;
	vm0 =	veq.s32 v52, v6  }
0x284: {  	v12 =	vperm.xlane v12, v59;
	v15 =	vsel vm0, v58, v15;
	vm0 =	veq.s32 v52, v7  }
0x285: {  	s29 =	sld [smem:$0x7F3];
	v0 =	vsel vm11, v0, v13;
	v62 =	vperm.xlane v14, v61;
	v63 =	vsel vm0, v60, v15  }
0x286: {  	v9 =	vsel vm13, v11, v9;
	v0 =	vsel vm12, v0, v12;
	v8 =	vperm.xlane v63, v8  }
0x287: {  	s28 =	sld [smem:$0x7FD];
	v9 =	vsel vm14, v9, v18;
	v0 =	vsel vm13, v0, v62  }
0x288: {  	p0 =	sne.s32 s29, $0x1;
	[tilespmem:$0x8080] =	vst v9;
	v0 =	vsel vm14, v0, v8  }
.Ltmp0:
0x289: {  	s26 =	rddreg [dreg:$0x4];
	s30 =	simm.s32 $0x2;
	[tilespmem:$0x8090] =	vst v0;
	(pc) =	sbr.rel @p0 .LBB2_1-.Ltmp0, $4  }
0x28a: {  	[hbm4b:s26+s19] =	stream.linear.scatter [tilespmem:s28], [sflag:$0x2], $0x20, $0x38;
	[tilespmem:$0x8100] =	vst v63  }
0x28b: {  	_ =	swait.ge [sflag:s30], $0x20  }
0x28c: {  	s31 =	simm.s32 $0x2;
	[sflag:s30] =	ssyncset.done $0x0  }
0x28d: {  	s1 =	sadd.s32 $0xFFFFFFFF, s29;
	[sflag:s31] =	ssyncadd.s32 $0xFFFFFFE0  }
0x28e: {  	_ =	sfence.sel $0x180000  }
0x28f: {  	[bflag:$0x0] =	sbarrier.arrive $0xFFFF  }
0x290: {  	_ =	strace $0x90000047  }
0x291: {  	s0 =	stileid.u32;
	[bflag:$0x2] =	sbarrier.arrive $0xFFFF  }
0x292: {  	p0 =	sne.s32 s0, $0x0;
	s0 =	rddreg [dreg:$0x2]  }
0x293: {  	s0 =	sadd.s32 @!p0 $0x100000, s0  }
0x294: {  	[sflag:s0] =	ssyncadd.tile.s32 @!p0 $0x1;
	_ =	shalt  }
.Lfunc_end2:
_tile_overlayer_lowered:
.L_overlay_start_2:
0x295: {  	(tag) =	ssettag $0x2  }
0x296: {  	s0 =	rddreg [dreg:$0x0];
	s2 =	stileid.u32  }
0x297: {  	s1 =	rddreg [dreg:$0x1];
	p0 =	sne.s32 s2, $0x0  }
0x298: {  	s3 =	rddreg [dreg:$0x2];
	[bflag:$0x3] =	sbarrier.arrive $0xFFFF;
	s2 =	simm.s32 @!p0 $0x1C02  }
0x299: {  	[timem:s3], [sflag:s2] =	dma.local @!p0 [hbm:s0], s1  }
0x29a: {  	s0 =	simm.s32 @!p0 $0x2  }
0x29b: {  	_ =	swait.ge @!p0 [sflag:s0], s1  }
0x29c: {  	s1 =	ssub.s32 @!p0 $0x0, s1;
	[sflag:s0] =	ssyncset.done @!p0 $0x0  }
0x29d: {  	[sflag:s0] =	ssyncadd.s32 @!p0 s1  }
0x29e: {  	[bflag:$0x3] =	sbarrier.arrive $0xFFFF  }
0x29f: {  	_ =	shalt  }

</sc_bundles>
